<compile_context>
chip_gen: v7x
topology: tpu7x:2x2x1
jax: 0.10.2.dev20260603
libtpu: 0.0.44.dev20260713+nightly
codegen_flags: <defaults>
</compile_context>

<pallas_src>
import functools

import jax
import jax.numpy as jnp
from jax import lax
from jax.experimental import pallas as pl
from jax.experimental.pallas import tpu as pltpu
from jax.experimental.pallas import tpu_sc as plsc

_ROWS = 4096
_COLS = 4096
_NC = 2
_NS = 16
_NW = _NC * _NS
_L = 16

_TILE_ROWS = _ROWS // _NW
_CH = 4
_N_CH = _TILE_ROWS // _CH
_CHW = _CH * _COLS
_SPANS = _CHW // (4 * _L)


def _prune_body(x_hbm, out_hbm, bin0, bin1, bout0, bout1, si0, si1, so0, so1):
    wid = lax.axis_index("s") * _NC + lax.axis_index("c")
    row0 = wid * _TILE_ROWS
    iota4 = lax.iota(jnp.int32, _L) * 4
    one = jnp.float32(1.0)
    zero = jnp.float32(0.0)
    bins = (bin0, bin1)
    bouts = (bout0, bout1)
    sis = (si0, si1)
    sos = (so0, so1)

    def in_copies(ch, b):
        return [
            pltpu.make_async_copy(
                x_hbm.at[row0 + ch * _CH + r],
                bins[b].at[pl.ds(r * _COLS, _COLS)], sis[b])
            for r in range(_CH)
        ]

    def out_copies(ch, b):
        return [
            pltpu.make_async_copy(
                bouts[b].at[pl.ds(r * _COLS, _COLS)],
                out_hbm.at[row0 + ch * _CH + r], sos[b])
            for r in range(_CH)
        ]

    def compute(bin_, bout):
        def body(j, c):
            f0 = iota4 + lax.shift_left(j, 6)
            f1 = f0 + 1
            f2 = f0 + 2
            f3 = f0 + 3
            s0 = plsc.load_gather(bin_, [f0])
            s1 = plsc.load_gather(bin_, [f1])
            s2 = plsc.load_gather(bin_, [f2])
            s3 = plsc.load_gather(bin_, [f3])
            a0 = s0 * s0
            a1 = s1 * s1
            a2 = s2 * s2
            a3 = s3 * s3
            n01 = jnp.where(a0 >= a1, one, zero)
            n02 = jnp.where(a0 >= a2, one, zero)
            n03 = jnp.where(a0 >= a3, one, zero)
            n12 = jnp.where(a1 >= a2, one, zero)
            n13 = jnp.where(a1 >= a3, one, zero)
            n23 = jnp.where(a2 >= a3, one, zero)
            keep0 = (n01 + n02 + n03) >= 2.0
            keep1 = (n12 + n13 - n01) >= 1.0
            keep2 = (n23 - n02 - n12) >= 0.0
            keep3 = (n03 + n13 + n23) <= 1.0
            plsc.store_scatter(bout, [f0], jnp.where(keep0, s0, zero))
            plsc.store_scatter(bout, [f1], jnp.where(keep1, s1, zero))
            plsc.store_scatter(bout, [f2], jnp.where(keep2, s2, zero))
            plsc.store_scatter(bout, [f3], jnp.where(keep3, s3, zero))
            return c

        lax.fori_loop(0, _SPANS, body, 0, unroll=16)

    for cp in in_copies(0, 0):
        cp.start()

    def ring(g, carry):
        for b in range(2):
            ch = g * 2 + b

            @pl.when(ch + 1 < _N_CH)
            def _():
                for cp in in_copies(ch + 1, 1 - b):
                    cp.start()

            for cp in in_copies(ch, b):
                cp.wait()

            @pl.when(ch >= 2)
            def _():
                for cp in out_copies(ch - 2, b):
                    cp.wait()

            compute(bins[b], bouts[b])
            for cp in out_copies(ch, b):
                cp.start()
        return carry

    lax.fori_loop(0, _N_CH // 2, ring, 0)
    for cp in out_copies(_N_CH - 2, 0):
        cp.wait()
    for cp in out_copies(_N_CH - 1, 1):
        cp.wait()


_prune = functools.partial(
    pl.kernel,
    out_type=jax.ShapeDtypeStruct((_ROWS, _COLS), jnp.float32),
    mesh=plsc.VectorSubcoreMesh(core_axis_name="c", subcore_axis_name="s"),
    scratch_types=[
        pltpu.VMEM((_CHW,), jnp.float32),
        pltpu.VMEM((_CHW,), jnp.float32),
        pltpu.VMEM((_CHW,), jnp.float32),
        pltpu.VMEM((_CHW,), jnp.float32),
        pltpu.SemaphoreType.DMA,
        pltpu.SemaphoreType.DMA,
        pltpu.SemaphoreType.DMA,
        pltpu.SemaphoreType.DMA,
    ],
    compiler_params=pltpu.CompilerParams(needs_layout_passes=False),
)(_prune_body)


def kernel(x, bias):
    return _prune(x), bias

# --- scband reference (transcript-rebuilt; emitter-appended) ---
"""Pipeline reference for scband-balanced-one-shot-pruner-29291676958789 (READ-ONLY COPY).

The authoritative reference and input builder live on the scoring server;
editing this copy changes nothing except your own understanding.
"""

import jax, jax.numpy as jnp
import numpy as np

TILE_SIZE = 4
ZEROS_PER_TILE = 2


def setup_inputs(seed: int = 0) -> dict:
    key = jax.random.key(seed)
    k1, k2 = jax.random.split(key)
    x = jax.random.normal(k1, (4096, 4096), dtype=jnp.float32)
    bias = jax.random.normal(k2, (4096,), dtype=jnp.float32)
    return {"x": x, "bias": bias}


def _create_mask(x):
    # flatten-tiler: reshape flattened weight into [n_tiles, tile_size]
    orig_shape = x.shape
    x_tiled = x.reshape(-1, TILE_SIZE)
    num_weights_keep = TILE_SIZE - ZEROS_PER_TILE
    # topk of squared magnitude per tile (equivalent to torch.topk(x_tiled**2, k, dim=1))
    _, indices = jax.lax.top_k(x_tiled ** 2, num_weights_keep)
    rows = jnp.arange(x_tiled.shape[0])[:, None]
    # scatter ones into zero mask at topk indices (torch scatter_ along dim=1)
    mask_tiled = jnp.zeros_like(x_tiled).at[rows, indices].set(1.0)
    # tiler.inverse: reshape back to original weight shape
    return mask_tiled.reshape(orig_shape)


def reference(x, bias):
    # training-mode first call: create mask via balanced one-shot pruning, then apply
    mask = _create_mask(x)
    return (x * mask, bias)

if __name__ == "__main__":
    import jax
    _d = setup_inputs()
    print(jax.jit(kernel)(*tuple(_d.values())))

</pallas_src>

<mosaic_0001>
#map = affine_map<(d0, d1) -> (0, 0)>
module attributes {stable_mosaic.version = 14 : i64} {
  func.func @_prune_body(%arg0: i32, %arg1: i32, %arg2: memref<4096x4096xf32, #tpu.memory_space<hbm>>, %arg3: memref<4096x4096xf32, #tpu.memory_space<hbm>>, %arg4: memref<16384xf32, #tpu.memory_space<vmem>>, %arg5: memref<16384xf32, #tpu.memory_space<vmem>>, %arg6: memref<16384xf32, #tpu.memory_space<vmem>>, %arg7: memref<16384xf32, #tpu.memory_space<vmem>>, %arg8: memref<!tpu.dma_semaphore, #tpu.memory_space<semaphore_mem>>, %arg9: memref<!tpu.dma_semaphore, #tpu.memory_space<semaphore_mem>>, %arg10: memref<!tpu.dma_semaphore, #tpu.memory_space<semaphore_mem>>, %arg11: memref<!tpu.dma_semaphore, #tpu.memory_space<semaphore_mem>>) attributes {dimension_semantics = [#tpu.dimension_semantics<core_parallel>, #tpu.dimension_semantics<subcore_parallel>], iteration_bounds = array<i64: 2, 16>, scalar_prefetch = 0 : i64, scratch_operands = 8 : i64, tpu.core_type = #tpu.core_type<sc_vector_subcore>, window_params = [{transform_indices = #map}, {transform_indices = #map}]} {
    %mul3A = arith.constant 2 : i32
    %mul3A_0 = arith.muli %arg1, %mul3A : i32
    %add3A = arith.addi %mul3A_0, %arg0 : i32
    %mul3A_1 = arith.constant 128 : i32
    %mul3A_2 = arith.muli %add3A, %mul3A_1 : i32
    %iota3A = tpu.iota {dimensions = array<i32: 0>} : vector<16xi32>
    %mul3A_3 = arith.constant 4 : i32
    %mul3A_4 = vector.broadcast %mul3A_3 : i32 to vector<16xi32>
    %mul3A_5 = arith.muli %iota3A, %mul3A_4 : vector<16xi32>
    %add3A_6 = arith.constant 0 : i32
    %add3A_7 = arith.addi %mul3A_2, %add3A_6 : i32
    %add3A_8 = arith.constant 0 : i32
    %add3A_9 = arith.addi %add3A_7, %add3A_8 : i32
    %add3A_10 = arith.constant 0 : i32
    %add3A_11 = arith.addi %mul3A_2, %add3A_10 : i32
    %add3A_12 = arith.constant 1 : i32
    %add3A_13 = arith.addi %add3A_11, %add3A_12 : i32
    %add3A_14 = arith.constant 0 : i32
    %add3A_15 = arith.addi %mul3A_2, %add3A_14 : i32
    %add3A_16 = arith.constant 2 : i32
    %add3A_17 = arith.addi %add3A_15, %add3A_16 : i32
    %add3A_18 = arith.constant 0 : i32
    %add3A_19 = arith.addi %mul3A_2, %add3A_18 : i32
    %add3A_20 = arith.constant 3 : i32
    %add3A_21 = arith.addi %add3A_19, %add3A_20 : i32
    %dma_start3A = arith.constant 0 : i32
    %dma_start3A_22 = tpu.memref_slice %arg4[%dma_start3A] : memref<16384xf32, #tpu.memory_space<vmem>> -> memref<4096xf32, #tpu.memory_space<vmem>>
    %dma_start3A_23 = arith.constant 0 : i32
    %dma_start3A_24 = tpu.memref_slice %arg2[%add3A_9, %dma_start3A_23] : memref<4096x4096xf32, #tpu.memory_space<hbm>> -> memref<1x4096xf32, #tpu.memory_space<hbm>>
    %dma_start3A_25 = tpu.memref_squeeze %dma_start3A_24 : memref<1x4096xf32, #tpu.memory_space<hbm>> -> memref<4096xf32, #tpu.memory_space<hbm>>
    %dma_start3A_26 = arith.constant 0 : i32
    %dma_start3A_27 = tpu.memref_slice %arg4[%dma_start3A_26] : memref<16384xf32, #tpu.memory_space<vmem>> -> memref<4096xf32, #tpu.memory_space<vmem>>
    %dma_start3A_28 = arith.constant 0 : i32
    %dma_start3A_29 = tpu.memref_slice %arg2[%add3A_9, %dma_start3A_28] : memref<4096x4096xf32, #tpu.memory_space<hbm>> -> memref<1x4096xf32, #tpu.memory_space<hbm>>
    %dma_start3A_30 = tpu.memref_squeeze %dma_start3A_29 : memref<1x4096xf32, #tpu.memory_space<hbm>> -> memref<4096xf32, #tpu.memory_space<hbm>>
    tpu.enqueue_dma source(%dma_start3A_30 : memref<4096xf32, #tpu.memory_space<hbm>>) target(%dma_start3A_27 : memref<4096xf32, #tpu.memory_space<vmem>>) target_semaphore(%arg8 : memref<!tpu.dma_semaphore, #tpu.memory_space<semaphore_mem>>)
    %dma_start3A_31 = arith.constant 4096 : i32
    %dma_start3A_32 = tpu.memref_slice %arg4[%dma_start3A_31] : memref<16384xf32, #tpu.memory_space<vmem>> -> memref<4096xf32, #tpu.memory_space<vmem>>
    %dma_start3A_33 = arith.constant 0 : i32
    %dma_start3A_34 = tpu.memref_slice %arg2[%add3A_13, %dma_start3A_33] : memref<4096x4096xf32, #tpu.memory_space<hbm>> -> memref<1x4096xf32, #tpu.memory_space<hbm>>
    %dma_start3A_35 = tpu.memref_squeeze %dma_start3A_34 : memref<1x4096xf32, #tpu.memory_space<hbm>> -> memref<4096xf32, #tpu.memory_space<hbm>>
    %dma_start3A_36 = arith.constant 4096 : i32
    %dma_start3A_37 = tpu.memref_slice %arg4[%dma_start3A_36] : memref<16384xf32, #tpu.memory_space<vmem>> -> memref<4096xf32, #tpu.memory_space<vmem>>
    %dma_start3A_38 = arith.constant 0 : i32
    %dma_start3A_39 = tpu.memref_slice %arg2[%add3A_13, %dma_start3A_38] : memref<4096x4096xf32, #tpu.memory_space<hbm>> -> memref<1x4096xf32, #tpu.memory_space<hbm>>
    %dma_start3A_40 = tpu.memref_squeeze %dma_start3A_39 : memref<1x4096xf32, #tpu.memory_space<hbm>> -> memref<4096xf32, #tpu.memory_space<hbm>>
    tpu.enqueue_dma source(%dma_start3A_40 : memref<4096xf32, #tpu.memory_space<hbm>>) target(%dma_start3A_37 : memref<4096xf32, #tpu.memory_space<vmem>>) target_semaphore(%arg8 : memref<!tpu.dma_semaphore, #tpu.memory_space<semaphore_mem>>)
    %dma_start3A_41 = arith.constant 8192 : i32
    %dma_start3A_42 = tpu.memref_slice %arg4[%dma_start3A_41] : memref<16384xf32, #tpu.memory_space<vmem>> -> memref<4096xf32, #tpu.memory_space<vmem>>
    %dma_start3A_43 = arith.constant 0 : i32
    %dma_start3A_44 = tpu.memref_slice %arg2[%add3A_17, %dma_start3A_43] : memref<4096x4096xf32, #tpu.memory_space<hbm>> -> memref<1x4096xf32, #tpu.memory_space<hbm>>
    %dma_start3A_45 = tpu.memref_squeeze %dma_start3A_44 : memref<1x4096xf32, #tpu.memory_space<hbm>> -> memref<4096xf32, #tpu.memory_space<hbm>>
    %dma_start3A_46 = arith.constant 8192 : i32
    %dma_start3A_47 = tpu.memref_slice %arg4[%dma_start3A_46] : memref<16384xf32, #tpu.memory_space<vmem>> -> memref<4096xf32, #tpu.memory_space<vmem>>
    %dma_start3A_48 = arith.constant 0 : i32
    %dma_start3A_49 = tpu.memref_slice %arg2[%add3A_17, %dma_start3A_48] : memref<4096x4096xf32, #tpu.memory_space<hbm>> -> memref<1x4096xf32, #tpu.memory_space<hbm>>
    %dma_start3A_50 = tpu.memref_squeeze %dma_start3A_49 : memref<1x4096xf32, #tpu.memory_space<hbm>> -> memref<4096xf32, #tpu.memory_space<hbm>>
    tpu.enqueue_dma source(%dma_start3A_50 : memref<4096xf32, #tpu.memory_space<hbm>>) target(%dma_start3A_47 : memref<4096xf32, #tpu.memory_space<vmem>>) target_semaphore(%arg8 : memref<!tpu.dma_semaphore, #tpu.memory_space<semaphore_mem>>)
    %dma_start3A_51 = arith.constant 12288 : i32
    %dma_start3A_52 = tpu.memref_slice %arg4[%dma_start3A_51] : memref<16384xf32, #tpu.memory_space<vmem>> -> memref<4096xf32, #tpu.memory_space<vmem>>
    %dma_start3A_53 = arith.constant 0 : i32
    %dma_start3A_54 = tpu.memref_slice %arg2[%add3A_21, %dma_start3A_53] : memref<4096x4096xf32, #tpu.memory_space<hbm>> -> memref<1x4096xf32, #tpu.memory_space<hbm>>
    %dma_start3A_55 = tpu.memref_squeeze %dma_start3A_54 : memref<1x4096xf32, #tpu.memory_space<hbm>> -> memref<4096xf32, #tpu.memory_space<hbm>>
    %dma_start3A_56 = arith.constant 12288 : i32
    %dma_start3A_57 = tpu.memref_slice %arg4[%dma_start3A_56] : memref<16384xf32, #tpu.memory_space<vmem>> -> memref<4096xf32, #tpu.memory_space<vmem>>
    %dma_start3A_58 = arith.constant 0 : i32
    %dma_start3A_59 = tpu.memref_slice %arg2[%add3A_21, %dma_start3A_58] : memref<4096x4096xf32, #tpu.memory_space<hbm>> -> memref<1x4096xf32, #tpu.memory_space<hbm>>
    %dma_start3A_60 = tpu.memref_squeeze %dma_start3A_59 : memref<1x4096xf32, #tpu.memory_space<hbm>> -> memref<4096xf32, #tpu.memory_space<hbm>>
    tpu.enqueue_dma source(%dma_start3A_60 : memref<4096xf32, #tpu.memory_space<hbm>>) target(%dma_start3A_57 : memref<4096xf32, #tpu.memory_space<vmem>>) target_semaphore(%arg8 : memref<!tpu.dma_semaphore, #tpu.memory_space<semaphore_mem>>)
    %scan3A = arith.constant 0 : i32
    %scan3A_61 = arith.constant 1.000000e+00 : f32
    %scan3A_62 = arith.constant 0.000000e+00 : f32
    %scan3A_63 = arith.constant 0 : i32
    %scan3A_64 = arith.constant 16 : i32
    %scan3A_65 = arith.addi %scan3A_63, %scan3A_64 : i32
    %scan3A_66 = arith.constant 1 : i32
    scf.for %scan3A_179 = %scan3A_63 to %scan3A_65 step %scan3A_66  : i32 {
      %mul3A_180 = arith.constant 2 : i32
      %mul3A_181 = arith.muli %scan3A_179, %mul3A_180 : i32
      %add3A_182 = arith.constant 0 : i32
      %add3A_183 = arith.addi %mul3A_181, %add3A_182 : i32
      %add3A_184 = arith.constant 1 : i32
      %add3A_185 = arith.addi %add3A_183, %add3A_184 : i32
      %lt3A = arith.constant 32 : i32
      %lt3A_186 = arith.cmpi slt, %add3A_185, %lt3A : i32
      %convert_element_type3A = arith.extui %lt3A_186 : i1 to i32
      %cond3A = arith.constant 0 : i32
      %cond3A_187 = arith.cmpi ne, %convert_element_type3A, %cond3A : i32
      scf.if %cond3A_187 {
        %add3A_460 = arith.constant 1 : i32
        %add3A_461 = arith.addi %add3A_183, %add3A_460 : i32
        %mul3A_462 = arith.constant 4 : i32
        %mul3A_463 = arith.muli %add3A_461, %mul3A_462 : i32
        %add3A_464 = arith.addi %mul3A_2, %mul3A_463 : i32
        %add3A_465 = arith.constant 0 : i32
        %add3A_466 = arith.addi %add3A_464, %add3A_465 : i32
        %mul3A_467 = arith.constant 4 : i32
        %mul3A_468 = arith.muli %add3A_461, %mul3A_467 : i32
        %add3A_469 = arith.addi %mul3A_2, %mul3A_468 : i32
        %add3A_470 = arith.constant 1 : i32
        %add3A_471 = arith.addi %add3A_469, %add3A_470 : i32
        %mul3A_472 = arith.constant 4 : i32
        %mul3A_473 = arith.muli %add3A_461, %mul3A_472 : i32
        %add3A_474 = arith.addi %mul3A_2, %mul3A_473 : i32
        %add3A_475 = arith.constant 2 : i32
        %add3A_476 = arith.addi %add3A_474, %add3A_475 : i32
        %mul3A_477 = arith.constant 4 : i32
        %mul3A_478 = arith.muli %add3A_461, %mul3A_477 : i32
        %add3A_479 = arith.addi %mul3A_2, %mul3A_478 : i32
        %add3A_480 = arith.constant 3 : i32
        %add3A_481 = arith.addi %add3A_479, %add3A_480 : i32
        %dma_start3A_482 = arith.constant 0 : i32
        %dma_start3A_483 = tpu.memref_slice %arg5[%dma_start3A_482] : memref<16384xf32, #tpu.memory_space<vmem>> -> memref<4096xf32, #tpu.memory_space<vmem>>
        %dma_start3A_484 = arith.constant 0 : i32
        %dma_start3A_485 = tpu.memref_slice %arg2[%add3A_466, %dma_start3A_484] : memref<4096x4096xf32, #tpu.memory_space<hbm>> -> memref<1x4096xf32, #tpu.memory_space<hbm>>
        %dma_start3A_486 = tpu.memref_squeeze %dma_start3A_485 : memref<1x4096xf32, #tpu.memory_space<hbm>> -> memref<4096xf32, #tpu.memory_space<hbm>>
        %dma_start3A_487 = arith.constant 0 : i32
        %dma_start3A_488 = tpu.memref_slice %arg5[%dma_start3A_487] : memref<16384xf32, #tpu.memory_space<vmem>> -> memref<4096xf32, #tpu.memory_space<vmem>>
        %dma_start3A_489 = arith.constant 0 : i32
        %dma_start3A_490 = tpu.memref_slice %arg2[%add3A_466, %dma_start3A_489] : memref<4096x4096xf32, #tpu.memory_space<hbm>> -> memref<1x4096xf32, #tpu.memory_space<hbm>>
        %dma_start3A_491 = tpu.memref_squeeze %dma_start3A_490 : memref<1x4096xf32, #tpu.memory_space<hbm>> -> memref<4096xf32, #tpu.memory_space<hbm>>
        tpu.enqueue_dma source(%dma_start3A_491 : memref<4096xf32, #tpu.memory_space<hbm>>) target(%dma_start3A_488 : memref<4096xf32, #tpu.memory_space<vmem>>) target_semaphore(%arg9 : memref<!tpu.dma_semaphore, #tpu.memory_space<semaphore_mem>>)
        %dma_start3A_492 = arith.constant 4096 : i32
        %dma_start3A_493 = tpu.memref_slice %arg5[%dma_start3A_492] : memref<16384xf32, #tpu.memory_space<vmem>> -> memref<4096xf32, #tpu.memory_space<vmem>>
        %dma_start3A_494 = arith.constant 0 : i32
        %dma_start3A_495 = tpu.memref_slice %arg2[%add3A_471, %dma_start3A_494] : memref<4096x4096xf32, #tpu.memory_space<hbm>> -> memref<1x4096xf32, #tpu.memory_space<hbm>>
        %dma_start3A_496 = tpu.memref_squeeze %dma_start3A_495 : memref<1x4096xf32, #tpu.memory_space<hbm>> -> memref<4096xf32, #tpu.memory_space<hbm>>
        %dma_start3A_497 = arith.constant 4096 : i32
        %dma_start3A_498 = tpu.memref_slice %arg5[%dma_start3A_497] : memref<16384xf32, #tpu.memory_space<vmem>> -> memref<4096xf32, #tpu.memory_space<vmem>>
        %dma_start3A_499 = arith.constant 0 : i32
        %dma_start3A_500 = tpu.memref_slice %arg2[%add3A_471, %dma_start3A_499] : memref<4096x4096xf32, #tpu.memory_space<hbm>> -> memref<1x4096xf32, #tpu.memory_space<hbm>>
        %dma_start3A_501 = tpu.memref_squeeze %dma_start3A_500 : memref<1x4096xf32, #tpu.memory_space<hbm>> -> memref<4096xf32, #tpu.memory_space<hbm>>
        tpu.enqueue_dma source(%dma_start3A_501 : memref<4096xf32, #tpu.memory_space<hbm>>) target(%dma_start3A_498 : memref<4096xf32, #tpu.memory_space<vmem>>) target_semaphore(%arg9 : memref<!tpu.dma_semaphore, #tpu.memory_space<semaphore_mem>>)
        %dma_start3A_502 = arith.constant 8192 : i32
        %dma_start3A_503 = tpu.memref_slice %arg5[%dma_start3A_502] : memref<16384xf32, #tpu.memory_space<vmem>> -> memref<4096xf32, #tpu.memory_space<vmem>>
        %dma_start3A_504 = arith.constant 0 : i32
        %dma_start3A_505 = tpu.memref_slice %arg2[%add3A_476, %dma_start3A_504] : memref<4096x4096xf32, #tpu.memory_space<hbm>> -> memref<1x4096xf32, #tpu.memory_space<hbm>>
        %dma_start3A_506 = tpu.memref_squeeze %dma_start3A_505 : memref<1x4096xf32, #tpu.memory_space<hbm>> -> memref<4096xf32, #tpu.memory_space<hbm>>
        %dma_start3A_507 = arith.constant 8192 : i32
        %dma_start3A_508 = tpu.memref_slice %arg5[%dma_start3A_507] : memref<16384xf32, #tpu.memory_space<vmem>> -> memref<4096xf32, #tpu.memory_space<vmem>>
        %dma_start3A_509 = arith.constant 0 : i32
        %dma_start3A_510 = tpu.memref_slice %arg2[%add3A_476, %dma_start3A_509] : memref<4096x4096xf32, #tpu.memory_space<hbm>> -> memref<1x4096xf32, #tpu.memory_space<hbm>>
        %dma_start3A_511 = tpu.memref_squeeze %dma_start3A_510 : memref<1x4096xf32, #tpu.memory_space<hbm>> -> memref<4096xf32, #tpu.memory_space<hbm>>
        tpu.enqueue_dma source(%dma_start3A_511 : memref<4096xf32, #tpu.memory_space<hbm>>) target(%dma_start3A_508 : memref<4096xf32, #tpu.memory_space<vmem>>) target_semaphore(%arg9 : memref<!tpu.dma_semaphore, #tpu.memory_space<semaphore_mem>>)
        %dma_start3A_512 = arith.constant 12288 : i32
        %dma_start3A_513 = tpu.memref_slice %arg5[%dma_start3A_512] : memref<16384xf32, #tpu.memory_space<vmem>> -> memref<4096xf32, #tpu.memory_space<vmem>>
        %dma_start3A_514 = arith.constant 0 : i32
        %dma_start3A_515 = tpu.memref_slice %arg2[%add3A_481, %dma_start3A_514] : memref<4096x4096xf32, #tpu.memory_space<hbm>> -> memref<1x4096xf32, #tpu.memory_space<hbm>>
        %dma_start3A_516 = tpu.memref_squeeze %dma_start3A_515 : memref<1x4096xf32, #tpu.memory_space<hbm>> -> memref<4096xf32, #tpu.memory_space<hbm>>
        %dma_start3A_517 = arith.constant 12288 : i32
        %dma_start3A_518 = tpu.memref_slice %arg5[%dma_start3A_517] : memref<16384xf32, #tpu.memory_space<vmem>> -> memref<4096xf32, #tpu.memory_space<vmem>>
        %dma_start3A_519 = arith.constant 0 : i32
        %dma_start3A_520 = tpu.memref_slice %arg2[%add3A_481, %dma_start3A_519] : memref<4096x4096xf32, #tpu.memory_space<hbm>> -> memref<1x4096xf32, #tpu.memory_space<hbm>>
        %dma_start3A_521 = tpu.memref_squeeze %dma_start3A_520 : memref<1x4096xf32, #tpu.memory_space<hbm>> -> memref<4096xf32, #tpu.memory_space<hbm>>
        tpu.enqueue_dma source(%dma_start3A_521 : memref<4096xf32, #tpu.memory_space<hbm>>) target(%dma_start3A_518 : memref<4096xf32, #tpu.memory_space<vmem>>) target_semaphore(%arg9 : memref<!tpu.dma_semaphore, #tpu.memory_space<semaphore_mem>>)
      } else {
      }
      %mul3A_188 = arith.constant 4 : i32
      %mul3A_189 = arith.muli %add3A_183, %mul3A_188 : i32
      %add3A_190 = arith.addi %mul3A_2, %mul3A_189 : i32
      %add3A_191 = arith.constant 0 : i32
      %add3A_192 = arith.addi %add3A_190, %add3A_191 : i32
      %mul3A_193 = arith.constant 4 : i32
      %mul3A_194 = arith.muli %add3A_183, %mul3A_193 : i32
      %add3A_195 = arith.addi %mul3A_2, %mul3A_194 : i32
      %add3A_196 = arith.constant 1 : i32
      %add3A_197 = arith.addi %add3A_195, %add3A_196 : i32
      %mul3A_198 = arith.constant 4 : i32
      %mul3A_199 = arith.muli %add3A_183, %mul3A_198 : i32
      %add3A_200 = arith.addi %mul3A_2, %mul3A_199 : i32
      %add3A_201 = arith.constant 2 : i32
      %add3A_202 = arith.addi %add3A_200, %add3A_201 : i32
      %mul3A_203 = arith.constant 4 : i32
      %mul3A_204 = arith.muli %add3A_183, %mul3A_203 : i32
      %add3A_205 = arith.addi %mul3A_2, %mul3A_204 : i32
      %add3A_206 = arith.constant 3 : i32
      %add3A_207 = arith.addi %add3A_205, %add3A_206 : i32
      %dma_wait3A_208 = arith.constant 0 : i32
      %dma_wait3A_209 = tpu.memref_slice %arg4[%dma_wait3A_208] : memref<16384xf32, #tpu.memory_space<vmem>> -> memref<4096xf32, #tpu.memory_space<vmem>>
      %dma_wait3A_210 = arith.constant 0 : i32
      %dma_wait3A_211 = tpu.memref_slice %arg2[%add3A_192, %dma_wait3A_210] : memref<4096x4096xf32, #tpu.memory_space<hbm>> -> memref<1x4096xf32, #tpu.memory_space<hbm>>
      %dma_wait3A_212 = tpu.memref_squeeze %dma_wait3A_211 : memref<1x4096xf32, #tpu.memory_space<hbm>> -> memref<4096xf32, #tpu.memory_space<hbm>>
      %dma_wait3A_213 = arith.constant 0 : i32
      %dma_wait3A_214 = tpu.memref_slice %arg4[%dma_wait3A_213] : memref<16384xf32, #tpu.memory_space<vmem>> -> memref<4096xf32, #tpu.memory_space<vmem>>
      %dma_wait3A_215 = arith.constant 0 : i32
      %dma_wait3A_216 = tpu.memref_slice %arg2[%add3A_192, %dma_wait3A_215] : memref<4096x4096xf32, #tpu.memory_space<hbm>> -> memref<1x4096xf32, #tpu.memory_space<hbm>>
      %dma_wait3A_217 = tpu.memref_squeeze %dma_wait3A_216 : memref<1x4096xf32, #tpu.memory_space<hbm>> -> memref<4096xf32, #tpu.memory_space<hbm>>
      tpu.wait_dma2 semaphore(%arg8 : memref<!tpu.dma_semaphore, #tpu.memory_space<semaphore_mem>>) src(%dma_wait3A_217 : memref<4096xf32, #tpu.memory_space<hbm>>) dst(%dma_wait3A_214 : memref<4096xf32, #tpu.memory_space<vmem>>)
      %dma_wait3A_218 = arith.constant 4096 : i32
      %dma_wait3A_219 = tpu.memref_slice %arg4[%dma_wait3A_218] : memref<16384xf32, #tpu.memory_space<vmem>> -> memref<4096xf32, #tpu.memory_space<vmem>>
      %dma_wait3A_220 = arith.constant 0 : i32
      %dma_wait3A_221 = tpu.memref_slice %arg2[%add3A_197, %dma_wait3A_220] : memref<4096x4096xf32, #tpu.memory_space<hbm>> -> memref<1x4096xf32, #tpu.memory_space<hbm>>
      %dma_wait3A_222 = tpu.memref_squeeze %dma_wait3A_221 : memref<1x4096xf32, #tpu.memory_space<hbm>> -> memref<4096xf32, #tpu.memory_space<hbm>>
      %dma_wait3A_223 = arith.constant 4096 : i32
      %dma_wait3A_224 = tpu.memref_slice %arg4[%dma_wait3A_223] : memref<16384xf32, #tpu.memory_space<vmem>> -> memref<4096xf32, #tpu.memory_space<vmem>>
      %dma_wait3A_225 = arith.constant 0 : i32
      %dma_wait3A_226 = tpu.memref_slice %arg2[%add3A_197, %dma_wait3A_225] : memref<4096x4096xf32, #tpu.memory_space<hbm>> -> memref<1x4096xf32, #tpu.memory_space<hbm>>
      %dma_wait3A_227 = tpu.memref_squeeze %dma_wait3A_226 : memref<1x4096xf32, #tpu.memory_space<hbm>> -> memref<4096xf32, #tpu.memory_space<hbm>>
      tpu.wait_dma2 semaphore(%arg8 : memref<!tpu.dma_semaphore, #tpu.memory_space<semaphore_mem>>) src(%dma_wait3A_227 : memref<4096xf32, #tpu.memory_space<hbm>>) dst(%dma_wait3A_224 : memref<4096xf32, #tpu.memory_space<vmem>>)
      %dma_wait3A_228 = arith.constant 8192 : i32
      %dma_wait3A_229 = tpu.memref_slice %arg4[%dma_wait3A_228] : memref<16384xf32, #tpu.memory_space<vmem>> -> memref<4096xf32, #tpu.memory_space<vmem>>
      %dma_wait3A_230 = arith.constant 0 : i32
      %dma_wait3A_231 = tpu.memref_slice %arg2[%add3A_202, %dma_wait3A_230] : memref<4096x4096xf32, #tpu.memory_space<hbm>> -> memref<1x4096xf32, #tpu.memory_space<hbm>>
      %dma_wait3A_232 = tpu.memref_squeeze %dma_wait3A_231 : memref<1x4096xf32, #tpu.memory_space<hbm>> -> memref<4096xf32, #tpu.memory_space<hbm>>
      %dma_wait3A_233 = arith.constant 8192 : i32
      %dma_wait3A_234 = tpu.memref_slice %arg4[%dma_wait3A_233] : memref<16384xf32, #tpu.memory_space<vmem>> -> memref<4096xf32, #tpu.memory_space<vmem>>
      %dma_wait3A_235 = arith.constant 0 : i32
      %dma_wait3A_236 = tpu.memref_slice %arg2[%add3A_202, %dma_wait3A_235] : memref<4096x4096xf32, #tpu.memory_space<hbm>> -> memref<1x4096xf32, #tpu.memory_space<hbm>>
      %dma_wait3A_237 = tpu.memref_squeeze %dma_wait3A_236 : memref<1x4096xf32, #tpu.memory_space<hbm>> -> memref<4096xf32, #tpu.memory_space<hbm>>
      tpu.wait_dma2 semaphore(%arg8 : memref<!tpu.dma_semaphore, #tpu.memory_space<semaphore_mem>>) src(%dma_wait3A_237 : memref<4096xf32, #tpu.memory_space<hbm>>) dst(%dma_wait3A_234 : memref<4096xf32, #tpu.memory_space<vmem>>)
      %dma_wait3A_238 = arith.constant 12288 : i32
      %dma_wait3A_239 = tpu.memref_slice %arg4[%dma_wait3A_238] : memref<16384xf32, #tpu.memory_space<vmem>> -> memref<4096xf32, #tpu.memory_space<vmem>>
      %dma_wait3A_240 = arith.constant 0 : i32
      %dma_wait3A_241 = tpu.memref_slice %arg2[%add3A_207, %dma_wait3A_240] : memref<4096x4096xf32, #tpu.memory_space<hbm>> -> memref<1x4096xf32, #tpu.memory_space<hbm>>
      %dma_wait3A_242 = tpu.memref_squeeze %dma_wait3A_241 : memref<1x4096xf32, #tpu.memory_space<hbm>> -> memref<4096xf32, #tpu.memory_space<hbm>>
      %dma_wait3A_243 = arith.constant 12288 : i32
      %dma_wait3A_244 = tpu.memref_slice %arg4[%dma_wait3A_243] : memref<16384xf32, #tpu.memory_space<vmem>> -> memref<4096xf32, #tpu.memory_space<vmem>>
      %dma_wait3A_245 = arith.constant 0 : i32
      %dma_wait3A_246 = tpu.memref_slice %arg2[%add3A_207, %dma_wait3A_245] : memref<4096x4096xf32, #tpu.memory_space<hbm>> -> memref<1x4096xf32, #tpu.memory_space<hbm>>
      %dma_wait3A_247 = tpu.memref_squeeze %dma_wait3A_246 : memref<1x4096xf32, #tpu.memory_space<hbm>> -> memref<4096xf32, #tpu.memory_space<hbm>>
      tpu.wait_dma2 semaphore(%arg8 : memref<!tpu.dma_semaphore, #tpu.memory_space<semaphore_mem>>) src(%dma_wait3A_247 : memref<4096xf32, #tpu.memory_space<hbm>>) dst(%dma_wait3A_244 : memref<4096xf32, #tpu.memory_space<vmem>>)
      %ge3A = arith.constant 2 : i32
      %ge3A_248 = arith.cmpi sge, %add3A_183, %ge3A : i32
      %convert_element_type3A_249 = arith.extui %ge3A_248 : i1 to i32
      %cond3A_250 = arith.constant 0 : i32
      %cond3A_251 = arith.cmpi ne, %convert_element_type3A_249, %cond3A_250 : i32
      scf.if %cond3A_251 {
        %sub3A = arith.constant 2 : i32
        %sub3A_460 = arith.subi %add3A_183, %sub3A : i32
        %mul3A_461 = arith.constant 4 : i32
        %mul3A_462 = arith.muli %sub3A_460, %mul3A_461 : i32
        %add3A_463 = arith.addi %mul3A_2, %mul3A_462 : i32
        %add3A_464 = arith.constant 0 : i32
        %add3A_465 = arith.addi %add3A_463, %add3A_464 : i32
        %mul3A_466 = arith.constant 4 : i32
        %mul3A_467 = arith.muli %sub3A_460, %mul3A_466 : i32
        %add3A_468 = arith.addi %mul3A_2, %mul3A_467 : i32
        %add3A_469 = arith.constant 1 : i32
        %add3A_470 = arith.addi %add3A_468, %add3A_469 : i32
        %mul3A_471 = arith.constant 4 : i32
        %mul3A_472 = arith.muli %sub3A_460, %mul3A_471 : i32
        %add3A_473 = arith.addi %mul3A_2, %mul3A_472 : i32
        %add3A_474 = arith.constant 2 : i32
        %add3A_475 = arith.addi %add3A_473, %add3A_474 : i32
        %mul3A_476 = arith.constant 4 : i32
        %mul3A_477 = arith.muli %sub3A_460, %mul3A_476 : i32
        %add3A_478 = arith.addi %mul3A_2, %mul3A_477 : i32
        %add3A_479 = arith.constant 3 : i32
        %add3A_480 = arith.addi %add3A_478, %add3A_479 : i32
        %dma_wait3A_481 = arith.constant 0 : i32
        %dma_wait3A_482 = tpu.memref_slice %arg6[%dma_wait3A_481] : memref<16384xf32, #tpu.memory_space<vmem>> -> memref<4096xf32, #tpu.memory_space<vmem>>
        %dma_wait3A_483 = arith.constant 0 : i32
        %dma_wait3A_484 = tpu.memref_slice %arg3[%add3A_465, %dma_wait3A_483] : memref<4096x4096xf32, #tpu.memory_space<hbm>> -> memref<1x4096xf32, #tpu.memory_space<hbm>>
        %dma_wait3A_485 = tpu.memref_squeeze %dma_wait3A_484 : memref<1x4096xf32, #tpu.memory_space<hbm>> -> memref<4096xf32, #tpu.memory_space<hbm>>
        %dma_wait3A_486 = arith.constant 0 : i32
        %dma_wait3A_487 = tpu.memref_slice %arg3[%add3A_465, %dma_wait3A_486] : memref<4096x4096xf32, #tpu.memory_space<hbm>> -> memref<1x4096xf32, #tpu.memory_space<hbm>>
        %dma_wait3A_488 = tpu.memref_squeeze %dma_wait3A_487 : memref<1x4096xf32, #tpu.memory_space<hbm>> -> memref<4096xf32, #tpu.memory_space<hbm>>
        %dma_wait3A_489 = arith.constant 0 : i32
        %dma_wait3A_490 = tpu.memref_slice %arg6[%dma_wait3A_489] : memref<16384xf32, #tpu.memory_space<vmem>> -> memref<4096xf32, #tpu.memory_space<vmem>>
        tpu.wait_dma2 semaphore(%arg10 : memref<!tpu.dma_semaphore, #tpu.memory_space<semaphore_mem>>) src(%dma_wait3A_490 : memref<4096xf32, #tpu.memory_space<vmem>>) dst(%dma_wait3A_488 : memref<4096xf32, #tpu.memory_space<hbm>>)
        %dma_wait3A_491 = arith.constant 4096 : i32
        %dma_wait3A_492 = tpu.memref_slice %arg6[%dma_wait3A_491] : memref<16384xf32, #tpu.memory_space<vmem>> -> memref<4096xf32, #tpu.memory_space<vmem>>
        %dma_wait3A_493 = arith.constant 0 : i32
        %dma_wait3A_494 = tpu.memref_slice %arg3[%add3A_470, %dma_wait3A_493] : memref<4096x4096xf32, #tpu.memory_space<hbm>> -> memref<1x4096xf32, #tpu.memory_space<hbm>>
        %dma_wait3A_495 = tpu.memref_squeeze %dma_wait3A_494 : memref<1x4096xf32, #tpu.memory_space<hbm>> -> memref<4096xf32, #tpu.memory_space<hbm>>
        %dma_wait3A_496 = arith.constant 0 : i32
        %dma_wait3A_497 = tpu.memref_slice %arg3[%add3A_470, %dma_wait3A_496] : memref<4096x4096xf32, #tpu.memory_space<hbm>> -> memref<1x4096xf32, #tpu.memory_space<hbm>>
        %dma_wait3A_498 = tpu.memref_squeeze %dma_wait3A_497 : memref<1x4096xf32, #tpu.memory_space<hbm>> -> memref<4096xf32, #tpu.memory_space<hbm>>
        %dma_wait3A_499 = arith.constant 4096 : i32
        %dma_wait3A_500 = tpu.memref_slice %arg6[%dma_wait3A_499] : memref<16384xf32, #tpu.memory_space<vmem>> -> memref<4096xf32, #tpu.memory_space<vmem>>
        tpu.wait_dma2 semaphore(%arg10 : memref<!tpu.dma_semaphore, #tpu.memory_space<semaphore_mem>>) src(%dma_wait3A_500 : memref<4096xf32, #tpu.memory_space<vmem>>) dst(%dma_wait3A_498 : memref<4096xf32, #tpu.memory_space<hbm>>)
        %dma_wait3A_501 = arith.constant 8192 : i32
        %dma_wait3A_502 = tpu.memref_slice %arg6[%dma_wait3A_501] : memref<16384xf32, #tpu.memory_space<vmem>> -> memref<4096xf32, #tpu.memory_space<vmem>>
        %dma_wait3A_503 = arith.constant 0 : i32
        %dma_wait3A_504 = tpu.memref_slice %arg3[%add3A_475, %dma_wait3A_503] : memref<4096x4096xf32, #tpu.memory_space<hbm>> -> memref<1x4096xf32, #tpu.memory_space<hbm>>
        %dma_wait3A_505 = tpu.memref_squeeze %dma_wait3A_504 : memref<1x4096xf32, #tpu.memory_space<hbm>> -> memref<4096xf32, #tpu.memory_space<hbm>>
        %dma_wait3A_506 = arith.constant 0 : i32
        %dma_wait3A_507 = tpu.memref_slice %arg3[%add3A_475, %dma_wait3A_506] : memref<4096x4096xf32, #tpu.memory_space<hbm>> -> memref<1x4096xf32, #tpu.memory_space<hbm>>
        %dma_wait3A_508 = tpu.memref_squeeze %dma_wait3A_507 : memref<1x4096xf32, #tpu.memory_space<hbm>> -> memref<4096xf32, #tpu.memory_space<hbm>>
        %dma_wait3A_509 = arith.constant 8192 : i32
        %dma_wait3A_510 = tpu.memref_slice %arg6[%dma_wait3A_509] : memref<16384xf32, #tpu.memory_space<vmem>> -> memref<4096xf32, #tpu.memory_space<vmem>>
        tpu.wait_dma2 semaphore(%arg10 : memref<!tpu.dma_semaphore, #tpu.memory_space<semaphore_mem>>) src(%dma_wait3A_510 : memref<4096xf32, #tpu.memory_space<vmem>>) dst(%dma_wait3A_508 : memref<4096xf32, #tpu.memory_space<hbm>>)
        %dma_wait3A_511 = arith.constant 12288 : i32
        %dma_wait3A_512 = tpu.memref_slice %arg6[%dma_wait3A_511] : memref<16384xf32, #tpu.memory_space<vmem>> -> memref<4096xf32, #tpu.memory_space<vmem>>
        %dma_wait3A_513 = arith.constant 0 : i32
        %dma_wait3A_514 = tpu.memref_slice %arg3[%add3A_480, %dma_wait3A_513] : memref<4096x4096xf32, #tpu.memory_space<hbm>> -> memref<1x4096xf32, #tpu.memory_space<hbm>>
        %dma_wait3A_515 = tpu.memref_squeeze %dma_wait3A_514 : memref<1x4096xf32, #tpu.memory_space<hbm>> -> memref<4096xf32, #tpu.memory_space<hbm>>
        %dma_wait3A_516 = arith.constant 0 : i32
        %dma_wait3A_517 = tpu.memref_slice %arg3[%add3A_480, %dma_wait3A_516] : memref<4096x4096xf32, #tpu.memory_space<hbm>> -> memref<1x4096xf32, #tpu.memory_space<hbm>>
        %dma_wait3A_518 = tpu.memref_squeeze %dma_wait3A_517 : memref<1x4096xf32, #tpu.memory_space<hbm>> -> memref<4096xf32, #tpu.memory_space<hbm>>
        %dma_wait3A_519 = arith.constant 12288 : i32
        %dma_wait3A_520 = tpu.memref_slice %arg6[%dma_wait3A_519] : memref<16384xf32, #tpu.memory_space<vmem>> -> memref<4096xf32, #tpu.memory_space<vmem>>
        tpu.wait_dma2 semaphore(%arg10 : memref<!tpu.dma_semaphore, #tpu.memory_space<semaphore_mem>>) src(%dma_wait3A_520 : memref<4096xf32, #tpu.memory_space<vmem>>) dst(%dma_wait3A_518 : memref<4096xf32, #tpu.memory_space<hbm>>)
      } else {
      }
      %scan3A_252 = arith.constant 0 : i32
      %scan3A_253 = arith.constant 0 : i32
      %scan3A_254 = arith.constant 256 : i32
      %scan3A_255 = arith.addi %scan3A_253, %scan3A_254 : i32
      %scan3A_256 = arith.constant 16 : i32
      scf.for %scan3A_460 = %scan3A_253 to %scan3A_255 step %scan3A_256  : i32 {
        %shift_left3A = arith.constant 6 : i32
        %shift_left3A_461 = arith.shli %scan3A_460, %shift_left3A : i32
        %add3A_462 = vector.broadcast %shift_left3A_461 : i32 to vector<16xi32>
        %add3A_463 = arith.addi %mul3A_5, %add3A_462 : vector<16xi32>
        %add3A_464 = arith.constant 1 : i32
        %add3A_465 = vector.broadcast %add3A_464 : i32 to vector<16xi32>
        %add3A_466 = arith.addi %add3A_463, %add3A_465 : vector<16xi32>
        %add3A_467 = arith.constant 2 : i32
        %add3A_468 = vector.broadcast %add3A_467 : i32 to vector<16xi32>
        %add3A_469 = arith.addi %add3A_463, %add3A_468 : vector<16xi32>
        %add3A_470 = arith.constant 3 : i32
        %add3A_471 = vector.broadcast %add3A_470 : i32 to vector<16xi32>
        %add3A_472 = arith.addi %add3A_463, %add3A_471 : vector<16xi32>
        %gather3A = tpu.vector_load_idx %arg4[%add3A_463] : memref<16384xf32, #tpu.memory_space<vmem>>[vector<16xi32>], vector<16xf32>,
        %gather3A_473 = tpu.vector_load_idx %arg4[%add3A_466] : memref<16384xf32, #tpu.memory_space<vmem>>[vector<16xi32>], vector<16xf32>,
        %gather3A_474 = tpu.vector_load_idx %arg4[%add3A_469] : memref<16384xf32, #tpu.memory_space<vmem>>[vector<16xi32>], vector<16xf32>,
        %gather3A_475 = tpu.vector_load_idx %arg4[%add3A_472] : memref<16384xf32, #tpu.memory_space<vmem>>[vector<16xi32>], vector<16xf32>,
        %mul3A_476 = arith.mulf %gather3A, %gather3A : vector<16xf32>
        %mul3A_477 = arith.mulf %gather3A_473, %gather3A_473 : vector<16xf32>
        %mul3A_478 = arith.mulf %gather3A_474, %gather3A_474 : vector<16xf32>
        %mul3A_479 = arith.mulf %gather3A_475, %gather3A_475 : vector<16xf32>
        %ge3A_480 = arith.cmpf oge, %mul3A_476, %mul3A_477 : vector<16xf32>
        %broadcast_in_dim3A = vector.broadcast %scan3A_61 : f32 to vector<16xf32>
        %broadcast_in_dim3A_481 = vector.broadcast %scan3A_62 : f32 to vector<16xf32>
        %select_n3A = arith.select %ge3A_480, %broadcast_in_dim3A, %broadcast_in_dim3A_481 : vector<16xi1>, vector<16xf32>
        %ge3A_482 = arith.cmpf oge, %mul3A_476, %mul3A_478 : vector<16xf32>
        %broadcast_in_dim3A_483 = vector.broadcast %scan3A_61 : f32 to vector<16xf32>
        %broadcast_in_dim3A_484 = vector.broadcast %scan3A_62 : f32 to vector<16xf32>
        %select_n3A_485 = arith.select %ge3A_482, %broadcast_in_dim3A_483, %broadcast_in_dim3A_484 : vector<16xi1>, vector<16xf32>
        %ge3A_486 = arith.cmpf oge, %mul3A_476, %mul3A_479 : vector<16xf32>
        %broadcast_in_dim3A_487 = vector.broadcast %scan3A_61 : f32 to vector<16xf32>
        %broadcast_in_dim3A_488 = vector.broadcast %scan3A_62 : f32 to vector<16xf32>
        %select_n3A_489 = arith.select %ge3A_486, %broadcast_in_dim3A_487, %broadcast_in_dim3A_488 : vector<16xi1>, vector<16xf32>
        %ge3A_490 = arith.cmpf oge, %mul3A_477, %mul3A_478 : vector<16xf32>
        %broadcast_in_dim3A_491 = vector.broadcast %scan3A_61 : f32 to vector<16xf32>
        %broadcast_in_dim3A_492 = vector.broadcast %scan3A_62 : f32 to vector<16xf32>
        %select_n3A_493 = arith.select %ge3A_490, %broadcast_in_dim3A_491, %broadcast_in_dim3A_492 : vector<16xi1>, vector<16xf32>
        %ge3A_494 = arith.cmpf oge, %mul3A_477, %mul3A_479 : vector<16xf32>
        %broadcast_in_dim3A_495 = vector.broadcast %scan3A_61 : f32 to vector<16xf32>
        %broadcast_in_dim3A_496 = vector.broadcast %scan3A_62 : f32 to vector<16xf32>
        %select_n3A_497 = arith.select %ge3A_494, %broadcast_in_dim3A_495, %broadcast_in_dim3A_496 : vector<16xi1>, vector<16xf32>
        %ge3A_498 = arith.cmpf oge, %mul3A_478, %mul3A_479 : vector<16xf32>
        %broadcast_in_dim3A_499 = vector.broadcast %scan3A_61 : f32 to vector<16xf32>
        %broadcast_in_dim3A_500 = vector.broadcast %scan3A_62 : f32 to vector<16xf32>
        %select_n3A_501 = arith.select %ge3A_498, %broadcast_in_dim3A_499, %broadcast_in_dim3A_500 : vector<16xi1>, vector<16xf32>
        %add3A_502 = arith.addf %select_n3A, %select_n3A_485 : vector<16xf32>
        %add3A_503 = arith.addf %add3A_502, %select_n3A_489 : vector<16xf32>
        %ge3A_504 = arith.constant 2.000000e+00 : f32
        %ge3A_505 = vector.broadcast %ge3A_504 : f32 to vector<16xf32>
        %ge3A_506 = arith.cmpf oge, %add3A_503, %ge3A_505 : vector<16xf32>
        %add3A_507 = arith.addf %select_n3A_493, %select_n3A_497 : vector<16xf32>
        %sub3A = arith.subf %add3A_507, %select_n3A : vector<16xf32>
        %ge3A_508 = arith.constant 1.000000e+00 : f32
        %ge3A_509 = vector.broadcast %ge3A_508 : f32 to vector<16xf32>
        %ge3A_510 = arith.cmpf oge, %sub3A, %ge3A_509 : vector<16xf32>
        %sub3A_511 = arith.subf %select_n3A_501, %select_n3A_485 : vector<16xf32>
        %sub3A_512 = arith.subf %sub3A_511, %select_n3A_493 : vector<16xf32>
        %ge3A_513 = arith.constant 0.000000e+00 : f32
        %ge3A_514 = vector.broadcast %ge3A_513 : f32 to vector<16xf32>
        %ge3A_515 = arith.cmpf oge, %sub3A_512, %ge3A_514 : vector<16xf32>
        %add3A_516 = arith.addf %select_n3A_489, %select_n3A_497 : vector<16xf32>
        %add3A_517 = arith.addf %add3A_516, %select_n3A_501 : vector<16xf32>
        %le3A = arith.constant 1.000000e+00 : f32
        %le3A_518 = vector.broadcast %le3A : f32 to vector<16xf32>
        %le3A_519 = arith.cmpf ole, %add3A_517, %le3A_518 : vector<16xf32>
        %broadcast_in_dim3A_520 = vector.broadcast %scan3A_62 : f32 to vector<16xf32>
        %select_n3A_521 = arith.select %ge3A_506, %gather3A, %broadcast_in_dim3A_520 : vector<16xi1>, vector<16xf32>
        tpu.vector_store_idx %arg6[%add3A_463], %select_n3A_521 : memref<16384xf32, #tpu.memory_space<vmem>>[vector<16xi32>], vector<16xf32>,
        %broadcast_in_dim3A_522 = vector.broadcast %scan3A_62 : f32 to vector<16xf32>
        %select_n3A_523 = arith.select %ge3A_510, %gather3A_473, %broadcast_in_dim3A_522 : vector<16xi1>, vector<16xf32>
        tpu.vector_store_idx %arg6[%add3A_466], %select_n3A_523 : memref<16384xf32, #tpu.memory_space<vmem>>[vector<16xi32>], vector<16xf32>,
        %broadcast_in_dim3A_524 = vector.broadcast %scan3A_62 : f32 to vector<16xf32>
        %select_n3A_525 = arith.select %ge3A_515, %gather3A_474, %broadcast_in_dim3A_524 : vector<16xi1>, vector<16xf32>
        tpu.vector_store_idx %arg6[%add3A_469], %select_n3A_525 : memref<16384xf32, #tpu.memory_space<vmem>>[vector<16xi32>], vector<16xf32>,
        %broadcast_in_dim3A_526 = vector.broadcast %scan3A_62 : f32 to vector<16xf32>
        %select_n3A_527 = arith.select %le3A_519, %gather3A_475, %broadcast_in_dim3A_526 : vector<16xi1>, vector<16xf32>
        tpu.vector_store_idx %arg6[%add3A_472], %select_n3A_527 : memref<16384xf32, #tpu.memory_space<vmem>>[vector<16xi32>], vector<16xf32>,
        %scan3A_528 = arith.constant 1 : i32
        %scan3A_529 = arith.addi %scan3A_460, %scan3A_528 : i32
        %shift_left3A_530 = arith.constant 6 : i32
        %shift_left3A_531 = arith.shli %scan3A_529, %shift_left3A_530 : i32
        %add3A_532 = vector.broadcast %shift_left3A_531 : i32 to vector<16xi32>
        %add3A_533 = arith.addi %mul3A_5, %add3A_532 : vector<16xi32>
        %add3A_534 = arith.constant 1 : i32
        %add3A_535 = vector.broadcast %add3A_534 : i32 to vector<16xi32>
        %add3A_536 = arith.addi %add3A_533, %add3A_535 : vector<16xi32>
        %add3A_537 = arith.constant 2 : i32
        %add3A_538 = vector.broadcast %add3A_537 : i32 to vector<16xi32>
        %add3A_539 = arith.addi %add3A_533, %add3A_538 : vector<16xi32>
        %add3A_540 = arith.constant 3 : i32
        %add3A_541 = vector.broadcast %add3A_540 : i32 to vector<16xi32>
        %add3A_542 = arith.addi %add3A_533, %add3A_541 : vector<16xi32>
        %gather3A_543 = tpu.vector_load_idx %arg4[%add3A_533] : memref<16384xf32, #tpu.memory_space<vmem>>[vector<16xi32>], vector<16xf32>,
        %gather3A_544 = tpu.vector_load_idx %arg4[%add3A_536] : memref<16384xf32, #tpu.memory_space<vmem>>[vector<16xi32>], vector<16xf32>,
        %gather3A_545 = tpu.vector_load_idx %arg4[%add3A_539] : memref<16384xf32, #tpu.memory_space<vmem>>[vector<16xi32>], vector<16xf32>,
        %gather3A_546 = tpu.vector_load_idx %arg4[%add3A_542] : memref<16384xf32, #tpu.memory_space<vmem>>[vector<16xi32>], vector<16xf32>,
        %mul3A_547 = arith.mulf %gather3A_543, %gather3A_543 : vector<16xf32>
        %mul3A_548 = arith.mulf %gather3A_544, %gather3A_544 : vector<16xf32>
        %mul3A_549 = arith.mulf %gather3A_545, %gather3A_545 : vector<16xf32>
        %mul3A_550 = arith.mulf %gather3A_546, %gather3A_546 : vector<16xf32>
        %ge3A_551 = arith.cmpf oge, %mul3A_547, %mul3A_548 : vector<16xf32>
        %broadcast_in_dim3A_552 = vector.broadcast %scan3A_61 : f32 to vector<16xf32>
        %broadcast_in_dim3A_553 = vector.broadcast %scan3A_62 : f32 to vector<16xf32>
        %select_n3A_554 = arith.select %ge3A_551, %broadcast_in_dim3A_552, %broadcast_in_dim3A_553 : vector<16xi1>, vector<16xf32>
        %ge3A_555 = arith.cmpf oge, %mul3A_547, %mul3A_549 : vector<16xf32>
        %broadcast_in_dim3A_556 = vector.broadcast %scan3A_61 : f32 to vector<16xf32>
        %broadcast_in_dim3A_557 = vector.broadcast %scan3A_62 : f32 to vector<16xf32>
        %select_n3A_558 = arith.select %ge3A_555, %broadcast_in_dim3A_556, %broadcast_in_dim3A_557 : vector<16xi1>, vector<16xf32>
        %ge3A_559 = arith.cmpf oge, %mul3A_547, %mul3A_550 : vector<16xf32>
        %broadcast_in_dim3A_560 = vector.broadcast %scan3A_61 : f32 to vector<16xf32>
        %broadcast_in_dim3A_561 = vector.broadcast %scan3A_62 : f32 to vector<16xf32>
        %select_n3A_562 = arith.select %ge3A_559, %broadcast_in_dim3A_560, %broadcast_in_dim3A_561 : vector<16xi1>, vector<16xf32>
        %ge3A_563 = arith.cmpf oge, %mul3A_548, %mul3A_549 : vector<16xf32>
        %broadcast_in_dim3A_564 = vector.broadcast %scan3A_61 : f32 to vector<16xf32>
        %broadcast_in_dim3A_565 = vector.broadcast %scan3A_62 : f32 to vector<16xf32>
        %select_n3A_566 = arith.select %ge3A_563, %broadcast_in_dim3A_564, %broadcast_in_dim3A_565 : vector<16xi1>, vector<16xf32>
        %ge3A_567 = arith.cmpf oge, %mul3A_548, %mul3A_550 : vector<16xf32>
        %broadcast_in_dim3A_568 = vector.broadcast %scan3A_61 : f32 to vector<16xf32>
        %broadcast_in_dim3A_569 = vector.broadcast %scan3A_62 : f32 to vector<16xf32>
        %select_n3A_570 = arith.select %ge3A_567, %broadcast_in_dim3A_568, %broadcast_in_dim3A_569 : vector<16xi1>, vector<16xf32>
        %ge3A_571 = arith.cmpf oge, %mul3A_549, %mul3A_550 : vector<16xf32>
        %broadcast_in_dim3A_572 = vector.broadcast %scan3A_61 : f32 to vector<16xf32>
        %broadcast_in_dim3A_573 = vector.broadcast %scan3A_62 : f32 to vector<16xf32>
        %select_n3A_574 = arith.select %ge3A_571, %broadcast_in_dim3A_572, %broadcast_in_dim3A_573 : vector<16xi1>, vector<16xf32>
        %add3A_575 = arith.addf %select_n3A_554, %select_n3A_558 : vector<16xf32>
        %add3A_576 = arith.addf %add3A_575, %select_n3A_562 : vector<16xf32>
        %ge3A_577 = arith.constant 2.000000e+00 : f32
        %ge3A_578 = vector.broadcast %ge3A_577 : f32 to vector<16xf32>
        %ge3A_579 = arith.cmpf oge, %add3A_576, %ge3A_578 : vector<16xf32>
        %add3A_580 = arith.addf %select_n3A_566, %select_n3A_570 : vector<16xf32>
        %sub3A_581 = arith.subf %add3A_580, %select_n3A_554 : vector<16xf32>
        %ge3A_582 = arith.constant 1.000000e+00 : f32
        %ge3A_583 = vector.broadcast %ge3A_582 : f32 to vector<16xf32>
        %ge3A_584 = arith.cmpf oge, %sub3A_581, %ge3A_583 : vector<16xf32>
        %sub3A_585 = arith.subf %select_n3A_574, %select_n3A_558 : vector<16xf32>
        %sub3A_586 = arith.subf %sub3A_585, %select_n3A_566 : vector<16xf32>
        %ge3A_587 = arith.constant 0.000000e+00 : f32
        %ge3A_588 = vector.broadcast %ge3A_587 : f32 to vector<16xf32>
        %ge3A_589 = arith.cmpf oge, %sub3A_586, %ge3A_588 : vector<16xf32>
        %add3A_590 = arith.addf %select_n3A_562, %select_n3A_570 : vector<16xf32>
        %add3A_591 = arith.addf %add3A_590, %select_n3A_574 : vector<16xf32>
        %le3A_592 = arith.constant 1.000000e+00 : f32
        %le3A_593 = vector.broadcast %le3A_592 : f32 to vector<16xf32>
        %le3A_594 = arith.cmpf ole, %add3A_591, %le3A_593 : vector<16xf32>
        %broadcast_in_dim3A_595 = vector.broadcast %scan3A_62 : f32 to vector<16xf32>
        %select_n3A_596 = arith.select %ge3A_579, %gather3A_543, %broadcast_in_dim3A_595 : vector<16xi1>, vector<16xf32>
        tpu.vector_store_idx %arg6[%add3A_533], %select_n3A_596 : memref<16384xf32, #tpu.memory_space<vmem>>[vector<16xi32>], vector<16xf32>,
        %broadcast_in_dim3A_597 = vector.broadcast %scan3A_62 : f32 to vector<16xf32>
        %select_n3A_598 = arith.select %ge3A_584, %gather3A_544, %broadcast_in_dim3A_597 : vector<16xi1>, vector<16xf32>
        tpu.vector_store_idx %arg6[%add3A_536], %select_n3A_598 : memref<16384xf32, #tpu.memory_space<vmem>>[vector<16xi32>], vector<16xf32>,
        %broadcast_in_dim3A_599 = vector.broadcast %scan3A_62 : f32 to vector<16xf32>
        %select_n3A_600 = arith.select %ge3A_589, %gather3A_545, %broadcast_in_dim3A_599 : vector<16xi1>, vector<16xf32>
        tpu.vector_store_idx %arg6[%add3A_539], %select_n3A_600 : memref<16384xf32, #tpu.memory_space<vmem>>[vector<16xi32>], vector<16xf32>,
        %broadcast_in_dim3A_601 = vector.broadcast %scan3A_62 : f32 to vector<16xf32>
        %select_n3A_602 = arith.select %le3A_594, %gather3A_546, %broadcast_in_dim3A_601 : vector<16xi1>, vector<16xf32>
        tpu.vector_store_idx %arg6[%add3A_542], %select_n3A_602 : memref<16384xf32, #tpu.memory_space<vmem>>[vector<16xi32>], vector<16xf32>,
        %scan3A_603 = arith.constant 2 : i32
        %scan3A_604 = arith.addi %scan3A_460, %scan3A_603 : i32
        %shift_left3A_605 = arith.constant 6 : i32
        %shift_left3A_606 = arith.shli %scan3A_604, %shift_left3A_605 : i32
        %add3A_607 = vector.broadcast %shift_left3A_606 : i32 to vector<16xi32>
        %add3A_608 = arith.addi %mul3A_5, %add3A_607 : vector<16xi32>
        %add3A_609 = arith.constant 1 : i32
        %add3A_610 = vector.broadcast %add3A_609 : i32 to vector<16xi32>
        %add3A_611 = arith.addi %add3A_608, %add3A_610 : vector<16xi32>
        %add3A_612 = arith.constant 2 : i32
        %add3A_613 = vector.broadcast %add3A_612 : i32 to vector<16xi32>
        %add3A_614 = arith.addi %add3A_608, %add3A_613 : vector<16xi32>
        %add3A_615 = arith.constant 3 : i32
        %add3A_616 = vector.broadcast %add3A_615 : i32 to vector<16xi32>
        %add3A_617 = arith.addi %add3A_608, %add3A_616 : vector<16xi32>
        %gather3A_618 = tpu.vector_load_idx %arg4[%add3A_608] : memref<16384xf32, #tpu.memory_space<vmem>>[vector<16xi32>], vector<16xf32>,
        %gather3A_619 = tpu.vector_load_idx %arg4[%add3A_611] : memref<16384xf32, #tpu.memory_space<vmem>>[vector<16xi32>], vector<16xf32>,
        %gather3A_620 = tpu.vector_load_idx %arg4[%add3A_614] : memref<16384xf32, #tpu.memory_space<vmem>>[vector<16xi32>], vector<16xf32>,
        %gather3A_621 = tpu.vector_load_idx %arg4[%add3A_617] : memref<16384xf32, #tpu.memory_space<vmem>>[vector<16xi32>], vector<16xf32>,
        %mul3A_622 = arith.mulf %gather3A_618, %gather3A_618 : vector<16xf32>
        %mul3A_623 = arith.mulf %gather3A_619, %gather3A_619 : vector<16xf32>
        %mul3A_624 = arith.mulf %gather3A_620, %gather3A_620 : vector<16xf32>
        %mul3A_625 = arith.mulf %gather3A_621, %gather3A_621 : vector<16xf32>
        %ge3A_626 = arith.cmpf oge, %mul3A_622, %mul3A_623 : vector<16xf32>
        %broadcast_in_dim3A_627 = vector.broadcast %scan3A_61 : f32 to vector<16xf32>
        %broadcast_in_dim3A_628 = vector.broadcast %scan3A_62 : f32 to vector<16xf32>
        %select_n3A_629 = arith.select %ge3A_626, %broadcast_in_dim3A_627, %broadcast_in_dim3A_628 : vector<16xi1>, vector<16xf32>
        %ge3A_630 = arith.cmpf oge, %mul3A_622, %mul3A_624 : vector<16xf32>
        %broadcast_in_dim3A_631 = vector.broadcast %scan3A_61 : f32 to vector<16xf32>
        %broadcast_in_dim3A_632 = vector.broadcast %scan3A_62 : f32 to vector<16xf32>
        %select_n3A_633 = arith.select %ge3A_630, %broadcast_in_dim3A_631, %broadcast_in_dim3A_632 : vector<16xi1>, vector<16xf32>
        %ge3A_634 = arith.cmpf oge, %mul3A_622, %mul3A_625 : vector<16xf32>
        %broadcast_in_dim3A_635 = vector.broadcast %scan3A_61 : f32 to vector<16xf32>
        %broadcast_in_dim3A_636 = vector.broadcast %scan3A_62 : f32 to vector<16xf32>
        %select_n3A_637 = arith.select %ge3A_634, %broadcast_in_dim3A_635, %broadcast_in_dim3A_636 : vector<16xi1>, vector<16xf32>
        %ge3A_638 = arith.cmpf oge, %mul3A_623, %mul3A_624 : vector<16xf32>
        %broadcast_in_dim3A_639 = vector.broadcast %scan3A_61 : f32 to vector<16xf32>
        %broadcast_in_dim3A_640 = vector.broadcast %scan3A_62 : f32 to vector<16xf32>
        %select_n3A_641 = arith.select %ge3A_638, %broadcast_in_dim3A_639, %broadcast_in_dim3A_640 : vector<16xi1>, vector<16xf32>
        %ge3A_642 = arith.cmpf oge, %mul3A_623, %mul3A_625 : vector<16xf32>
        %broadcast_in_dim3A_643 = vector.broadcast %scan3A_61 : f32 to vector<16xf32>
        %broadcast_in_dim3A_644 = vector.broadcast %scan3A_62 : f32 to vector<16xf32>
        %select_n3A_645 = arith.select %ge3A_642, %broadcast_in_dim3A_643, %broadcast_in_dim3A_644 : vector<16xi1>, vector<16xf32>
        %ge3A_646 = arith.cmpf oge, %mul3A_624, %mul3A_625 : vector<16xf32>
        %broadcast_in_dim3A_647 = vector.broadcast %scan3A_61 : f32 to vector<16xf32>
        %broadcast_in_dim3A_648 = vector.broadcast %scan3A_62 : f32 to vector<16xf32>
        %select_n3A_649 = arith.select %ge3A_646, %broadcast_in_dim3A_647, %broadcast_in_dim3A_648 : vector<16xi1>, vector<16xf32>
        %add3A_650 = arith.addf %select_n3A_629, %select_n3A_633 : vector<16xf32>
        %add3A_651 = arith.addf %add3A_650, %select_n3A_637 : vector<16xf32>
        %ge3A_652 = arith.constant 2.000000e+00 : f32
        %ge3A_653 = vector.broadcast %ge3A_652 : f32 to vector<16xf32>
        %ge3A_654 = arith.cmpf oge, %add3A_651, %ge3A_653 : vector<16xf32>
        %add3A_655 = arith.addf %select_n3A_641, %select_n3A_645 : vector<16xf32>
        %sub3A_656 = arith.subf %add3A_655, %select_n3A_629 : vector<16xf32>
        %ge3A_657 = arith.constant 1.000000e+00 : f32
        %ge3A_658 = vector.broadcast %ge3A_657 : f32 to vector<16xf32>
        %ge3A_659 = arith.cmpf oge, %sub3A_656, %ge3A_658 : vector<16xf32>
        %sub3A_660 = arith.subf %select_n3A_649, %select_n3A_633 : vector<16xf32>
        %sub3A_661 = arith.subf %sub3A_660, %select_n3A_641 : vector<16xf32>
        %ge3A_662 = arith.constant 0.000000e+00 : f32
        %ge3A_663 = vector.broadcast %ge3A_662 : f32 to vector<16xf32>
        %ge3A_664 = arith.cmpf oge, %sub3A_661, %ge3A_663 : vector<16xf32>
        %add3A_665 = arith.addf %select_n3A_637, %select_n3A_645 : vector<16xf32>
        %add3A_666 = arith.addf %add3A_665, %select_n3A_649 : vector<16xf32>
        %le3A_667 = arith.constant 1.000000e+00 : f32
        %le3A_668 = vector.broadcast %le3A_667 : f32 to vector<16xf32>
        %le3A_669 = arith.cmpf ole, %add3A_666, %le3A_668 : vector<16xf32>
        %broadcast_in_dim3A_670 = vector.broadcast %scan3A_62 : f32 to vector<16xf32>
        %select_n3A_671 = arith.select %ge3A_654, %gather3A_618, %broadcast_in_dim3A_670 : vector<16xi1>, vector<16xf32>
        tpu.vector_store_idx %arg6[%add3A_608], %select_n3A_671 : memref<16384xf32, #tpu.memory_space<vmem>>[vector<16xi32>], vector<16xf32>,
        %broadcast_in_dim3A_672 = vector.broadcast %scan3A_62 : f32 to vector<16xf32>
        %select_n3A_673 = arith.select %ge3A_659, %gather3A_619, %broadcast_in_dim3A_672 : vector<16xi1>, vector<16xf32>
        tpu.vector_store_idx %arg6[%add3A_611], %select_n3A_673 : memref<16384xf32, #tpu.memory_space<vmem>>[vector<16xi32>], vector<16xf32>,
        %broadcast_in_dim3A_674 = vector.broadcast %scan3A_62 : f32 to vector<16xf32>
        %select_n3A_675 = arith.select %ge3A_664, %gather3A_620, %broadcast_in_dim3A_674 : vector<16xi1>, vector<16xf32>
        tpu.vector_store_idx %arg6[%add3A_614], %select_n3A_675 : memref<16384xf32, #tpu.memory_space<vmem>>[vector<16xi32>], vector<16xf32>,
        %broadcast_in_dim3A_676 = vector.broadcast %scan3A_62 : f32 to vector<16xf32>
        %select_n3A_677 = arith.select %le3A_669, %gather3A_621, %broadcast_in_dim3A_676 : vector<16xi1>, vector<16xf32>
        tpu.vector_store_idx %arg6[%add3A_617], %select_n3A_677 : memref<16384xf32, #tpu.memory_space<vmem>>[vector<16xi32>], vector<16xf32>,
        %scan3A_678 = arith.constant 3 : i32
        %scan3A_679 = arith.addi %scan3A_460, %scan3A_678 : i32
        %shift_left3A_680 = arith.constant 6 : i32
        %shift_left3A_681 = arith.shli %scan3A_679, %shift_left3A_680 : i32
        %add3A_682 = vector.broadcast %shift_left3A_681 : i32 to vector<16xi32>
        %add3A_683 = arith.addi %mul3A_5, %add3A_682 : vector<16xi32>
        %add3A_684 = arith.constant 1 : i32
        %add3A_685 = vector.broadcast %add3A_684 : i32 to vector<16xi32>
        %add3A_686 = arith.addi %add3A_683, %add3A_685 : vector<16xi32>
        %add3A_687 = arith.constant 2 : i32
        %add3A_688 = vector.broadcast %add3A_687 : i32 to vector<16xi32>
        %add3A_689 = arith.addi %add3A_683, %add3A_688 : vector<16xi32>
        %add3A_690 = arith.constant 3 : i32
        %add3A_691 = vector.broadcast %add3A_690 : i32 to vector<16xi32>
        %add3A_692 = arith.addi %add3A_683, %add3A_691 : vector<16xi32>
        %gather3A_693 = tpu.vector_load_idx %arg4[%add3A_683] : memref<16384xf32, #tpu.memory_space<vmem>>[vector<16xi32>], vector<16xf32>,
        %gather3A_694 = tpu.vector_load_idx %arg4[%add3A_686] : memref<16384xf32, #tpu.memory_space<vmem>>[vector<16xi32>], vector<16xf32>,
        %gather3A_695 = tpu.vector_load_idx %arg4[%add3A_689] : memref<16384xf32, #tpu.memory_space<vmem>>[vector<16xi32>], vector<16xf32>,
        %gather3A_696 = tpu.vector_load_idx %arg4[%add3A_692] : memref<16384xf32, #tpu.memory_space<vmem>>[vector<16xi32>], vector<16xf32>,
        %mul3A_697 = arith.mulf %gather3A_693, %gather3A_693 : vector<16xf32>
        %mul3A_698 = arith.mulf %gather3A_694, %gather3A_694 : vector<16xf32>
        %mul3A_699 = arith.mulf %gather3A_695, %gather3A_695 : vector<16xf32>
        %mul3A_700 = arith.mulf %gather3A_696, %gather3A_696 : vector<16xf32>
        %ge3A_701 = arith.cmpf oge, %mul3A_697, %mul3A_698 : vector<16xf32>
        %broadcast_in_dim3A_702 = vector.broadcast %scan3A_61 : f32 to vector<16xf32>
        %broadcast_in_dim3A_703 = vector.broadcast %scan3A_62 : f32 to vector<16xf32>
        %select_n3A_704 = arith.select %ge3A_701, %broadcast_in_dim3A_702, %broadcast_in_dim3A_703 : vector<16xi1>, vector<16xf32>
        %ge3A_705 = arith.cmpf oge, %mul3A_697, %mul3A_699 : vector<16xf32>
        %broadcast_in_dim3A_706 = vector.broadcast %scan3A_61 : f32 to vector<16xf32>
        %broadcast_in_dim3A_707 = vector.broadcast %scan3A_62 : f32 to vector<16xf32>
        %select_n3A_708 = arith.select %ge3A_705, %broadcast_in_dim3A_706, %broadcast_in_dim3A_707 : vector<16xi1>, vector<16xf32>
        %ge3A_709 = arith.cmpf oge, %mul3A_697, %mul3A_700 : vector<16xf32>
        %broadcast_in_dim3A_710 = vector.broadcast %scan3A_61 : f32 to vector<16xf32>
        %broadcast_in_dim3A_711 = vector.broadcast %scan3A_62 : f32 to vector<16xf32>
        %select_n3A_712 = arith.select %ge3A_709, %broadcast_in_dim3A_710, %broadcast_in_dim3A_711 : vector<16xi1>, vector<16xf32>
        %ge3A_713 = arith.cmpf oge, %mul3A_698, %mul3A_699 : vector<16xf32>
        %broadcast_in_dim3A_714 = vector.broadcast %scan3A_61 : f32 to vector<16xf32>
        %broadcast_in_dim3A_715 = vector.broadcast %scan3A_62 : f32 to vector<16xf32>
        %select_n3A_716 = arith.select %ge3A_713, %broadcast_in_dim3A_714, %broadcast_in_dim3A_715 : vector<16xi1>, vector<16xf32>
        %ge3A_717 = arith.cmpf oge, %mul3A_698, %mul3A_700 : vector<16xf32>
        %broadcast_in_dim3A_718 = vector.broadcast %scan3A_61 : f32 to vector<16xf32>
        %broadcast_in_dim3A_719 = vector.broadcast %scan3A_62 : f32 to vector<16xf32>
        %select_n3A_720 = arith.select %ge3A_717, %broadcast_in_dim3A_718, %broadcast_in_dim3A_719 : vector<16xi1>, vector<16xf32>
        %ge3A_721 = arith.cmpf oge, %mul3A_699, %mul3A_700 : vector<16xf32>
        %broadcast_in_dim3A_722 = vector.broadcast %scan3A_61 : f32 to vector<16xf32>
        %broadcast_in_dim3A_723 = vector.broadcast %scan3A_62 : f32 to vector<16xf32>
        %select_n3A_724 = arith.select %ge3A_721, %broadcast_in_dim3A_722, %broadcast_in_dim3A_723 : vector<16xi1>, vector<16xf32>
        %add3A_725 = arith.addf %select_n3A_704, %select_n3A_708 : vector<16xf32>
        %add3A_726 = arith.addf %add3A_725, %select_n3A_712 : vector<16xf32>
        %ge3A_727 = arith.constant 2.000000e+00 : f32
        %ge3A_728 = vector.broadcast %ge3A_727 : f32 to vector<16xf32>
        %ge3A_729 = arith.cmpf oge, %add3A_726, %ge3A_728 : vector<16xf32>
        %add3A_730 = arith.addf %select_n3A_716, %select_n3A_720 : vector<16xf32>
        %sub3A_731 = arith.subf %add3A_730, %select_n3A_704 : vector<16xf32>
        %ge3A_732 = arith.constant 1.000000e+00 : f32
        %ge3A_733 = vector.broadcast %ge3A_732 : f32 to vector<16xf32>
        %ge3A_734 = arith.cmpf oge, %sub3A_731, %ge3A_733 : vector<16xf32>
        %sub3A_735 = arith.subf %select_n3A_724, %select_n3A_708 : vector<16xf32>
        %sub3A_736 = arith.subf %sub3A_735, %select_n3A_716 : vector<16xf32>
        %ge3A_737 = arith.constant 0.000000e+00 : f32
        %ge3A_738 = vector.broadcast %ge3A_737 : f32 to vector<16xf32>
        %ge3A_739 = arith.cmpf oge, %sub3A_736, %ge3A_738 : vector<16xf32>
        %add3A_740 = arith.addf %select_n3A_712, %select_n3A_720 : vector<16xf32>
        %add3A_741 = arith.addf %add3A_740, %select_n3A_724 : vector<16xf32>
        %le3A_742 = arith.constant 1.000000e+00 : f32
        %le3A_743 = vector.broadcast %le3A_742 : f32 to vector<16xf32>
        %le3A_744 = arith.cmpf ole, %add3A_741, %le3A_743 : vector<16xf32>
        %broadcast_in_dim3A_745 = vector.broadcast %scan3A_62 : f32 to vector<16xf32>
        %select_n3A_746 = arith.select %ge3A_729, %gather3A_693, %broadcast_in_dim3A_745 : vector<16xi1>, vector<16xf32>
        tpu.vector_store_idx %arg6[%add3A_683], %select_n3A_746 : memref<16384xf32, #tpu.memory_space<vmem>>[vector<16xi32>], vector<16xf32>,
        %broadcast_in_dim3A_747 = vector.broadcast %scan3A_62 : f32 to vector<16xf32>
        %select_n3A_748 = arith.select %ge3A_734, %gather3A_694, %broadcast_in_dim3A_747 : vector<16xi1>, vector<16xf32>
        tpu.vector_store_idx %arg6[%add3A_686], %select_n3A_748 : memref<16384xf32, #tpu.memory_space<vmem>>[vector<16xi32>], vector<16xf32>,
        %broadcast_in_dim3A_749 = vector.broadcast %scan3A_62 : f32 to vector<16xf32>
        %select_n3A_750 = arith.select %ge3A_739, %gather3A_695, %broadcast_in_dim3A_749 : vector<16xi1>, vector<16xf32>
        tpu.vector_store_idx %arg6[%add3A_689], %select_n3A_750 : memref<16384xf32, #tpu.memory_space<vmem>>[vector<16xi32>], vector<16xf32>,
        %broadcast_in_dim3A_751 = vector.broadcast %scan3A_62 : f32 to vector<16xf32>
        %select_n3A_752 = arith.select %le3A_744, %gather3A_696, %broadcast_in_dim3A_751 : vector<16xi1>, vector<16xf32>
        tpu.vector_store_idx %arg6[%add3A_692], %select_n3A_752 : memref<16384xf32, #tpu.memory_space<vmem>>[vector<16xi32>], vector<16xf32>,
        %scan3A_753 = arith.constant 4 : i32
        %scan3A_754 = arith.addi %scan3A_460, %scan3A_753 : i32
        %shift_left3A_755 = arith.constant 6 : i32
        %shift_left3A_756 = arith.shli %scan3A_754, %shift_left3A_755 : i32
        %add3A_757 = vector.broadcast %shift_left3A_756 : i32 to vector<16xi32>
        %add3A_758 = arith.addi %mul3A_5, %add3A_757 : vector<16xi32>
        %add3A_759 = arith.constant 1 : i32
        %add3A_760 = vector.broadcast %add3A_759 : i32 to vector<16xi32>
        %add3A_761 = arith.addi %add3A_758, %add3A_760 : vector<16xi32>
        %add3A_762 = arith.constant 2 : i32
        %add3A_763 = vector.broadcast %add3A_762 : i32 to vector<16xi32>
        %add3A_764 = arith.addi %add3A_758, %add3A_763 : vector<16xi32>
        %add3A_765 = arith.constant 3 : i32
        %add3A_766 = vector.broadcast %add3A_765 : i32 to vector<16xi32>
        %add3A_767 = arith.addi %add3A_758, %add3A_766 : vector<16xi32>
        %gather3A_768 = tpu.vector_load_idx %arg4[%add3A_758] : memref<16384xf32, #tpu.memory_space<vmem>>[vector<16xi32>], vector<16xf32>,
        %gather3A_769 = tpu.vector_load_idx %arg4[%add3A_761] : memref<16384xf32, #tpu.memory_space<vmem>>[vector<16xi32>], vector<16xf32>,
        %gather3A_770 = tpu.vector_load_idx %arg4[%add3A_764] : memref<16384xf32, #tpu.memory_space<vmem>>[vector<16xi32>], vector<16xf32>,
        %gather3A_771 = tpu.vector_load_idx %arg4[%add3A_767] : memref<16384xf32, #tpu.memory_space<vmem>>[vector<16xi32>], vector<16xf32>,
        %mul3A_772 = arith.mulf %gather3A_768, %gather3A_768 : vector<16xf32>
        %mul3A_773 = arith.mulf %gather3A_769, %gather3A_769 : vector<16xf32>
        %mul3A_774 = arith.mulf %gather3A_770, %gather3A_770 : vector<16xf32>
        %mul3A_775 = arith.mulf %gather3A_771, %gather3A_771 : vector<16xf32>
        %ge3A_776 = arith.cmpf oge, %mul3A_772, %mul3A_773 : vector<16xf32>
        %broadcast_in_dim3A_777 = vector.broadcast %scan3A_61 : f32 to vector<16xf32>
        %broadcast_in_dim3A_778 = vector.broadcast %scan3A_62 : f32 to vector<16xf32>
        %select_n3A_779 = arith.select %ge3A_776, %broadcast_in_dim3A_777, %broadcast_in_dim3A_778 : vector<16xi1>, vector<16xf32>
        %ge3A_780 = arith.cmpf oge, %mul3A_772, %mul3A_774 : vector<16xf32>
        %broadcast_in_dim3A_781 = vector.broadcast %scan3A_61 : f32 to vector<16xf32>
        %broadcast_in_dim3A_782 = vector.broadcast %scan3A_62 : f32 to vector<16xf32>
        %select_n3A_783 = arith.select %ge3A_780, %broadcast_in_dim3A_781, %broadcast_in_dim3A_782 : vector<16xi1>, vector<16xf32>
        %ge3A_784 = arith.cmpf oge, %mul3A_772, %mul3A_775 : vector<16xf32>
        %broadcast_in_dim3A_785 = vector.broadcast %scan3A_61 : f32 to vector<16xf32>
        %broadcast_in_dim3A_786 = vector.broadcast %scan3A_62 : f32 to vector<16xf32>
        %select_n3A_787 = arith.select %ge3A_784, %broadcast_in_dim3A_785, %broadcast_in_dim3A_786 : vector<16xi1>, vector<16xf32>
        %ge3A_788 = arith.cmpf oge, %mul3A_773, %mul3A_774 : vector<16xf32>
        %broadcast_in_dim3A_789 = vector.broadcast %scan3A_61 : f32 to vector<16xf32>
        %broadcast_in_dim3A_790 = vector.broadcast %scan3A_62 : f32 to vector<16xf32>
        %select_n3A_791 = arith.select %ge3A_788, %broadcast_in_dim3A_789, %broadcast_in_dim3A_790 : vector<16xi1>, vector<16xf32>
        %ge3A_792 = arith.cmpf oge, %mul3A_773, %mul3A_775 : vector<16xf32>
        %broadcast_in_dim3A_793 = vector.broadcast %scan3A_61 : f32 to vector<16xf32>
        %broadcast_in_dim3A_794 = vector.broadcast %scan3A_62 : f32 to vector<16xf32>
        %select_n3A_795 = arith.select %ge3A_792, %broadcast_in_dim3A_793, %broadcast_in_dim3A_794 : vector<16xi1>, vector<16xf32>
        %ge3A_796 = arith.cmpf oge, %mul3A_774, %mul3A_775 : vector<16xf32>
        %broadcast_in_dim3A_797 = vector.broadcast %scan3A_61 : f32 to vector<16xf32>
        %broadcast_in_dim3A_798 = vector.broadcast %scan3A_62 : f32 to vector<16xf32>
        %select_n3A_799 = arith.select %ge3A_796, %broadcast_in_dim3A_797, %broadcast_in_dim3A_798 : vector<16xi1>, vector<16xf32>
        %add3A_800 = arith.addf %select_n3A_779, %select_n3A_783 : vector<16xf32>
        %add3A_801 = arith.addf %add3A_800, %select_n3A_787 : vector<16xf32>
        %ge3A_802 = arith.constant 2.000000e+00 : f32
        %ge3A_803 = vector.broadcast %ge3A_802 : f32 to vector<16xf32>
        %ge3A_804 = arith.cmpf oge, %add3A_801, %ge3A_803 : vector<16xf32>
        %add3A_805 = arith.addf %select_n3A_791, %select_n3A_795 : vector<16xf32>
        %sub3A_806 = arith.subf %add3A_805, %select_n3A_779 : vector<16xf32>
        %ge3A_807 = arith.constant 1.000000e+00 : f32
        %ge3A_808 = vector.broadcast %ge3A_807 : f32 to vector<16xf32>
        %ge3A_809 = arith.cmpf oge, %sub3A_806, %ge3A_808 : vector<16xf32>
        %sub3A_810 = arith.subf %select_n3A_799, %select_n3A_783 : vector<16xf32>
        %sub3A_811 = arith.subf %sub3A_810, %select_n3A_791 : vector<16xf32>
        %ge3A_812 = arith.constant 0.000000e+00 : f32
        %ge3A_813 = vector.broadcast %ge3A_812 : f32 to vector<16xf32>
        %ge3A_814 = arith.cmpf oge, %sub3A_811, %ge3A_813 : vector<16xf32>
        %add3A_815 = arith.addf %select_n3A_787, %select_n3A_795 : vector<16xf32>
        %add3A_816 = arith.addf %add3A_815, %select_n3A_799 : vector<16xf32>
        %le3A_817 = arith.constant 1.000000e+00 : f32
        %le3A_818 = vector.broadcast %le3A_817 : f32 to vector<16xf32>
        %le3A_819 = arith.cmpf ole, %add3A_816, %le3A_818 : vector<16xf32>
        %broadcast_in_dim3A_820 = vector.broadcast %scan3A_62 : f32 to vector<16xf32>
        %select_n3A_821 = arith.select %ge3A_804, %gather3A_768, %broadcast_in_dim3A_820 : vector<16xi1>, vector<16xf32>
        tpu.vector_store_idx %arg6[%add3A_758], %select_n3A_821 : memref<16384xf32, #tpu.memory_space<vmem>>[vector<16xi32>], vector<16xf32>,
        %broadcast_in_dim3A_822 = vector.broadcast %scan3A_62 : f32 to vector<16xf32>
        %select_n3A_823 = arith.select %ge3A_809, %gather3A_769, %broadcast_in_dim3A_822 : vector<16xi1>, vector<16xf32>
        tpu.vector_store_idx %arg6[%add3A_761], %select_n3A_823 : memref<16384xf32, #tpu.memory_space<vmem>>[vector<16xi32>], vector<16xf32>,
        %broadcast_in_dim3A_824 = vector.broadcast %scan3A_62 : f32 to vector<16xf32>
        %select_n3A_825 = arith.select %ge3A_814, %gather3A_770, %broadcast_in_dim3A_824 : vector<16xi1>, vector<16xf32>
        tpu.vector_store_idx %arg6[%add3A_764], %select_n3A_825 : memref<16384xf32, #tpu.memory_space<vmem>>[vector<16xi32>], vector<16xf32>,
        %broadcast_in_dim3A_826 = vector.broadcast %scan3A_62 : f32 to vector<16xf32>
        %select_n3A_827 = arith.select %le3A_819, %gather3A_771, %broadcast_in_dim3A_826 : vector<16xi1>, vector<16xf32>
        tpu.vector_store_idx %arg6[%add3A_767], %select_n3A_827 : memref<16384xf32, #tpu.memory_space<vmem>>[vector<16xi32>], vector<16xf32>,
        %scan3A_828 = arith.constant 5 : i32
        %scan3A_829 = arith.addi %scan3A_460, %scan3A_828 : i32
        %shift_left3A_830 = arith.constant 6 : i32
        %shift_left3A_831 = arith.shli %scan3A_829, %shift_left3A_830 : i32
        %add3A_832 = vector.broadcast %shift_left3A_831 : i32 to vector<16xi32>
        %add3A_833 = arith.addi %mul3A_5, %add3A_832 : vector<16xi32>
        %add3A_834 = arith.constant 1 : i32
        %add3A_835 = vector.broadcast %add3A_834 : i32 to vector<16xi32>
        %add3A_836 = arith.addi %add3A_833, %add3A_835 : vector<16xi32>
        %add3A_837 = arith.constant 2 : i32
        %add3A_838 = vector.broadcast %add3A_837 : i32 to vector<16xi32>
        %add3A_839 = arith.addi %add3A_833, %add3A_838 : vector<16xi32>
        %add3A_840 = arith.constant 3 : i32
        %add3A_841 = vector.broadcast %add3A_840 : i32 to vector<16xi32>
        %add3A_842 = arith.addi %add3A_833, %add3A_841 : vector<16xi32>
        %gather3A_843 = tpu.vector_load_idx %arg4[%add3A_833] : memref<16384xf32, #tpu.memory_space<vmem>>[vector<16xi32>], vector<16xf32>,
        %gather3A_844 = tpu.vector_load_idx %arg4[%add3A_836] : memref<16384xf32, #tpu.memory_space<vmem>>[vector<16xi32>], vector<16xf32>,
        %gather3A_845 = tpu.vector_load_idx %arg4[%add3A_839] : memref<16384xf32, #tpu.memory_space<vmem>>[vector<16xi32>], vector<16xf32>,
        %gather3A_846 = tpu.vector_load_idx %arg4[%add3A_842] : memref<16384xf32, #tpu.memory_space<vmem>>[vector<16xi32>], vector<16xf32>,
        %mul3A_847 = arith.mulf %gather3A_843, %gather3A_843 : vector<16xf32>
        %mul3A_848 = arith.mulf %gather3A_844, %gather3A_844 : vector<16xf32>
        %mul3A_849 = arith.mulf %gather3A_845, %gather3A_845 : vector<16xf32>
        %mul3A_850 = arith.mulf %gather3A_846, %gather3A_846 : vector<16xf32>
        %ge3A_851 = arith.cmpf oge, %mul3A_847, %mul3A_848 : vector<16xf32>
        %broadcast_in_dim3A_852 = vector.broadcast %scan3A_61 : f32 to vector<16xf32>
        %broadcast_in_dim3A_853 = vector.broadcast %scan3A_62 : f32 to vector<16xf32>
        %select_n3A_854 = arith.select %ge3A_851, %broadcast_in_dim3A_852, %broadcast_in_dim3A_853 : vector<16xi1>, vector<16xf32>
        %ge3A_855 = arith.cmpf oge, %mul3A_847, %mul3A_849 : vector<16xf32>
        %broadcast_in_dim3A_856 = vector.broadcast %scan3A_61 : f32 to vector<16xf32>
        %broadcast_in_dim3A_857 = vector.broadcast %scan3A_62 : f32 to vector<16xf32>
        %select_n3A_858 = arith.select %ge3A_855, %broadcast_in_dim3A_856, %broadcast_in_dim3A_857 : vector<16xi1>, vector<16xf32>
        %ge3A_859 = arith.cmpf oge, %mul3A_847, %mul3A_850 : vector<16xf32>
        %broadcast_in_dim3A_860 = vector.broadcast %scan3A_61 : f32 to vector<16xf32>
        %broadcast_in_dim3A_861 = vector.broadcast %scan3A_62 : f32 to vector<16xf32>
        %select_n3A_862 = arith.select %ge3A_859, %broadcast_in_dim3A_860, %broadcast_in_dim3A_861 : vector<16xi1>, vector<16xf32>
        %ge3A_863 = arith.cmpf oge, %mul3A_848, %mul3A_849 : vector<16xf32>
        %broadcast_in_dim3A_864 = vector.broadcast %scan3A_61 : f32 to vector<16xf32>
        %broadcast_in_dim3A_865 = vector.broadcast %scan3A_62 : f32 to vector<16xf32>
        %select_n3A_866 = arith.select %ge3A_863, %broadcast_in_dim3A_864, %broadcast_in_dim3A_865 : vector<16xi1>, vector<16xf32>
        %ge3A_867 = arith.cmpf oge, %mul3A_848, %mul3A_850 : vector<16xf32>
        %broadcast_in_dim3A_868 = vector.broadcast %scan3A_61 : f32 to vector<16xf32>
        %broadcast_in_dim3A_869 = vector.broadcast %scan3A_62 : f32 to vector<16xf32>
        %select_n3A_870 = arith.select %ge3A_867, %broadcast_in_dim3A_868, %broadcast_in_dim3A_869 : vector<16xi1>, vector<16xf32>
        %ge3A_871 = arith.cmpf oge, %mul3A_849, %mul3A_850 : vector<16xf32>
        %broadcast_in_dim3A_872 = vector.broadcast %scan3A_61 : f32 to vector<16xf32>
        %broadcast_in_dim3A_873 = vector.broadcast %scan3A_62 : f32 to vector<16xf32>
        %select_n3A_874 = arith.select %ge3A_871, %broadcast_in_dim3A_872, %broadcast_in_dim3A_873 : vector<16xi1>, vector<16xf32>
        %add3A_875 = arith.addf %select_n3A_854, %select_n3A_858 : vector<16xf32>
        %add3A_876 = arith.addf %add3A_875, %select_n3A_862 : vector<16xf32>
        %ge3A_877 = arith.constant 2.000000e+00 : f32
        %ge3A_878 = vector.broadcast %ge3A_877 : f32 to vector<16xf32>
        %ge3A_879 = arith.cmpf oge, %add3A_876, %ge3A_878 : vector<16xf32>
        %add3A_880 = arith.addf %select_n3A_866, %select_n3A_870 : vector<16xf32>
        %sub3A_881 = arith.subf %add3A_880, %select_n3A_854 : vector<16xf32>
        %ge3A_882 = arith.constant 1.000000e+00 : f32
        %ge3A_883 = vector.broadcast %ge3A_882 : f32 to vector<16xf32>
        %ge3A_884 = arith.cmpf oge, %sub3A_881, %ge3A_883 : vector<16xf32>
        %sub3A_885 = arith.subf %select_n3A_874, %select_n3A_858 : vector<16xf32>
        %sub3A_886 = arith.subf %sub3A_885, %select_n3A_866 : vector<16xf32>
        %ge3A_887 = arith.constant 0.000000e+00 : f32
        %ge3A_888 = vector.broadcast %ge3A_887 : f32 to vector<16xf32>
        %ge3A_889 = arith.cmpf oge, %sub3A_886, %ge3A_888 : vector<16xf32>
        %add3A_890 = arith.addf %select_n3A_862, %select_n3A_870 : vector<16xf32>
        %add3A_891 = arith.addf %add3A_890, %select_n3A_874 : vector<16xf32>
        %le3A_892 = arith.constant 1.000000e+00 : f32
        %le3A_893 = vector.broadcast %le3A_892 : f32 to vector<16xf32>
        %le3A_894 = arith.cmpf ole, %add3A_891, %le3A_893 : vector<16xf32>
        %broadcast_in_dim3A_895 = vector.broadcast %scan3A_62 : f32 to vector<16xf32>
        %select_n3A_896 = arith.select %ge3A_879, %gather3A_843, %broadcast_in_dim3A_895 : vector<16xi1>, vector<16xf32>
        tpu.vector_store_idx %arg6[%add3A_833], %select_n3A_896 : memref<16384xf32, #tpu.memory_space<vmem>>[vector<16xi32>], vector<16xf32>,
        %broadcast_in_dim3A_897 = vector.broadcast %scan3A_62 : f32 to vector<16xf32>
        %select_n3A_898 = arith.select %ge3A_884, %gather3A_844, %broadcast_in_dim3A_897 : vector<16xi1>, vector<16xf32>
        tpu.vector_store_idx %arg6[%add3A_836], %select_n3A_898 : memref<16384xf32, #tpu.memory_space<vmem>>[vector<16xi32>], vector<16xf32>,
        %broadcast_in_dim3A_899 = vector.broadcast %scan3A_62 : f32 to vector<16xf32>
        %select_n3A_900 = arith.select %ge3A_889, %gather3A_845, %broadcast_in_dim3A_899 : vector<16xi1>, vector<16xf32>
        tpu.vector_store_idx %arg6[%add3A_839], %select_n3A_900 : memref<16384xf32, #tpu.memory_space<vmem>>[vector<16xi32>], vector<16xf32>,
        %broadcast_in_dim3A_901 = vector.broadcast %scan3A_62 : f32 to vector<16xf32>
        %select_n3A_902 = arith.select %le3A_894, %gather3A_846, %broadcast_in_dim3A_901 : vector<16xi1>, vector<16xf32>
        tpu.vector_store_idx %arg6[%add3A_842], %select_n3A_902 : memref<16384xf32, #tpu.memory_space<vmem>>[vector<16xi32>], vector<16xf32>,
        %scan3A_903 = arith.constant 6 : i32
        %scan3A_904 = arith.addi %scan3A_460, %scan3A_903 : i32
        %shift_left3A_905 = arith.constant 6 : i32
        %shift_left3A_906 = arith.shli %scan3A_904, %shift_left3A_905 : i32
        %add3A_907 = vector.broadcast %shift_left3A_906 : i32 to vector<16xi32>
        %add3A_908 = arith.addi %mul3A_5, %add3A_907 : vector<16xi32>
        %add3A_909 = arith.constant 1 : i32
        %add3A_910 = vector.broadcast %add3A_909 : i32 to vector<16xi32>
        %add3A_911 = arith.addi %add3A_908, %add3A_910 : vector<16xi32>
        %add3A_912 = arith.constant 2 : i32
        %add3A_913 = vector.broadcast %add3A_912 : i32 to vector<16xi32>
        %add3A_914 = arith.addi %add3A_908, %add3A_913 : vector<16xi32>
        %add3A_915 = arith.constant 3 : i32
        %add3A_916 = vector.broadcast %add3A_915 : i32 to vector<16xi32>
        %add3A_917 = arith.addi %add3A_908, %add3A_916 : vector<16xi32>
        %gather3A_918 = tpu.vector_load_idx %arg4[%add3A_908] : memref<16384xf32, #tpu.memory_space<vmem>>[vector<16xi32>], vector<16xf32>,
        %gather3A_919 = tpu.vector_load_idx %arg4[%add3A_911] : memref<16384xf32, #tpu.memory_space<vmem>>[vector<16xi32>], vector<16xf32>,
        %gather3A_920 = tpu.vector_load_idx %arg4[%add3A_914] : memref<16384xf32, #tpu.memory_space<vmem>>[vector<16xi32>], vector<16xf32>,
        %gather3A_921 = tpu.vector_load_idx %arg4[%add3A_917] : memref<16384xf32, #tpu.memory_space<vmem>>[vector<16xi32>], vector<16xf32>,
        %mul3A_922 = arith.mulf %gather3A_918, %gather3A_918 : vector<16xf32>
        %mul3A_923 = arith.mulf %gather3A_919, %gather3A_919 : vector<16xf32>
        %mul3A_924 = arith.mulf %gather3A_920, %gather3A_920 : vector<16xf32>
        %mul3A_925 = arith.mulf %gather3A_921, %gather3A_921 : vector<16xf32>
        %ge3A_926 = arith.cmpf oge, %mul3A_922, %mul3A_923 : vector<16xf32>
        %broadcast_in_dim3A_927 = vector.broadcast %scan3A_61 : f32 to vector<16xf32>
        %broadcast_in_dim3A_928 = vector.broadcast %scan3A_62 : f32 to vector<16xf32>
        %select_n3A_929 = arith.select %ge3A_926, %broadcast_in_dim3A_927, %broadcast_in_dim3A_928 : vector<16xi1>, vector<16xf32>
        %ge3A_930 = arith.cmpf oge, %mul3A_922, %mul3A_924 : vector<16xf32>
        %broadcast_in_dim3A_931 = vector.broadcast %scan3A_61 : f32 to vector<16xf32>
        %broadcast_in_dim3A_932 = vector.broadcast %scan3A_62 : f32 to vector<16xf32>
        %select_n3A_933 = arith.select %ge3A_930, %broadcast_in_dim3A_931, %broadcast_in_dim3A_932 : vector<16xi1>, vector<16xf32>
        %ge3A_934 = arith.cmpf oge, %mul3A_922, %mul3A_925 : vector<16xf32>
        %broadcast_in_dim3A_935 = vector.broadcast %scan3A_61 : f32 to vector<16xf32>
        %broadcast_in_dim3A_936 = vector.broadcast %scan3A_62 : f32 to vector<16xf32>
        %select_n3A_937 = arith.select %ge3A_934, %broadcast_in_dim3A_935, %broadcast_in_dim3A_936 : vector<16xi1>, vector<16xf32>
        %ge3A_938 = arith.cmpf oge, %mul3A_923, %mul3A_924 : vector<16xf32>
        %broadcast_in_dim3A_939 = vector.broadcast %scan3A_61 : f32 to vector<16xf32>
        %broadcast_in_dim3A_940 = vector.broadcast %scan3A_62 : f32 to vector<16xf32>
        %select_n3A_941 = arith.select %ge3A_938, %broadcast_in_dim3A_939, %broadcast_in_dim3A_940 : vector<16xi1>, vector<16xf32>
        %ge3A_942 = arith.cmpf oge, %mul3A_923, %mul3A_925 : vector<16xf32>
        %broadcast_in_dim3A_943 = vector.broadcast %scan3A_61 : f32 to vector<16xf32>
        %broadcast_in_dim3A_944 = vector.broadcast %scan3A_62 : f32 to vector<16xf32>
        %select_n3A_945 = arith.select %ge3A_942, %broadcast_in_dim3A_943, %broadcast_in_dim3A_944 : vector<16xi1>, vector<16xf32>
        %ge3A_946 = arith.cmpf oge, %mul3A_924, %mul3A_925 : vector<16xf32>
        %broadcast_in_dim3A_947 = vector.broadcast %scan3A_61 : f32 to vector<16xf32>
        %broadcast_in_dim3A_948 = vector.broadcast %scan3A_62 : f32 to vector<16xf32>
        %select_n3A_949 = arith.select %ge3A_946, %broadcast_in_dim3A_947, %broadcast_in_dim3A_948 : vector<16xi1>, vector<16xf32>
        %add3A_950 = arith.addf %select_n3A_929, %select_n3A_933 : vector<16xf32>
        %add3A_951 = arith.addf %add3A_950, %select_n3A_937 : vector<16xf32>
        %ge3A_952 = arith.constant 2.000000e+00 : f32
        %ge3A_953 = vector.broadcast %ge3A_952 : f32 to vector<16xf32>
        %ge3A_954 = arith.cmpf oge, %add3A_951, %ge3A_953 : vector<16xf32>
        %add3A_955 = arith.addf %select_n3A_941, %select_n3A_945 : vector<16xf32>
        %sub3A_956 = arith.subf %add3A_955, %select_n3A_929 : vector<16xf32>
        %ge3A_957 = arith.constant 1.000000e+00 : f32
        %ge3A_958 = vector.broadcast %ge3A_957 : f32 to vector<16xf32>
        %ge3A_959 = arith.cmpf oge, %sub3A_956, %ge3A_958 : vector<16xf32>
        %sub3A_960 = arith.subf %select_n3A_949, %select_n3A_933 : vector<16xf32>
        %sub3A_961 = arith.subf %sub3A_960, %select_n3A_941 : vector<16xf32>
        %ge3A_962 = arith.constant 0.000000e+00 : f32
        %ge3A_963 = vector.broadcast %ge3A_962 : f32 to vector<16xf32>
        %ge3A_964 = arith.cmpf oge, %sub3A_961, %ge3A_963 : vector<16xf32>
        %add3A_965 = arith.addf %select_n3A_937, %select_n3A_945 : vector<16xf32>
        %add3A_966 = arith.addf %add3A_965, %select_n3A_949 : vector<16xf32>
        %le3A_967 = arith.constant 1.000000e+00 : f32
        %le3A_968 = vector.broadcast %le3A_967 : f32 to vector<16xf32>
        %le3A_969 = arith.cmpf ole, %add3A_966, %le3A_968 : vector<16xf32>
        %broadcast_in_dim3A_970 = vector.broadcast %scan3A_62 : f32 to vector<16xf32>
        %select_n3A_971 = arith.select %ge3A_954, %gather3A_918, %broadcast_in_dim3A_970 : vector<16xi1>, vector<16xf32>
        tpu.vector_store_idx %arg6[%add3A_908], %select_n3A_971 : memref<16384xf32, #tpu.memory_space<vmem>>[vector<16xi32>], vector<16xf32>,
        %broadcast_in_dim3A_972 = vector.broadcast %scan3A_62 : f32 to vector<16xf32>
        %select_n3A_973 = arith.select %ge3A_959, %gather3A_919, %broadcast_in_dim3A_972 : vector<16xi1>, vector<16xf32>
        tpu.vector_store_idx %arg6[%add3A_911], %select_n3A_973 : memref<16384xf32, #tpu.memory_space<vmem>>[vector<16xi32>], vector<16xf32>,
        %broadcast_in_dim3A_974 = vector.broadcast %scan3A_62 : f32 to vector<16xf32>
        %select_n3A_975 = arith.select %ge3A_964, %gather3A_920, %broadcast_in_dim3A_974 : vector<16xi1>, vector<16xf32>
        tpu.vector_store_idx %arg6[%add3A_914], %select_n3A_975 : memref<16384xf32, #tpu.memory_space<vmem>>[vector<16xi32>], vector<16xf32>,
        %broadcast_in_dim3A_976 = vector.broadcast %scan3A_62 : f32 to vector<16xf32>
        %select_n3A_977 = arith.select %le3A_969, %gather3A_921, %broadcast_in_dim3A_976 : vector<16xi1>, vector<16xf32>
        tpu.vector_store_idx %arg6[%add3A_917], %select_n3A_977 : memref<16384xf32, #tpu.memory_space<vmem>>[vector<16xi32>], vector<16xf32>,
        %scan3A_978 = arith.constant 7 : i32
        %scan3A_979 = arith.addi %scan3A_460, %scan3A_978 : i32
        %shift_left3A_980 = arith.constant 6 : i32
        %shift_left3A_981 = arith.shli %scan3A_979, %shift_left3A_980 : i32
        %add3A_982 = vector.broadcast %shift_left3A_981 : i32 to vector<16xi32>
        %add3A_983 = arith.addi %mul3A_5, %add3A_982 : vector<16xi32>
        %add3A_984 = arith.constant 1 : i32
        %add3A_985 = vector.broadcast %add3A_984 : i32 to vector<16xi32>
        %add3A_986 = arith.addi %add3A_983, %add3A_985 : vector<16xi32>
        %add3A_987 = arith.constant 2 : i32
        %add3A_988 = vector.broadcast %add3A_987 : i32 to vector<16xi32>
        %add3A_989 = arith.addi %add3A_983, %add3A_988 : vector<16xi32>
        %add3A_990 = arith.constant 3 : i32
        %add3A_991 = vector.broadcast %add3A_990 : i32 to vector<16xi32>
        %add3A_992 = arith.addi %add3A_983, %add3A_991 : vector<16xi32>
        %gather3A_993 = tpu.vector_load_idx %arg4[%add3A_983] : memref<16384xf32, #tpu.memory_space<vmem>>[vector<16xi32>], vector<16xf32>,
        %gather3A_994 = tpu.vector_load_idx %arg4[%add3A_986] : memref<16384xf32, #tpu.memory_space<vmem>>[vector<16xi32>], vector<16xf32>,
        %gather3A_995 = tpu.vector_load_idx %arg4[%add3A_989] : memref<16384xf32, #tpu.memory_space<vmem>>[vector<16xi32>], vector<16xf32>,
        %gather3A_996 = tpu.vector_load_idx %arg4[%add3A_992] : memref<16384xf32, #tpu.memory_space<vmem>>[vector<16xi32>], vector<16xf32>,
        %mul3A_997 = arith.mulf %gather3A_993, %gather3A_993 : vector<16xf32>
        %mul3A_998 = arith.mulf %gather3A_994, %gather3A_994 : vector<16xf32>
        %mul3A_999 = arith.mulf %gather3A_995, %gather3A_995 : vector<16xf32>
        %mul3A_1000 = arith.mulf %gather3A_996, %gather3A_996 : vector<16xf32>
        %ge3A_1001 = arith.cmpf oge, %mul3A_997, %mul3A_998 : vector<16xf32>
        %broadcast_in_dim3A_1002 = vector.broadcast %scan3A_61 : f32 to vector<16xf32>
        %broadcast_in_dim3A_1003 = vector.broadcast %scan3A_62 : f32 to vector<16xf32>
        %select_n3A_1004 = arith.select %ge3A_1001, %broadcast_in_dim3A_1002, %broadcast_in_dim3A_1003 : vector<16xi1>, vector<16xf32>
        %ge3A_1005 = arith.cmpf oge, %mul3A_997, %mul3A_999 : vector<16xf32>
        %broadcast_in_dim3A_1006 = vector.broadcast %scan3A_61 : f32 to vector<16xf32>
        %broadcast_in_dim3A_1007 = vector.broadcast %scan3A_62 : f32 to vector<16xf32>
        %select_n3A_1008 = arith.select %ge3A_1005, %broadcast_in_dim3A_1006, %broadcast_in_dim3A_1007 : vector<16xi1>, vector<16xf32>
        %ge3A_1009 = arith.cmpf oge, %mul3A_997, %mul3A_1000 : vector<16xf32>
        %broadcast_in_dim3A_1010 = vector.broadcast %scan3A_61 : f32 to vector<16xf32>
        %broadcast_in_dim3A_1011 = vector.broadcast %scan3A_62 : f32 to vector<16xf32>
        %select_n3A_1012 = arith.select %ge3A_1009, %broadcast_in_dim3A_1010, %broadcast_in_dim3A_1011 : vector<16xi1>, vector<16xf32>
        %ge3A_1013 = arith.cmpf oge, %mul3A_998, %mul3A_999 : vector<16xf32>
        %broadcast_in_dim3A_1014 = vector.broadcast %scan3A_61 : f32 to vector<16xf32>
        %broadcast_in_dim3A_1015 = vector.broadcast %scan3A_62 : f32 to vector<16xf32>
        %select_n3A_1016 = arith.select %ge3A_1013, %broadcast_in_dim3A_1014, %broadcast_in_dim3A_1015 : vector<16xi1>, vector<16xf32>
        %ge3A_1017 = arith.cmpf oge, %mul3A_998, %mul3A_1000 : vector<16xf32>
        %broadcast_in_dim3A_1018 = vector.broadcast %scan3A_61 : f32 to vector<16xf32>
        %broadcast_in_dim3A_1019 = vector.broadcast %scan3A_62 : f32 to vector<16xf32>
        %select_n3A_1020 = arith.select %ge3A_1017, %broadcast_in_dim3A_1018, %broadcast_in_dim3A_1019 : vector<16xi1>, vector<16xf32>
        %ge3A_1021 = arith.cmpf oge, %mul3A_999, %mul3A_1000 : vector<16xf32>
        %broadcast_in_dim3A_1022 = vector.broadcast %scan3A_61 : f32 to vector<16xf32>
        %broadcast_in_dim3A_1023 = vector.broadcast %scan3A_62 : f32 to vector<16xf32>
        %select_n3A_1024 = arith.select %ge3A_1021, %broadcast_in_dim3A_1022, %broadcast_in_dim3A_1023 : vector<16xi1>, vector<16xf32>
        %add3A_1025 = arith.addf %select_n3A_1004, %select_n3A_1008 : vector<16xf32>
        %add3A_1026 = arith.addf %add3A_1025, %select_n3A_1012 : vector<16xf32>
        %ge3A_1027 = arith.constant 2.000000e+00 : f32
        %ge3A_1028 = vector.broadcast %ge3A_1027 : f32 to vector<16xf32>
        %ge3A_1029 = arith.cmpf oge, %add3A_1026, %ge3A_1028 : vector<16xf32>
        %add3A_1030 = arith.addf %select_n3A_1016, %select_n3A_1020 : vector<16xf32>
        %sub3A_1031 = arith.subf %add3A_1030, %select_n3A_1004 : vector<16xf32>
        %ge3A_1032 = arith.constant 1.000000e+00 : f32
        %ge3A_1033 = vector.broadcast %ge3A_1032 : f32 to vector<16xf32>
        %ge3A_1034 = arith.cmpf oge, %sub3A_1031, %ge3A_1033 : vector<16xf32>
        %sub3A_1035 = arith.subf %select_n3A_1024, %select_n3A_1008 : vector<16xf32>
        %sub3A_1036 = arith.subf %sub3A_1035, %select_n3A_1016 : vector<16xf32>
        %ge3A_1037 = arith.constant 0.000000e+00 : f32
        %ge3A_1038 = vector.broadcast %ge3A_1037 : f32 to vector<16xf32>
        %ge3A_1039 = arith.cmpf oge, %sub3A_1036, %ge3A_1038 : vector<16xf32>
        %add3A_1040 = arith.addf %select_n3A_1012, %select_n3A_1020 : vector<16xf32>
        %add3A_1041 = arith.addf %add3A_1040, %select_n3A_1024 : vector<16xf32>
        %le3A_1042 = arith.constant 1.000000e+00 : f32
        %le3A_1043 = vector.broadcast %le3A_1042 : f32 to vector<16xf32>
        %le3A_1044 = arith.cmpf ole, %add3A_1041, %le3A_1043 : vector<16xf32>
        %broadcast_in_dim3A_1045 = vector.broadcast %scan3A_62 : f32 to vector<16xf32>
        %select_n3A_1046 = arith.select %ge3A_1029, %gather3A_993, %broadcast_in_dim3A_1045 : vector<16xi1>, vector<16xf32>
        tpu.vector_store_idx %arg6[%add3A_983], %select_n3A_1046 : memref<16384xf32, #tpu.memory_space<vmem>>[vector<16xi32>], vector<16xf32>,
        %broadcast_in_dim3A_1047 = vector.broadcast %scan3A_62 : f32 to vector<16xf32>
        %select_n3A_1048 = arith.select %ge3A_1034, %gather3A_994, %broadcast_in_dim3A_1047 : vector<16xi1>, vector<16xf32>
        tpu.vector_store_idx %arg6[%add3A_986], %select_n3A_1048 : memref<16384xf32, #tpu.memory_space<vmem>>[vector<16xi32>], vector<16xf32>,
        %broadcast_in_dim3A_1049 = vector.broadcast %scan3A_62 : f32 to vector<16xf32>
        %select_n3A_1050 = arith.select %ge3A_1039, %gather3A_995, %broadcast_in_dim3A_1049 : vector<16xi1>, vector<16xf32>
        tpu.vector_store_idx %arg6[%add3A_989], %select_n3A_1050 : memref<16384xf32, #tpu.memory_space<vmem>>[vector<16xi32>], vector<16xf32>,
        %broadcast_in_dim3A_1051 = vector.broadcast %scan3A_62 : f32 to vector<16xf32>
        %select_n3A_1052 = arith.select %le3A_1044, %gather3A_996, %broadcast_in_dim3A_1051 : vector<16xi1>, vector<16xf32>
        tpu.vector_store_idx %arg6[%add3A_992], %select_n3A_1052 : memref<16384xf32, #tpu.memory_space<vmem>>[vector<16xi32>], vector<16xf32>,
        %scan3A_1053 = arith.constant 8 : i32
        %scan3A_1054 = arith.addi %scan3A_460, %scan3A_1053 : i32
        %shift_left3A_1055 = arith.constant 6 : i32
        %shift_left3A_1056 = arith.shli %scan3A_1054, %shift_left3A_1055 : i32
        %add3A_1057 = vector.broadcast %shift_left3A_1056 : i32 to vector<16xi32>
        %add3A_1058 = arith.addi %mul3A_5, %add3A_1057 : vector<16xi32>
        %add3A_1059 = arith.constant 1 : i32
        %add3A_1060 = vector.broadcast %add3A_1059 : i32 to vector<16xi32>
        %add3A_1061 = arith.addi %add3A_1058, %add3A_1060 : vector<16xi32>
        %add3A_1062 = arith.constant 2 : i32
        %add3A_1063 = vector.broadcast %add3A_1062 : i32 to vector<16xi32>
        %add3A_1064 = arith.addi %add3A_1058, %add3A_1063 : vector<16xi32>
        %add3A_1065 = arith.constant 3 : i32
        %add3A_1066 = vector.broadcast %add3A_1065 : i32 to vector<16xi32>
        %add3A_1067 = arith.addi %add3A_1058, %add3A_1066 : vector<16xi32>
        %gather3A_1068 = tpu.vector_load_idx %arg4[%add3A_1058] : memref<16384xf32, #tpu.memory_space<vmem>>[vector<16xi32>], vector<16xf32>,
        %gather3A_1069 = tpu.vector_load_idx %arg4[%add3A_1061] : memref<16384xf32, #tpu.memory_space<vmem>>[vector<16xi32>], vector<16xf32>,
        %gather3A_1070 = tpu.vector_load_idx %arg4[%add3A_1064] : memref<16384xf32, #tpu.memory_space<vmem>>[vector<16xi32>], vector<16xf32>,
        %gather3A_1071 = tpu.vector_load_idx %arg4[%add3A_1067] : memref<16384xf32, #tpu.memory_space<vmem>>[vector<16xi32>], vector<16xf32>,
        %mul3A_1072 = arith.mulf %gather3A_1068, %gather3A_1068 : vector<16xf32>
        %mul3A_1073 = arith.mulf %gather3A_1069, %gather3A_1069 : vector<16xf32>
        %mul3A_1074 = arith.mulf %gather3A_1070, %gather3A_1070 : vector<16xf32>
        %mul3A_1075 = arith.mulf %gather3A_1071, %gather3A_1071 : vector<16xf32>
        %ge3A_1076 = arith.cmpf oge, %mul3A_1072, %mul3A_1073 : vector<16xf32>
        %broadcast_in_dim3A_1077 = vector.broadcast %scan3A_61 : f32 to vector<16xf32>
        %broadcast_in_dim3A_1078 = vector.broadcast %scan3A_62 : f32 to vector<16xf32>
        %select_n3A_1079 = arith.select %ge3A_1076, %broadcast_in_dim3A_1077, %broadcast_in_dim3A_1078 : vector<16xi1>, vector<16xf32>
        %ge3A_1080 = arith.cmpf oge, %mul3A_1072, %mul3A_1074 : vector<16xf32>
        %broadcast_in_dim3A_1081 = vector.broadcast %scan3A_61 : f32 to vector<16xf32>
        %broadcast_in_dim3A_1082 = vector.broadcast %scan3A_62 : f32 to vector<16xf32>
        %select_n3A_1083 = arith.select %ge3A_1080, %broadcast_in_dim3A_1081, %broadcast_in_dim3A_1082 : vector<16xi1>, vector<16xf32>
        %ge3A_1084 = arith.cmpf oge, %mul3A_1072, %mul3A_1075 : vector<16xf32>
        %broadcast_in_dim3A_1085 = vector.broadcast %scan3A_61 : f32 to vector<16xf32>
        %broadcast_in_dim3A_1086 = vector.broadcast %scan3A_62 : f32 to vector<16xf32>
        %select_n3A_1087 = arith.select %ge3A_1084, %broadcast_in_dim3A_1085, %broadcast_in_dim3A_1086 : vector<16xi1>, vector<16xf32>
        %ge3A_1088 = arith.cmpf oge, %mul3A_1073, %mul3A_1074 : vector<16xf32>
        %broadcast_in_dim3A_1089 = vector.broadcast %scan3A_61 : f32 to vector<16xf32>
        %broadcast_in_dim3A_1090 = vector.broadcast %scan3A_62 : f32 to vector<16xf32>
        %select_n3A_1091 = arith.select %ge3A_1088, %broadcast_in_dim3A_1089, %broadcast_in_dim3A_1090 : vector<16xi1>, vector<16xf32>
        %ge3A_1092 = arith.cmpf oge, %mul3A_1073, %mul3A_1075 : vector<16xf32>
        %broadcast_in_dim3A_1093 = vector.broadcast %scan3A_61 : f32 to vector<16xf32>
        %broadcast_in_dim3A_1094 = vector.broadcast %scan3A_62 : f32 to vector<16xf32>
        %select_n3A_1095 = arith.select %ge3A_1092, %broadcast_in_dim3A_1093, %broadcast_in_dim3A_1094 : vector<16xi1>, vector<16xf32>
        %ge3A_1096 = arith.cmpf oge, %mul3A_1074, %mul3A_1075 : vector<16xf32>
        %broadcast_in_dim3A_1097 = vector.broadcast %scan3A_61 : f32 to vector<16xf32>
        %broadcast_in_dim3A_1098 = vector.broadcast %scan3A_62 : f32 to vector<16xf32>
        %select_n3A_1099 = arith.select %ge3A_1096, %broadcast_in_dim3A_1097, %broadcast_in_dim3A_1098 : vector<16xi1>, vector<16xf32>
        %add3A_1100 = arith.addf %select_n3A_1079, %select_n3A_1083 : vector<16xf32>
        %add3A_1101 = arith.addf %add3A_1100, %select_n3A_1087 : vector<16xf32>
        %ge3A_1102 = arith.constant 2.000000e+00 : f32
        %ge3A_1103 = vector.broadcast %ge3A_1102 : f32 to vector<16xf32>
        %ge3A_1104 = arith.cmpf oge, %add3A_1101, %ge3A_1103 : vector<16xf32>
        %add3A_1105 = arith.addf %select_n3A_1091, %select_n3A_1095 : vector<16xf32>
        %sub3A_1106 = arith.subf %add3A_1105, %select_n3A_1079 : vector<16xf32>
        %ge3A_1107 = arith.constant 1.000000e+00 : f32
        %ge3A_1108 = vector.broadcast %ge3A_1107 : f32 to vector<16xf32>
        %ge3A_1109 = arith.cmpf oge, %sub3A_1106, %ge3A_1108 : vector<16xf32>
        %sub3A_1110 = arith.subf %select_n3A_1099, %select_n3A_1083 : vector<16xf32>
        %sub3A_1111 = arith.subf %sub3A_1110, %select_n3A_1091 : vector<16xf32>
        %ge3A_1112 = arith.constant 0.000000e+00 : f32
        %ge3A_1113 = vector.broadcast %ge3A_1112 : f32 to vector<16xf32>
        %ge3A_1114 = arith.cmpf oge, %sub3A_1111, %ge3A_1113 : vector<16xf32>
        %add3A_1115 = arith.addf %select_n3A_1087, %select_n3A_1095 : vector<16xf32>
        %add3A_1116 = arith.addf %add3A_1115, %select_n3A_1099 : vector<16xf32>
        %le3A_1117 = arith.constant 1.000000e+00 : f32
        %le3A_1118 = vector.broadcast %le3A_1117 : f32 to vector<16xf32>
        %le3A_1119 = arith.cmpf ole, %add3A_1116, %le3A_1118 : vector<16xf32>
        %broadcast_in_dim3A_1120 = vector.broadcast %scan3A_62 : f32 to vector<16xf32>
        %select_n3A_1121 = arith.select %ge3A_1104, %gather3A_1068, %broadcast_in_dim3A_1120 : vector<16xi1>, vector<16xf32>
        tpu.vector_store_idx %arg6[%add3A_1058], %select_n3A_1121 : memref<16384xf32, #tpu.memory_space<vmem>>[vector<16xi32>], vector<16xf32>,
        %broadcast_in_dim3A_1122 = vector.broadcast %scan3A_62 : f32 to vector<16xf32>
        %select_n3A_1123 = arith.select %ge3A_1109, %gather3A_1069, %broadcast_in_dim3A_1122 : vector<16xi1>, vector<16xf32>
        tpu.vector_store_idx %arg6[%add3A_1061], %select_n3A_1123 : memref<16384xf32, #tpu.memory_space<vmem>>[vector<16xi32>], vector<16xf32>,
        %broadcast_in_dim3A_1124 = vector.broadcast %scan3A_62 : f32 to vector<16xf32>
        %select_n3A_1125 = arith.select %ge3A_1114, %gather3A_1070, %broadcast_in_dim3A_1124 : vector<16xi1>, vector<16xf32>
        tpu.vector_store_idx %arg6[%add3A_1064], %select_n3A_1125 : memref<16384xf32, #tpu.memory_space<vmem>>[vector<16xi32>], vector<16xf32>,
        %broadcast_in_dim3A_1126 = vector.broadcast %scan3A_62 : f32 to vector<16xf32>
        %select_n3A_1127 = arith.select %le3A_1119, %gather3A_1071, %broadcast_in_dim3A_1126 : vector<16xi1>, vector<16xf32>
        tpu.vector_store_idx %arg6[%add3A_1067], %select_n3A_1127 : memref<16384xf32, #tpu.memory_space<vmem>>[vector<16xi32>], vector<16xf32>,
        %scan3A_1128 = arith.constant 9 : i32
        %scan3A_1129 = arith.addi %scan3A_460, %scan3A_1128 : i32
        %shift_left3A_1130 = arith.constant 6 : i32
        %shift_left3A_1131 = arith.shli %scan3A_1129, %shift_left3A_1130 : i32
        %add3A_1132 = vector.broadcast %shift_left3A_1131 : i32 to vector<16xi32>
        %add3A_1133 = arith.addi %mul3A_5, %add3A_1132 : vector<16xi32>
        %add3A_1134 = arith.constant 1 : i32
        %add3A_1135 = vector.broadcast %add3A_1134 : i32 to vector<16xi32>
        %add3A_1136 = arith.addi %add3A_1133, %add3A_1135 : vector<16xi32>
        %add3A_1137 = arith.constant 2 : i32
        %add3A_1138 = vector.broadcast %add3A_1137 : i32 to vector<16xi32>
        %add3A_1139 = arith.addi %add3A_1133, %add3A_1138 : vector<16xi32>
        %add3A_1140 = arith.constant 3 : i32
        %add3A_1141 = vector.broadcast %add3A_1140 : i32 to vector<16xi32>
        %add3A_1142 = arith.addi %add3A_1133, %add3A_1141 : vector<16xi32>
        %gather3A_1143 = tpu.vector_load_idx %arg4[%add3A_1133] : memref<16384xf32, #tpu.memory_space<vmem>>[vector<16xi32>], vector<16xf32>,
        %gather3A_1144 = tpu.vector_load_idx %arg4[%add3A_1136] : memref<16384xf32, #tpu.memory_space<vmem>>[vector<16xi32>], vector<16xf32>,
        %gather3A_1145 = tpu.vector_load_idx %arg4[%add3A_1139] : memref<16384xf32, #tpu.memory_space<vmem>>[vector<16xi32>], vector<16xf32>,
        %gather3A_1146 = tpu.vector_load_idx %arg4[%add3A_1142] : memref<16384xf32, #tpu.memory_space<vmem>>[vector<16xi32>], vector<16xf32>,
        %mul3A_1147 = arith.mulf %gather3A_1143, %gather3A_1143 : vector<16xf32>
        %mul3A_1148 = arith.mulf %gather3A_1144, %gather3A_1144 : vector<16xf32>
        %mul3A_1149 = arith.mulf %gather3A_1145, %gather3A_1145 : vector<16xf32>
        %mul3A_1150 = arith.mulf %gather3A_1146, %gather3A_1146 : vector<16xf32>
        %ge3A_1151 = arith.cmpf oge, %mul3A_1147, %mul3A_1148 : vector<16xf32>
        %broadcast_in_dim3A_1152 = vector.broadcast %scan3A_61 : f32 to vector<16xf32>
        %broadcast_in_dim3A_1153 = vector.broadcast %scan3A_62 : f32 to vector<16xf32>
        %select_n3A_1154 = arith.select %ge3A_1151, %broadcast_in_dim3A_1152, %broadcast_in_dim3A_1153 : vector<16xi1>, vector<16xf32>
        %ge3A_1155 = arith.cmpf oge, %mul3A_1147, %mul3A_1149 : vector<16xf32>
        %broadcast_in_dim3A_1156 = vector.broadcast %scan3A_61 : f32 to vector<16xf32>
        %broadcast_in_dim3A_1157 = vector.broadcast %scan3A_62 : f32 to vector<16xf32>
        %select_n3A_1158 = arith.select %ge3A_1155, %broadcast_in_dim3A_1156, %broadcast_in_dim3A_1157 : vector<16xi1>, vector<16xf32>
        %ge3A_1159 = arith.cmpf oge, %mul3A_1147, %mul3A_1150 : vector<16xf32>
        %broadcast_in_dim3A_1160 = vector.broadcast %scan3A_61 : f32 to vector<16xf32>
        %broadcast_in_dim3A_1161 = vector.broadcast %scan3A_62 : f32 to vector<16xf32>
        %select_n3A_1162 = arith.select %ge3A_1159, %broadcast_in_dim3A_1160, %broadcast_in_dim3A_1161 : vector<16xi1>, vector<16xf32>
        %ge3A_1163 = arith.cmpf oge, %mul3A_1148, %mul3A_1149 : vector<16xf32>
        %broadcast_in_dim3A_1164 = vector.broadcast %scan3A_61 : f32 to vector<16xf32>
        %broadcast_in_dim3A_1165 = vector.broadcast %scan3A_62 : f32 to vector<16xf32>
        %select_n3A_1166 = arith.select %ge3A_1163, %broadcast_in_dim3A_1164, %broadcast_in_dim3A_1165 : vector<16xi1>, vector<16xf32>
        %ge3A_1167 = arith.cmpf oge, %mul3A_1148, %mul3A_1150 : vector<16xf32>
        %broadcast_in_dim3A_1168 = vector.broadcast %scan3A_61 : f32 to vector<16xf32>
        %broadcast_in_dim3A_1169 = vector.broadcast %scan3A_62 : f32 to vector<16xf32>
        %select_n3A_1170 = arith.select %ge3A_1167, %broadcast_in_dim3A_1168, %broadcast_in_dim3A_1169 : vector<16xi1>, vector<16xf32>
        %ge3A_1171 = arith.cmpf oge, %mul3A_1149, %mul3A_1150 : vector<16xf32>
        %broadcast_in_dim3A_1172 = vector.broadcast %scan3A_61 : f32 to vector<16xf32>
        %broadcast_in_dim3A_1173 = vector.broadcast %scan3A_62 : f32 to vector<16xf32>
        %select_n3A_1174 = arith.select %ge3A_1171, %broadcast_in_dim3A_1172, %broadcast_in_dim3A_1173 : vector<16xi1>, vector<16xf32>
        %add3A_1175 = arith.addf %select_n3A_1154, %select_n3A_1158 : vector<16xf32>
        %add3A_1176 = arith.addf %add3A_1175, %select_n3A_1162 : vector<16xf32>
        %ge3A_1177 = arith.constant 2.000000e+00 : f32
        %ge3A_1178 = vector.broadcast %ge3A_1177 : f32 to vector<16xf32>
        %ge3A_1179 = arith.cmpf oge, %add3A_1176, %ge3A_1178 : vector<16xf32>
        %add3A_1180 = arith.addf %select_n3A_1166, %select_n3A_1170 : vector<16xf32>
        %sub3A_1181 = arith.subf %add3A_1180, %select_n3A_1154 : vector<16xf32>
        %ge3A_1182 = arith.constant 1.000000e+00 : f32
        %ge3A_1183 = vector.broadcast %ge3A_1182 : f32 to vector<16xf32>
        %ge3A_1184 = arith.cmpf oge, %sub3A_1181, %ge3A_1183 : vector<16xf32>
        %sub3A_1185 = arith.subf %select_n3A_1174, %select_n3A_1158 : vector<16xf32>
        %sub3A_1186 = arith.subf %sub3A_1185, %select_n3A_1166 : vector<16xf32>
        %ge3A_1187 = arith.constant 0.000000e+00 : f32
        %ge3A_1188 = vector.broadcast %ge3A_1187 : f32 to vector<16xf32>
        %ge3A_1189 = arith.cmpf oge, %sub3A_1186, %ge3A_1188 : vector<16xf32>
        %add3A_1190 = arith.addf %select_n3A_1162, %select_n3A_1170 : vector<16xf32>
        %add3A_1191 = arith.addf %add3A_1190, %select_n3A_1174 : vector<16xf32>
        %le3A_1192 = arith.constant 1.000000e+00 : f32
        %le3A_1193 = vector.broadcast %le3A_1192 : f32 to vector<16xf32>
        %le3A_1194 = arith.cmpf ole, %add3A_1191, %le3A_1193 : vector<16xf32>
        %broadcast_in_dim3A_1195 = vector.broadcast %scan3A_62 : f32 to vector<16xf32>
        %select_n3A_1196 = arith.select %ge3A_1179, %gather3A_1143, %broadcast_in_dim3A_1195 : vector<16xi1>, vector<16xf32>
        tpu.vector_store_idx %arg6[%add3A_1133], %select_n3A_1196 : memref<16384xf32, #tpu.memory_space<vmem>>[vector<16xi32>], vector<16xf32>,
        %broadcast_in_dim3A_1197 = vector.broadcast %scan3A_62 : f32 to vector<16xf32>
        %select_n3A_1198 = arith.select %ge3A_1184, %gather3A_1144, %broadcast_in_dim3A_1197 : vector<16xi1>, vector<16xf32>
        tpu.vector_store_idx %arg6[%add3A_1136], %select_n3A_1198 : memref<16384xf32, #tpu.memory_space<vmem>>[vector<16xi32>], vector<16xf32>,
        %broadcast_in_dim3A_1199 = vector.broadcast %scan3A_62 : f32 to vector<16xf32>
        %select_n3A_1200 = arith.select %ge3A_1189, %gather3A_1145, %broadcast_in_dim3A_1199 : vector<16xi1>, vector<16xf32>
        tpu.vector_store_idx %arg6[%add3A_1139], %select_n3A_1200 : memref<16384xf32, #tpu.memory_space<vmem>>[vector<16xi32>], vector<16xf32>,
        %broadcast_in_dim3A_1201 = vector.broadcast %scan3A_62 : f32 to vector<16xf32>
        %select_n3A_1202 = arith.select %le3A_1194, %gather3A_1146, %broadcast_in_dim3A_1201 : vector<16xi1>, vector<16xf32>
        tpu.vector_store_idx %arg6[%add3A_1142], %select_n3A_1202 : memref<16384xf32, #tpu.memory_space<vmem>>[vector<16xi32>], vector<16xf32>,
        %scan3A_1203 = arith.constant 10 : i32
        %scan3A_1204 = arith.addi %scan3A_460, %scan3A_1203 : i32
        %shift_left3A_1205 = arith.constant 6 : i32
        %shift_left3A_1206 = arith.shli %scan3A_1204, %shift_left3A_1205 : i32
        %add3A_1207 = vector.broadcast %shift_left3A_1206 : i32 to vector<16xi32>
        %add3A_1208 = arith.addi %mul3A_5, %add3A_1207 : vector<16xi32>
        %add3A_1209 = arith.constant 1 : i32
        %add3A_1210 = vector.broadcast %add3A_1209 : i32 to vector<16xi32>
        %add3A_1211 = arith.addi %add3A_1208, %add3A_1210 : vector<16xi32>
        %add3A_1212 = arith.constant 2 : i32
        %add3A_1213 = vector.broadcast %add3A_1212 : i32 to vector<16xi32>
        %add3A_1214 = arith.addi %add3A_1208, %add3A_1213 : vector<16xi32>
        %add3A_1215 = arith.constant 3 : i32
        %add3A_1216 = vector.broadcast %add3A_1215 : i32 to vector<16xi32>
        %add3A_1217 = arith.addi %add3A_1208, %add3A_1216 : vector<16xi32>
        %gather3A_1218 = tpu.vector_load_idx %arg4[%add3A_1208] : memref<16384xf32, #tpu.memory_space<vmem>>[vector<16xi32>], vector<16xf32>,
        %gather3A_1219 = tpu.vector_load_idx %arg4[%add3A_1211] : memref<16384xf32, #tpu.memory_space<vmem>>[vector<16xi32>], vector<16xf32>,
        %gather3A_1220 = tpu.vector_load_idx %arg4[%add3A_1214] : memref<16384xf32, #tpu.memory_space<vmem>>[vector<16xi32>], vector<16xf32>,
        %gather3A_1221 = tpu.vector_load_idx %arg4[%add3A_1217] : memref<16384xf32, #tpu.memory_space<vmem>>[vector<16xi32>], vector<16xf32>,
        %mul3A_1222 = arith.mulf %gather3A_1218, %gather3A_1218 : vector<16xf32>
        %mul3A_1223 = arith.mulf %gather3A_1219, %gather3A_1219 : vector<16xf32>
        %mul3A_1224 = arith.mulf %gather3A_1220, %gather3A_1220 : vector<16xf32>
        %mul3A_1225 = arith.mulf %gather3A_1221, %gather3A_1221 : vector<16xf32>
        %ge3A_1226 = arith.cmpf oge, %mul3A_1222, %mul3A_1223 : vector<16xf32>
        %broadcast_in_dim3A_1227 = vector.broadcast %scan3A_61 : f32 to vector<16xf32>
        %broadcast_in_dim3A_1228 = vector.broadcast %scan3A_62 : f32 to vector<16xf32>
        %select_n3A_1229 = arith.select %ge3A_1226, %broadcast_in_dim3A_1227, %broadcast_in_dim3A_1228 : vector<16xi1>, vector<16xf32>
        %ge3A_1230 = arith.cmpf oge, %mul3A_1222, %mul3A_1224 : vector<16xf32>
        %broadcast_in_dim3A_1231 = vector.broadcast %scan3A_61 : f32 to vector<16xf32>
        %broadcast_in_dim3A_1232 = vector.broadcast %scan3A_62 : f32 to vector<16xf32>
        %select_n3A_1233 = arith.select %ge3A_1230, %broadcast_in_dim3A_1231, %broadcast_in_dim3A_1232 : vector<16xi1>, vector<16xf32>
        %ge3A_1234 = arith.cmpf oge, %mul3A_1222, %mul3A_1225 : vector<16xf32>
        %broadcast_in_dim3A_1235 = vector.broadcast %scan3A_61 : f32 to vector<16xf32>
        %broadcast_in_dim3A_1236 = vector.broadcast %scan3A_62 : f32 to vector<16xf32>
        %select_n3A_1237 = arith.select %ge3A_1234, %broadcast_in_dim3A_1235, %broadcast_in_dim3A_1236 : vector<16xi1>, vector<16xf32>
        %ge3A_1238 = arith.cmpf oge, %mul3A_1223, %mul3A_1224 : vector<16xf32>
        %broadcast_in_dim3A_1239 = vector.broadcast %scan3A_61 : f32 to vector<16xf32>
        %broadcast_in_dim3A_1240 = vector.broadcast %scan3A_62 : f32 to vector<16xf32>
        %select_n3A_1241 = arith.select %ge3A_1238, %broadcast_in_dim3A_1239, %broadcast_in_dim3A_1240 : vector<16xi1>, vector<16xf32>
        %ge3A_1242 = arith.cmpf oge, %mul3A_1223, %mul3A_1225 : vector<16xf32>
        %broadcast_in_dim3A_1243 = vector.broadcast %scan3A_61 : f32 to vector<16xf32>
        %broadcast_in_dim3A_1244 = vector.broadcast %scan3A_62 : f32 to vector<16xf32>
        %select_n3A_1245 = arith.select %ge3A_1242, %broadcast_in_dim3A_1243, %broadcast_in_dim3A_1244 : vector<16xi1>, vector<16xf32>
        %ge3A_1246 = arith.cmpf oge, %mul3A_1224, %mul3A_1225 : vector<16xf32>
        %broadcast_in_dim3A_1247 = vector.broadcast %scan3A_61 : f32 to vector<16xf32>
        %broadcast_in_dim3A_1248 = vector.broadcast %scan3A_62 : f32 to vector<16xf32>
        %select_n3A_1249 = arith.select %ge3A_1246, %broadcast_in_dim3A_1247, %broadcast_in_dim3A_1248 : vector<16xi1>, vector<16xf32>
        %add3A_1250 = arith.addf %select_n3A_1229, %select_n3A_1233 : vector<16xf32>
        %add3A_1251 = arith.addf %add3A_1250, %select_n3A_1237 : vector<16xf32>
        %ge3A_1252 = arith.constant 2.000000e+00 : f32
        %ge3A_1253 = vector.broadcast %ge3A_1252 : f32 to vector<16xf32>
        %ge3A_1254 = arith.cmpf oge, %add3A_1251, %ge3A_1253 : vector<16xf32>
        %add3A_1255 = arith.addf %select_n3A_1241, %select_n3A_1245 : vector<16xf32>
        %sub3A_1256 = arith.subf %add3A_1255, %select_n3A_1229 : vector<16xf32>
        %ge3A_1257 = arith.constant 1.000000e+00 : f32
        %ge3A_1258 = vector.broadcast %ge3A_1257 : f32 to vector<16xf32>
        %ge3A_1259 = arith.cmpf oge, %sub3A_1256, %ge3A_1258 : vector<16xf32>
        %sub3A_1260 = arith.subf %select_n3A_1249, %select_n3A_1233 : vector<16xf32>
        %sub3A_1261 = arith.subf %sub3A_1260, %select_n3A_1241 : vector<16xf32>
        %ge3A_1262 = arith.constant 0.000000e+00 : f32
        %ge3A_1263 = vector.broadcast %ge3A_1262 : f32 to vector<16xf32>
        %ge3A_1264 = arith.cmpf oge, %sub3A_1261, %ge3A_1263 : vector<16xf32>
        %add3A_1265 = arith.addf %select_n3A_1237, %select_n3A_1245 : vector<16xf32>
        %add3A_1266 = arith.addf %add3A_1265, %select_n3A_1249 : vector<16xf32>
        %le3A_1267 = arith.constant 1.000000e+00 : f32
        %le3A_1268 = vector.broadcast %le3A_1267 : f32 to vector<16xf32>
        %le3A_1269 = arith.cmpf ole, %add3A_1266, %le3A_1268 : vector<16xf32>
        %broadcast_in_dim3A_1270 = vector.broadcast %scan3A_62 : f32 to vector<16xf32>
        %select_n3A_1271 = arith.select %ge3A_1254, %gather3A_1218, %broadcast_in_dim3A_1270 : vector<16xi1>, vector<16xf32>
        tpu.vector_store_idx %arg6[%add3A_1208], %select_n3A_1271 : memref<16384xf32, #tpu.memory_space<vmem>>[vector<16xi32>], vector<16xf32>,
        %broadcast_in_dim3A_1272 = vector.broadcast %scan3A_62 : f32 to vector<16xf32>
        %select_n3A_1273 = arith.select %ge3A_1259, %gather3A_1219, %broadcast_in_dim3A_1272 : vector<16xi1>, vector<16xf32>
        tpu.vector_store_idx %arg6[%add3A_1211], %select_n3A_1273 : memref<16384xf32, #tpu.memory_space<vmem>>[vector<16xi32>], vector<16xf32>,
        %broadcast_in_dim3A_1274 = vector.broadcast %scan3A_62 : f32 to vector<16xf32>
        %select_n3A_1275 = arith.select %ge3A_1264, %gather3A_1220, %broadcast_in_dim3A_1274 : vector<16xi1>, vector<16xf32>
        tpu.vector_store_idx %arg6[%add3A_1214], %select_n3A_1275 : memref<16384xf32, #tpu.memory_space<vmem>>[vector<16xi32>], vector<16xf32>,
        %broadcast_in_dim3A_1276 = vector.broadcast %scan3A_62 : f32 to vector<16xf32>
        %select_n3A_1277 = arith.select %le3A_1269, %gather3A_1221, %broadcast_in_dim3A_1276 : vector<16xi1>, vector<16xf32>
        tpu.vector_store_idx %arg6[%add3A_1217], %select_n3A_1277 : memref<16384xf32, #tpu.memory_space<vmem>>[vector<16xi32>], vector<16xf32>,
        %scan3A_1278 = arith.constant 11 : i32
        %scan3A_1279 = arith.addi %scan3A_460, %scan3A_1278 : i32
        %shift_left3A_1280 = arith.constant 6 : i32
        %shift_left3A_1281 = arith.shli %scan3A_1279, %shift_left3A_1280 : i32
        %add3A_1282 = vector.broadcast %shift_left3A_1281 : i32 to vector<16xi32>
        %add3A_1283 = arith.addi %mul3A_5, %add3A_1282 : vector<16xi32>
        %add3A_1284 = arith.constant 1 : i32
        %add3A_1285 = vector.broadcast %add3A_1284 : i32 to vector<16xi32>
        %add3A_1286 = arith.addi %add3A_1283, %add3A_1285 : vector<16xi32>
        %add3A_1287 = arith.constant 2 : i32
        %add3A_1288 = vector.broadcast %add3A_1287 : i32 to vector<16xi32>
        %add3A_1289 = arith.addi %add3A_1283, %add3A_1288 : vector<16xi32>
        %add3A_1290 = arith.constant 3 : i32
        %add3A_1291 = vector.broadcast %add3A_1290 : i32 to vector<16xi32>
        %add3A_1292 = arith.addi %add3A_1283, %add3A_1291 : vector<16xi32>
        %gather3A_1293 = tpu.vector_load_idx %arg4[%add3A_1283] : memref<16384xf32, #tpu.memory_space<vmem>>[vector<16xi32>], vector<16xf32>,
        %gather3A_1294 = tpu.vector_load_idx %arg4[%add3A_1286] : memref<16384xf32, #tpu.memory_space<vmem>>[vector<16xi32>], vector<16xf32>,
        %gather3A_1295 = tpu.vector_load_idx %arg4[%add3A_1289] : memref<16384xf32, #tpu.memory_space<vmem>>[vector<16xi32>], vector<16xf32>,
        %gather3A_1296 = tpu.vector_load_idx %arg4[%add3A_1292] : memref<16384xf32, #tpu.memory_space<vmem>>[vector<16xi32>], vector<16xf32>,
        %mul3A_1297 = arith.mulf %gather3A_1293, %gather3A_1293 : vector<16xf32>
        %mul3A_1298 = arith.mulf %gather3A_1294, %gather3A_1294 : vector<16xf32>
        %mul3A_1299 = arith.mulf %gather3A_1295, %gather3A_1295 : vector<16xf32>
        %mul3A_1300 = arith.mulf %gather3A_1296, %gather3A_1296 : vector<16xf32>
        %ge3A_1301 = arith.cmpf oge, %mul3A_1297, %mul3A_1298 : vector<16xf32>
        %broadcast_in_dim3A_1302 = vector.broadcast %scan3A_61 : f32 to vector<16xf32>
        %broadcast_in_dim3A_1303 = vector.broadcast %scan3A_62 : f32 to vector<16xf32>
        %select_n3A_1304 = arith.select %ge3A_1301, %broadcast_in_dim3A_1302, %broadcast_in_dim3A_1303 : vector<16xi1>, vector<16xf32>
        %ge3A_1305 = arith.cmpf oge, %mul3A_1297, %mul3A_1299 : vector<16xf32>
        %broadcast_in_dim3A_1306 = vector.broadcast %scan3A_61 : f32 to vector<16xf32>
        %broadcast_in_dim3A_1307 = vector.broadcast %scan3A_62 : f32 to vector<16xf32>
        %select_n3A_1308 = arith.select %ge3A_1305, %broadcast_in_dim3A_1306, %broadcast_in_dim3A_1307 : vector<16xi1>, vector<16xf32>
        %ge3A_1309 = arith.cmpf oge, %mul3A_1297, %mul3A_1300 : vector<16xf32>
        %broadcast_in_dim3A_1310 = vector.broadcast %scan3A_61 : f32 to vector<16xf32>
        %broadcast_in_dim3A_1311 = vector.broadcast %scan3A_62 : f32 to vector<16xf32>
        %select_n3A_1312 = arith.select %ge3A_1309, %broadcast_in_dim3A_1310, %broadcast_in_dim3A_1311 : vector<16xi1>, vector<16xf32>
        %ge3A_1313 = arith.cmpf oge, %mul3A_1298, %mul3A_1299 : vector<16xf32>
        %broadcast_in_dim3A_1314 = vector.broadcast %scan3A_61 : f32 to vector<16xf32>
        %broadcast_in_dim3A_1315 = vector.broadcast %scan3A_62 : f32 to vector<16xf32>
        %select_n3A_1316 = arith.select %ge3A_1313, %broadcast_in_dim3A_1314, %broadcast_in_dim3A_1315 : vector<16xi1>, vector<16xf32>
        %ge3A_1317 = arith.cmpf oge, %mul3A_1298, %mul3A_1300 : vector<16xf32>
        %broadcast_in_dim3A_1318 = vector.broadcast %scan3A_61 : f32 to vector<16xf32>
        %broadcast_in_dim3A_1319 = vector.broadcast %scan3A_62 : f32 to vector<16xf32>
        %select_n3A_1320 = arith.select %ge3A_1317, %broadcast_in_dim3A_1318, %broadcast_in_dim3A_1319 : vector<16xi1>, vector<16xf32>
        %ge3A_1321 = arith.cmpf oge, %mul3A_1299, %mul3A_1300 : vector<16xf32>
        %broadcast_in_dim3A_1322 = vector.broadcast %scan3A_61 : f32 to vector<16xf32>
        %broadcast_in_dim3A_1323 = vector.broadcast %scan3A_62 : f32 to vector<16xf32>
        %select_n3A_1324 = arith.select %ge3A_1321, %broadcast_in_dim3A_1322, %broadcast_in_dim3A_1323 : vector<16xi1>, vector<16xf32>
        %add3A_1325 = arith.addf %select_n3A_1304, %select_n3A_1308 : vector<16xf32>
        %add3A_1326 = arith.addf %add3A_1325, %select_n3A_1312 : vector<16xf32>
        %ge3A_1327 = arith.constant 2.000000e+00 : f32
        %ge3A_1328 = vector.broadcast %ge3A_1327 : f32 to vector<16xf32>
        %ge3A_1329 = arith.cmpf oge, %add3A_1326, %ge3A_1328 : vector<16xf32>
        %add3A_1330 = arith.addf %select_n3A_1316, %select_n3A_1320 : vector<16xf32>
        %sub3A_1331 = arith.subf %add3A_1330, %select_n3A_1304 : vector<16xf32>
        %ge3A_1332 = arith.constant 1.000000e+00 : f32
        %ge3A_1333 = vector.broadcast %ge3A_1332 : f32 to vector<16xf32>
        %ge3A_1334 = arith.cmpf oge, %sub3A_1331, %ge3A_1333 : vector<16xf32>
        %sub3A_1335 = arith.subf %select_n3A_1324, %select_n3A_1308 : vector<16xf32>
        %sub3A_1336 = arith.subf %sub3A_1335, %select_n3A_1316 : vector<16xf32>
        %ge3A_1337 = arith.constant 0.000000e+00 : f32
        %ge3A_1338 = vector.broadcast %ge3A_1337 : f32 to vector<16xf32>
        %ge3A_1339 = arith.cmpf oge, %sub3A_1336, %ge3A_1338 : vector<16xf32>
        %add3A_1340 = arith.addf %select_n3A_1312, %select_n3A_1320 : vector<16xf32>
        %add3A_1341 = arith.addf %add3A_1340, %select_n3A_1324 : vector<16xf32>
        %le3A_1342 = arith.constant 1.000000e+00 : f32
        %le3A_1343 = vector.broadcast %le3A_1342 : f32 to vector<16xf32>
        %le3A_1344 = arith.cmpf ole, %add3A_1341, %le3A_1343 : vector<16xf32>
        %broadcast_in_dim3A_1345 = vector.broadcast %scan3A_62 : f32 to vector<16xf32>
        %select_n3A_1346 = arith.select %ge3A_1329, %gather3A_1293, %broadcast_in_dim3A_1345 : vector<16xi1>, vector<16xf32>
        tpu.vector_store_idx %arg6[%add3A_1283], %select_n3A_1346 : memref<16384xf32, #tpu.memory_space<vmem>>[vector<16xi32>], vector<16xf32>,
        %broadcast_in_dim3A_1347 = vector.broadcast %scan3A_62 : f32 to vector<16xf32>
        %select_n3A_1348 = arith.select %ge3A_1334, %gather3A_1294, %broadcast_in_dim3A_1347 : vector<16xi1>, vector<16xf32>
        tpu.vector_store_idx %arg6[%add3A_1286], %select_n3A_1348 : memref<16384xf32, #tpu.memory_space<vmem>>[vector<16xi32>], vector<16xf32>,
        %broadcast_in_dim3A_1349 = vector.broadcast %scan3A_62 : f32 to vector<16xf32>
        %select_n3A_1350 = arith.select %ge3A_1339, %gather3A_1295, %broadcast_in_dim3A_1349 : vector<16xi1>, vector<16xf32>
        tpu.vector_store_idx %arg6[%add3A_1289], %select_n3A_1350 : memref<16384xf32, #tpu.memory_space<vmem>>[vector<16xi32>], vector<16xf32>,
        %broadcast_in_dim3A_1351 = vector.broadcast %scan3A_62 : f32 to vector<16xf32>
        %select_n3A_1352 = arith.select %le3A_1344, %gather3A_1296, %broadcast_in_dim3A_1351 : vector<16xi1>, vector<16xf32>
        tpu.vector_store_idx %arg6[%add3A_1292], %select_n3A_1352 : memref<16384xf32, #tpu.memory_space<vmem>>[vector<16xi32>], vector<16xf32>,
        %scan3A_1353 = arith.constant 12 : i32
        %scan3A_1354 = arith.addi %scan3A_460, %scan3A_1353 : i32
        %shift_left3A_1355 = arith.constant 6 : i32
        %shift_left3A_1356 = arith.shli %scan3A_1354, %shift_left3A_1355 : i32
        %add3A_1357 = vector.broadcast %shift_left3A_1356 : i32 to vector<16xi32>
        %add3A_1358 = arith.addi %mul3A_5, %add3A_1357 : vector<16xi32>
        %add3A_1359 = arith.constant 1 : i32
        %add3A_1360 = vector.broadcast %add3A_1359 : i32 to vector<16xi32>
        %add3A_1361 = arith.addi %add3A_1358, %add3A_1360 : vector<16xi32>
        %add3A_1362 = arith.constant 2 : i32
        %add3A_1363 = vector.broadcast %add3A_1362 : i32 to vector<16xi32>
        %add3A_1364 = arith.addi %add3A_1358, %add3A_1363 : vector<16xi32>
        %add3A_1365 = arith.constant 3 : i32
        %add3A_1366 = vector.broadcast %add3A_1365 : i32 to vector<16xi32>
        %add3A_1367 = arith.addi %add3A_1358, %add3A_1366 : vector<16xi32>
        %gather3A_1368 = tpu.vector_load_idx %arg4[%add3A_1358] : memref<16384xf32, #tpu.memory_space<vmem>>[vector<16xi32>], vector<16xf32>,
        %gather3A_1369 = tpu.vector_load_idx %arg4[%add3A_1361] : memref<16384xf32, #tpu.memory_space<vmem>>[vector<16xi32>], vector<16xf32>,
        %gather3A_1370 = tpu.vector_load_idx %arg4[%add3A_1364] : memref<16384xf32, #tpu.memory_space<vmem>>[vector<16xi32>], vector<16xf32>,
        %gather3A_1371 = tpu.vector_load_idx %arg4[%add3A_1367] : memref<16384xf32, #tpu.memory_space<vmem>>[vector<16xi32>], vector<16xf32>,
        %mul3A_1372 = arith.mulf %gather3A_1368, %gather3A_1368 : vector<16xf32>
        %mul3A_1373 = arith.mulf %gather3A_1369, %gather3A_1369 : vector<16xf32>
        %mul3A_1374 = arith.mulf %gather3A_1370, %gather3A_1370 : vector<16xf32>
        %mul3A_1375 = arith.mulf %gather3A_1371, %gather3A_1371 : vector<16xf32>
        %ge3A_1376 = arith.cmpf oge, %mul3A_1372, %mul3A_1373 : vector<16xf32>
        %broadcast_in_dim3A_1377 = vector.broadcast %scan3A_61 : f32 to vector<16xf32>
        %broadcast_in_dim3A_1378 = vector.broadcast %scan3A_62 : f32 to vector<16xf32>
        %select_n3A_1379 = arith.select %ge3A_1376, %broadcast_in_dim3A_1377, %broadcast_in_dim3A_1378 : vector<16xi1>, vector<16xf32>
        %ge3A_1380 = arith.cmpf oge, %mul3A_1372, %mul3A_1374 : vector<16xf32>
        %broadcast_in_dim3A_1381 = vector.broadcast %scan3A_61 : f32 to vector<16xf32>
        %broadcast_in_dim3A_1382 = vector.broadcast %scan3A_62 : f32 to vector<16xf32>
        %select_n3A_1383 = arith.select %ge3A_1380, %broadcast_in_dim3A_1381, %broadcast_in_dim3A_1382 : vector<16xi1>, vector<16xf32>
        %ge3A_1384 = arith.cmpf oge, %mul3A_1372, %mul3A_1375 : vector<16xf32>
        %broadcast_in_dim3A_1385 = vector.broadcast %scan3A_61 : f32 to vector<16xf32>
        %broadcast_in_dim3A_1386 = vector.broadcast %scan3A_62 : f32 to vector<16xf32>
        %select_n3A_1387 = arith.select %ge3A_1384, %broadcast_in_dim3A_1385, %broadcast_in_dim3A_1386 : vector<16xi1>, vector<16xf32>
        %ge3A_1388 = arith.cmpf oge, %mul3A_1373, %mul3A_1374 : vector<16xf32>
        %broadcast_in_dim3A_1389 = vector.broadcast %scan3A_61 : f32 to vector<16xf32>
        %broadcast_in_dim3A_1390 = vector.broadcast %scan3A_62 : f32 to vector<16xf32>
        %select_n3A_1391 = arith.select %ge3A_1388, %broadcast_in_dim3A_1389, %broadcast_in_dim3A_1390 : vector<16xi1>, vector<16xf32>
        %ge3A_1392 = arith.cmpf oge, %mul3A_1373, %mul3A_1375 : vector<16xf32>
        %broadcast_in_dim3A_1393 = vector.broadcast %scan3A_61 : f32 to vector<16xf32>
        %broadcast_in_dim3A_1394 = vector.broadcast %scan3A_62 : f32 to vector<16xf32>
        %select_n3A_1395 = arith.select %ge3A_1392, %broadcast_in_dim3A_1393, %broadcast_in_dim3A_1394 : vector<16xi1>, vector<16xf32>
        %ge3A_1396 = arith.cmpf oge, %mul3A_1374, %mul3A_1375 : vector<16xf32>
        %broadcast_in_dim3A_1397 = vector.broadcast %scan3A_61 : f32 to vector<16xf32>
        %broadcast_in_dim3A_1398 = vector.broadcast %scan3A_62 : f32 to vector<16xf32>
        %select_n3A_1399 = arith.select %ge3A_1396, %broadcast_in_dim3A_1397, %broadcast_in_dim3A_1398 : vector<16xi1>, vector<16xf32>
        %add3A_1400 = arith.addf %select_n3A_1379, %select_n3A_1383 : vector<16xf32>
        %add3A_1401 = arith.addf %add3A_1400, %select_n3A_1387 : vector<16xf32>
        %ge3A_1402 = arith.constant 2.000000e+00 : f32
        %ge3A_1403 = vector.broadcast %ge3A_1402 : f32 to vector<16xf32>
        %ge3A_1404 = arith.cmpf oge, %add3A_1401, %ge3A_1403 : vector<16xf32>
        %add3A_1405 = arith.addf %select_n3A_1391, %select_n3A_1395 : vector<16xf32>
        %sub3A_1406 = arith.subf %add3A_1405, %select_n3A_1379 : vector<16xf32>
        %ge3A_1407 = arith.constant 1.000000e+00 : f32
        %ge3A_1408 = vector.broadcast %ge3A_1407 : f32 to vector<16xf32>
        %ge3A_1409 = arith.cmpf oge, %sub3A_1406, %ge3A_1408 : vector<16xf32>
        %sub3A_1410 = arith.subf %select_n3A_1399, %select_n3A_1383 : vector<16xf32>
        %sub3A_1411 = arith.subf %sub3A_1410, %select_n3A_1391 : vector<16xf32>
        %ge3A_1412 = arith.constant 0.000000e+00 : f32
        %ge3A_1413 = vector.broadcast %ge3A_1412 : f32 to vector<16xf32>
        %ge3A_1414 = arith.cmpf oge, %sub3A_1411, %ge3A_1413 : vector<16xf32>
        %add3A_1415 = arith.addf %select_n3A_1387, %select_n3A_1395 : vector<16xf32>
        %add3A_1416 = arith.addf %add3A_1415, %select_n3A_1399 : vector<16xf32>
        %le3A_1417 = arith.constant 1.000000e+00 : f32
        %le3A_1418 = vector.broadcast %le3A_1417 : f32 to vector<16xf32>
        %le3A_1419 = arith.cmpf ole, %add3A_1416, %le3A_1418 : vector<16xf32>
        %broadcast_in_dim3A_1420 = vector.broadcast %scan3A_62 : f32 to vector<16xf32>
        %select_n3A_1421 = arith.select %ge3A_1404, %gather3A_1368, %broadcast_in_dim3A_1420 : vector<16xi1>, vector<16xf32>
        tpu.vector_store_idx %arg6[%add3A_1358], %select_n3A_1421 : memref<16384xf32, #tpu.memory_space<vmem>>[vector<16xi32>], vector<16xf32>,
        %broadcast_in_dim3A_1422 = vector.broadcast %scan3A_62 : f32 to vector<16xf32>
        %select_n3A_1423 = arith.select %ge3A_1409, %gather3A_1369, %broadcast_in_dim3A_1422 : vector<16xi1>, vector<16xf32>
        tpu.vector_store_idx %arg6[%add3A_1361], %select_n3A_1423 : memref<16384xf32, #tpu.memory_space<vmem>>[vector<16xi32>], vector<16xf32>,
        %broadcast_in_dim3A_1424 = vector.broadcast %scan3A_62 : f32 to vector<16xf32>
        %select_n3A_1425 = arith.select %ge3A_1414, %gather3A_1370, %broadcast_in_dim3A_1424 : vector<16xi1>, vector<16xf32>
        tpu.vector_store_idx %arg6[%add3A_1364], %select_n3A_1425 : memref<16384xf32, #tpu.memory_space<vmem>>[vector<16xi32>], vector<16xf32>,
        %broadcast_in_dim3A_1426 = vector.broadcast %scan3A_62 : f32 to vector<16xf32>
        %select_n3A_1427 = arith.select %le3A_1419, %gather3A_1371, %broadcast_in_dim3A_1426 : vector<16xi1>, vector<16xf32>
        tpu.vector_store_idx %arg6[%add3A_1367], %select_n3A_1427 : memref<16384xf32, #tpu.memory_space<vmem>>[vector<16xi32>], vector<16xf32>,
        %scan3A_1428 = arith.constant 13 : i32
        %scan3A_1429 = arith.addi %scan3A_460, %scan3A_1428 : i32
        %shift_left3A_1430 = arith.constant 6 : i32
        %shift_left3A_1431 = arith.shli %scan3A_1429, %shift_left3A_1430 : i32
        %add3A_1432 = vector.broadcast %shift_left3A_1431 : i32 to vector<16xi32>
        %add3A_1433 = arith.addi %mul3A_5, %add3A_1432 : vector<16xi32>
        %add3A_1434 = arith.constant 1 : i32
        %add3A_1435 = vector.broadcast %add3A_1434 : i32 to vector<16xi32>
        %add3A_1436 = arith.addi %add3A_1433, %add3A_1435 : vector<16xi32>
        %add3A_1437 = arith.constant 2 : i32
        %add3A_1438 = vector.broadcast %add3A_1437 : i32 to vector<16xi32>
        %add3A_1439 = arith.addi %add3A_1433, %add3A_1438 : vector<16xi32>
        %add3A_1440 = arith.constant 3 : i32
        %add3A_1441 = vector.broadcast %add3A_1440 : i32 to vector<16xi32>
        %add3A_1442 = arith.addi %add3A_1433, %add3A_1441 : vector<16xi32>
        %gather3A_1443 = tpu.vector_load_idx %arg4[%add3A_1433] : memref<16384xf32, #tpu.memory_space<vmem>>[vector<16xi32>], vector<16xf32>,
        %gather3A_1444 = tpu.vector_load_idx %arg4[%add3A_1436] : memref<16384xf32, #tpu.memory_space<vmem>>[vector<16xi32>], vector<16xf32>,
        %gather3A_1445 = tpu.vector_load_idx %arg4[%add3A_1439] : memref<16384xf32, #tpu.memory_space<vmem>>[vector<16xi32>], vector<16xf32>,
        %gather3A_1446 = tpu.vector_load_idx %arg4[%add3A_1442] : memref<16384xf32, #tpu.memory_space<vmem>>[vector<16xi32>], vector<16xf32>,
        %mul3A_1447 = arith.mulf %gather3A_1443, %gather3A_1443 : vector<16xf32>
        %mul3A_1448 = arith.mulf %gather3A_1444, %gather3A_1444 : vector<16xf32>
        %mul3A_1449 = arith.mulf %gather3A_1445, %gather3A_1445 : vector<16xf32>
        %mul3A_1450 = arith.mulf %gather3A_1446, %gather3A_1446 : vector<16xf32>
        %ge3A_1451 = arith.cmpf oge, %mul3A_1447, %mul3A_1448 : vector<16xf32>
        %broadcast_in_dim3A_1452 = vector.broadcast %scan3A_61 : f32 to vector<16xf32>
        %broadcast_in_dim3A_1453 = vector.broadcast %scan3A_62 : f32 to vector<16xf32>
        %select_n3A_1454 = arith.select %ge3A_1451, %broadcast_in_dim3A_1452, %broadcast_in_dim3A_1453 : vector<16xi1>, vector<16xf32>
        %ge3A_1455 = arith.cmpf oge, %mul3A_1447, %mul3A_1449 : vector<16xf32>
        %broadcast_in_dim3A_1456 = vector.broadcast %scan3A_61 : f32 to vector<16xf32>
        %broadcast_in_dim3A_1457 = vector.broadcast %scan3A_62 : f32 to vector<16xf32>
        %select_n3A_1458 = arith.select %ge3A_1455, %broadcast_in_dim3A_1456, %broadcast_in_dim3A_1457 : vector<16xi1>, vector<16xf32>
        %ge3A_1459 = arith.cmpf oge, %mul3A_1447, %mul3A_1450 : vector<16xf32>
        %broadcast_in_dim3A_1460 = vector.broadcast %scan3A_61 : f32 to vector<16xf32>
        %broadcast_in_dim3A_1461 = vector.broadcast %scan3A_62 : f32 to vector<16xf32>
        %select_n3A_1462 = arith.select %ge3A_1459, %broadcast_in_dim3A_1460, %broadcast_in_dim3A_1461 : vector<16xi1>, vector<16xf32>
        %ge3A_1463 = arith.cmpf oge, %mul3A_1448, %mul3A_1449 : vector<16xf32>
        %broadcast_in_dim3A_1464 = vector.broadcast %scan3A_61 : f32 to vector<16xf32>
        %broadcast_in_dim3A_1465 = vector.broadcast %scan3A_62 : f32 to vector<16xf32>
        %select_n3A_1466 = arith.select %ge3A_1463, %broadcast_in_dim3A_1464, %broadcast_in_dim3A_1465 : vector<16xi1>, vector<16xf32>
        %ge3A_1467 = arith.cmpf oge, %mul3A_1448, %mul3A_1450 : vector<16xf32>
        %broadcast_in_dim3A_1468 = vector.broadcast %scan3A_61 : f32 to vector<16xf32>
        %broadcast_in_dim3A_1469 = vector.broadcast %scan3A_62 : f32 to vector<16xf32>
        %select_n3A_1470 = arith.select %ge3A_1467, %broadcast_in_dim3A_1468, %broadcast_in_dim3A_1469 : vector<16xi1>, vector<16xf32>
        %ge3A_1471 = arith.cmpf oge, %mul3A_1449, %mul3A_1450 : vector<16xf32>
        %broadcast_in_dim3A_1472 = vector.broadcast %scan3A_61 : f32 to vector<16xf32>
        %broadcast_in_dim3A_1473 = vector.broadcast %scan3A_62 : f32 to vector<16xf32>
        %select_n3A_1474 = arith.select %ge3A_1471, %broadcast_in_dim3A_1472, %broadcast_in_dim3A_1473 : vector<16xi1>, vector<16xf32>
        %add3A_1475 = arith.addf %select_n3A_1454, %select_n3A_1458 : vector<16xf32>
        %add3A_1476 = arith.addf %add3A_1475, %select_n3A_1462 : vector<16xf32>
        %ge3A_1477 = arith.constant 2.000000e+00 : f32
        %ge3A_1478 = vector.broadcast %ge3A_1477 : f32 to vector<16xf32>
        %ge3A_1479 = arith.cmpf oge, %add3A_1476, %ge3A_1478 : vector<16xf32>
        %add3A_1480 = arith.addf %select_n3A_1466, %select_n3A_1470 : vector<16xf32>
        %sub3A_1481 = arith.subf %add3A_1480, %select_n3A_1454 : vector<16xf32>
        %ge3A_1482 = arith.constant 1.000000e+00 : f32
        %ge3A_1483 = vector.broadcast %ge3A_1482 : f32 to vector<16xf32>
        %ge3A_1484 = arith.cmpf oge, %sub3A_1481, %ge3A_1483 : vector<16xf32>
        %sub3A_1485 = arith.subf %select_n3A_1474, %select_n3A_1458 : vector<16xf32>
        %sub3A_1486 = arith.subf %sub3A_1485, %select_n3A_1466 : vector<16xf32>
        %ge3A_1487 = arith.constant 0.000000e+00 : f32
        %ge3A_1488 = vector.broadcast %ge3A_1487 : f32 to vector<16xf32>
        %ge3A_1489 = arith.cmpf oge, %sub3A_1486, %ge3A_1488 : vector<16xf32>
        %add3A_1490 = arith.addf %select_n3A_1462, %select_n3A_1470 : vector<16xf32>
        %add3A_1491 = arith.addf %add3A_1490, %select_n3A_1474 : vector<16xf32>
        %le3A_1492 = arith.constant 1.000000e+00 : f32
        %le3A_1493 = vector.broadcast %le3A_1492 : f32 to vector<16xf32>
        %le3A_1494 = arith.cmpf ole, %add3A_1491, %le3A_1493 : vector<16xf32>
        %broadcast_in_dim3A_1495 = vector.broadcast %scan3A_62 : f32 to vector<16xf32>
        %select_n3A_1496 = arith.select %ge3A_1479, %gather3A_1443, %broadcast_in_dim3A_1495 : vector<16xi1>, vector<16xf32>
        tpu.vector_store_idx %arg6[%add3A_1433], %select_n3A_1496 : memref<16384xf32, #tpu.memory_space<vmem>>[vector<16xi32>], vector<16xf32>,
        %broadcast_in_dim3A_1497 = vector.broadcast %scan3A_62 : f32 to vector<16xf32>
        %select_n3A_1498 = arith.select %ge3A_1484, %gather3A_1444, %broadcast_in_dim3A_1497 : vector<16xi1>, vector<16xf32>
        tpu.vector_store_idx %arg6[%add3A_1436], %select_n3A_1498 : memref<16384xf32, #tpu.memory_space<vmem>>[vector<16xi32>], vector<16xf32>,
        %broadcast_in_dim3A_1499 = vector.broadcast %scan3A_62 : f32 to vector<16xf32>
        %select_n3A_1500 = arith.select %ge3A_1489, %gather3A_1445, %broadcast_in_dim3A_1499 : vector<16xi1>, vector<16xf32>
        tpu.vector_store_idx %arg6[%add3A_1439], %select_n3A_1500 : memref<16384xf32, #tpu.memory_space<vmem>>[vector<16xi32>], vector<16xf32>,
        %broadcast_in_dim3A_1501 = vector.broadcast %scan3A_62 : f32 to vector<16xf32>
        %select_n3A_1502 = arith.select %le3A_1494, %gather3A_1446, %broadcast_in_dim3A_1501 : vector<16xi1>, vector<16xf32>
        tpu.vector_store_idx %arg6[%add3A_1442], %select_n3A_1502 : memref<16384xf32, #tpu.memory_space<vmem>>[vector<16xi32>], vector<16xf32>,
        %scan3A_1503 = arith.constant 14 : i32
        %scan3A_1504 = arith.addi %scan3A_460, %scan3A_1503 : i32
        %shift_left3A_1505 = arith.constant 6 : i32
        %shift_left3A_1506 = arith.shli %scan3A_1504, %shift_left3A_1505 : i32
        %add3A_1507 = vector.broadcast %shift_left3A_1506 : i32 to vector<16xi32>
        %add3A_1508 = arith.addi %mul3A_5, %add3A_1507 : vector<16xi32>
        %add3A_1509 = arith.constant 1 : i32
        %add3A_1510 = vector.broadcast %add3A_1509 : i32 to vector<16xi32>
        %add3A_1511 = arith.addi %add3A_1508, %add3A_1510 : vector<16xi32>
        %add3A_1512 = arith.constant 2 : i32
        %add3A_1513 = vector.broadcast %add3A_1512 : i32 to vector<16xi32>
        %add3A_1514 = arith.addi %add3A_1508, %add3A_1513 : vector<16xi32>
        %add3A_1515 = arith.constant 3 : i32
        %add3A_1516 = vector.broadcast %add3A_1515 : i32 to vector<16xi32>
        %add3A_1517 = arith.addi %add3A_1508, %add3A_1516 : vector<16xi32>
        %gather3A_1518 = tpu.vector_load_idx %arg4[%add3A_1508] : memref<16384xf32, #tpu.memory_space<vmem>>[vector<16xi32>], vector<16xf32>,
        %gather3A_1519 = tpu.vector_load_idx %arg4[%add3A_1511] : memref<16384xf32, #tpu.memory_space<vmem>>[vector<16xi32>], vector<16xf32>,
        %gather3A_1520 = tpu.vector_load_idx %arg4[%add3A_1514] : memref<16384xf32, #tpu.memory_space<vmem>>[vector<16xi32>], vector<16xf32>,
        %gather3A_1521 = tpu.vector_load_idx %arg4[%add3A_1517] : memref<16384xf32, #tpu.memory_space<vmem>>[vector<16xi32>], vector<16xf32>,
        %mul3A_1522 = arith.mulf %gather3A_1518, %gather3A_1518 : vector<16xf32>
        %mul3A_1523 = arith.mulf %gather3A_1519, %gather3A_1519 : vector<16xf32>
        %mul3A_1524 = arith.mulf %gather3A_1520, %gather3A_1520 : vector<16xf32>
        %mul3A_1525 = arith.mulf %gather3A_1521, %gather3A_1521 : vector<16xf32>
        %ge3A_1526 = arith.cmpf oge, %mul3A_1522, %mul3A_1523 : vector<16xf32>
        %broadcast_in_dim3A_1527 = vector.broadcast %scan3A_61 : f32 to vector<16xf32>
        %broadcast_in_dim3A_1528 = vector.broadcast %scan3A_62 : f32 to vector<16xf32>
        %select_n3A_1529 = arith.select %ge3A_1526, %broadcast_in_dim3A_1527, %broadcast_in_dim3A_1528 : vector<16xi1>, vector<16xf32>
        %ge3A_1530 = arith.cmpf oge, %mul3A_1522, %mul3A_1524 : vector<16xf32>
        %broadcast_in_dim3A_1531 = vector.broadcast %scan3A_61 : f32 to vector<16xf32>
        %broadcast_in_dim3A_1532 = vector.broadcast %scan3A_62 : f32 to vector<16xf32>
        %select_n3A_1533 = arith.select %ge3A_1530, %broadcast_in_dim3A_1531, %broadcast_in_dim3A_1532 : vector<16xi1>, vector<16xf32>
        %ge3A_1534 = arith.cmpf oge, %mul3A_1522, %mul3A_1525 : vector<16xf32>
        %broadcast_in_dim3A_1535 = vector.broadcast %scan3A_61 : f32 to vector<16xf32>
        %broadcast_in_dim3A_1536 = vector.broadcast %scan3A_62 : f32 to vector<16xf32>
        %select_n3A_1537 = arith.select %ge3A_1534, %broadcast_in_dim3A_1535, %broadcast_in_dim3A_1536 : vector<16xi1>, vector<16xf32>
        %ge3A_1538 = arith.cmpf oge, %mul3A_1523, %mul3A_1524 : vector<16xf32>
        %broadcast_in_dim3A_1539 = vector.broadcast %scan3A_61 : f32 to vector<16xf32>
        %broadcast_in_dim3A_1540 = vector.broadcast %scan3A_62 : f32 to vector<16xf32>
        %select_n3A_1541 = arith.select %ge3A_1538, %broadcast_in_dim3A_1539, %broadcast_in_dim3A_1540 : vector<16xi1>, vector<16xf32>
        %ge3A_1542 = arith.cmpf oge, %mul3A_1523, %mul3A_1525 : vector<16xf32>
        %broadcast_in_dim3A_1543 = vector.broadcast %scan3A_61 : f32 to vector<16xf32>
        %broadcast_in_dim3A_1544 = vector.broadcast %scan3A_62 : f32 to vector<16xf32>
        %select_n3A_1545 = arith.select %ge3A_1542, %broadcast_in_dim3A_1543, %broadcast_in_dim3A_1544 : vector<16xi1>, vector<16xf32>
        %ge3A_1546 = arith.cmpf oge, %mul3A_1524, %mul3A_1525 : vector<16xf32>
        %broadcast_in_dim3A_1547 = vector.broadcast %scan3A_61 : f32 to vector<16xf32>
        %broadcast_in_dim3A_1548 = vector.broadcast %scan3A_62 : f32 to vector<16xf32>
        %select_n3A_1549 = arith.select %ge3A_1546, %broadcast_in_dim3A_1547, %broadcast_in_dim3A_1548 : vector<16xi1>, vector<16xf32>
        %add3A_1550 = arith.addf %select_n3A_1529, %select_n3A_1533 : vector<16xf32>
        %add3A_1551 = arith.addf %add3A_1550, %select_n3A_1537 : vector<16xf32>
        %ge3A_1552 = arith.constant 2.000000e+00 : f32
        %ge3A_1553 = vector.broadcast %ge3A_1552 : f32 to vector<16xf32>
        %ge3A_1554 = arith.cmpf oge, %add3A_1551, %ge3A_1553 : vector<16xf32>
        %add3A_1555 = arith.addf %select_n3A_1541, %select_n3A_1545 : vector<16xf32>
        %sub3A_1556 = arith.subf %add3A_1555, %select_n3A_1529 : vector<16xf32>
        %ge3A_1557 = arith.constant 1.000000e+00 : f32
        %ge3A_1558 = vector.broadcast %ge3A_1557 : f32 to vector<16xf32>
        %ge3A_1559 = arith.cmpf oge, %sub3A_1556, %ge3A_1558 : vector<16xf32>
        %sub3A_1560 = arith.subf %select_n3A_1549, %select_n3A_1533 : vector<16xf32>
        %sub3A_1561 = arith.subf %sub3A_1560, %select_n3A_1541 : vector<16xf32>
        %ge3A_1562 = arith.constant 0.000000e+00 : f32
        %ge3A_1563 = vector.broadcast %ge3A_1562 : f32 to vector<16xf32>
        %ge3A_1564 = arith.cmpf oge, %sub3A_1561, %ge3A_1563 : vector<16xf32>
        %add3A_1565 = arith.addf %select_n3A_1537, %select_n3A_1545 : vector<16xf32>
        %add3A_1566 = arith.addf %add3A_1565, %select_n3A_1549 : vector<16xf32>
        %le3A_1567 = arith.constant 1.000000e+00 : f32
        %le3A_1568 = vector.broadcast %le3A_1567 : f32 to vector<16xf32>
        %le3A_1569 = arith.cmpf ole, %add3A_1566, %le3A_1568 : vector<16xf32>
        %broadcast_in_dim3A_1570 = vector.broadcast %scan3A_62 : f32 to vector<16xf32>
        %select_n3A_1571 = arith.select %ge3A_1554, %gather3A_1518, %broadcast_in_dim3A_1570 : vector<16xi1>, vector<16xf32>
        tpu.vector_store_idx %arg6[%add3A_1508], %select_n3A_1571 : memref<16384xf32, #tpu.memory_space<vmem>>[vector<16xi32>], vector<16xf32>,
        %broadcast_in_dim3A_1572 = vector.broadcast %scan3A_62 : f32 to vector<16xf32>
        %select_n3A_1573 = arith.select %ge3A_1559, %gather3A_1519, %broadcast_in_dim3A_1572 : vector<16xi1>, vector<16xf32>
        tpu.vector_store_idx %arg6[%add3A_1511], %select_n3A_1573 : memref<16384xf32, #tpu.memory_space<vmem>>[vector<16xi32>], vector<16xf32>,
        %broadcast_in_dim3A_1574 = vector.broadcast %scan3A_62 : f32 to vector<16xf32>
        %select_n3A_1575 = arith.select %ge3A_1564, %gather3A_1520, %broadcast_in_dim3A_1574 : vector<16xi1>, vector<16xf32>
        tpu.vector_store_idx %arg6[%add3A_1514], %select_n3A_1575 : memref<16384xf32, #tpu.memory_space<vmem>>[vector<16xi32>], vector<16xf32>,
        %broadcast_in_dim3A_1576 = vector.broadcast %scan3A_62 : f32 to vector<16xf32>
        %select_n3A_1577 = arith.select %le3A_1569, %gather3A_1521, %broadcast_in_dim3A_1576 : vector<16xi1>, vector<16xf32>
        tpu.vector_store_idx %arg6[%add3A_1517], %select_n3A_1577 : memref<16384xf32, #tpu.memory_space<vmem>>[vector<16xi32>], vector<16xf32>,
        %scan3A_1578 = arith.constant 15 : i32
        %scan3A_1579 = arith.addi %scan3A_460, %scan3A_1578 : i32
        %shift_left3A_1580 = arith.constant 6 : i32
        %shift_left3A_1581 = arith.shli %scan3A_1579, %shift_left3A_1580 : i32
        %add3A_1582 = vector.broadcast %shift_left3A_1581 : i32 to vector<16xi32>
        %add3A_1583 = arith.addi %mul3A_5, %add3A_1582 : vector<16xi32>
        %add3A_1584 = arith.constant 1 : i32
        %add3A_1585 = vector.broadcast %add3A_1584 : i32 to vector<16xi32>
        %add3A_1586 = arith.addi %add3A_1583, %add3A_1585 : vector<16xi32>
        %add3A_1587 = arith.constant 2 : i32
        %add3A_1588 = vector.broadcast %add3A_1587 : i32 to vector<16xi32>
        %add3A_1589 = arith.addi %add3A_1583, %add3A_1588 : vector<16xi32>
        %add3A_1590 = arith.constant 3 : i32
        %add3A_1591 = vector.broadcast %add3A_1590 : i32 to vector<16xi32>
        %add3A_1592 = arith.addi %add3A_1583, %add3A_1591 : vector<16xi32>
        %gather3A_1593 = tpu.vector_load_idx %arg4[%add3A_1583] : memref<16384xf32, #tpu.memory_space<vmem>>[vector<16xi32>], vector<16xf32>,
        %gather3A_1594 = tpu.vector_load_idx %arg4[%add3A_1586] : memref<16384xf32, #tpu.memory_space<vmem>>[vector<16xi32>], vector<16xf32>,
        %gather3A_1595 = tpu.vector_load_idx %arg4[%add3A_1589] : memref<16384xf32, #tpu.memory_space<vmem>>[vector<16xi32>], vector<16xf32>,
        %gather3A_1596 = tpu.vector_load_idx %arg4[%add3A_1592] : memref<16384xf32, #tpu.memory_space<vmem>>[vector<16xi32>], vector<16xf32>,
        %mul3A_1597 = arith.mulf %gather3A_1593, %gather3A_1593 : vector<16xf32>
        %mul3A_1598 = arith.mulf %gather3A_1594, %gather3A_1594 : vector<16xf32>
        %mul3A_1599 = arith.mulf %gather3A_1595, %gather3A_1595 : vector<16xf32>
        %mul3A_1600 = arith.mulf %gather3A_1596, %gather3A_1596 : vector<16xf32>
        %ge3A_1601 = arith.cmpf oge, %mul3A_1597, %mul3A_1598 : vector<16xf32>
        %broadcast_in_dim3A_1602 = vector.broadcast %scan3A_61 : f32 to vector<16xf32>
        %broadcast_in_dim3A_1603 = vector.broadcast %scan3A_62 : f32 to vector<16xf32>
        %select_n3A_1604 = arith.select %ge3A_1601, %broadcast_in_dim3A_1602, %broadcast_in_dim3A_1603 : vector<16xi1>, vector<16xf32>
        %ge3A_1605 = arith.cmpf oge, %mul3A_1597, %mul3A_1599 : vector<16xf32>
        %broadcast_in_dim3A_1606 = vector.broadcast %scan3A_61 : f32 to vector<16xf32>
        %broadcast_in_dim3A_1607 = vector.broadcast %scan3A_62 : f32 to vector<16xf32>
        %select_n3A_1608 = arith.select %ge3A_1605, %broadcast_in_dim3A_1606, %broadcast_in_dim3A_1607 : vector<16xi1>, vector<16xf32>
        %ge3A_1609 = arith.cmpf oge, %mul3A_1597, %mul3A_1600 : vector<16xf32>
        %broadcast_in_dim3A_1610 = vector.broadcast %scan3A_61 : f32 to vector<16xf32>
        %broadcast_in_dim3A_1611 = vector.broadcast %scan3A_62 : f32 to vector<16xf32>
        %select_n3A_1612 = arith.select %ge3A_1609, %broadcast_in_dim3A_1610, %broadcast_in_dim3A_1611 : vector<16xi1>, vector<16xf32>
        %ge3A_1613 = arith.cmpf oge, %mul3A_1598, %mul3A_1599 : vector<16xf32>
        %broadcast_in_dim3A_1614 = vector.broadcast %scan3A_61 : f32 to vector<16xf32>
        %broadcast_in_dim3A_1615 = vector.broadcast %scan3A_62 : f32 to vector<16xf32>
        %select_n3A_1616 = arith.select %ge3A_1613, %broadcast_in_dim3A_1614, %broadcast_in_dim3A_1615 : vector<16xi1>, vector<16xf32>
        %ge3A_1617 = arith.cmpf oge, %mul3A_1598, %mul3A_1600 : vector<16xf32>
        %broadcast_in_dim3A_1618 = vector.broadcast %scan3A_61 : f32 to vector<16xf32>
        %broadcast_in_dim3A_1619 = vector.broadcast %scan3A_62 : f32 to vector<16xf32>
        %select_n3A_1620 = arith.select %ge3A_1617, %broadcast_in_dim3A_1618, %broadcast_in_dim3A_1619 : vector<16xi1>, vector<16xf32>
        %ge3A_1621 = arith.cmpf oge, %mul3A_1599, %mul3A_1600 : vector<16xf32>
        %broadcast_in_dim3A_1622 = vector.broadcast %scan3A_61 : f32 to vector<16xf32>
        %broadcast_in_dim3A_1623 = vector.broadcast %scan3A_62 : f32 to vector<16xf32>
        %select_n3A_1624 = arith.select %ge3A_1621, %broadcast_in_dim3A_1622, %broadcast_in_dim3A_1623 : vector<16xi1>, vector<16xf32>
        %add3A_1625 = arith.addf %select_n3A_1604, %select_n3A_1608 : vector<16xf32>
        %add3A_1626 = arith.addf %add3A_1625, %select_n3A_1612 : vector<16xf32>
        %ge3A_1627 = arith.constant 2.000000e+00 : f32
        %ge3A_1628 = vector.broadcast %ge3A_1627 : f32 to vector<16xf32>
        %ge3A_1629 = arith.cmpf oge, %add3A_1626, %ge3A_1628 : vector<16xf32>
        %add3A_1630 = arith.addf %select_n3A_1616, %select_n3A_1620 : vector<16xf32>
        %sub3A_1631 = arith.subf %add3A_1630, %select_n3A_1604 : vector<16xf32>
        %ge3A_1632 = arith.constant 1.000000e+00 : f32
        %ge3A_1633 = vector.broadcast %ge3A_1632 : f32 to vector<16xf32>
        %ge3A_1634 = arith.cmpf oge, %sub3A_1631, %ge3A_1633 : vector<16xf32>
        %sub3A_1635 = arith.subf %select_n3A_1624, %select_n3A_1608 : vector<16xf32>
        %sub3A_1636 = arith.subf %sub3A_1635, %select_n3A_1616 : vector<16xf32>
        %ge3A_1637 = arith.constant 0.000000e+00 : f32
        %ge3A_1638 = vector.broadcast %ge3A_1637 : f32 to vector<16xf32>
        %ge3A_1639 = arith.cmpf oge, %sub3A_1636, %ge3A_1638 : vector<16xf32>
        %add3A_1640 = arith.addf %select_n3A_1612, %select_n3A_1620 : vector<16xf32>
        %add3A_1641 = arith.addf %add3A_1640, %select_n3A_1624 : vector<16xf32>
        %le3A_1642 = arith.constant 1.000000e+00 : f32
        %le3A_1643 = vector.broadcast %le3A_1642 : f32 to vector<16xf32>
        %le3A_1644 = arith.cmpf ole, %add3A_1641, %le3A_1643 : vector<16xf32>
        %broadcast_in_dim3A_1645 = vector.broadcast %scan3A_62 : f32 to vector<16xf32>
        %select_n3A_1646 = arith.select %ge3A_1629, %gather3A_1593, %broadcast_in_dim3A_1645 : vector<16xi1>, vector<16xf32>
        tpu.vector_store_idx %arg6[%add3A_1583], %select_n3A_1646 : memref<16384xf32, #tpu.memory_space<vmem>>[vector<16xi32>], vector<16xf32>,
        %broadcast_in_dim3A_1647 = vector.broadcast %scan3A_62 : f32 to vector<16xf32>
        %select_n3A_1648 = arith.select %ge3A_1634, %gather3A_1594, %broadcast_in_dim3A_1647 : vector<16xi1>, vector<16xf32>
        tpu.vector_store_idx %arg6[%add3A_1586], %select_n3A_1648 : memref<16384xf32, #tpu.memory_space<vmem>>[vector<16xi32>], vector<16xf32>,
        %broadcast_in_dim3A_1649 = vector.broadcast %scan3A_62 : f32 to vector<16xf32>
        %select_n3A_1650 = arith.select %ge3A_1639, %gather3A_1595, %broadcast_in_dim3A_1649 : vector<16xi1>, vector<16xf32>
        tpu.vector_store_idx %arg6[%add3A_1589], %select_n3A_1650 : memref<16384xf32, #tpu.memory_space<vmem>>[vector<16xi32>], vector<16xf32>,
        %broadcast_in_dim3A_1651 = vector.broadcast %scan3A_62 : f32 to vector<16xf32>
        %select_n3A_1652 = arith.select %le3A_1644, %gather3A_1596, %broadcast_in_dim3A_1651 : vector<16xi1>, vector<16xf32>
        tpu.vector_store_idx %arg6[%add3A_1592], %select_n3A_1652 : memref<16384xf32, #tpu.memory_space<vmem>>[vector<16xi32>], vector<16xf32>,
      }
      %scan3A_257 = arith.constant 256 : i32
      %mul3A_258 = arith.constant 4 : i32
      %mul3A_259 = arith.muli %add3A_183, %mul3A_258 : i32
      %add3A_260 = arith.addi %mul3A_2, %mul3A_259 : i32
      %add3A_261 = arith.constant 0 : i32
      %add3A_262 = arith.addi %add3A_260, %add3A_261 : i32
      %mul3A_263 = arith.constant 4 : i32
      %mul3A_264 = arith.muli %add3A_183, %mul3A_263 : i32
      %add3A_265 = arith.addi %mul3A_2, %mul3A_264 : i32
      %add3A_266 = arith.constant 1 : i32
      %add3A_267 = arith.addi %add3A_265, %add3A_266 : i32
      %mul3A_268 = arith.constant 4 : i32
      %mul3A_269 = arith.muli %add3A_183, %mul3A_268 : i32
      %add3A_270 = arith.addi %mul3A_2, %mul3A_269 : i32
      %add3A_271 = arith.constant 2 : i32
      %add3A_272 = arith.addi %add3A_270, %add3A_271 : i32
      %mul3A_273 = arith.constant 4 : i32
      %mul3A_274 = arith.muli %add3A_183, %mul3A_273 : i32
      %add3A_275 = arith.addi %mul3A_2, %mul3A_274 : i32
      %add3A_276 = arith.constant 3 : i32
      %add3A_277 = arith.addi %add3A_275, %add3A_276 : i32
      %dma_start3A_278 = arith.constant 0 : i32
      %dma_start3A_279 = tpu.memref_slice %arg6[%dma_start3A_278] : memref<16384xf32, #tpu.memory_space<vmem>> -> memref<4096xf32, #tpu.memory_space<vmem>>
      %dma_start3A_280 = arith.constant 0 : i32
      %dma_start3A_281 = tpu.memref_slice %arg3[%add3A_262, %dma_start3A_280] : memref<4096x4096xf32, #tpu.memory_space<hbm>> -> memref<1x4096xf32, #tpu.memory_space<hbm>>
      %dma_start3A_282 = tpu.memref_squeeze %dma_start3A_281 : memref<1x4096xf32, #tpu.memory_space<hbm>> -> memref<4096xf32, #tpu.memory_space<hbm>>
      %dma_start3A_283 = arith.constant 0 : i32
      %dma_start3A_284 = tpu.memref_slice %arg3[%add3A_262, %dma_start3A_283] : memref<4096x4096xf32, #tpu.memory_space<hbm>> -> memref<1x4096xf32, #tpu.memory_space<hbm>>
      %dma_start3A_285 = tpu.memref_squeeze %dma_start3A_284 : memref<1x4096xf32, #tpu.memory_space<hbm>> -> memref<4096xf32, #tpu.memory_space<hbm>>
      %dma_start3A_286 = arith.constant 0 : i32
      %dma_start3A_287 = tpu.memref_slice %arg6[%dma_start3A_286] : memref<16384xf32, #tpu.memory_space<vmem>> -> memref<4096xf32, #tpu.memory_space<vmem>>
      tpu.enqueue_dma source(%dma_start3A_287 : memref<4096xf32, #tpu.memory_space<vmem>>) target(%dma_start3A_285 : memref<4096xf32, #tpu.memory_space<hbm>>) target_semaphore(%arg10 : memref<!tpu.dma_semaphore, #tpu.memory_space<semaphore_mem>>)
      %dma_start3A_288 = arith.constant 4096 : i32
      %dma_start3A_289 = tpu.memref_slice %arg6[%dma_start3A_288] : memref<16384xf32, #tpu.memory_space<vmem>> -> memref<4096xf32, #tpu.memory_space<vmem>>
      %dma_start3A_290 = arith.constant 0 : i32
      %dma_start3A_291 = tpu.memref_slice %arg3[%add3A_267, %dma_start3A_290] : memref<4096x4096xf32, #tpu.memory_space<hbm>> -> memref<1x4096xf32, #tpu.memory_space<hbm>>
      %dma_start3A_292 = tpu.memref_squeeze %dma_start3A_291 : memref<1x4096xf32, #tpu.memory_space<hbm>> -> memref<4096xf32, #tpu.memory_space<hbm>>
      %dma_start3A_293 = arith.constant 0 : i32
      %dma_start3A_294 = tpu.memref_slice %arg3[%add3A_267, %dma_start3A_293] : memref<4096x4096xf32, #tpu.memory_space<hbm>> -> memref<1x4096xf32, #tpu.memory_space<hbm>>
      %dma_start3A_295 = tpu.memref_squeeze %dma_start3A_294 : memref<1x4096xf32, #tpu.memory_space<hbm>> -> memref<4096xf32, #tpu.memory_space<hbm>>
      %dma_start3A_296 = arith.constant 4096 : i32
      %dma_start3A_297 = tpu.memref_slice %arg6[%dma_start3A_296] : memref<16384xf32, #tpu.memory_space<vmem>> -> memref<4096xf32, #tpu.memory_space<vmem>>
      tpu.enqueue_dma source(%dma_start3A_297 : memref<4096xf32, #tpu.memory_space<vmem>>) target(%dma_start3A_295 : memref<4096xf32, #tpu.memory_space<hbm>>) target_semaphore(%arg10 : memref<!tpu.dma_semaphore, #tpu.memory_space<semaphore_mem>>)
      %dma_start3A_298 = arith.constant 8192 : i32
      %dma_start3A_299 = tpu.memref_slice %arg6[%dma_start3A_298] : memref<16384xf32, #tpu.memory_space<vmem>> -> memref<4096xf32, #tpu.memory_space<vmem>>
      %dma_start3A_300 = arith.constant 0 : i32
      %dma_start3A_301 = tpu.memref_slice %arg3[%add3A_272, %dma_start3A_300] : memref<4096x4096xf32, #tpu.memory_space<hbm>> -> memref<1x4096xf32, #tpu.memory_space<hbm>>
      %dma_start3A_302 = tpu.memref_squeeze %dma_start3A_301 : memref<1x4096xf32, #tpu.memory_space<hbm>> -> memref<4096xf32, #tpu.memory_space<hbm>>
      %dma_start3A_303 = arith.constant 0 : i32
      %dma_start3A_304 = tpu.memref_slice %arg3[%add3A_272, %dma_start3A_303] : memref<4096x4096xf32, #tpu.memory_space<hbm>> -> memref<1x4096xf32, #tpu.memory_space<hbm>>
      %dma_start3A_305 = tpu.memref_squeeze %dma_start3A_304 : memref<1x4096xf32, #tpu.memory_space<hbm>> -> memref<4096xf32, #tpu.memory_space<hbm>>
      %dma_start3A_306 = arith.constant 8192 : i32
      %dma_start3A_307 = tpu.memref_slice %arg6[%dma_start3A_306] : memref<16384xf32, #tpu.memory_space<vmem>> -> memref<4096xf32, #tpu.memory_space<vmem>>
      tpu.enqueue_dma source(%dma_start3A_307 : memref<4096xf32, #tpu.memory_space<vmem>>) target(%dma_start3A_305 : memref<4096xf32, #tpu.memory_space<hbm>>) target_semaphore(%arg10 : memref<!tpu.dma_semaphore, #tpu.memory_space<semaphore_mem>>)
      %dma_start3A_308 = arith.constant 12288 : i32
      %dma_start3A_309 = tpu.memref_slice %arg6[%dma_start3A_308] : memref<16384xf32, #tpu.memory_space<vmem>> -> memref<4096xf32, #tpu.memory_space<vmem>>
      %dma_start3A_310 = arith.constant 0 : i32
      %dma_start3A_311 = tpu.memref_slice %arg3[%add3A_277, %dma_start3A_310] : memref<4096x4096xf32, #tpu.memory_space<hbm>> -> memref<1x4096xf32, #tpu.memory_space<hbm>>
      %dma_start3A_312 = tpu.memref_squeeze %dma_start3A_311 : memref<1x4096xf32, #tpu.memory_space<hbm>> -> memref<4096xf32, #tpu.memory_space<hbm>>
      %dma_start3A_313 = arith.constant 0 : i32
      %dma_start3A_314 = tpu.memref_slice %arg3[%add3A_277, %dma_start3A_313] : memref<4096x4096xf32, #tpu.memory_space<hbm>> -> memref<1x4096xf32, #tpu.memory_space<hbm>>
      %dma_start3A_315 = tpu.memref_squeeze %dma_start3A_314 : memref<1x4096xf32, #tpu.memory_space<hbm>> -> memref<4096xf32, #tpu.memory_space<hbm>>
      %dma_start3A_316 = arith.constant 12288 : i32
      %dma_start3A_317 = tpu.memref_slice %arg6[%dma_start3A_316] : memref<16384xf32, #tpu.memory_space<vmem>> -> memref<4096xf32, #tpu.memory_space<vmem>>
      tpu.enqueue_dma source(%dma_start3A_317 : memref<4096xf32, #tpu.memory_space<vmem>>) target(%dma_start3A_315 : memref<4096xf32, #tpu.memory_space<hbm>>) target_semaphore(%arg10 : memref<!tpu.dma_semaphore, #tpu.memory_space<semaphore_mem>>)
      %mul3A_318 = arith.constant 2 : i32
      %mul3A_319 = arith.muli %scan3A_179, %mul3A_318 : i32
      %add3A_320 = arith.constant 1 : i32
      %add3A_321 = arith.addi %mul3A_319, %add3A_320 : i32
      %add3A_322 = arith.constant 1 : i32
      %add3A_323 = arith.addi %add3A_321, %add3A_322 : i32
      %lt3A_324 = arith.constant 32 : i32
      %lt3A_325 = arith.cmpi slt, %add3A_323, %lt3A_324 : i32
      %convert_element_type3A_326 = arith.extui %lt3A_325 : i1 to i32
      %cond3A_327 = arith.constant 0 : i32
      %cond3A_328 = arith.cmpi ne, %convert_element_type3A_326, %cond3A_327 : i32
      scf.if %cond3A_328 {
        %add3A_460 = arith.constant 1 : i32
        %add3A_461 = arith.addi %add3A_321, %add3A_460 : i32
        %mul3A_462 = arith.constant 4 : i32
        %mul3A_463 = arith.muli %add3A_461, %mul3A_462 : i32
        %add3A_464 = arith.addi %mul3A_2, %mul3A_463 : i32
        %add3A_465 = arith.constant 0 : i32
        %add3A_466 = arith.addi %add3A_464, %add3A_465 : i32
        %mul3A_467 = arith.constant 4 : i32
        %mul3A_468 = arith.muli %add3A_461, %mul3A_467 : i32
        %add3A_469 = arith.addi %mul3A_2, %mul3A_468 : i32
        %add3A_470 = arith.constant 1 : i32
        %add3A_471 = arith.addi %add3A_469, %add3A_470 : i32
        %mul3A_472 = arith.constant 4 : i32
        %mul3A_473 = arith.muli %add3A_461, %mul3A_472 : i32
        %add3A_474 = arith.addi %mul3A_2, %mul3A_473 : i32
        %add3A_475 = arith.constant 2 : i32
        %add3A_476 = arith.addi %add3A_474, %add3A_475 : i32
        %mul3A_477 = arith.constant 4 : i32
        %mul3A_478 = arith.muli %add3A_461, %mul3A_477 : i32
        %add3A_479 = arith.addi %mul3A_2, %mul3A_478 : i32
        %add3A_480 = arith.constant 3 : i32
        %add3A_481 = arith.addi %add3A_479, %add3A_480 : i32
        %dma_start3A_482 = arith.constant 0 : i32
        %dma_start3A_483 = tpu.memref_slice %arg4[%dma_start3A_482] : memref<16384xf32, #tpu.memory_space<vmem>> -> memref<4096xf32, #tpu.memory_space<vmem>>
        %dma_start3A_484 = arith.constant 0 : i32
        %dma_start3A_485 = tpu.memref_slice %arg2[%add3A_466, %dma_start3A_484] : memref<4096x4096xf32, #tpu.memory_space<hbm>> -> memref<1x4096xf32, #tpu.memory_space<hbm>>
        %dma_start3A_486 = tpu.memref_squeeze %dma_start3A_485 : memref<1x4096xf32, #tpu.memory_space<hbm>> -> memref<4096xf32, #tpu.memory_space<hbm>>
        %dma_start3A_487 = arith.constant 0 : i32
        %dma_start3A_488 = tpu.memref_slice %arg4[%dma_start3A_487] : memref<16384xf32, #tpu.memory_space<vmem>> -> memref<4096xf32, #tpu.memory_space<vmem>>
        %dma_start3A_489 = arith.constant 0 : i32
        %dma_start3A_490 = tpu.memref_slice %arg2[%add3A_466, %dma_start3A_489] : memref<4096x4096xf32, #tpu.memory_space<hbm>> -> memref<1x4096xf32, #tpu.memory_space<hbm>>
        %dma_start3A_491 = tpu.memref_squeeze %dma_start3A_490 : memref<1x4096xf32, #tpu.memory_space<hbm>> -> memref<4096xf32, #tpu.memory_space<hbm>>
        tpu.enqueue_dma source(%dma_start3A_491 : memref<4096xf32, #tpu.memory_space<hbm>>) target(%dma_start3A_488 : memref<4096xf32, #tpu.memory_space<vmem>>) target_semaphore(%arg8 : memref<!tpu.dma_semaphore, #tpu.memory_space<semaphore_mem>>)
        %dma_start3A_492 = arith.constant 4096 : i32
        %dma_start3A_493 = tpu.memref_slice %arg4[%dma_start3A_492] : memref<16384xf32, #tpu.memory_space<vmem>> -> memref<4096xf32, #tpu.memory_space<vmem>>
        %dma_start3A_494 = arith.constant 0 : i32
        %dma_start3A_495 = tpu.memref_slice %arg2[%add3A_471, %dma_start3A_494] : memref<4096x4096xf32, #tpu.memory_space<hbm>> -> memref<1x4096xf32, #tpu.memory_space<hbm>>
        %dma_start3A_496 = tpu.memref_squeeze %dma_start3A_495 : memref<1x4096xf32, #tpu.memory_space<hbm>> -> memref<4096xf32, #tpu.memory_space<hbm>>
        %dma_start3A_497 = arith.constant 4096 : i32
        %dma_start3A_498 = tpu.memref_slice %arg4[%dma_start3A_497] : memref<16384xf32, #tpu.memory_space<vmem>> -> memref<4096xf32, #tpu.memory_space<vmem>>
        %dma_start3A_499 = arith.constant 0 : i32
        %dma_start3A_500 = tpu.memref_slice %arg2[%add3A_471, %dma_start3A_499] : memref<4096x4096xf32, #tpu.memory_space<hbm>> -> memref<1x4096xf32, #tpu.memory_space<hbm>>
        %dma_start3A_501 = tpu.memref_squeeze %dma_start3A_500 : memref<1x4096xf32, #tpu.memory_space<hbm>> -> memref<4096xf32, #tpu.memory_space<hbm>>
        tpu.enqueue_dma source(%dma_start3A_501 : memref<4096xf32, #tpu.memory_space<hbm>>) target(%dma_start3A_498 : memref<4096xf32, #tpu.memory_space<vmem>>) target_semaphore(%arg8 : memref<!tpu.dma_semaphore, #tpu.memory_space<semaphore_mem>>)
        %dma_start3A_502 = arith.constant 8192 : i32
        %dma_start3A_503 = tpu.memref_slice %arg4[%dma_start3A_502] : memref<16384xf32, #tpu.memory_space<vmem>> -> memref<4096xf32, #tpu.memory_space<vmem>>
        %dma_start3A_504 = arith.constant 0 : i32
        %dma_start3A_505 = tpu.memref_slice %arg2[%add3A_476, %dma_start3A_504] : memref<4096x4096xf32, #tpu.memory_space<hbm>> -> memref<1x4096xf32, #tpu.memory_space<hbm>>
        %dma_start3A_506 = tpu.memref_squeeze %dma_start3A_505 : memref<1x4096xf32, #tpu.memory_space<hbm>> -> memref<4096xf32, #tpu.memory_space<hbm>>
        %dma_start3A_507 = arith.constant 8192 : i32
        %dma_start3A_508 = tpu.memref_slice %arg4[%dma_start3A_507] : memref<16384xf32, #tpu.memory_space<vmem>> -> memref<4096xf32, #tpu.memory_space<vmem>>
        %dma_start3A_509 = arith.constant 0 : i32
        %dma_start3A_510 = tpu.memref_slice %arg2[%add3A_476, %dma_start3A_509] : memref<4096x4096xf32, #tpu.memory_space<hbm>> -> memref<1x4096xf32, #tpu.memory_space<hbm>>
        %dma_start3A_511 = tpu.memref_squeeze %dma_start3A_510 : memref<1x4096xf32, #tpu.memory_space<hbm>> -> memref<4096xf32, #tpu.memory_space<hbm>>
        tpu.enqueue_dma source(%dma_start3A_511 : memref<4096xf32, #tpu.memory_space<hbm>>) target(%dma_start3A_508 : memref<4096xf32, #tpu.memory_space<vmem>>) target_semaphore(%arg8 : memref<!tpu.dma_semaphore, #tpu.memory_space<semaphore_mem>>)
        %dma_start3A_512 = arith.constant 12288 : i32
        %dma_start3A_513 = tpu.memref_slice %arg4[%dma_start3A_512] : memref<16384xf32, #tpu.memory_space<vmem>> -> memref<4096xf32, #tpu.memory_space<vmem>>
        %dma_start3A_514 = arith.constant 0 : i32
        %dma_start3A_515 = tpu.memref_slice %arg2[%add3A_481, %dma_start3A_514] : memref<4096x4096xf32, #tpu.memory_space<hbm>> -> memref<1x4096xf32, #tpu.memory_space<hbm>>
        %dma_start3A_516 = tpu.memref_squeeze %dma_start3A_515 : memref<1x4096xf32, #tpu.memory_space<hbm>> -> memref<4096xf32, #tpu.memory_space<hbm>>
        %dma_start3A_517 = arith.constant 12288 : i32
        %dma_start3A_518 = tpu.memref_slice %arg4[%dma_start3A_517] : memref<16384xf32, #tpu.memory_space<vmem>> -> memref<4096xf32, #tpu.memory_space<vmem>>
        %dma_start3A_519 = arith.constant 0 : i32
        %dma_start3A_520 = tpu.memref_slice %arg2[%add3A_481, %dma_start3A_519] : memref<4096x4096xf32, #tpu.memory_space<hbm>> -> memref<1x4096xf32, #tpu.memory_space<hbm>>
        %dma_start3A_521 = tpu.memref_squeeze %dma_start3A_520 : memref<1x4096xf32, #tpu.memory_space<hbm>> -> memref<4096xf32, #tpu.memory_space<hbm>>
        tpu.enqueue_dma source(%dma_start3A_521 : memref<4096xf32, #tpu.memory_space<hbm>>) target(%dma_start3A_518 : memref<4096xf32, #tpu.memory_space<vmem>>) target_semaphore(%arg8 : memref<!tpu.dma_semaphore, #tpu.memory_space<semaphore_mem>>)
      } else {
      }
      %mul3A_329 = arith.constant 4 : i32
      %mul3A_330 = arith.muli %add3A_321, %mul3A_329 : i32
      %add3A_331 = arith.addi %mul3A_2, %mul3A_330 : i32
      %add3A_332 = arith.constant 0 : i32
      %add3A_333 = arith.addi %add3A_331, %add3A_332 : i32
      %mul3A_334 = arith.constant 4 : i32
      %mul3A_335 = arith.muli %add3A_321, %mul3A_334 : i32
      %add3A_336 = arith.addi %mul3A_2, %mul3A_335 : i32
      %add3A_337 = arith.constant 1 : i32
      %add3A_338 = arith.addi %add3A_336, %add3A_337 : i32
      %mul3A_339 = arith.constant 4 : i32
      %mul3A_340 = arith.muli %add3A_321, %mul3A_339 : i32
      %add3A_341 = arith.addi %mul3A_2, %mul3A_340 : i32
      %add3A_342 = arith.constant 2 : i32
      %add3A_343 = arith.addi %add3A_341, %add3A_342 : i32
      %mul3A_344 = arith.constant 4 : i32
      %mul3A_345 = arith.muli %add3A_321, %mul3A_344 : i32
      %add3A_346 = arith.addi %mul3A_2, %mul3A_345 : i32
      %add3A_347 = arith.constant 3 : i32
      %add3A_348 = arith.addi %add3A_346, %add3A_347 : i32
      %dma_wait3A_349 = arith.constant 0 : i32
      %dma_wait3A_350 = tpu.memref_slice %arg5[%dma_wait3A_349] : memref<16384xf32, #tpu.memory_space<vmem>> -> memref<4096xf32, #tpu.memory_space<vmem>>
      %dma_wait3A_351 = arith.constant 0 : i32
      %dma_wait3A_352 = tpu.memref_slice %arg2[%add3A_333, %dma_wait3A_351] : memref<4096x4096xf32, #tpu.memory_space<hbm>> -> memref<1x4096xf32, #tpu.memory_space<hbm>>
      %dma_wait3A_353 = tpu.memref_squeeze %dma_wait3A_352 : memref<1x4096xf32, #tpu.memory_space<hbm>> -> memref<4096xf32, #tpu.memory_space<hbm>>
      %dma_wait3A_354 = arith.constant 0 : i32
      %dma_wait3A_355 = tpu.memref_slice %arg5[%dma_wait3A_354] : memref<16384xf32, #tpu.memory_space<vmem>> -> memref<4096xf32, #tpu.memory_space<vmem>>
      %dma_wait3A_356 = arith.constant 0 : i32
      %dma_wait3A_357 = tpu.memref_slice %arg2[%add3A_333, %dma_wait3A_356] : memref<4096x4096xf32, #tpu.memory_space<hbm>> -> memref<1x4096xf32, #tpu.memory_space<hbm>>
      %dma_wait3A_358 = tpu.memref_squeeze %dma_wait3A_357 : memref<1x4096xf32, #tpu.memory_space<hbm>> -> memref<4096xf32, #tpu.memory_space<hbm>>
      tpu.wait_dma2 semaphore(%arg9 : memref<!tpu.dma_semaphore, #tpu.memory_space<semaphore_mem>>) src(%dma_wait3A_358 : memref<4096xf32, #tpu.memory_space<hbm>>) dst(%dma_wait3A_355 : memref<4096xf32, #tpu.memory_space<vmem>>)
      %dma_wait3A_359 = arith.constant 4096 : i32
      %dma_wait3A_360 = tpu.memref_slice %arg5[%dma_wait3A_359] : memref<16384xf32, #tpu.memory_space<vmem>> -> memref<4096xf32, #tpu.memory_space<vmem>>
      %dma_wait3A_361 = arith.constant 0 : i32
      %dma_wait3A_362 = tpu.memref_slice %arg2[%add3A_338, %dma_wait3A_361] : memref<4096x4096xf32, #tpu.memory_space<hbm>> -> memref<1x4096xf32, #tpu.memory_space<hbm>>
      %dma_wait3A_363 = tpu.memref_squeeze %dma_wait3A_362 : memref<1x4096xf32, #tpu.memory_space<hbm>> -> memref<4096xf32, #tpu.memory_space<hbm>>
      %dma_wait3A_364 = arith.constant 4096 : i32
      %dma_wait3A_365 = tpu.memref_slice %arg5[%dma_wait3A_364] : memref<16384xf32, #tpu.memory_space<vmem>> -> memref<4096xf32, #tpu.memory_space<vmem>>
      %dma_wait3A_366 = arith.constant 0 : i32
      %dma_wait3A_367 = tpu.memref_slice %arg2[%add3A_338, %dma_wait3A_366] : memref<4096x4096xf32, #tpu.memory_space<hbm>> -> memref<1x4096xf32, #tpu.memory_space<hbm>>
      %dma_wait3A_368 = tpu.memref_squeeze %dma_wait3A_367 : memref<1x4096xf32, #tpu.memory_space<hbm>> -> memref<4096xf32, #tpu.memory_space<hbm>>
      tpu.wait_dma2 semaphore(%arg9 : memref<!tpu.dma_semaphore, #tpu.memory_space<semaphore_mem>>) src(%dma_wait3A_368 : memref<4096xf32, #tpu.memory_space<hbm>>) dst(%dma_wait3A_365 : memref<4096xf32, #tpu.memory_space<vmem>>)
      %dma_wait3A_369 = arith.constant 8192 : i32
      %dma_wait3A_370 = tpu.memref_slice %arg5[%dma_wait3A_369] : memref<16384xf32, #tpu.memory_space<vmem>> -> memref<4096xf32, #tpu.memory_space<vmem>>
      %dma_wait3A_371 = arith.constant 0 : i32
      %dma_wait3A_372 = tpu.memref_slice %arg2[%add3A_343, %dma_wait3A_371] : memref<4096x4096xf32, #tpu.memory_space<hbm>> -> memref<1x4096xf32, #tpu.memory_space<hbm>>
      %dma_wait3A_373 = tpu.memref_squeeze %dma_wait3A_372 : memref<1x4096xf32, #tpu.memory_space<hbm>> -> memref<4096xf32, #tpu.memory_space<hbm>>
      %dma_wait3A_374 = arith.constant 8192 : i32
      %dma_wait3A_375 = tpu.memref_slice %arg5[%dma_wait3A_374] : memref<16384xf32, #tpu.memory_space<vmem>> -> memref<4096xf32, #tpu.memory_space<vmem>>
      %dma_wait3A_376 = arith.constant 0 : i32
      %dma_wait3A_377 = tpu.memref_slice %arg2[%add3A_343, %dma_wait3A_376] : memref<4096x4096xf32, #tpu.memory_space<hbm>> -> memref<1x4096xf32, #tpu.memory_space<hbm>>
      %dma_wait3A_378 = tpu.memref_squeeze %dma_wait3A_377 : memref<1x4096xf32, #tpu.memory_space<hbm>> -> memref<4096xf32, #tpu.memory_space<hbm>>
      tpu.wait_dma2 semaphore(%arg9 : memref<!tpu.dma_semaphore, #tpu.memory_space<semaphore_mem>>) src(%dma_wait3A_378 : memref<4096xf32, #tpu.memory_space<hbm>>) dst(%dma_wait3A_375 : memref<4096xf32, #tpu.memory_space<vmem>>)
      %dma_wait3A_379 = arith.constant 12288 : i32
      %dma_wait3A_380 = tpu.memref_slice %arg5[%dma_wait3A_379] : memref<16384xf32, #tpu.memory_space<vmem>> -> memref<4096xf32, #tpu.memory_space<vmem>>
      %dma_wait3A_381 = arith.constant 0 : i32
      %dma_wait3A_382 = tpu.memref_slice %arg2[%add3A_348, %dma_wait3A_381] : memref<4096x4096xf32, #tpu.memory_space<hbm>> -> memref<1x4096xf32, #tpu.memory_space<hbm>>
      %dma_wait3A_383 = tpu.memref_squeeze %dma_wait3A_382 : memref<1x4096xf32, #tpu.memory_space<hbm>> -> memref<4096xf32, #tpu.memory_space<hbm>>
      %dma_wait3A_384 = arith.constant 12288 : i32
      %dma_wait3A_385 = tpu.memref_slice %arg5[%dma_wait3A_384] : memref<16384xf32, #tpu.memory_space<vmem>> -> memref<4096xf32, #tpu.memory_space<vmem>>
      %dma_wait3A_386 = arith.constant 0 : i32
      %dma_wait3A_387 = tpu.memref_slice %arg2[%add3A_348, %dma_wait3A_386] : memref<4096x4096xf32, #tpu.memory_space<hbm>> -> memref<1x4096xf32, #tpu.memory_space<hbm>>
      %dma_wait3A_388 = tpu.memref_squeeze %dma_wait3A_387 : memref<1x4096xf32, #tpu.memory_space<hbm>> -> memref<4096xf32, #tpu.memory_space<hbm>>
      tpu.wait_dma2 semaphore(%arg9 : memref<!tpu.dma_semaphore, #tpu.memory_space<semaphore_mem>>) src(%dma_wait3A_388 : memref<4096xf32, #tpu.memory_space<hbm>>) dst(%dma_wait3A_385 : memref<4096xf32, #tpu.memory_space<vmem>>)
      %ge3A_389 = arith.constant 2 : i32
      %ge3A_390 = arith.cmpi sge, %add3A_321, %ge3A_389 : i32
      %convert_element_type3A_391 = arith.extui %ge3A_390 : i1 to i32
      %cond3A_392 = arith.constant 0 : i32
      %cond3A_393 = arith.cmpi ne, %convert_element_type3A_391, %cond3A_392 : i32
      scf.if %cond3A_393 {
        %sub3A = arith.constant 2 : i32
        %sub3A_460 = arith.subi %add3A_321, %sub3A : i32
        %mul3A_461 = arith.constant 4 : i32
        %mul3A_462 = arith.muli %sub3A_460, %mul3A_461 : i32
        %add3A_463 = arith.addi %mul3A_2, %mul3A_462 : i32
        %add3A_464 = arith.constant 0 : i32
        %add3A_465 = arith.addi %add3A_463, %add3A_464 : i32
        %mul3A_466 = arith.constant 4 : i32
        %mul3A_467 = arith.muli %sub3A_460, %mul3A_466 : i32
        %add3A_468 = arith.addi %mul3A_2, %mul3A_467 : i32
        %add3A_469 = arith.constant 1 : i32
        %add3A_470 = arith.addi %add3A_468, %add3A_469 : i32
        %mul3A_471 = arith.constant 4 : i32
        %mul3A_472 = arith.muli %sub3A_460, %mul3A_471 : i32
        %add3A_473 = arith.addi %mul3A_2, %mul3A_472 : i32
        %add3A_474 = arith.constant 2 : i32
        %add3A_475 = arith.addi %add3A_473, %add3A_474 : i32
        %mul3A_476 = arith.constant 4 : i32
        %mul3A_477 = arith.muli %sub3A_460, %mul3A_476 : i32
        %add3A_478 = arith.addi %mul3A_2, %mul3A_477 : i32
        %add3A_479 = arith.constant 3 : i32
        %add3A_480 = arith.addi %add3A_478, %add3A_479 : i32
        %dma_wait3A_481 = arith.constant 0 : i32
        %dma_wait3A_482 = tpu.memref_slice %arg7[%dma_wait3A_481] : memref<16384xf32, #tpu.memory_space<vmem>> -> memref<4096xf32, #tpu.memory_space<vmem>>
        %dma_wait3A_483 = arith.constant 0 : i32
        %dma_wait3A_484 = tpu.memref_slice %arg3[%add3A_465, %dma_wait3A_483] : memref<4096x4096xf32, #tpu.memory_space<hbm>> -> memref<1x4096xf32, #tpu.memory_space<hbm>>
        %dma_wait3A_485 = tpu.memref_squeeze %dma_wait3A_484 : memref<1x4096xf32, #tpu.memory_space<hbm>> -> memref<4096xf32, #tpu.memory_space<hbm>>
        %dma_wait3A_486 = arith.constant 0 : i32
        %dma_wait3A_487 = tpu.memref_slice %arg3[%add3A_465, %dma_wait3A_486] : memref<4096x4096xf32, #tpu.memory_space<hbm>> -> memref<1x4096xf32, #tpu.memory_space<hbm>>
        %dma_wait3A_488 = tpu.memref_squeeze %dma_wait3A_487 : memref<1x4096xf32, #tpu.memory_space<hbm>> -> memref<4096xf32, #tpu.memory_space<hbm>>
        %dma_wait3A_489 = arith.constant 0 : i32
        %dma_wait3A_490 = tpu.memref_slice %arg7[%dma_wait3A_489] : memref<16384xf32, #tpu.memory_space<vmem>> -> memref<4096xf32, #tpu.memory_space<vmem>>
        tpu.wait_dma2 semaphore(%arg11 : memref<!tpu.dma_semaphore, #tpu.memory_space<semaphore_mem>>) src(%dma_wait3A_490 : memref<4096xf32, #tpu.memory_space<vmem>>) dst(%dma_wait3A_488 : memref<4096xf32, #tpu.memory_space<hbm>>)
        %dma_wait3A_491 = arith.constant 4096 : i32
        %dma_wait3A_492 = tpu.memref_slice %arg7[%dma_wait3A_491] : memref<16384xf32, #tpu.memory_space<vmem>> -> memref<4096xf32, #tpu.memory_space<vmem>>
        %dma_wait3A_493 = arith.constant 0 : i32
        %dma_wait3A_494 = tpu.memref_slice %arg3[%add3A_470, %dma_wait3A_493] : memref<4096x4096xf32, #tpu.memory_space<hbm>> -> memref<1x4096xf32, #tpu.memory_space<hbm>>
        %dma_wait3A_495 = tpu.memref_squeeze %dma_wait3A_494 : memref<1x4096xf32, #tpu.memory_space<hbm>> -> memref<4096xf32, #tpu.memory_space<hbm>>
        %dma_wait3A_496 = arith.constant 0 : i32
        %dma_wait3A_497 = tpu.memref_slice %arg3[%add3A_470, %dma_wait3A_496] : memref<4096x4096xf32, #tpu.memory_space<hbm>> -> memref<1x4096xf32, #tpu.memory_space<hbm>>
        %dma_wait3A_498 = tpu.memref_squeeze %dma_wait3A_497 : memref<1x4096xf32, #tpu.memory_space<hbm>> -> memref<4096xf32, #tpu.memory_space<hbm>>
        %dma_wait3A_499 = arith.constant 4096 : i32
        %dma_wait3A_500 = tpu.memref_slice %arg7[%dma_wait3A_499] : memref<16384xf32, #tpu.memory_space<vmem>> -> memref<4096xf32, #tpu.memory_space<vmem>>
        tpu.wait_dma2 semaphore(%arg11 : memref<!tpu.dma_semaphore, #tpu.memory_space<semaphore_mem>>) src(%dma_wait3A_500 : memref<4096xf32, #tpu.memory_space<vmem>>) dst(%dma_wait3A_498 : memref<4096xf32, #tpu.memory_space<hbm>>)
        %dma_wait3A_501 = arith.constant 8192 : i32
        %dma_wait3A_502 = tpu.memref_slice %arg7[%dma_wait3A_501] : memref<16384xf32, #tpu.memory_space<vmem>> -> memref<4096xf32, #tpu.memory_space<vmem>>
        %dma_wait3A_503 = arith.constant 0 : i32
        %dma_wait3A_504 = tpu.memref_slice %arg3[%add3A_475, %dma_wait3A_503] : memref<4096x4096xf32, #tpu.memory_space<hbm>> -> memref<1x4096xf32, #tpu.memory_space<hbm>>
        %dma_wait3A_505 = tpu.memref_squeeze %dma_wait3A_504 : memref<1x4096xf32, #tpu.memory_space<hbm>> -> memref<4096xf32, #tpu.memory_space<hbm>>
        %dma_wait3A_506 = arith.constant 0 : i32
        %dma_wait3A_507 = tpu.memref_slice %arg3[%add3A_475, %dma_wait3A_506] : memref<4096x4096xf32, #tpu.memory_space<hbm>> -> memref<1x4096xf32, #tpu.memory_space<hbm>>
        %dma_wait3A_508 = tpu.memref_squeeze %dma_wait3A_507 : memref<1x4096xf32, #tpu.memory_space<hbm>> -> memref<4096xf32, #tpu.memory_space<hbm>>
        %dma_wait3A_509 = arith.constant 8192 : i32
        %dma_wait3A_510 = tpu.memref_slice %arg7[%dma_wait3A_509] : memref<16384xf32, #tpu.memory_space<vmem>> -> memref<4096xf32, #tpu.memory_space<vmem>>
        tpu.wait_dma2 semaphore(%arg11 : memref<!tpu.dma_semaphore, #tpu.memory_space<semaphore_mem>>) src(%dma_wait3A_510 : memref<4096xf32, #tpu.memory_space<vmem>>) dst(%dma_wait3A_508 : memref<4096xf32, #tpu.memory_space<hbm>>)
        %dma_wait3A_511 = arith.constant 12288 : i32
        %dma_wait3A_512 = tpu.memref_slice %arg7[%dma_wait3A_511] : memref<16384xf32, #tpu.memory_space<vmem>> -> memref<4096xf32, #tpu.memory_space<vmem>>
        %dma_wait3A_513 = arith.constant 0 : i32
        %dma_wait3A_514 = tpu.memref_slice %arg3[%add3A_480, %dma_wait3A_513] : memref<4096x4096xf32, #tpu.memory_space<hbm>> -> memref<1x4096xf32, #tpu.memory_space<hbm>>
        %dma_wait3A_515 = tpu.memref_squeeze %dma_wait3A_514 : memref<1x4096xf32, #tpu.memory_space<hbm>> -> memref<4096xf32, #tpu.memory_space<hbm>>
        %dma_wait3A_516 = arith.constant 0 : i32
        %dma_wait3A_517 = tpu.memref_slice %arg3[%add3A_480, %dma_wait3A_516] : memref<4096x4096xf32, #tpu.memory_space<hbm>> -> memref<1x4096xf32, #tpu.memory_space<hbm>>
        %dma_wait3A_518 = tpu.memref_squeeze %dma_wait3A_517 : memref<1x4096xf32, #tpu.memory_space<hbm>> -> memref<4096xf32, #tpu.memory_space<hbm>>
        %dma_wait3A_519 = arith.constant 12288 : i32
        %dma_wait3A_520 = tpu.memref_slice %arg7[%dma_wait3A_519] : memref<16384xf32, #tpu.memory_space<vmem>> -> memref<4096xf32, #tpu.memory_space<vmem>>
        tpu.wait_dma2 semaphore(%arg11 : memref<!tpu.dma_semaphore, #tpu.memory_space<semaphore_mem>>) src(%dma_wait3A_520 : memref<4096xf32, #tpu.memory_space<vmem>>) dst(%dma_wait3A_518 : memref<4096xf32, #tpu.memory_space<hbm>>)
      } else {
      }
      %scan3A_394 = arith.constant 0 : i32
      %scan3A_395 = arith.constant 0 : i32
      %scan3A_396 = arith.constant 256 : i32
      %scan3A_397 = arith.addi %scan3A_395, %scan3A_396 : i32
      %scan3A_398 = arith.constant 16 : i32
      scf.for %scan3A_460 = %scan3A_395 to %scan3A_397 step %scan3A_398  : i32 {
        %shift_left3A = arith.constant 6 : i32
        %shift_left3A_461 = arith.shli %scan3A_460, %shift_left3A : i32
        %add3A_462 = vector.broadcast %shift_left3A_461 : i32 to vector<16xi32>
        %add3A_463 = arith.addi %mul3A_5, %add3A_462 : vector<16xi32>
        %add3A_464 = arith.constant 1 : i32
        %add3A_465 = vector.broadcast %add3A_464 : i32 to vector<16xi32>
        %add3A_466 = arith.addi %add3A_463, %add3A_465 : vector<16xi32>
        %add3A_467 = arith.constant 2 : i32
        %add3A_468 = vector.broadcast %add3A_467 : i32 to vector<16xi32>
        %add3A_469 = arith.addi %add3A_463, %add3A_468 : vector<16xi32>
        %add3A_470 = arith.constant 3 : i32
        %add3A_471 = vector.broadcast %add3A_470 : i32 to vector<16xi32>
        %add3A_472 = arith.addi %add3A_463, %add3A_471 : vector<16xi32>
        %gather3A = tpu.vector_load_idx %arg5[%add3A_463] : memref<16384xf32, #tpu.memory_space<vmem>>[vector<16xi32>], vector<16xf32>,
        %gather3A_473 = tpu.vector_load_idx %arg5[%add3A_466] : memref<16384xf32, #tpu.memory_space<vmem>>[vector<16xi32>], vector<16xf32>,
        %gather3A_474 = tpu.vector_load_idx %arg5[%add3A_469] : memref<16384xf32, #tpu.memory_space<vmem>>[vector<16xi32>], vector<16xf32>,
        %gather3A_475 = tpu.vector_load_idx %arg5[%add3A_472] : memref<16384xf32, #tpu.memory_space<vmem>>[vector<16xi32>], vector<16xf32>,
        %mul3A_476 = arith.mulf %gather3A, %gather3A : vector<16xf32>
        %mul3A_477 = arith.mulf %gather3A_473, %gather3A_473 : vector<16xf32>
        %mul3A_478 = arith.mulf %gather3A_474, %gather3A_474 : vector<16xf32>
        %mul3A_479 = arith.mulf %gather3A_475, %gather3A_475 : vector<16xf32>
        %ge3A_480 = arith.cmpf oge, %mul3A_476, %mul3A_477 : vector<16xf32>
        %broadcast_in_dim3A = vector.broadcast %scan3A_61 : f32 to vector<16xf32>
        %broadcast_in_dim3A_481 = vector.broadcast %scan3A_62 : f32 to vector<16xf32>
        %select_n3A = arith.select %ge3A_480, %broadcast_in_dim3A, %broadcast_in_dim3A_481 : vector<16xi1>, vector<16xf32>
        %ge3A_482 = arith.cmpf oge, %mul3A_476, %mul3A_478 : vector<16xf32>
        %broadcast_in_dim3A_483 = vector.broadcast %scan3A_61 : f32 to vector<16xf32>
        %broadcast_in_dim3A_484 = vector.broadcast %scan3A_62 : f32 to vector<16xf32>
        %select_n3A_485 = arith.select %ge3A_482, %broadcast_in_dim3A_483, %broadcast_in_dim3A_484 : vector<16xi1>, vector<16xf32>
        %ge3A_486 = arith.cmpf oge, %mul3A_476, %mul3A_479 : vector<16xf32>
        %broadcast_in_dim3A_487 = vector.broadcast %scan3A_61 : f32 to vector<16xf32>
        %broadcast_in_dim3A_488 = vector.broadcast %scan3A_62 : f32 to vector<16xf32>
        %select_n3A_489 = arith.select %ge3A_486, %broadcast_in_dim3A_487, %broadcast_in_dim3A_488 : vector<16xi1>, vector<16xf32>
        %ge3A_490 = arith.cmpf oge, %mul3A_477, %mul3A_478 : vector<16xf32>
        %broadcast_in_dim3A_491 = vector.broadcast %scan3A_61 : f32 to vector<16xf32>
        %broadcast_in_dim3A_492 = vector.broadcast %scan3A_62 : f32 to vector<16xf32>
        %select_n3A_493 = arith.select %ge3A_490, %broadcast_in_dim3A_491, %broadcast_in_dim3A_492 : vector<16xi1>, vector<16xf32>
        %ge3A_494 = arith.cmpf oge, %mul3A_477, %mul3A_479 : vector<16xf32>
        %broadcast_in_dim3A_495 = vector.broadcast %scan3A_61 : f32 to vector<16xf32>
        %broadcast_in_dim3A_496 = vector.broadcast %scan3A_62 : f32 to vector<16xf32>
        %select_n3A_497 = arith.select %ge3A_494, %broadcast_in_dim3A_495, %broadcast_in_dim3A_496 : vector<16xi1>, vector<16xf32>
        %ge3A_498 = arith.cmpf oge, %mul3A_478, %mul3A_479 : vector<16xf32>
        %broadcast_in_dim3A_499 = vector.broadcast %scan3A_61 : f32 to vector<16xf32>
        %broadcast_in_dim3A_500 = vector.broadcast %scan3A_62 : f32 to vector<16xf32>
        %select_n3A_501 = arith.select %ge3A_498, %broadcast_in_dim3A_499, %broadcast_in_dim3A_500 : vector<16xi1>, vector<16xf32>
        %add3A_502 = arith.addf %select_n3A, %select_n3A_485 : vector<16xf32>
        %add3A_503 = arith.addf %add3A_502, %select_n3A_489 : vector<16xf32>
        %ge3A_504 = arith.constant 2.000000e+00 : f32
        %ge3A_505 = vector.broadcast %ge3A_504 : f32 to vector<16xf32>
        %ge3A_506 = arith.cmpf oge, %add3A_503, %ge3A_505 : vector<16xf32>
        %add3A_507 = arith.addf %select_n3A_493, %select_n3A_497 : vector<16xf32>
        %sub3A = arith.subf %add3A_507, %select_n3A : vector<16xf32>
        %ge3A_508 = arith.constant 1.000000e+00 : f32
        %ge3A_509 = vector.broadcast %ge3A_508 : f32 to vector<16xf32>
        %ge3A_510 = arith.cmpf oge, %sub3A, %ge3A_509 : vector<16xf32>
        %sub3A_511 = arith.subf %select_n3A_501, %select_n3A_485 : vector<16xf32>
        %sub3A_512 = arith.subf %sub3A_511, %select_n3A_493 : vector<16xf32>
        %ge3A_513 = arith.constant 0.000000e+00 : f32
        %ge3A_514 = vector.broadcast %ge3A_513 : f32 to vector<16xf32>
        %ge3A_515 = arith.cmpf oge, %sub3A_512, %ge3A_514 : vector<16xf32>
        %add3A_516 = arith.addf %select_n3A_489, %select_n3A_497 : vector<16xf32>
        %add3A_517 = arith.addf %add3A_516, %select_n3A_501 : vector<16xf32>
        %le3A = arith.constant 1.000000e+00 : f32
        %le3A_518 = vector.broadcast %le3A : f32 to vector<16xf32>
        %le3A_519 = arith.cmpf ole, %add3A_517, %le3A_518 : vector<16xf32>
        %broadcast_in_dim3A_520 = vector.broadcast %scan3A_62 : f32 to vector<16xf32>
        %select_n3A_521 = arith.select %ge3A_506, %gather3A, %broadcast_in_dim3A_520 : vector<16xi1>, vector<16xf32>
        tpu.vector_store_idx %arg7[%add3A_463], %select_n3A_521 : memref<16384xf32, #tpu.memory_space<vmem>>[vector<16xi32>], vector<16xf32>,
        %broadcast_in_dim3A_522 = vector.broadcast %scan3A_62 : f32 to vector<16xf32>
        %select_n3A_523 = arith.select %ge3A_510, %gather3A_473, %broadcast_in_dim3A_522 : vector<16xi1>, vector<16xf32>
        tpu.vector_store_idx %arg7[%add3A_466], %select_n3A_523 : memref<16384xf32, #tpu.memory_space<vmem>>[vector<16xi32>], vector<16xf32>,
        %broadcast_in_dim3A_524 = vector.broadcast %scan3A_62 : f32 to vector<16xf32>
        %select_n3A_525 = arith.select %ge3A_515, %gather3A_474, %broadcast_in_dim3A_524 : vector<16xi1>, vector<16xf32>
        tpu.vector_store_idx %arg7[%add3A_469], %select_n3A_525 : memref<16384xf32, #tpu.memory_space<vmem>>[vector<16xi32>], vector<16xf32>,
        %broadcast_in_dim3A_526 = vector.broadcast %scan3A_62 : f32 to vector<16xf32>
        %select_n3A_527 = arith.select %le3A_519, %gather3A_475, %broadcast_in_dim3A_526 : vector<16xi1>, vector<16xf32>
        tpu.vector_store_idx %arg7[%add3A_472], %select_n3A_527 : memref<16384xf32, #tpu.memory_space<vmem>>[vector<16xi32>], vector<16xf32>,
        %scan3A_528 = arith.constant 1 : i32
        %scan3A_529 = arith.addi %scan3A_460, %scan3A_528 : i32
        %shift_left3A_530 = arith.constant 6 : i32
        %shift_left3A_531 = arith.shli %scan3A_529, %shift_left3A_530 : i32
        %add3A_532 = vector.broadcast %shift_left3A_531 : i32 to vector<16xi32>
        %add3A_533 = arith.addi %mul3A_5, %add3A_532 : vector<16xi32>
        %add3A_534 = arith.constant 1 : i32
        %add3A_535 = vector.broadcast %add3A_534 : i32 to vector<16xi32>
        %add3A_536 = arith.addi %add3A_533, %add3A_535 : vector<16xi32>
        %add3A_537 = arith.constant 2 : i32
        %add3A_538 = vector.broadcast %add3A_537 : i32 to vector<16xi32>
        %add3A_539 = arith.addi %add3A_533, %add3A_538 : vector<16xi32>
        %add3A_540 = arith.constant 3 : i32
        %add3A_541 = vector.broadcast %add3A_540 : i32 to vector<16xi32>
        %add3A_542 = arith.addi %add3A_533, %add3A_541 : vector<16xi32>
        %gather3A_543 = tpu.vector_load_idx %arg5[%add3A_533] : memref<16384xf32, #tpu.memory_space<vmem>>[vector<16xi32>], vector<16xf32>,
        %gather3A_544 = tpu.vector_load_idx %arg5[%add3A_536] : memref<16384xf32, #tpu.memory_space<vmem>>[vector<16xi32>], vector<16xf32>,
        %gather3A_545 = tpu.vector_load_idx %arg5[%add3A_539] : memref<16384xf32, #tpu.memory_space<vmem>>[vector<16xi32>], vector<16xf32>,
        %gather3A_546 = tpu.vector_load_idx %arg5[%add3A_542] : memref<16384xf32, #tpu.memory_space<vmem>>[vector<16xi32>], vector<16xf32>,
        %mul3A_547 = arith.mulf %gather3A_543, %gather3A_543 : vector<16xf32>
        %mul3A_548 = arith.mulf %gather3A_544, %gather3A_544 : vector<16xf32>
        %mul3A_549 = arith.mulf %gather3A_545, %gather3A_545 : vector<16xf32>
        %mul3A_550 = arith.mulf %gather3A_546, %gather3A_546 : vector<16xf32>
        %ge3A_551 = arith.cmpf oge, %mul3A_547, %mul3A_548 : vector<16xf32>
        %broadcast_in_dim3A_552 = vector.broadcast %scan3A_61 : f32 to vector<16xf32>
        %broadcast_in_dim3A_553 = vector.broadcast %scan3A_62 : f32 to vector<16xf32>
        %select_n3A_554 = arith.select %ge3A_551, %broadcast_in_dim3A_552, %broadcast_in_dim3A_553 : vector<16xi1>, vector<16xf32>
        %ge3A_555 = arith.cmpf oge, %mul3A_547, %mul3A_549 : vector<16xf32>
        %broadcast_in_dim3A_556 = vector.broadcast %scan3A_61 : f32 to vector<16xf32>
        %broadcast_in_dim3A_557 = vector.broadcast %scan3A_62 : f32 to vector<16xf32>
        %select_n3A_558 = arith.select %ge3A_555, %broadcast_in_dim3A_556, %broadcast_in_dim3A_557 : vector<16xi1>, vector<16xf32>
        %ge3A_559 = arith.cmpf oge, %mul3A_547, %mul3A_550 : vector<16xf32>
        %broadcast_in_dim3A_560 = vector.broadcast %scan3A_61 : f32 to vector<16xf32>
        %broadcast_in_dim3A_561 = vector.broadcast %scan3A_62 : f32 to vector<16xf32>
        %select_n3A_562 = arith.select %ge3A_559, %broadcast_in_dim3A_560, %broadcast_in_dim3A_561 : vector<16xi1>, vector<16xf32>
        %ge3A_563 = arith.cmpf oge, %mul3A_548, %mul3A_549 : vector<16xf32>
        %broadcast_in_dim3A_564 = vector.broadcast %scan3A_61 : f32 to vector<16xf32>
        %broadcast_in_dim3A_565 = vector.broadcast %scan3A_62 : f32 to vector<16xf32>
        %select_n3A_566 = arith.select %ge3A_563, %broadcast_in_dim3A_564, %broadcast_in_dim3A_565 : vector<16xi1>, vector<16xf32>
        %ge3A_567 = arith.cmpf oge, %mul3A_548, %mul3A_550 : vector<16xf32>
        %broadcast_in_dim3A_568 = vector.broadcast %scan3A_61 : f32 to vector<16xf32>
        %broadcast_in_dim3A_569 = vector.broadcast %scan3A_62 : f32 to vector<16xf32>
        %select_n3A_570 = arith.select %ge3A_567, %broadcast_in_dim3A_568, %broadcast_in_dim3A_569 : vector<16xi1>, vector<16xf32>
        %ge3A_571 = arith.cmpf oge, %mul3A_549, %mul3A_550 : vector<16xf32>
        %broadcast_in_dim3A_572 = vector.broadcast %scan3A_61 : f32 to vector<16xf32>
        %broadcast_in_dim3A_573 = vector.broadcast %scan3A_62 : f32 to vector<16xf32>
        %select_n3A_574 = arith.select %ge3A_571, %broadcast_in_dim3A_572, %broadcast_in_dim3A_573 : vector<16xi1>, vector<16xf32>
        %add3A_575 = arith.addf %select_n3A_554, %select_n3A_558 : vector<16xf32>
        %add3A_576 = arith.addf %add3A_575, %select_n3A_562 : vector<16xf32>
        %ge3A_577 = arith.constant 2.000000e+00 : f32
        %ge3A_578 = vector.broadcast %ge3A_577 : f32 to vector<16xf32>
        %ge3A_579 = arith.cmpf oge, %add3A_576, %ge3A_578 : vector<16xf32>
        %add3A_580 = arith.addf %select_n3A_566, %select_n3A_570 : vector<16xf32>
        %sub3A_581 = arith.subf %add3A_580, %select_n3A_554 : vector<16xf32>
        %ge3A_582 = arith.constant 1.000000e+00 : f32
        %ge3A_583 = vector.broadcast %ge3A_582 : f32 to vector<16xf32>
        %ge3A_584 = arith.cmpf oge, %sub3A_581, %ge3A_583 : vector<16xf32>
        %sub3A_585 = arith.subf %select_n3A_574, %select_n3A_558 : vector<16xf32>
        %sub3A_586 = arith.subf %sub3A_585, %select_n3A_566 : vector<16xf32>
        %ge3A_587 = arith.constant 0.000000e+00 : f32
        %ge3A_588 = vector.broadcast %ge3A_587 : f32 to vector<16xf32>
        %ge3A_589 = arith.cmpf oge, %sub3A_586, %ge3A_588 : vector<16xf32>
        %add3A_590 = arith.addf %select_n3A_562, %select_n3A_570 : vector<16xf32>
        %add3A_591 = arith.addf %add3A_590, %select_n3A_574 : vector<16xf32>
        %le3A_592 = arith.constant 1.000000e+00 : f32
        %le3A_593 = vector.broadcast %le3A_592 : f32 to vector<16xf32>
        %le3A_594 = arith.cmpf ole, %add3A_591, %le3A_593 : vector<16xf32>
        %broadcast_in_dim3A_595 = vector.broadcast %scan3A_62 : f32 to vector<16xf32>
        %select_n3A_596 = arith.select %ge3A_579, %gather3A_543, %broadcast_in_dim3A_595 : vector<16xi1>, vector<16xf32>
        tpu.vector_store_idx %arg7[%add3A_533], %select_n3A_596 : memref<16384xf32, #tpu.memory_space<vmem>>[vector<16xi32>], vector<16xf32>,
        %broadcast_in_dim3A_597 = vector.broadcast %scan3A_62 : f32 to vector<16xf32>
        %select_n3A_598 = arith.select %ge3A_584, %gather3A_544, %broadcast_in_dim3A_597 : vector<16xi1>, vector<16xf32>
        tpu.vector_store_idx %arg7[%add3A_536], %select_n3A_598 : memref<16384xf32, #tpu.memory_space<vmem>>[vector<16xi32>], vector<16xf32>,
        %broadcast_in_dim3A_599 = vector.broadcast %scan3A_62 : f32 to vector<16xf32>
        %select_n3A_600 = arith.select %ge3A_589, %gather3A_545, %broadcast_in_dim3A_599 : vector<16xi1>, vector<16xf32>
        tpu.vector_store_idx %arg7[%add3A_539], %select_n3A_600 : memref<16384xf32, #tpu.memory_space<vmem>>[vector<16xi32>], vector<16xf32>,
        %broadcast_in_dim3A_601 = vector.broadcast %scan3A_62 : f32 to vector<16xf32>
        %select_n3A_602 = arith.select %le3A_594, %gather3A_546, %broadcast_in_dim3A_601 : vector<16xi1>, vector<16xf32>
        tpu.vector_store_idx %arg7[%add3A_542], %select_n3A_602 : memref<16384xf32, #tpu.memory_space<vmem>>[vector<16xi32>], vector<16xf32>,
        %scan3A_603 = arith.constant 2 : i32
        %scan3A_604 = arith.addi %scan3A_460, %scan3A_603 : i32
        %shift_left3A_605 = arith.constant 6 : i32
        %shift_left3A_606 = arith.shli %scan3A_604, %shift_left3A_605 : i32
        %add3A_607 = vector.broadcast %shift_left3A_606 : i32 to vector<16xi32>
        %add3A_608 = arith.addi %mul3A_5, %add3A_607 : vector<16xi32>
        %add3A_609 = arith.constant 1 : i32
        %add3A_610 = vector.broadcast %add3A_609 : i32 to vector<16xi32>
        %add3A_611 = arith.addi %add3A_608, %add3A_610 : vector<16xi32>
        %add3A_612 = arith.constant 2 : i32
        %add3A_613 = vector.broadcast %add3A_612 : i32 to vector<16xi32>
        %add3A_614 = arith.addi %add3A_608, %add3A_613 : vector<16xi32>
        %add3A_615 = arith.constant 3 : i32
        %add3A_616 = vector.broadcast %add3A_615 : i32 to vector<16xi32>
        %add3A_617 = arith.addi %add3A_608, %add3A_616 : vector<16xi32>
        %gather3A_618 = tpu.vector_load_idx %arg5[%add3A_608] : memref<16384xf32, #tpu.memory_space<vmem>>[vector<16xi32>], vector<16xf32>,
        %gather3A_619 = tpu.vector_load_idx %arg5[%add3A_611] : memref<16384xf32, #tpu.memory_space<vmem>>[vector<16xi32>], vector<16xf32>,
        %gather3A_620 = tpu.vector_load_idx %arg5[%add3A_614] : memref<16384xf32, #tpu.memory_space<vmem>>[vector<16xi32>], vector<16xf32>,
        %gather3A_621 = tpu.vector_load_idx %arg5[%add3A_617] : memref<16384xf32, #tpu.memory_space<vmem>>[vector<16xi32>], vector<16xf32>,
        %mul3A_622 = arith.mulf %gather3A_618, %gather3A_618 : vector<16xf32>
        %mul3A_623 = arith.mulf %gather3A_619, %gather3A_619 : vector<16xf32>
        %mul3A_624 = arith.mulf %gather3A_620, %gather3A_620 : vector<16xf32>
        %mul3A_625 = arith.mulf %gather3A_621, %gather3A_621 : vector<16xf32>
        %ge3A_626 = arith.cmpf oge, %mul3A_622, %mul3A_623 : vector<16xf32>
        %broadcast_in_dim3A_627 = vector.broadcast %scan3A_61 : f32 to vector<16xf32>
        %broadcast_in_dim3A_628 = vector.broadcast %scan3A_62 : f32 to vector<16xf32>
        %select_n3A_629 = arith.select %ge3A_626, %broadcast_in_dim3A_627, %broadcast_in_dim3A_628 : vector<16xi1>, vector<16xf32>
        %ge3A_630 = arith.cmpf oge, %mul3A_622, %mul3A_624 : vector<16xf32>
        %broadcast_in_dim3A_631 = vector.broadcast %scan3A_61 : f32 to vector<16xf32>
        %broadcast_in_dim3A_632 = vector.broadcast %scan3A_62 : f32 to vector<16xf32>
        %select_n3A_633 = arith.select %ge3A_630, %broadcast_in_dim3A_631, %broadcast_in_dim3A_632 : vector<16xi1>, vector<16xf32>
        %ge3A_634 = arith.cmpf oge, %mul3A_622, %mul3A_625 : vector<16xf32>
        %broadcast_in_dim3A_635 = vector.broadcast %scan3A_61 : f32 to vector<16xf32>
        %broadcast_in_dim3A_636 = vector.broadcast %scan3A_62 : f32 to vector<16xf32>
        %select_n3A_637 = arith.select %ge3A_634, %broadcast_in_dim3A_635, %broadcast_in_dim3A_636 : vector<16xi1>, vector<16xf32>
        %ge3A_638 = arith.cmpf oge, %mul3A_623, %mul3A_624 : vector<16xf32>
        %broadcast_in_dim3A_639 = vector.broadcast %scan3A_61 : f32 to vector<16xf32>
        %broadcast_in_dim3A_640 = vector.broadcast %scan3A_62 : f32 to vector<16xf32>
        %select_n3A_641 = arith.select %ge3A_638, %broadcast_in_dim3A_639, %broadcast_in_dim3A_640 : vector<16xi1>, vector<16xf32>
        %ge3A_642 = arith.cmpf oge, %mul3A_623, %mul3A_625 : vector<16xf32>
        %broadcast_in_dim3A_643 = vector.broadcast %scan3A_61 : f32 to vector<16xf32>
        %broadcast_in_dim3A_644 = vector.broadcast %scan3A_62 : f32 to vector<16xf32>
        %select_n3A_645 = arith.select %ge3A_642, %broadcast_in_dim3A_643, %broadcast_in_dim3A_644 : vector<16xi1>, vector<16xf32>
        %ge3A_646 = arith.cmpf oge, %mul3A_624, %mul3A_625 : vector<16xf32>
        %broadcast_in_dim3A_647 = vector.broadcast %scan3A_61 : f32 to vector<16xf32>
        %broadcast_in_dim3A_648 = vector.broadcast %scan3A_62 : f32 to vector<16xf32>
        %select_n3A_649 = arith.select %ge3A_646, %broadcast_in_dim3A_647, %broadcast_in_dim3A_648 : vector<16xi1>, vector<16xf32>
        %add3A_650 = arith.addf %select_n3A_629, %select_n3A_633 : vector<16xf32>
        %add3A_651 = arith.addf %add3A_650, %select_n3A_637 : vector<16xf32>
        %ge3A_652 = arith.constant 2.000000e+00 : f32
        %ge3A_653 = vector.broadcast %ge3A_652 : f32 to vector<16xf32>
        %ge3A_654 = arith.cmpf oge, %add3A_651, %ge3A_653 : vector<16xf32>
        %add3A_655 = arith.addf %select_n3A_641, %select_n3A_645 : vector<16xf32>
        %sub3A_656 = arith.subf %add3A_655, %select_n3A_629 : vector<16xf32>
        %ge3A_657 = arith.constant 1.000000e+00 : f32
        %ge3A_658 = vector.broadcast %ge3A_657 : f32 to vector<16xf32>
        %ge3A_659 = arith.cmpf oge, %sub3A_656, %ge3A_658 : vector<16xf32>
        %sub3A_660 = arith.subf %select_n3A_649, %select_n3A_633 : vector<16xf32>
        %sub3A_661 = arith.subf %sub3A_660, %select_n3A_641 : vector<16xf32>
        %ge3A_662 = arith.constant 0.000000e+00 : f32
        %ge3A_663 = vector.broadcast %ge3A_662 : f32 to vector<16xf32>
        %ge3A_664 = arith.cmpf oge, %sub3A_661, %ge3A_663 : vector<16xf32>
        %add3A_665 = arith.addf %select_n3A_637, %select_n3A_645 : vector<16xf32>
        %add3A_666 = arith.addf %add3A_665, %select_n3A_649 : vector<16xf32>
        %le3A_667 = arith.constant 1.000000e+00 : f32
        %le3A_668 = vector.broadcast %le3A_667 : f32 to vector<16xf32>
        %le3A_669 = arith.cmpf ole, %add3A_666, %le3A_668 : vector<16xf32>
        %broadcast_in_dim3A_670 = vector.broadcast %scan3A_62 : f32 to vector<16xf32>
        %select_n3A_671 = arith.select %ge3A_654, %gather3A_618, %broadcast_in_dim3A_670 : vector<16xi1>, vector<16xf32>
        tpu.vector_store_idx %arg7[%add3A_608], %select_n3A_671 : memref<16384xf32, #tpu.memory_space<vmem>>[vector<16xi32>], vector<16xf32>,
        %broadcast_in_dim3A_672 = vector.broadcast %scan3A_62 : f32 to vector<16xf32>
        %select_n3A_673 = arith.select %ge3A_659, %gather3A_619, %broadcast_in_dim3A_672 : vector<16xi1>, vector<16xf32>
        tpu.vector_store_idx %arg7[%add3A_611], %select_n3A_673 : memref<16384xf32, #tpu.memory_space<vmem>>[vector<16xi32>], vector<16xf32>,
        %broadcast_in_dim3A_674 = vector.broadcast %scan3A_62 : f32 to vector<16xf32>
        %select_n3A_675 = arith.select %ge3A_664, %gather3A_620, %broadcast_in_dim3A_674 : vector<16xi1>, vector<16xf32>
        tpu.vector_store_idx %arg7[%add3A_614], %select_n3A_675 : memref<16384xf32, #tpu.memory_space<vmem>>[vector<16xi32>], vector<16xf32>,
        %broadcast_in_dim3A_676 = vector.broadcast %scan3A_62 : f32 to vector<16xf32>
        %select_n3A_677 = arith.select %le3A_669, %gather3A_621, %broadcast_in_dim3A_676 : vector<16xi1>, vector<16xf32>
        tpu.vector_store_idx %arg7[%add3A_617], %select_n3A_677 : memref<16384xf32, #tpu.memory_space<vmem>>[vector<16xi32>], vector<16xf32>,
        %scan3A_678 = arith.constant 3 : i32
        %scan3A_679 = arith.addi %scan3A_460, %scan3A_678 : i32
        %shift_left3A_680 = arith.constant 6 : i32
        %shift_left3A_681 = arith.shli %scan3A_679, %shift_left3A_680 : i32
        %add3A_682 = vector.broadcast %shift_left3A_681 : i32 to vector<16xi32>
        %add3A_683 = arith.addi %mul3A_5, %add3A_682 : vector<16xi32>
        %add3A_684 = arith.constant 1 : i32
        %add3A_685 = vector.broadcast %add3A_684 : i32 to vector<16xi32>
        %add3A_686 = arith.addi %add3A_683, %add3A_685 : vector<16xi32>
        %add3A_687 = arith.constant 2 : i32
        %add3A_688 = vector.broadcast %add3A_687 : i32 to vector<16xi32>
        %add3A_689 = arith.addi %add3A_683, %add3A_688 : vector<16xi32>
        %add3A_690 = arith.constant 3 : i32
        %add3A_691 = vector.broadcast %add3A_690 : i32 to vector<16xi32>
        %add3A_692 = arith.addi %add3A_683, %add3A_691 : vector<16xi32>
        %gather3A_693 = tpu.vector_load_idx %arg5[%add3A_683] : memref<16384xf32, #tpu.memory_space<vmem>>[vector<16xi32>], vector<16xf32>,
        %gather3A_694 = tpu.vector_load_idx %arg5[%add3A_686] : memref<16384xf32, #tpu.memory_space<vmem>>[vector<16xi32>], vector<16xf32>,
        %gather3A_695 = tpu.vector_load_idx %arg5[%add3A_689] : memref<16384xf32, #tpu.memory_space<vmem>>[vector<16xi32>], vector<16xf32>,
        %gather3A_696 = tpu.vector_load_idx %arg5[%add3A_692] : memref<16384xf32, #tpu.memory_space<vmem>>[vector<16xi32>], vector<16xf32>,
        %mul3A_697 = arith.mulf %gather3A_693, %gather3A_693 : vector<16xf32>
        %mul3A_698 = arith.mulf %gather3A_694, %gather3A_694 : vector<16xf32>
        %mul3A_699 = arith.mulf %gather3A_695, %gather3A_695 : vector<16xf32>
        %mul3A_700 = arith.mulf %gather3A_696, %gather3A_696 : vector<16xf32>
        %ge3A_701 = arith.cmpf oge, %mul3A_697, %mul3A_698 : vector<16xf32>
        %broadcast_in_dim3A_702 = vector.broadcast %scan3A_61 : f32 to vector<16xf32>
        %broadcast_in_dim3A_703 = vector.broadcast %scan3A_62 : f32 to vector<16xf32>
        %select_n3A_704 = arith.select %ge3A_701, %broadcast_in_dim3A_702, %broadcast_in_dim3A_703 : vector<16xi1>, vector<16xf32>
        %ge3A_705 = arith.cmpf oge, %mul3A_697, %mul3A_699 : vector<16xf32>
        %broadcast_in_dim3A_706 = vector.broadcast %scan3A_61 : f32 to vector<16xf32>
        %broadcast_in_dim3A_707 = vector.broadcast %scan3A_62 : f32 to vector<16xf32>
        %select_n3A_708 = arith.select %ge3A_705, %broadcast_in_dim3A_706, %broadcast_in_dim3A_707 : vector<16xi1>, vector<16xf32>
        %ge3A_709 = arith.cmpf oge, %mul3A_697, %mul3A_700 : vector<16xf32>
        %broadcast_in_dim3A_710 = vector.broadcast %scan3A_61 : f32 to vector<16xf32>
        %broadcast_in_dim3A_711 = vector.broadcast %scan3A_62 : f32 to vector<16xf32>
        %select_n3A_712 = arith.select %ge3A_709, %broadcast_in_dim3A_710, %broadcast_in_dim3A_711 : vector<16xi1>, vector<16xf32>
        %ge3A_713 = arith.cmpf oge, %mul3A_698, %mul3A_699 : vector<16xf32>
        %broadcast_in_dim3A_714 = vector.broadcast %scan3A_61 : f32 to vector<16xf32>
        %broadcast_in_dim3A_715 = vector.broadcast %scan3A_62 : f32 to vector<16xf32>
        %select_n3A_716 = arith.select %ge3A_713, %broadcast_in_dim3A_714, %broadcast_in_dim3A_715 : vector<16xi1>, vector<16xf32>
        %ge3A_717 = arith.cmpf oge, %mul3A_698, %mul3A_700 : vector<16xf32>
        %broadcast_in_dim3A_718 = vector.broadcast %scan3A_61 : f32 to vector<16xf32>
        %broadcast_in_dim3A_719 = vector.broadcast %scan3A_62 : f32 to vector<16xf32>
        %select_n3A_720 = arith.select %ge3A_717, %broadcast_in_dim3A_718, %broadcast_in_dim3A_719 : vector<16xi1>, vector<16xf32>
        %ge3A_721 = arith.cmpf oge, %mul3A_699, %mul3A_700 : vector<16xf32>
        %broadcast_in_dim3A_722 = vector.broadcast %scan3A_61 : f32 to vector<16xf32>
        %broadcast_in_dim3A_723 = vector.broadcast %scan3A_62 : f32 to vector<16xf32>
        %select_n3A_724 = arith.select %ge3A_721, %broadcast_in_dim3A_722, %broadcast_in_dim3A_723 : vector<16xi1>, vector<16xf32>
        %add3A_725 = arith.addf %select_n3A_704, %select_n3A_708 : vector<16xf32>
        %add3A_726 = arith.addf %add3A_725, %select_n3A_712 : vector<16xf32>
        %ge3A_727 = arith.constant 2.000000e+00 : f32
        %ge3A_728 = vector.broadcast %ge3A_727 : f32 to vector<16xf32>
        %ge3A_729 = arith.cmpf oge, %add3A_726, %ge3A_728 : vector<16xf32>
        %add3A_730 = arith.addf %select_n3A_716, %select_n3A_720 : vector<16xf32>
        %sub3A_731 = arith.subf %add3A_730, %select_n3A_704 : vector<16xf32>
        %ge3A_732 = arith.constant 1.000000e+00 : f32
        %ge3A_733 = vector.broadcast %ge3A_732 : f32 to vector<16xf32>
        %ge3A_734 = arith.cmpf oge, %sub3A_731, %ge3A_733 : vector<16xf32>
        %sub3A_735 = arith.subf %select_n3A_724, %select_n3A_708 : vector<16xf32>
        %sub3A_736 = arith.subf %sub3A_735, %select_n3A_716 : vector<16xf32>
        %ge3A_737 = arith.constant 0.000000e+00 : f32
        %ge3A_738 = vector.broadcast %ge3A_737 : f32 to vector<16xf32>
        %ge3A_739 = arith.cmpf oge, %sub3A_736, %ge3A_738 : vector<16xf32>
        %add3A_740 = arith.addf %select_n3A_712, %select_n3A_720 : vector<16xf32>
        %add3A_741 = arith.addf %add3A_740, %select_n3A_724 : vector<16xf32>
        %le3A_742 = arith.constant 1.000000e+00 : f32
        %le3A_743 = vector.broadcast %le3A_742 : f32 to vector<16xf32>
        %le3A_744 = arith.cmpf ole, %add3A_741, %le3A_743 : vector<16xf32>
        %broadcast_in_dim3A_745 = vector.broadcast %scan3A_62 : f32 to vector<16xf32>
        %select_n3A_746 = arith.select %ge3A_729, %gather3A_693, %broadcast_in_dim3A_745 : vector<16xi1>, vector<16xf32>
        tpu.vector_store_idx %arg7[%add3A_683], %select_n3A_746 : memref<16384xf32, #tpu.memory_space<vmem>>[vector<16xi32>], vector<16xf32>,
        %broadcast_in_dim3A_747 = vector.broadcast %scan3A_62 : f32 to vector<16xf32>
        %select_n3A_748 = arith.select %ge3A_734, %gather3A_694, %broadcast_in_dim3A_747 : vector<16xi1>, vector<16xf32>
        tpu.vector_store_idx %arg7[%add3A_686], %select_n3A_748 : memref<16384xf32, #tpu.memory_space<vmem>>[vector<16xi32>], vector<16xf32>,
        %broadcast_in_dim3A_749 = vector.broadcast %scan3A_62 : f32 to vector<16xf32>
        %select_n3A_750 = arith.select %ge3A_739, %gather3A_695, %broadcast_in_dim3A_749 : vector<16xi1>, vector<16xf32>
        tpu.vector_store_idx %arg7[%add3A_689], %select_n3A_750 : memref<16384xf32, #tpu.memory_space<vmem>>[vector<16xi32>], vector<16xf32>,
        %broadcast_in_dim3A_751 = vector.broadcast %scan3A_62 : f32 to vector<16xf32>
        %select_n3A_752 = arith.select %le3A_744, %gather3A_696, %broadcast_in_dim3A_751 : vector<16xi1>, vector<16xf32>
        tpu.vector_store_idx %arg7[%add3A_692], %select_n3A_752 : memref<16384xf32, #tpu.memory_space<vmem>>[vector<16xi32>], vector<16xf32>,
        %scan3A_753 = arith.constant 4 : i32
        %scan3A_754 = arith.addi %scan3A_460, %scan3A_753 : i32
        %shift_left3A_755 = arith.constant 6 : i32
        %shift_left3A_756 = arith.shli %scan3A_754, %shift_left3A_755 : i32
        %add3A_757 = vector.broadcast %shift_left3A_756 : i32 to vector<16xi32>
        %add3A_758 = arith.addi %mul3A_5, %add3A_757 : vector<16xi32>
        %add3A_759 = arith.constant 1 : i32
        %add3A_760 = vector.broadcast %add3A_759 : i32 to vector<16xi32>
        %add3A_761 = arith.addi %add3A_758, %add3A_760 : vector<16xi32>
        %add3A_762 = arith.constant 2 : i32
        %add3A_763 = vector.broadcast %add3A_762 : i32 to vector<16xi32>
        %add3A_764 = arith.addi %add3A_758, %add3A_763 : vector<16xi32>
        %add3A_765 = arith.constant 3 : i32
        %add3A_766 = vector.broadcast %add3A_765 : i32 to vector<16xi32>
        %add3A_767 = arith.addi %add3A_758, %add3A_766 : vector<16xi32>
        %gather3A_768 = tpu.vector_load_idx %arg5[%add3A_758] : memref<16384xf32, #tpu.memory_space<vmem>>[vector<16xi32>], vector<16xf32>,
        %gather3A_769 = tpu.vector_load_idx %arg5[%add3A_761] : memref<16384xf32, #tpu.memory_space<vmem>>[vector<16xi32>], vector<16xf32>,
        %gather3A_770 = tpu.vector_load_idx %arg5[%add3A_764] : memref<16384xf32, #tpu.memory_space<vmem>>[vector<16xi32>], vector<16xf32>,
        %gather3A_771 = tpu.vector_load_idx %arg5[%add3A_767] : memref<16384xf32, #tpu.memory_space<vmem>>[vector<16xi32>], vector<16xf32>,
        %mul3A_772 = arith.mulf %gather3A_768, %gather3A_768 : vector<16xf32>
        %mul3A_773 = arith.mulf %gather3A_769, %gather3A_769 : vector<16xf32>
        %mul3A_774 = arith.mulf %gather3A_770, %gather3A_770 : vector<16xf32>
        %mul3A_775 = arith.mulf %gather3A_771, %gather3A_771 : vector<16xf32>
        %ge3A_776 = arith.cmpf oge, %mul3A_772, %mul3A_773 : vector<16xf32>
        %broadcast_in_dim3A_777 = vector.broadcast %scan3A_61 : f32 to vector<16xf32>
        %broadcast_in_dim3A_778 = vector.broadcast %scan3A_62 : f32 to vector<16xf32>
        %select_n3A_779 = arith.select %ge3A_776, %broadcast_in_dim3A_777, %broadcast_in_dim3A_778 : vector<16xi1>, vector<16xf32>
        %ge3A_780 = arith.cmpf oge, %mul3A_772, %mul3A_774 : vector<16xf32>
        %broadcast_in_dim3A_781 = vector.broadcast %scan3A_61 : f32 to vector<16xf32>
        %broadcast_in_dim3A_782 = vector.broadcast %scan3A_62 : f32 to vector<16xf32>
        %select_n3A_783 = arith.select %ge3A_780, %broadcast_in_dim3A_781, %broadcast_in_dim3A_782 : vector<16xi1>, vector<16xf32>
        %ge3A_784 = arith.cmpf oge, %mul3A_772, %mul3A_775 : vector<16xf32>
        %broadcast_in_dim3A_785 = vector.broadcast %scan3A_61 : f32 to vector<16xf32>
        %broadcast_in_dim3A_786 = vector.broadcast %scan3A_62 : f32 to vector<16xf32>
        %select_n3A_787 = arith.select %ge3A_784, %broadcast_in_dim3A_785, %broadcast_in_dim3A_786 : vector<16xi1>, vector<16xf32>
        %ge3A_788 = arith.cmpf oge, %mul3A_773, %mul3A_774 : vector<16xf32>
        %broadcast_in_dim3A_789 = vector.broadcast %scan3A_61 : f32 to vector<16xf32>
        %broadcast_in_dim3A_790 = vector.broadcast %scan3A_62 : f32 to vector<16xf32>
        %select_n3A_791 = arith.select %ge3A_788, %broadcast_in_dim3A_789, %broadcast_in_dim3A_790 : vector<16xi1>, vector<16xf32>
        %ge3A_792 = arith.cmpf oge, %mul3A_773, %mul3A_775 : vector<16xf32>
        %broadcast_in_dim3A_793 = vector.broadcast %scan3A_61 : f32 to vector<16xf32>
        %broadcast_in_dim3A_794 = vector.broadcast %scan3A_62 : f32 to vector<16xf32>
        %select_n3A_795 = arith.select %ge3A_792, %broadcast_in_dim3A_793, %broadcast_in_dim3A_794 : vector<16xi1>, vector<16xf32>
        %ge3A_796 = arith.cmpf oge, %mul3A_774, %mul3A_775 : vector<16xf32>
        %broadcast_in_dim3A_797 = vector.broadcast %scan3A_61 : f32 to vector<16xf32>
        %broadcast_in_dim3A_798 = vector.broadcast %scan3A_62 : f32 to vector<16xf32>
        %select_n3A_799 = arith.select %ge3A_796, %broadcast_in_dim3A_797, %broadcast_in_dim3A_798 : vector<16xi1>, vector<16xf32>
        %add3A_800 = arith.addf %select_n3A_779, %select_n3A_783 : vector<16xf32>
        %add3A_801 = arith.addf %add3A_800, %select_n3A_787 : vector<16xf32>
        %ge3A_802 = arith.constant 2.000000e+00 : f32
        %ge3A_803 = vector.broadcast %ge3A_802 : f32 to vector<16xf32>
        %ge3A_804 = arith.cmpf oge, %add3A_801, %ge3A_803 : vector<16xf32>
        %add3A_805 = arith.addf %select_n3A_791, %select_n3A_795 : vector<16xf32>
        %sub3A_806 = arith.subf %add3A_805, %select_n3A_779 : vector<16xf32>
        %ge3A_807 = arith.constant 1.000000e+00 : f32
        %ge3A_808 = vector.broadcast %ge3A_807 : f32 to vector<16xf32>
        %ge3A_809 = arith.cmpf oge, %sub3A_806, %ge3A_808 : vector<16xf32>
        %sub3A_810 = arith.subf %select_n3A_799, %select_n3A_783 : vector<16xf32>
        %sub3A_811 = arith.subf %sub3A_810, %select_n3A_791 : vector<16xf32>
        %ge3A_812 = arith.constant 0.000000e+00 : f32
        %ge3A_813 = vector.broadcast %ge3A_812 : f32 to vector<16xf32>
        %ge3A_814 = arith.cmpf oge, %sub3A_811, %ge3A_813 : vector<16xf32>
        %add3A_815 = arith.addf %select_n3A_787, %select_n3A_795 : vector<16xf32>
        %add3A_816 = arith.addf %add3A_815, %select_n3A_799 : vector<16xf32>
        %le3A_817 = arith.constant 1.000000e+00 : f32
        %le3A_818 = vector.broadcast %le3A_817 : f32 to vector<16xf32>
        %le3A_819 = arith.cmpf ole, %add3A_816, %le3A_818 : vector<16xf32>
        %broadcast_in_dim3A_820 = vector.broadcast %scan3A_62 : f32 to vector<16xf32>
        %select_n3A_821 = arith.select %ge3A_804, %gather3A_768, %broadcast_in_dim3A_820 : vector<16xi1>, vector<16xf32>
        tpu.vector_store_idx %arg7[%add3A_758], %select_n3A_821 : memref<16384xf32, #tpu.memory_space<vmem>>[vector<16xi32>], vector<16xf32>,
        %broadcast_in_dim3A_822 = vector.broadcast %scan3A_62 : f32 to vector<16xf32>
        %select_n3A_823 = arith.select %ge3A_809, %gather3A_769, %broadcast_in_dim3A_822 : vector<16xi1>, vector<16xf32>
        tpu.vector_store_idx %arg7[%add3A_761], %select_n3A_823 : memref<16384xf32, #tpu.memory_space<vmem>>[vector<16xi32>], vector<16xf32>,
        %broadcast_in_dim3A_824 = vector.broadcast %scan3A_62 : f32 to vector<16xf32>
        %select_n3A_825 = arith.select %ge3A_814, %gather3A_770, %broadcast_in_dim3A_824 : vector<16xi1>, vector<16xf32>
        tpu.vector_store_idx %arg7[%add3A_764], %select_n3A_825 : memref<16384xf32, #tpu.memory_space<vmem>>[vector<16xi32>], vector<16xf32>,
        %broadcast_in_dim3A_826 = vector.broadcast %scan3A_62 : f32 to vector<16xf32>
        %select_n3A_827 = arith.select %le3A_819, %gather3A_771, %broadcast_in_dim3A_826 : vector<16xi1>, vector<16xf32>
        tpu.vector_store_idx %arg7[%add3A_767], %select_n3A_827 : memref<16384xf32, #tpu.memory_space<vmem>>[vector<16xi32>], vector<16xf32>,
        %scan3A_828 = arith.constant 5 : i32
        %scan3A_829 = arith.addi %scan3A_460, %scan3A_828 : i32
        %shift_left3A_830 = arith.constant 6 : i32
        %shift_left3A_831 = arith.shli %scan3A_829, %shift_left3A_830 : i32
        %add3A_832 = vector.broadcast %shift_left3A_831 : i32 to vector<16xi32>
        %add3A_833 = arith.addi %mul3A_5, %add3A_832 : vector<16xi32>
        %add3A_834 = arith.constant 1 : i32
        %add3A_835 = vector.broadcast %add3A_834 : i32 to vector<16xi32>
        %add3A_836 = arith.addi %add3A_833, %add3A_835 : vector<16xi32>
        %add3A_837 = arith.constant 2 : i32
        %add3A_838 = vector.broadcast %add3A_837 : i32 to vector<16xi32>
        %add3A_839 = arith.addi %add3A_833, %add3A_838 : vector<16xi32>
        %add3A_840 = arith.constant 3 : i32
        %add3A_841 = vector.broadcast %add3A_840 : i32 to vector<16xi32>
        %add3A_842 = arith.addi %add3A_833, %add3A_841 : vector<16xi32>
        %gather3A_843 = tpu.vector_load_idx %arg5[%add3A_833] : memref<16384xf32, #tpu.memory_space<vmem>>[vector<16xi32>], vector<16xf32>,
        %gather3A_844 = tpu.vector_load_idx %arg5[%add3A_836] : memref<16384xf32, #tpu.memory_space<vmem>>[vector<16xi32>], vector<16xf32>,
        %gather3A_845 = tpu.vector_load_idx %arg5[%add3A_839] : memref<16384xf32, #tpu.memory_space<vmem>>[vector<16xi32>], vector<16xf32>,
        %gather3A_846 = tpu.vector_load_idx %arg5[%add3A_842] : memref<16384xf32, #tpu.memory_space<vmem>>[vector<16xi32>], vector<16xf32>,
        %mul3A_847 = arith.mulf %gather3A_843, %gather3A_843 : vector<16xf32>
        %mul3A_848 = arith.mulf %gather3A_844, %gather3A_844 : vector<16xf32>
        %mul3A_849 = arith.mulf %gather3A_845, %gather3A_845 : vector<16xf32>
        %mul3A_850 = arith.mulf %gather3A_846, %gather3A_846 : vector<16xf32>
        %ge3A_851 = arith.cmpf oge, %mul3A_847, %mul3A_848 : vector<16xf32>
        %broadcast_in_dim3A_852 = vector.broadcast %scan3A_61 : f32 to vector<16xf32>
        %broadcast_in_dim3A_853 = vector.broadcast %scan3A_62 : f32 to vector<16xf32>
        %select_n3A_854 = arith.select %ge3A_851, %broadcast_in_dim3A_852, %broadcast_in_dim3A_853 : vector<16xi1>, vector<16xf32>
        %ge3A_855 = arith.cmpf oge, %mul3A_847, %mul3A_849 : vector<16xf32>
        %broadcast_in_dim3A_856 = vector.broadcast %scan3A_61 : f32 to vector<16xf32>
        %broadcast_in_dim3A_857 = vector.broadcast %scan3A_62 : f32 to vector<16xf32>
        %select_n3A_858 = arith.select %ge3A_855, %broadcast_in_dim3A_856, %broadcast_in_dim3A_857 : vector<16xi1>, vector<16xf32>
        %ge3A_859 = arith.cmpf oge, %mul3A_847, %mul3A_850 : vector<16xf32>
        %broadcast_in_dim3A_860 = vector.broadcast %scan3A_61 : f32 to vector<16xf32>
        %broadcast_in_dim3A_861 = vector.broadcast %scan3A_62 : f32 to vector<16xf32>
        %select_n3A_862 = arith.select %ge3A_859, %broadcast_in_dim3A_860, %broadcast_in_dim3A_861 : vector<16xi1>, vector<16xf32>
        %ge3A_863 = arith.cmpf oge, %mul3A_848, %mul3A_849 : vector<16xf32>
        %broadcast_in_dim3A_864 = vector.broadcast %scan3A_61 : f32 to vector<16xf32>
        %broadcast_in_dim3A_865 = vector.broadcast %scan3A_62 : f32 to vector<16xf32>
        %select_n3A_866 = arith.select %ge3A_863, %broadcast_in_dim3A_864, %broadcast_in_dim3A_865 : vector<16xi1>, vector<16xf32>
        %ge3A_867 = arith.cmpf oge, %mul3A_848, %mul3A_850 : vector<16xf32>
        %broadcast_in_dim3A_868 = vector.broadcast %scan3A_61 : f32 to vector<16xf32>
        %broadcast_in_dim3A_869 = vector.broadcast %scan3A_62 : f32 to vector<16xf32>
        %select_n3A_870 = arith.select %ge3A_867, %broadcast_in_dim3A_868, %broadcast_in_dim3A_869 : vector<16xi1>, vector<16xf32>
        %ge3A_871 = arith.cmpf oge, %mul3A_849, %mul3A_850 : vector<16xf32>
        %broadcast_in_dim3A_872 = vector.broadcast %scan3A_61 : f32 to vector<16xf32>
        %broadcast_in_dim3A_873 = vector.broadcast %scan3A_62 : f32 to vector<16xf32>
        %select_n3A_874 = arith.select %ge3A_871, %broadcast_in_dim3A_872, %broadcast_in_dim3A_873 : vector<16xi1>, vector<16xf32>
        %add3A_875 = arith.addf %select_n3A_854, %select_n3A_858 : vector<16xf32>
        %add3A_876 = arith.addf %add3A_875, %select_n3A_862 : vector<16xf32>
        %ge3A_877 = arith.constant 2.000000e+00 : f32
        %ge3A_878 = vector.broadcast %ge3A_877 : f32 to vector<16xf32>
        %ge3A_879 = arith.cmpf oge, %add3A_876, %ge3A_878 : vector<16xf32>
        %add3A_880 = arith.addf %select_n3A_866, %select_n3A_870 : vector<16xf32>
        %sub3A_881 = arith.subf %add3A_880, %select_n3A_854 : vector<16xf32>
        %ge3A_882 = arith.constant 1.000000e+00 : f32
        %ge3A_883 = vector.broadcast %ge3A_882 : f32 to vector<16xf32>
        %ge3A_884 = arith.cmpf oge, %sub3A_881, %ge3A_883 : vector<16xf32>
        %sub3A_885 = arith.subf %select_n3A_874, %select_n3A_858 : vector<16xf32>
        %sub3A_886 = arith.subf %sub3A_885, %select_n3A_866 : vector<16xf32>
        %ge3A_887 = arith.constant 0.000000e+00 : f32
        %ge3A_888 = vector.broadcast %ge3A_887 : f32 to vector<16xf32>
        %ge3A_889 = arith.cmpf oge, %sub3A_886, %ge3A_888 : vector<16xf32>
        %add3A_890 = arith.addf %select_n3A_862, %select_n3A_870 : vector<16xf32>
        %add3A_891 = arith.addf %add3A_890, %select_n3A_874 : vector<16xf32>
        %le3A_892 = arith.constant 1.000000e+00 : f32
        %le3A_893 = vector.broadcast %le3A_892 : f32 to vector<16xf32>
        %le3A_894 = arith.cmpf ole, %add3A_891, %le3A_893 : vector<16xf32>
        %broadcast_in_dim3A_895 = vector.broadcast %scan3A_62 : f32 to vector<16xf32>
        %select_n3A_896 = arith.select %ge3A_879, %gather3A_843, %broadcast_in_dim3A_895 : vector<16xi1>, vector<16xf32>
        tpu.vector_store_idx %arg7[%add3A_833], %select_n3A_896 : memref<16384xf32, #tpu.memory_space<vmem>>[vector<16xi32>], vector<16xf32>,
        %broadcast_in_dim3A_897 = vector.broadcast %scan3A_62 : f32 to vector<16xf32>
        %select_n3A_898 = arith.select %ge3A_884, %gather3A_844, %broadcast_in_dim3A_897 : vector<16xi1>, vector<16xf32>
        tpu.vector_store_idx %arg7[%add3A_836], %select_n3A_898 : memref<16384xf32, #tpu.memory_space<vmem>>[vector<16xi32>], vector<16xf32>,
        %broadcast_in_dim3A_899 = vector.broadcast %scan3A_62 : f32 to vector<16xf32>
        %select_n3A_900 = arith.select %ge3A_889, %gather3A_845, %broadcast_in_dim3A_899 : vector<16xi1>, vector<16xf32>
        tpu.vector_store_idx %arg7[%add3A_839], %select_n3A_900 : memref<16384xf32, #tpu.memory_space<vmem>>[vector<16xi32>], vector<16xf32>,
        %broadcast_in_dim3A_901 = vector.broadcast %scan3A_62 : f32 to vector<16xf32>
        %select_n3A_902 = arith.select %le3A_894, %gather3A_846, %broadcast_in_dim3A_901 : vector<16xi1>, vector<16xf32>
        tpu.vector_store_idx %arg7[%add3A_842], %select_n3A_902 : memref<16384xf32, #tpu.memory_space<vmem>>[vector<16xi32>], vector<16xf32>,
        %scan3A_903 = arith.constant 6 : i32
        %scan3A_904 = arith.addi %scan3A_460, %scan3A_903 : i32
        %shift_left3A_905 = arith.constant 6 : i32
        %shift_left3A_906 = arith.shli %scan3A_904, %shift_left3A_905 : i32
        %add3A_907 = vector.broadcast %shift_left3A_906 : i32 to vector<16xi32>
        %add3A_908 = arith.addi %mul3A_5, %add3A_907 : vector<16xi32>
        %add3A_909 = arith.constant 1 : i32
        %add3A_910 = vector.broadcast %add3A_909 : i32 to vector<16xi32>
        %add3A_911 = arith.addi %add3A_908, %add3A_910 : vector<16xi32>
        %add3A_912 = arith.constant 2 : i32
        %add3A_913 = vector.broadcast %add3A_912 : i32 to vector<16xi32>
        %add3A_914 = arith.addi %add3A_908, %add3A_913 : vector<16xi32>
        %add3A_915 = arith.constant 3 : i32
        %add3A_916 = vector.broadcast %add3A_915 : i32 to vector<16xi32>
        %add3A_917 = arith.addi %add3A_908, %add3A_916 : vector<16xi32>
        %gather3A_918 = tpu.vector_load_idx %arg5[%add3A_908] : memref<16384xf32, #tpu.memory_space<vmem>>[vector<16xi32>], vector<16xf32>,
        %gather3A_919 = tpu.vector_load_idx %arg5[%add3A_911] : memref<16384xf32, #tpu.memory_space<vmem>>[vector<16xi32>], vector<16xf32>,
        %gather3A_920 = tpu.vector_load_idx %arg5[%add3A_914] : memref<16384xf32, #tpu.memory_space<vmem>>[vector<16xi32>], vector<16xf32>,
        %gather3A_921 = tpu.vector_load_idx %arg5[%add3A_917] : memref<16384xf32, #tpu.memory_space<vmem>>[vector<16xi32>], vector<16xf32>,
        %mul3A_922 = arith.mulf %gather3A_918, %gather3A_918 : vector<16xf32>
        %mul3A_923 = arith.mulf %gather3A_919, %gather3A_919 : vector<16xf32>
        %mul3A_924 = arith.mulf %gather3A_920, %gather3A_920 : vector<16xf32>
        %mul3A_925 = arith.mulf %gather3A_921, %gather3A_921 : vector<16xf32>
        %ge3A_926 = arith.cmpf oge, %mul3A_922, %mul3A_923 : vector<16xf32>
        %broadcast_in_dim3A_927 = vector.broadcast %scan3A_61 : f32 to vector<16xf32>
        %broadcast_in_dim3A_928 = vector.broadcast %scan3A_62 : f32 to vector<16xf32>
        %select_n3A_929 = arith.select %ge3A_926, %broadcast_in_dim3A_927, %broadcast_in_dim3A_928 : vector<16xi1>, vector<16xf32>
        %ge3A_930 = arith.cmpf oge, %mul3A_922, %mul3A_924 : vector<16xf32>
        %broadcast_in_dim3A_931 = vector.broadcast %scan3A_61 : f32 to vector<16xf32>
        %broadcast_in_dim3A_932 = vector.broadcast %scan3A_62 : f32 to vector<16xf32>
        %select_n3A_933 = arith.select %ge3A_930, %broadcast_in_dim3A_931, %broadcast_in_dim3A_932 : vector<16xi1>, vector<16xf32>
        %ge3A_934 = arith.cmpf oge, %mul3A_922, %mul3A_925 : vector<16xf32>
        %broadcast_in_dim3A_935 = vector.broadcast %scan3A_61 : f32 to vector<16xf32>
        %broadcast_in_dim3A_936 = vector.broadcast %scan3A_62 : f32 to vector<16xf32>
        %select_n3A_937 = arith.select %ge3A_934, %broadcast_in_dim3A_935, %broadcast_in_dim3A_936 : vector<16xi1>, vector<16xf32>
        %ge3A_938 = arith.cmpf oge, %mul3A_923, %mul3A_924 : vector<16xf32>
        %broadcast_in_dim3A_939 = vector.broadcast %scan3A_61 : f32 to vector<16xf32>
        %broadcast_in_dim3A_940 = vector.broadcast %scan3A_62 : f32 to vector<16xf32>
        %select_n3A_941 = arith.select %ge3A_938, %broadcast_in_dim3A_939, %broadcast_in_dim3A_940 : vector<16xi1>, vector<16xf32>
        %ge3A_942 = arith.cmpf oge, %mul3A_923, %mul3A_925 : vector<16xf32>
        %broadcast_in_dim3A_943 = vector.broadcast %scan3A_61 : f32 to vector<16xf32>
        %broadcast_in_dim3A_944 = vector.broadcast %scan3A_62 : f32 to vector<16xf32>
        %select_n3A_945 = arith.select %ge3A_942, %broadcast_in_dim3A_943, %broadcast_in_dim3A_944 : vector<16xi1>, vector<16xf32>
        %ge3A_946 = arith.cmpf oge, %mul3A_924, %mul3A_925 : vector<16xf32>
        %broadcast_in_dim3A_947 = vector.broadcast %scan3A_61 : f32 to vector<16xf32>
        %broadcast_in_dim3A_948 = vector.broadcast %scan3A_62 : f32 to vector<16xf32>
        %select_n3A_949 = arith.select %ge3A_946, %broadcast_in_dim3A_947, %broadcast_in_dim3A_948 : vector<16xi1>, vector<16xf32>
        %add3A_950 = arith.addf %select_n3A_929, %select_n3A_933 : vector<16xf32>
        %add3A_951 = arith.addf %add3A_950, %select_n3A_937 : vector<16xf32>
        %ge3A_952 = arith.constant 2.000000e+00 : f32
        %ge3A_953 = vector.broadcast %ge3A_952 : f32 to vector<16xf32>
        %ge3A_954 = arith.cmpf oge, %add3A_951, %ge3A_953 : vector<16xf32>
        %add3A_955 = arith.addf %select_n3A_941, %select_n3A_945 : vector<16xf32>
        %sub3A_956 = arith.subf %add3A_955, %select_n3A_929 : vector<16xf32>
        %ge3A_957 = arith.constant 1.000000e+00 : f32
        %ge3A_958 = vector.broadcast %ge3A_957 : f32 to vector<16xf32>
        %ge3A_959 = arith.cmpf oge, %sub3A_956, %ge3A_958 : vector<16xf32>
        %sub3A_960 = arith.subf %select_n3A_949, %select_n3A_933 : vector<16xf32>
        %sub3A_961 = arith.subf %sub3A_960, %select_n3A_941 : vector<16xf32>
        %ge3A_962 = arith.constant 0.000000e+00 : f32
        %ge3A_963 = vector.broadcast %ge3A_962 : f32 to vector<16xf32>
        %ge3A_964 = arith.cmpf oge, %sub3A_961, %ge3A_963 : vector<16xf32>
        %add3A_965 = arith.addf %select_n3A_937, %select_n3A_945 : vector<16xf32>
        %add3A_966 = arith.addf %add3A_965, %select_n3A_949 : vector<16xf32>
        %le3A_967 = arith.constant 1.000000e+00 : f32
        %le3A_968 = vector.broadcast %le3A_967 : f32 to vector<16xf32>
        %le3A_969 = arith.cmpf ole, %add3A_966, %le3A_968 : vector<16xf32>
        %broadcast_in_dim3A_970 = vector.broadcast %scan3A_62 : f32 to vector<16xf32>
        %select_n3A_971 = arith.select %ge3A_954, %gather3A_918, %broadcast_in_dim3A_970 : vector<16xi1>, vector<16xf32>
        tpu.vector_store_idx %arg7[%add3A_908], %select_n3A_971 : memref<16384xf32, #tpu.memory_space<vmem>>[vector<16xi32>], vector<16xf32>,
        %broadcast_in_dim3A_972 = vector.broadcast %scan3A_62 : f32 to vector<16xf32>
        %select_n3A_973 = arith.select %ge3A_959, %gather3A_919, %broadcast_in_dim3A_972 : vector<16xi1>, vector<16xf32>
        tpu.vector_store_idx %arg7[%add3A_911], %select_n3A_973 : memref<16384xf32, #tpu.memory_space<vmem>>[vector<16xi32>], vector<16xf32>,
        %broadcast_in_dim3A_974 = vector.broadcast %scan3A_62 : f32 to vector<16xf32>
        %select_n3A_975 = arith.select %ge3A_964, %gather3A_920, %broadcast_in_dim3A_974 : vector<16xi1>, vector<16xf32>
        tpu.vector_store_idx %arg7[%add3A_914], %select_n3A_975 : memref<16384xf32, #tpu.memory_space<vmem>>[vector<16xi32>], vector<16xf32>,
        %broadcast_in_dim3A_976 = vector.broadcast %scan3A_62 : f32 to vector<16xf32>
        %select_n3A_977 = arith.select %le3A_969, %gather3A_921, %broadcast_in_dim3A_976 : vector<16xi1>, vector<16xf32>
        tpu.vector_store_idx %arg7[%add3A_917], %select_n3A_977 : memref<16384xf32, #tpu.memory_space<vmem>>[vector<16xi32>], vector<16xf32>,
        %scan3A_978 = arith.constant 7 : i32
        %scan3A_979 = arith.addi %scan3A_460, %scan3A_978 : i32
        %shift_left3A_980 = arith.constant 6 : i32
        %shift_left3A_981 = arith.shli %scan3A_979, %shift_left3A_980 : i32
        %add3A_982 = vector.broadcast %shift_left3A_981 : i32 to vector<16xi32>
        %add3A_983 = arith.addi %mul3A_5, %add3A_982 : vector<16xi32>
        %add3A_984 = arith.constant 1 : i32
        %add3A_985 = vector.broadcast %add3A_984 : i32 to vector<16xi32>
        %add3A_986 = arith.addi %add3A_983, %add3A_985 : vector<16xi32>
        %add3A_987 = arith.constant 2 : i32
        %add3A_988 = vector.broadcast %add3A_987 : i32 to vector<16xi32>
        %add3A_989 = arith.addi %add3A_983, %add3A_988 : vector<16xi32>
        %add3A_990 = arith.constant 3 : i32
        %add3A_991 = vector.broadcast %add3A_990 : i32 to vector<16xi32>
        %add3A_992 = arith.addi %add3A_983, %add3A_991 : vector<16xi32>
        %gather3A_993 = tpu.vector_load_idx %arg5[%add3A_983] : memref<16384xf32, #tpu.memory_space<vmem>>[vector<16xi32>], vector<16xf32>,
        %gather3A_994 = tpu.vector_load_idx %arg5[%add3A_986] : memref<16384xf32, #tpu.memory_space<vmem>>[vector<16xi32>], vector<16xf32>,
        %gather3A_995 = tpu.vector_load_idx %arg5[%add3A_989] : memref<16384xf32, #tpu.memory_space<vmem>>[vector<16xi32>], vector<16xf32>,
        %gather3A_996 = tpu.vector_load_idx %arg5[%add3A_992] : memref<16384xf32, #tpu.memory_space<vmem>>[vector<16xi32>], vector<16xf32>,
        %mul3A_997 = arith.mulf %gather3A_993, %gather3A_993 : vector<16xf32>
        %mul3A_998 = arith.mulf %gather3A_994, %gather3A_994 : vector<16xf32>
        %mul3A_999 = arith.mulf %gather3A_995, %gather3A_995 : vector<16xf32>
        %mul3A_1000 = arith.mulf %gather3A_996, %gather3A_996 : vector<16xf32>
        %ge3A_1001 = arith.cmpf oge, %mul3A_997, %mul3A_998 : vector<16xf32>
        %broadcast_in_dim3A_1002 = vector.broadcast %scan3A_61 : f32 to vector<16xf32>
        %broadcast_in_dim3A_1003 = vector.broadcast %scan3A_62 : f32 to vector<16xf32>
        %select_n3A_1004 = arith.select %ge3A_1001, %broadcast_in_dim3A_1002, %broadcast_in_dim3A_1003 : vector<16xi1>, vector<16xf32>
        %ge3A_1005 = arith.cmpf oge, %mul3A_997, %mul3A_999 : vector<16xf32>
        %broadcast_in_dim3A_1006 = vector.broadcast %scan3A_61 : f32 to vector<16xf32>
        %broadcast_in_dim3A_1007 = vector.broadcast %scan3A_62 : f32 to vector<16xf32>
        %select_n3A_1008 = arith.select %ge3A_1005, %broadcast_in_dim3A_1006, %broadcast_in_dim3A_1007 : vector<16xi1>, vector<16xf32>
        %ge3A_1009 = arith.cmpf oge, %mul3A_997, %mul3A_1000 : vector<16xf32>
        %broadcast_in_dim3A_1010 = vector.broadcast %scan3A_61 : f32 to vector<16xf32>
        %broadcast_in_dim3A_1011 = vector.broadcast %scan3A_62 : f32 to vector<16xf32>
        %select_n3A_1012 = arith.select %ge3A_1009, %broadcast_in_dim3A_1010, %broadcast_in_dim3A_1011 : vector<16xi1>, vector<16xf32>
        %ge3A_1013 = arith.cmpf oge, %mul3A_998, %mul3A_999 : vector<16xf32>
        %broadcast_in_dim3A_1014 = vector.broadcast %scan3A_61 : f32 to vector<16xf32>
        %broadcast_in_dim3A_1015 = vector.broadcast %scan3A_62 : f32 to vector<16xf32>
        %select_n3A_1016 = arith.select %ge3A_1013, %broadcast_in_dim3A_1014, %broadcast_in_dim3A_1015 : vector<16xi1>, vector<16xf32>
        %ge3A_1017 = arith.cmpf oge, %mul3A_998, %mul3A_1000 : vector<16xf32>
        %broadcast_in_dim3A_1018 = vector.broadcast %scan3A_61 : f32 to vector<16xf32>
        %broadcast_in_dim3A_1019 = vector.broadcast %scan3A_62 : f32 to vector<16xf32>
        %select_n3A_1020 = arith.select %ge3A_1017, %broadcast_in_dim3A_1018, %broadcast_in_dim3A_1019 : vector<16xi1>, vector<16xf32>
        %ge3A_1021 = arith.cmpf oge, %mul3A_999, %mul3A_1000 : vector<16xf32>
        %broadcast_in_dim3A_1022 = vector.broadcast %scan3A_61 : f32 to vector<16xf32>
        %broadcast_in_dim3A_1023 = vector.broadcast %scan3A_62 : f32 to vector<16xf32>
        %select_n3A_1024 = arith.select %ge3A_1021, %broadcast_in_dim3A_1022, %broadcast_in_dim3A_1023 : vector<16xi1>, vector<16xf32>
        %add3A_1025 = arith.addf %select_n3A_1004, %select_n3A_1008 : vector<16xf32>
        %add3A_1026 = arith.addf %add3A_1025, %select_n3A_1012 : vector<16xf32>
        %ge3A_1027 = arith.constant 2.000000e+00 : f32
        %ge3A_1028 = vector.broadcast %ge3A_1027 : f32 to vector<16xf32>
        %ge3A_1029 = arith.cmpf oge, %add3A_1026, %ge3A_1028 : vector<16xf32>
        %add3A_1030 = arith.addf %select_n3A_1016, %select_n3A_1020 : vector<16xf32>
        %sub3A_1031 = arith.subf %add3A_1030, %select_n3A_1004 : vector<16xf32>
        %ge3A_1032 = arith.constant 1.000000e+00 : f32
        %ge3A_1033 = vector.broadcast %ge3A_1032 : f32 to vector<16xf32>
        %ge3A_1034 = arith.cmpf oge, %sub3A_1031, %ge3A_1033 : vector<16xf32>
        %sub3A_1035 = arith.subf %select_n3A_1024, %select_n3A_1008 : vector<16xf32>
        %sub3A_1036 = arith.subf %sub3A_1035, %select_n3A_1016 : vector<16xf32>
        %ge3A_1037 = arith.constant 0.000000e+00 : f32
        %ge3A_1038 = vector.broadcast %ge3A_1037 : f32 to vector<16xf32>
        %ge3A_1039 = arith.cmpf oge, %sub3A_1036, %ge3A_1038 : vector<16xf32>
        %add3A_1040 = arith.addf %select_n3A_1012, %select_n3A_1020 : vector<16xf32>
        %add3A_1041 = arith.addf %add3A_1040, %select_n3A_1024 : vector<16xf32>
        %le3A_1042 = arith.constant 1.000000e+00 : f32
        %le3A_1043 = vector.broadcast %le3A_1042 : f32 to vector<16xf32>
        %le3A_1044 = arith.cmpf ole, %add3A_1041, %le3A_1043 : vector<16xf32>
        %broadcast_in_dim3A_1045 = vector.broadcast %scan3A_62 : f32 to vector<16xf32>
        %select_n3A_1046 = arith.select %ge3A_1029, %gather3A_993, %broadcast_in_dim3A_1045 : vector<16xi1>, vector<16xf32>
        tpu.vector_store_idx %arg7[%add3A_983], %select_n3A_1046 : memref<16384xf32, #tpu.memory_space<vmem>>[vector<16xi32>], vector<16xf32>,
        %broadcast_in_dim3A_1047 = vector.broadcast %scan3A_62 : f32 to vector<16xf32>
        %select_n3A_1048 = arith.select %ge3A_1034, %gather3A_994, %broadcast_in_dim3A_1047 : vector<16xi1>, vector<16xf32>
        tpu.vector_store_idx %arg7[%add3A_986], %select_n3A_1048 : memref<16384xf32, #tpu.memory_space<vmem>>[vector<16xi32>], vector<16xf32>,
        %broadcast_in_dim3A_1049 = vector.broadcast %scan3A_62 : f32 to vector<16xf32>
        %select_n3A_1050 = arith.select %ge3A_1039, %gather3A_995, %broadcast_in_dim3A_1049 : vector<16xi1>, vector<16xf32>
        tpu.vector_store_idx %arg7[%add3A_989], %select_n3A_1050 : memref<16384xf32, #tpu.memory_space<vmem>>[vector<16xi32>], vector<16xf32>,
        %broadcast_in_dim3A_1051 = vector.broadcast %scan3A_62 : f32 to vector<16xf32>
        %select_n3A_1052 = arith.select %le3A_1044, %gather3A_996, %broadcast_in_dim3A_1051 : vector<16xi1>, vector<16xf32>
        tpu.vector_store_idx %arg7[%add3A_992], %select_n3A_1052 : memref<16384xf32, #tpu.memory_space<vmem>>[vector<16xi32>], vector<16xf32>,
        %scan3A_1053 = arith.constant 8 : i32
        %scan3A_1054 = arith.addi %scan3A_460, %scan3A_1053 : i32
        %shift_left3A_1055 = arith.constant 6 : i32
        %shift_left3A_1056 = arith.shli %scan3A_1054, %shift_left3A_1055 : i32
        %add3A_1057 = vector.broadcast %shift_left3A_1056 : i32 to vector<16xi32>
        %add3A_1058 = arith.addi %mul3A_5, %add3A_1057 : vector<16xi32>
        %add3A_1059 = arith.constant 1 : i32
        %add3A_1060 = vector.broadcast %add3A_1059 : i32 to vector<16xi32>
        %add3A_1061 = arith.addi %add3A_1058, %add3A_1060 : vector<16xi32>
        %add3A_1062 = arith.constant 2 : i32
        %add3A_1063 = vector.broadcast %add3A_1062 : i32 to vector<16xi32>
        %add3A_1064 = arith.addi %add3A_1058, %add3A_1063 : vector<16xi32>
        %add3A_1065 = arith.constant 3 : i32
        %add3A_1066 = vector.broadcast %add3A_1065 : i32 to vector<16xi32>
        %add3A_1067 = arith.addi %add3A_1058, %add3A_1066 : vector<16xi32>
        %gather3A_1068 = tpu.vector_load_idx %arg5[%add3A_1058] : memref<16384xf32, #tpu.memory_space<vmem>>[vector<16xi32>], vector<16xf32>,
        %gather3A_1069 = tpu.vector_load_idx %arg5[%add3A_1061] : memref<16384xf32, #tpu.memory_space<vmem>>[vector<16xi32>], vector<16xf32>,
        %gather3A_1070 = tpu.vector_load_idx %arg5[%add3A_1064] : memref<16384xf32, #tpu.memory_space<vmem>>[vector<16xi32>], vector<16xf32>,
        %gather3A_1071 = tpu.vector_load_idx %arg5[%add3A_1067] : memref<16384xf32, #tpu.memory_space<vmem>>[vector<16xi32>], vector<16xf32>,
        %mul3A_1072 = arith.mulf %gather3A_1068, %gather3A_1068 : vector<16xf32>
        %mul3A_1073 = arith.mulf %gather3A_1069, %gather3A_1069 : vector<16xf32>
        %mul3A_1074 = arith.mulf %gather3A_1070, %gather3A_1070 : vector<16xf32>
        %mul3A_1075 = arith.mulf %gather3A_1071, %gather3A_1071 : vector<16xf32>
        %ge3A_1076 = arith.cmpf oge, %mul3A_1072, %mul3A_1073 : vector<16xf32>
        %broadcast_in_dim3A_1077 = vector.broadcast %scan3A_61 : f32 to vector<16xf32>
        %broadcast_in_dim3A_1078 = vector.broadcast %scan3A_62 : f32 to vector<16xf32>
        %select_n3A_1079 = arith.select %ge3A_1076, %broadcast_in_dim3A_1077, %broadcast_in_dim3A_1078 : vector<16xi1>, vector<16xf32>
        %ge3A_1080 = arith.cmpf oge, %mul3A_1072, %mul3A_1074 : vector<16xf32>
        %broadcast_in_dim3A_1081 = vector.broadcast %scan3A_61 : f32 to vector<16xf32>
        %broadcast_in_dim3A_1082 = vector.broadcast %scan3A_62 : f32 to vector<16xf32>
        %select_n3A_1083 = arith.select %ge3A_1080, %broadcast_in_dim3A_1081, %broadcast_in_dim3A_1082 : vector<16xi1>, vector<16xf32>
        %ge3A_1084 = arith.cmpf oge, %mul3A_1072, %mul3A_1075 : vector<16xf32>
        %broadcast_in_dim3A_1085 = vector.broadcast %scan3A_61 : f32 to vector<16xf32>
        %broadcast_in_dim3A_1086 = vector.broadcast %scan3A_62 : f32 to vector<16xf32>
        %select_n3A_1087 = arith.select %ge3A_1084, %broadcast_in_dim3A_1085, %broadcast_in_dim3A_1086 : vector<16xi1>, vector<16xf32>
        %ge3A_1088 = arith.cmpf oge, %mul3A_1073, %mul3A_1074 : vector<16xf32>
        %broadcast_in_dim3A_1089 = vector.broadcast %scan3A_61 : f32 to vector<16xf32>
        %broadcast_in_dim3A_1090 = vector.broadcast %scan3A_62 : f32 to vector<16xf32>
        %select_n3A_1091 = arith.select %ge3A_1088, %broadcast_in_dim3A_1089, %broadcast_in_dim3A_1090 : vector<16xi1>, vector<16xf32>
        %ge3A_1092 = arith.cmpf oge, %mul3A_1073, %mul3A_1075 : vector<16xf32>
        %broadcast_in_dim3A_1093 = vector.broadcast %scan3A_61 : f32 to vector<16xf32>
        %broadcast_in_dim3A_1094 = vector.broadcast %scan3A_62 : f32 to vector<16xf32>
        %select_n3A_1095 = arith.select %ge3A_1092, %broadcast_in_dim3A_1093, %broadcast_in_dim3A_1094 : vector<16xi1>, vector<16xf32>
        %ge3A_1096 = arith.cmpf oge, %mul3A_1074, %mul3A_1075 : vector<16xf32>
        %broadcast_in_dim3A_1097 = vector.broadcast %scan3A_61 : f32 to vector<16xf32>
        %broadcast_in_dim3A_1098 = vector.broadcast %scan3A_62 : f32 to vector<16xf32>
        %select_n3A_1099 = arith.select %ge3A_1096, %broadcast_in_dim3A_1097, %broadcast_in_dim3A_1098 : vector<16xi1>, vector<16xf32>
        %add3A_1100 = arith.addf %select_n3A_1079, %select_n3A_1083 : vector<16xf32>
        %add3A_1101 = arith.addf %add3A_1100, %select_n3A_1087 : vector<16xf32>
        %ge3A_1102 = arith.constant 2.000000e+00 : f32
        %ge3A_1103 = vector.broadcast %ge3A_1102 : f32 to vector<16xf32>
        %ge3A_1104 = arith.cmpf oge, %add3A_1101, %ge3A_1103 : vector<16xf32>
        %add3A_1105 = arith.addf %select_n3A_1091, %select_n3A_1095 : vector<16xf32>
        %sub3A_1106 = arith.subf %add3A_1105, %select_n3A_1079 : vector<16xf32>
        %ge3A_1107 = arith.constant 1.000000e+00 : f32
        %ge3A_1108 = vector.broadcast %ge3A_1107 : f32 to vector<16xf32>
        %ge3A_1109 = arith.cmpf oge, %sub3A_1106, %ge3A_1108 : vector<16xf32>
        %sub3A_1110 = arith.subf %select_n3A_1099, %select_n3A_1083 : vector<16xf32>
        %sub3A_1111 = arith.subf %sub3A_1110, %select_n3A_1091 : vector<16xf32>
        %ge3A_1112 = arith.constant 0.000000e+00 : f32
        %ge3A_1113 = vector.broadcast %ge3A_1112 : f32 to vector<16xf32>
        %ge3A_1114 = arith.cmpf oge, %sub3A_1111, %ge3A_1113 : vector<16xf32>
        %add3A_1115 = arith.addf %select_n3A_1087, %select_n3A_1095 : vector<16xf32>
        %add3A_1116 = arith.addf %add3A_1115, %select_n3A_1099 : vector<16xf32>
        %le3A_1117 = arith.constant 1.000000e+00 : f32
        %le3A_1118 = vector.broadcast %le3A_1117 : f32 to vector<16xf32>
        %le3A_1119 = arith.cmpf ole, %add3A_1116, %le3A_1118 : vector<16xf32>
        %broadcast_in_dim3A_1120 = vector.broadcast %scan3A_62 : f32 to vector<16xf32>
        %select_n3A_1121 = arith.select %ge3A_1104, %gather3A_1068, %broadcast_in_dim3A_1120 : vector<16xi1>, vector<16xf32>
        tpu.vector_store_idx %arg7[%add3A_1058], %select_n3A_1121 : memref<16384xf32, #tpu.memory_space<vmem>>[vector<16xi32>], vector<16xf32>,
        %broadcast_in_dim3A_1122 = vector.broadcast %scan3A_62 : f32 to vector<16xf32>
        %select_n3A_1123 = arith.select %ge3A_1109, %gather3A_1069, %broadcast_in_dim3A_1122 : vector<16xi1>, vector<16xf32>
        tpu.vector_store_idx %arg7[%add3A_1061], %select_n3A_1123 : memref<16384xf32, #tpu.memory_space<vmem>>[vector<16xi32>], vector<16xf32>,
        %broadcast_in_dim3A_1124 = vector.broadcast %scan3A_62 : f32 to vector<16xf32>
        %select_n3A_1125 = arith.select %ge3A_1114, %gather3A_1070, %broadcast_in_dim3A_1124 : vector<16xi1>, vector<16xf32>
        tpu.vector_store_idx %arg7[%add3A_1064], %select_n3A_1125 : memref<16384xf32, #tpu.memory_space<vmem>>[vector<16xi32>], vector<16xf32>,
        %broadcast_in_dim3A_1126 = vector.broadcast %scan3A_62 : f32 to vector<16xf32>
        %select_n3A_1127 = arith.select %le3A_1119, %gather3A_1071, %broadcast_in_dim3A_1126 : vector<16xi1>, vector<16xf32>
        tpu.vector_store_idx %arg7[%add3A_1067], %select_n3A_1127 : memref<16384xf32, #tpu.memory_space<vmem>>[vector<16xi32>], vector<16xf32>,
        %scan3A_1128 = arith.constant 9 : i32
        %scan3A_1129 = arith.addi %scan3A_460, %scan3A_1128 : i32
        %shift_left3A_1130 = arith.constant 6 : i32
        %shift_left3A_1131 = arith.shli %scan3A_1129, %shift_left3A_1130 : i32
        %add3A_1132 = vector.broadcast %shift_left3A_1131 : i32 to vector<16xi32>
        %add3A_1133 = arith.addi %mul3A_5, %add3A_1132 : vector<16xi32>
        %add3A_1134 = arith.constant 1 : i32
        %add3A_1135 = vector.broadcast %add3A_1134 : i32 to vector<16xi32>
        %add3A_1136 = arith.addi %add3A_1133, %add3A_1135 : vector<16xi32>
        %add3A_1137 = arith.constant 2 : i32
        %add3A_1138 = vector.broadcast %add3A_1137 : i32 to vector<16xi32>
        %add3A_1139 = arith.addi %add3A_1133, %add3A_1138 : vector<16xi32>
        %add3A_1140 = arith.constant 3 : i32
        %add3A_1141 = vector.broadcast %add3A_1140 : i32 to vector<16xi32>
        %add3A_1142 = arith.addi %add3A_1133, %add3A_1141 : vector<16xi32>
        %gather3A_1143 = tpu.vector_load_idx %arg5[%add3A_1133] : memref<16384xf32, #tpu.memory_space<vmem>>[vector<16xi32>], vector<16xf32>,
        %gather3A_1144 = tpu.vector_load_idx %arg5[%add3A_1136] : memref<16384xf32, #tpu.memory_space<vmem>>[vector<16xi32>], vector<16xf32>,
        %gather3A_1145 = tpu.vector_load_idx %arg5[%add3A_1139] : memref<16384xf32, #tpu.memory_space<vmem>>[vector<16xi32>], vector<16xf32>,
        %gather3A_1146 = tpu.vector_load_idx %arg5[%add3A_1142] : memref<16384xf32, #tpu.memory_space<vmem>>[vector<16xi32>], vector<16xf32>,
        %mul3A_1147 = arith.mulf %gather3A_1143, %gather3A_1143 : vector<16xf32>
        %mul3A_1148 = arith.mulf %gather3A_1144, %gather3A_1144 : vector<16xf32>
        %mul3A_1149 = arith.mulf %gather3A_1145, %gather3A_1145 : vector<16xf32>
        %mul3A_1150 = arith.mulf %gather3A_1146, %gather3A_1146 : vector<16xf32>
        %ge3A_1151 = arith.cmpf oge, %mul3A_1147, %mul3A_1148 : vector<16xf32>
        %broadcast_in_dim3A_1152 = vector.broadcast %scan3A_61 : f32 to vector<16xf32>
        %broadcast_in_dim3A_1153 = vector.broadcast %scan3A_62 : f32 to vector<16xf32>
        %select_n3A_1154 = arith.select %ge3A_1151, %broadcast_in_dim3A_1152, %broadcast_in_dim3A_1153 : vector<16xi1>, vector<16xf32>
        %ge3A_1155 = arith.cmpf oge, %mul3A_1147, %mul3A_1149 : vector<16xf32>
        %broadcast_in_dim3A_1156 = vector.broadcast %scan3A_61 : f32 to vector<16xf32>
        %broadcast_in_dim3A_1157 = vector.broadcast %scan3A_62 : f32 to vector<16xf32>
        %select_n3A_1158 = arith.select %ge3A_1155, %broadcast_in_dim3A_1156, %broadcast_in_dim3A_1157 : vector<16xi1>, vector<16xf32>
        %ge3A_1159 = arith.cmpf oge, %mul3A_1147, %mul3A_1150 : vector<16xf32>
        %broadcast_in_dim3A_1160 = vector.broadcast %scan3A_61 : f32 to vector<16xf32>
        %broadcast_in_dim3A_1161 = vector.broadcast %scan3A_62 : f32 to vector<16xf32>
        %select_n3A_1162 = arith.select %ge3A_1159, %broadcast_in_dim3A_1160, %broadcast_in_dim3A_1161 : vector<16xi1>, vector<16xf32>
        %ge3A_1163 = arith.cmpf oge, %mul3A_1148, %mul3A_1149 : vector<16xf32>
        %broadcast_in_dim3A_1164 = vector.broadcast %scan3A_61 : f32 to vector<16xf32>
        %broadcast_in_dim3A_1165 = vector.broadcast %scan3A_62 : f32 to vector<16xf32>
        %select_n3A_1166 = arith.select %ge3A_1163, %broadcast_in_dim3A_1164, %broadcast_in_dim3A_1165 : vector<16xi1>, vector<16xf32>
        %ge3A_1167 = arith.cmpf oge, %mul3A_1148, %mul3A_1150 : vector<16xf32>
        %broadcast_in_dim3A_1168 = vector.broadcast %scan3A_61 : f32 to vector<16xf32>
        %broadcast_in_dim3A_1169 = vector.broadcast %scan3A_62 : f32 to vector<16xf32>
        %select_n3A_1170 = arith.select %ge3A_1167, %broadcast_in_dim3A_1168, %broadcast_in_dim3A_1169 : vector<16xi1>, vector<16xf32>
        %ge3A_1171 = arith.cmpf oge, %mul3A_1149, %mul3A_1150 : vector<16xf32>
        %broadcast_in_dim3A_1172 = vector.broadcast %scan3A_61 : f32 to vector<16xf32>
        %broadcast_in_dim3A_1173 = vector.broadcast %scan3A_62 : f32 to vector<16xf32>
        %select_n3A_1174 = arith.select %ge3A_1171, %broadcast_in_dim3A_1172, %broadcast_in_dim3A_1173 : vector<16xi1>, vector<16xf32>
        %add3A_1175 = arith.addf %select_n3A_1154, %select_n3A_1158 : vector<16xf32>
        %add3A_1176 = arith.addf %add3A_1175, %select_n3A_1162 : vector<16xf32>
        %ge3A_1177 = arith.constant 2.000000e+00 : f32
        %ge3A_1178 = vector.broadcast %ge3A_1177 : f32 to vector<16xf32>
        %ge3A_1179 = arith.cmpf oge, %add3A_1176, %ge3A_1178 : vector<16xf32>
        %add3A_1180 = arith.addf %select_n3A_1166, %select_n3A_1170 : vector<16xf32>
        %sub3A_1181 = arith.subf %add3A_1180, %select_n3A_1154 : vector<16xf32>
        %ge3A_1182 = arith.constant 1.000000e+00 : f32
        %ge3A_1183 = vector.broadcast %ge3A_1182 : f32 to vector<16xf32>
        %ge3A_1184 = arith.cmpf oge, %sub3A_1181, %ge3A_1183 : vector<16xf32>
        %sub3A_1185 = arith.subf %select_n3A_1174, %select_n3A_1158 : vector<16xf32>
        %sub3A_1186 = arith.subf %sub3A_1185, %select_n3A_1166 : vector<16xf32>
        %ge3A_1187 = arith.constant 0.000000e+00 : f32
        %ge3A_1188 = vector.broadcast %ge3A_1187 : f32 to vector<16xf32>
        %ge3A_1189 = arith.cmpf oge, %sub3A_1186, %ge3A_1188 : vector<16xf32>
        %add3A_1190 = arith.addf %select_n3A_1162, %select_n3A_1170 : vector<16xf32>
        %add3A_1191 = arith.addf %add3A_1190, %select_n3A_1174 : vector<16xf32>
        %le3A_1192 = arith.constant 1.000000e+00 : f32
        %le3A_1193 = vector.broadcast %le3A_1192 : f32 to vector<16xf32>
        %le3A_1194 = arith.cmpf ole, %add3A_1191, %le3A_1193 : vector<16xf32>
        %broadcast_in_dim3A_1195 = vector.broadcast %scan3A_62 : f32 to vector<16xf32>
        %select_n3A_1196 = arith.select %ge3A_1179, %gather3A_1143, %broadcast_in_dim3A_1195 : vector<16xi1>, vector<16xf32>
        tpu.vector_store_idx %arg7[%add3A_1133], %select_n3A_1196 : memref<16384xf32, #tpu.memory_space<vmem>>[vector<16xi32>], vector<16xf32>,
        %broadcast_in_dim3A_1197 = vector.broadcast %scan3A_62 : f32 to vector<16xf32>
        %select_n3A_1198 = arith.select %ge3A_1184, %gather3A_1144, %broadcast_in_dim3A_1197 : vector<16xi1>, vector<16xf32>
        tpu.vector_store_idx %arg7[%add3A_1136], %select_n3A_1198 : memref<16384xf32, #tpu.memory_space<vmem>>[vector<16xi32>], vector<16xf32>,
        %broadcast_in_dim3A_1199 = vector.broadcast %scan3A_62 : f32 to vector<16xf32>
        %select_n3A_1200 = arith.select %ge3A_1189, %gather3A_1145, %broadcast_in_dim3A_1199 : vector<16xi1>, vector<16xf32>
        tpu.vector_store_idx %arg7[%add3A_1139], %select_n3A_1200 : memref<16384xf32, #tpu.memory_space<vmem>>[vector<16xi32>], vector<16xf32>,
        %broadcast_in_dim3A_1201 = vector.broadcast %scan3A_62 : f32 to vector<16xf32>
        %select_n3A_1202 = arith.select %le3A_1194, %gather3A_1146, %broadcast_in_dim3A_1201 : vector<16xi1>, vector<16xf32>
        tpu.vector_store_idx %arg7[%add3A_1142], %select_n3A_1202 : memref<16384xf32, #tpu.memory_space<vmem>>[vector<16xi32>], vector<16xf32>,
        %scan3A_1203 = arith.constant 10 : i32
        %scan3A_1204 = arith.addi %scan3A_460, %scan3A_1203 : i32
        %shift_left3A_1205 = arith.constant 6 : i32
        %shift_left3A_1206 = arith.shli %scan3A_1204, %shift_left3A_1205 : i32
        %add3A_1207 = vector.broadcast %shift_left3A_1206 : i32 to vector<16xi32>
        %add3A_1208 = arith.addi %mul3A_5, %add3A_1207 : vector<16xi32>
        %add3A_1209 = arith.constant 1 : i32
        %add3A_1210 = vector.broadcast %add3A_1209 : i32 to vector<16xi32>
        %add3A_1211 = arith.addi %add3A_1208, %add3A_1210 : vector<16xi32>
        %add3A_1212 = arith.constant 2 : i32
        %add3A_1213 = vector.broadcast %add3A_1212 : i32 to vector<16xi32>
        %add3A_1214 = arith.addi %add3A_1208, %add3A_1213 : vector<16xi32>
        %add3A_1215 = arith.constant 3 : i32
        %add3A_1216 = vector.broadcast %add3A_1215 : i32 to vector<16xi32>
        %add3A_1217 = arith.addi %add3A_1208, %add3A_1216 : vector<16xi32>
        %gather3A_1218 = tpu.vector_load_idx %arg5[%add3A_1208] : memref<16384xf32, #tpu.memory_space<vmem>>[vector<16xi32>], vector<16xf32>,
        %gather3A_1219 = tpu.vector_load_idx %arg5[%add3A_1211] : memref<16384xf32, #tpu.memory_space<vmem>>[vector<16xi32>], vector<16xf32>,
        %gather3A_1220 = tpu.vector_load_idx %arg5[%add3A_1214] : memref<16384xf32, #tpu.memory_space<vmem>>[vector<16xi32>], vector<16xf32>,
        %gather3A_1221 = tpu.vector_load_idx %arg5[%add3A_1217] : memref<16384xf32, #tpu.memory_space<vmem>>[vector<16xi32>], vector<16xf32>,
        %mul3A_1222 = arith.mulf %gather3A_1218, %gather3A_1218 : vector<16xf32>
        %mul3A_1223 = arith.mulf %gather3A_1219, %gather3A_1219 : vector<16xf32>
        %mul3A_1224 = arith.mulf %gather3A_1220, %gather3A_1220 : vector<16xf32>
        %mul3A_1225 = arith.mulf %gather3A_1221, %gather3A_1221 : vector<16xf32>
        %ge3A_1226 = arith.cmpf oge, %mul3A_1222, %mul3A_1223 : vector<16xf32>
        %broadcast_in_dim3A_1227 = vector.broadcast %scan3A_61 : f32 to vector<16xf32>
        %broadcast_in_dim3A_1228 = vector.broadcast %scan3A_62 : f32 to vector<16xf32>
        %select_n3A_1229 = arith.select %ge3A_1226, %broadcast_in_dim3A_1227, %broadcast_in_dim3A_1228 : vector<16xi1>, vector<16xf32>
        %ge3A_1230 = arith.cmpf oge, %mul3A_1222, %mul3A_1224 : vector<16xf32>
        %broadcast_in_dim3A_1231 = vector.broadcast %scan3A_61 : f32 to vector<16xf32>
        %broadcast_in_dim3A_1232 = vector.broadcast %scan3A_62 : f32 to vector<16xf32>
        %select_n3A_1233 = arith.select %ge3A_1230, %broadcast_in_dim3A_1231, %broadcast_in_dim3A_1232 : vector<16xi1>, vector<16xf32>
        %ge3A_1234 = arith.cmpf oge, %mul3A_1222, %mul3A_1225 : vector<16xf32>
        %broadcast_in_dim3A_1235 = vector.broadcast %scan3A_61 : f32 to vector<16xf32>
        %broadcast_in_dim3A_1236 = vector.broadcast %scan3A_62 : f32 to vector<16xf32>
        %select_n3A_1237 = arith.select %ge3A_1234, %broadcast_in_dim3A_1235, %broadcast_in_dim3A_1236 : vector<16xi1>, vector<16xf32>
        %ge3A_1238 = arith.cmpf oge, %mul3A_1223, %mul3A_1224 : vector<16xf32>
        %broadcast_in_dim3A_1239 = vector.broadcast %scan3A_61 : f32 to vector<16xf32>
        %broadcast_in_dim3A_1240 = vector.broadcast %scan3A_62 : f32 to vector<16xf32>
        %select_n3A_1241 = arith.select %ge3A_1238, %broadcast_in_dim3A_1239, %broadcast_in_dim3A_1240 : vector<16xi1>, vector<16xf32>
        %ge3A_1242 = arith.cmpf oge, %mul3A_1223, %mul3A_1225 : vector<16xf32>
        %broadcast_in_dim3A_1243 = vector.broadcast %scan3A_61 : f32 to vector<16xf32>
        %broadcast_in_dim3A_1244 = vector.broadcast %scan3A_62 : f32 to vector<16xf32>
        %select_n3A_1245 = arith.select %ge3A_1242, %broadcast_in_dim3A_1243, %broadcast_in_dim3A_1244 : vector<16xi1>, vector<16xf32>
        %ge3A_1246 = arith.cmpf oge, %mul3A_1224, %mul3A_1225 : vector<16xf32>
        %broadcast_in_dim3A_1247 = vector.broadcast %scan3A_61 : f32 to vector<16xf32>
        %broadcast_in_dim3A_1248 = vector.broadcast %scan3A_62 : f32 to vector<16xf32>
        %select_n3A_1249 = arith.select %ge3A_1246, %broadcast_in_dim3A_1247, %broadcast_in_dim3A_1248 : vector<16xi1>, vector<16xf32>
        %add3A_1250 = arith.addf %select_n3A_1229, %select_n3A_1233 : vector<16xf32>
        %add3A_1251 = arith.addf %add3A_1250, %select_n3A_1237 : vector<16xf32>
        %ge3A_1252 = arith.constant 2.000000e+00 : f32
        %ge3A_1253 = vector.broadcast %ge3A_1252 : f32 to vector<16xf32>
        %ge3A_1254 = arith.cmpf oge, %add3A_1251, %ge3A_1253 : vector<16xf32>
        %add3A_1255 = arith.addf %select_n3A_1241, %select_n3A_1245 : vector<16xf32>
        %sub3A_1256 = arith.subf %add3A_1255, %select_n3A_1229 : vector<16xf32>
        %ge3A_1257 = arith.constant 1.000000e+00 : f32
        %ge3A_1258 = vector.broadcast %ge3A_1257 : f32 to vector<16xf32>
        %ge3A_1259 = arith.cmpf oge, %sub3A_1256, %ge3A_1258 : vector<16xf32>
        %sub3A_1260 = arith.subf %select_n3A_1249, %select_n3A_1233 : vector<16xf32>
        %sub3A_1261 = arith.subf %sub3A_1260, %select_n3A_1241 : vector<16xf32>
        %ge3A_1262 = arith.constant 0.000000e+00 : f32
        %ge3A_1263 = vector.broadcast %ge3A_1262 : f32 to vector<16xf32>
        %ge3A_1264 = arith.cmpf oge, %sub3A_1261, %ge3A_1263 : vector<16xf32>
        %add3A_1265 = arith.addf %select_n3A_1237, %select_n3A_1245 : vector<16xf32>
        %add3A_1266 = arith.addf %add3A_1265, %select_n3A_1249 : vector<16xf32>
        %le3A_1267 = arith.constant 1.000000e+00 : f32
        %le3A_1268 = vector.broadcast %le3A_1267 : f32 to vector<16xf32>
        %le3A_1269 = arith.cmpf ole, %add3A_1266, %le3A_1268 : vector<16xf32>
        %broadcast_in_dim3A_1270 = vector.broadcast %scan3A_62 : f32 to vector<16xf32>
        %select_n3A_1271 = arith.select %ge3A_1254, %gather3A_1218, %broadcast_in_dim3A_1270 : vector<16xi1>, vector<16xf32>
        tpu.vector_store_idx %arg7[%add3A_1208], %select_n3A_1271 : memref<16384xf32, #tpu.memory_space<vmem>>[vector<16xi32>], vector<16xf32>,
        %broadcast_in_dim3A_1272 = vector.broadcast %scan3A_62 : f32 to vector<16xf32>
        %select_n3A_1273 = arith.select %ge3A_1259, %gather3A_1219, %broadcast_in_dim3A_1272 : vector<16xi1>, vector<16xf32>
        tpu.vector_store_idx %arg7[%add3A_1211], %select_n3A_1273 : memref<16384xf32, #tpu.memory_space<vmem>>[vector<16xi32>], vector<16xf32>,
        %broadcast_in_dim3A_1274 = vector.broadcast %scan3A_62 : f32 to vector<16xf32>
        %select_n3A_1275 = arith.select %ge3A_1264, %gather3A_1220, %broadcast_in_dim3A_1274 : vector<16xi1>, vector<16xf32>
        tpu.vector_store_idx %arg7[%add3A_1214], %select_n3A_1275 : memref<16384xf32, #tpu.memory_space<vmem>>[vector<16xi32>], vector<16xf32>,
        %broadcast_in_dim3A_1276 = vector.broadcast %scan3A_62 : f32 to vector<16xf32>
        %select_n3A_1277 = arith.select %le3A_1269, %gather3A_1221, %broadcast_in_dim3A_1276 : vector<16xi1>, vector<16xf32>
        tpu.vector_store_idx %arg7[%add3A_1217], %select_n3A_1277 : memref<16384xf32, #tpu.memory_space<vmem>>[vector<16xi32>], vector<16xf32>,
        %scan3A_1278 = arith.constant 11 : i32
        %scan3A_1279 = arith.addi %scan3A_460, %scan3A_1278 : i32
        %shift_left3A_1280 = arith.constant 6 : i32
        %shift_left3A_1281 = arith.shli %scan3A_1279, %shift_left3A_1280 : i32
        %add3A_1282 = vector.broadcast %shift_left3A_1281 : i32 to vector<16xi32>
        %add3A_1283 = arith.addi %mul3A_5, %add3A_1282 : vector<16xi32>
        %add3A_1284 = arith.constant 1 : i32
        %add3A_1285 = vector.broadcast %add3A_1284 : i32 to vector<16xi32>
        %add3A_1286 = arith.addi %add3A_1283, %add3A_1285 : vector<16xi32>
        %add3A_1287 = arith.constant 2 : i32
        %add3A_1288 = vector.broadcast %add3A_1287 : i32 to vector<16xi32>
        %add3A_1289 = arith.addi %add3A_1283, %add3A_1288 : vector<16xi32>
        %add3A_1290 = arith.constant 3 : i32
        %add3A_1291 = vector.broadcast %add3A_1290 : i32 to vector<16xi32>
        %add3A_1292 = arith.addi %add3A_1283, %add3A_1291 : vector<16xi32>
        %gather3A_1293 = tpu.vector_load_idx %arg5[%add3A_1283] : memref<16384xf32, #tpu.memory_space<vmem>>[vector<16xi32>], vector<16xf32>,
        %gather3A_1294 = tpu.vector_load_idx %arg5[%add3A_1286] : memref<16384xf32, #tpu.memory_space<vmem>>[vector<16xi32>], vector<16xf32>,
        %gather3A_1295 = tpu.vector_load_idx %arg5[%add3A_1289] : memref<16384xf32, #tpu.memory_space<vmem>>[vector<16xi32>], vector<16xf32>,
        %gather3A_1296 = tpu.vector_load_idx %arg5[%add3A_1292] : memref<16384xf32, #tpu.memory_space<vmem>>[vector<16xi32>], vector<16xf32>,
        %mul3A_1297 = arith.mulf %gather3A_1293, %gather3A_1293 : vector<16xf32>
        %mul3A_1298 = arith.mulf %gather3A_1294, %gather3A_1294 : vector<16xf32>
        %mul3A_1299 = arith.mulf %gather3A_1295, %gather3A_1295 : vector<16xf32>
        %mul3A_1300 = arith.mulf %gather3A_1296, %gather3A_1296 : vector<16xf32>
        %ge3A_1301 = arith.cmpf oge, %mul3A_1297, %mul3A_1298 : vector<16xf32>
        %broadcast_in_dim3A_1302 = vector.broadcast %scan3A_61 : f32 to vector<16xf32>
        %broadcast_in_dim3A_1303 = vector.broadcast %scan3A_62 : f32 to vector<16xf32>
        %select_n3A_1304 = arith.select %ge3A_1301, %broadcast_in_dim3A_1302, %broadcast_in_dim3A_1303 : vector<16xi1>, vector<16xf32>
        %ge3A_1305 = arith.cmpf oge, %mul3A_1297, %mul3A_1299 : vector<16xf32>
        %broadcast_in_dim3A_1306 = vector.broadcast %scan3A_61 : f32 to vector<16xf32>
        %broadcast_in_dim3A_1307 = vector.broadcast %scan3A_62 : f32 to vector<16xf32>
        %select_n3A_1308 = arith.select %ge3A_1305, %broadcast_in_dim3A_1306, %broadcast_in_dim3A_1307 : vector<16xi1>, vector<16xf32>
        %ge3A_1309 = arith.cmpf oge, %mul3A_1297, %mul3A_1300 : vector<16xf32>
        %broadcast_in_dim3A_1310 = vector.broadcast %scan3A_61 : f32 to vector<16xf32>
        %broadcast_in_dim3A_1311 = vector.broadcast %scan3A_62 : f32 to vector<16xf32>
        %select_n3A_1312 = arith.select %ge3A_1309, %broadcast_in_dim3A_1310, %broadcast_in_dim3A_1311 : vector<16xi1>, vector<16xf32>
        %ge3A_1313 = arith.cmpf oge, %mul3A_1298, %mul3A_1299 : vector<16xf32>
        %broadcast_in_dim3A_1314 = vector.broadcast %scan3A_61 : f32 to vector<16xf32>
        %broadcast_in_dim3A_1315 = vector.broadcast %scan3A_62 : f32 to vector<16xf32>
        %select_n3A_1316 = arith.select %ge3A_1313, %broadcast_in_dim3A_1314, %broadcast_in_dim3A_1315 : vector<16xi1>, vector<16xf32>
        %ge3A_1317 = arith.cmpf oge, %mul3A_1298, %mul3A_1300 : vector<16xf32>
        %broadcast_in_dim3A_1318 = vector.broadcast %scan3A_61 : f32 to vector<16xf32>
        %broadcast_in_dim3A_1319 = vector.broadcast %scan3A_62 : f32 to vector<16xf32>
        %select_n3A_1320 = arith.select %ge3A_1317, %broadcast_in_dim3A_1318, %broadcast_in_dim3A_1319 : vector<16xi1>, vector<16xf32>
        %ge3A_1321 = arith.cmpf oge, %mul3A_1299, %mul3A_1300 : vector<16xf32>
        %broadcast_in_dim3A_1322 = vector.broadcast %scan3A_61 : f32 to vector<16xf32>
        %broadcast_in_dim3A_1323 = vector.broadcast %scan3A_62 : f32 to vector<16xf32>
        %select_n3A_1324 = arith.select %ge3A_1321, %broadcast_in_dim3A_1322, %broadcast_in_dim3A_1323 : vector<16xi1>, vector<16xf32>
        %add3A_1325 = arith.addf %select_n3A_1304, %select_n3A_1308 : vector<16xf32>
        %add3A_1326 = arith.addf %add3A_1325, %select_n3A_1312 : vector<16xf32>
        %ge3A_1327 = arith.constant 2.000000e+00 : f32
        %ge3A_1328 = vector.broadcast %ge3A_1327 : f32 to vector<16xf32>
        %ge3A_1329 = arith.cmpf oge, %add3A_1326, %ge3A_1328 : vector<16xf32>
        %add3A_1330 = arith.addf %select_n3A_1316, %select_n3A_1320 : vector<16xf32>
        %sub3A_1331 = arith.subf %add3A_1330, %select_n3A_1304 : vector<16xf32>
        %ge3A_1332 = arith.constant 1.000000e+00 : f32
        %ge3A_1333 = vector.broadcast %ge3A_1332 : f32 to vector<16xf32>
        %ge3A_1334 = arith.cmpf oge, %sub3A_1331, %ge3A_1333 : vector<16xf32>
        %sub3A_1335 = arith.subf %select_n3A_1324, %select_n3A_1308 : vector<16xf32>
        %sub3A_1336 = arith.subf %sub3A_1335, %select_n3A_1316 : vector<16xf32>
        %ge3A_1337 = arith.constant 0.000000e+00 : f32
        %ge3A_1338 = vector.broadcast %ge3A_1337 : f32 to vector<16xf32>
        %ge3A_1339 = arith.cmpf oge, %sub3A_1336, %ge3A_1338 : vector<16xf32>
        %add3A_1340 = arith.addf %select_n3A_1312, %select_n3A_1320 : vector<16xf32>
        %add3A_1341 = arith.addf %add3A_1340, %select_n3A_1324 : vector<16xf32>
        %le3A_1342 = arith.constant 1.000000e+00 : f32
        %le3A_1343 = vector.broadcast %le3A_1342 : f32 to vector<16xf32>
        %le3A_1344 = arith.cmpf ole, %add3A_1341, %le3A_1343 : vector<16xf32>
        %broadcast_in_dim3A_1345 = vector.broadcast %scan3A_62 : f32 to vector<16xf32>
        %select_n3A_1346 = arith.select %ge3A_1329, %gather3A_1293, %broadcast_in_dim3A_1345 : vector<16xi1>, vector<16xf32>
        tpu.vector_store_idx %arg7[%add3A_1283], %select_n3A_1346 : memref<16384xf32, #tpu.memory_space<vmem>>[vector<16xi32>], vector<16xf32>,
        %broadcast_in_dim3A_1347 = vector.broadcast %scan3A_62 : f32 to vector<16xf32>
        %select_n3A_1348 = arith.select %ge3A_1334, %gather3A_1294, %broadcast_in_dim3A_1347 : vector<16xi1>, vector<16xf32>
        tpu.vector_store_idx %arg7[%add3A_1286], %select_n3A_1348 : memref<16384xf32, #tpu.memory_space<vmem>>[vector<16xi32>], vector<16xf32>,
        %broadcast_in_dim3A_1349 = vector.broadcast %scan3A_62 : f32 to vector<16xf32>
        %select_n3A_1350 = arith.select %ge3A_1339, %gather3A_1295, %broadcast_in_dim3A_1349 : vector<16xi1>, vector<16xf32>
        tpu.vector_store_idx %arg7[%add3A_1289], %select_n3A_1350 : memref<16384xf32, #tpu.memory_space<vmem>>[vector<16xi32>], vector<16xf32>,
        %broadcast_in_dim3A_1351 = vector.broadcast %scan3A_62 : f32 to vector<16xf32>
        %select_n3A_1352 = arith.select %le3A_1344, %gather3A_1296, %broadcast_in_dim3A_1351 : vector<16xi1>, vector<16xf32>
        tpu.vector_store_idx %arg7[%add3A_1292], %select_n3A_1352 : memref<16384xf32, #tpu.memory_space<vmem>>[vector<16xi32>], vector<16xf32>,
        %scan3A_1353 = arith.constant 12 : i32
        %scan3A_1354 = arith.addi %scan3A_460, %scan3A_1353 : i32
        %shift_left3A_1355 = arith.constant 6 : i32
        %shift_left3A_1356 = arith.shli %scan3A_1354, %shift_left3A_1355 : i32
        %add3A_1357 = vector.broadcast %shift_left3A_1356 : i32 to vector<16xi32>
        %add3A_1358 = arith.addi %mul3A_5, %add3A_1357 : vector<16xi32>
        %add3A_1359 = arith.constant 1 : i32
        %add3A_1360 = vector.broadcast %add3A_1359 : i32 to vector<16xi32>
        %add3A_1361 = arith.addi %add3A_1358, %add3A_1360 : vector<16xi32>
        %add3A_1362 = arith.constant 2 : i32
        %add3A_1363 = vector.broadcast %add3A_1362 : i32 to vector<16xi32>
        %add3A_1364 = arith.addi %add3A_1358, %add3A_1363 : vector<16xi32>
        %add3A_1365 = arith.constant 3 : i32
        %add3A_1366 = vector.broadcast %add3A_1365 : i32 to vector<16xi32>
        %add3A_1367 = arith.addi %add3A_1358, %add3A_1366 : vector<16xi32>
        %gather3A_1368 = tpu.vector_load_idx %arg5[%add3A_1358] : memref<16384xf32, #tpu.memory_space<vmem>>[vector<16xi32>], vector<16xf32>,
        %gather3A_1369 = tpu.vector_load_idx %arg5[%add3A_1361] : memref<16384xf32, #tpu.memory_space<vmem>>[vector<16xi32>], vector<16xf32>,
        %gather3A_1370 = tpu.vector_load_idx %arg5[%add3A_1364] : memref<16384xf32, #tpu.memory_space<vmem>>[vector<16xi32>], vector<16xf32>,
        %gather3A_1371 = tpu.vector_load_idx %arg5[%add3A_1367] : memref<16384xf32, #tpu.memory_space<vmem>>[vector<16xi32>], vector<16xf32>,
        %mul3A_1372 = arith.mulf %gather3A_1368, %gather3A_1368 : vector<16xf32>
        %mul3A_1373 = arith.mulf %gather3A_1369, %gather3A_1369 : vector<16xf32>
        %mul3A_1374 = arith.mulf %gather3A_1370, %gather3A_1370 : vector<16xf32>
        %mul3A_1375 = arith.mulf %gather3A_1371, %gather3A_1371 : vector<16xf32>
        %ge3A_1376 = arith.cmpf oge, %mul3A_1372, %mul3A_1373 : vector<16xf32>
        %broadcast_in_dim3A_1377 = vector.broadcast %scan3A_61 : f32 to vector<16xf32>
        %broadcast_in_dim3A_1378 = vector.broadcast %scan3A_62 : f32 to vector<16xf32>
        %select_n3A_1379 = arith.select %ge3A_1376, %broadcast_in_dim3A_1377, %broadcast_in_dim3A_1378 : vector<16xi1>, vector<16xf32>
        %ge3A_1380 = arith.cmpf oge, %mul3A_1372, %mul3A_1374 : vector<16xf32>
        %broadcast_in_dim3A_1381 = vector.broadcast %scan3A_61 : f32 to vector<16xf32>
        %broadcast_in_dim3A_1382 = vector.broadcast %scan3A_62 : f32 to vector<16xf32>
        %select_n3A_1383 = arith.select %ge3A_1380, %broadcast_in_dim3A_1381, %broadcast_in_dim3A_1382 : vector<16xi1>, vector<16xf32>
        %ge3A_1384 = arith.cmpf oge, %mul3A_1372, %mul3A_1375 : vector<16xf32>
        %broadcast_in_dim3A_1385 = vector.broadcast %scan3A_61 : f32 to vector<16xf32>
        %broadcast_in_dim3A_1386 = vector.broadcast %scan3A_62 : f32 to vector<16xf32>
        %select_n3A_1387 = arith.select %ge3A_1384, %broadcast_in_dim3A_1385, %broadcast_in_dim3A_1386 : vector<16xi1>, vector<16xf32>
        %ge3A_1388 = arith.cmpf oge, %mul3A_1373, %mul3A_1374 : vector<16xf32>
        %broadcast_in_dim3A_1389 = vector.broadcast %scan3A_61 : f32 to vector<16xf32>
        %broadcast_in_dim3A_1390 = vector.broadcast %scan3A_62 : f32 to vector<16xf32>
        %select_n3A_1391 = arith.select %ge3A_1388, %broadcast_in_dim3A_1389, %broadcast_in_dim3A_1390 : vector<16xi1>, vector<16xf32>
        %ge3A_1392 = arith.cmpf oge, %mul3A_1373, %mul3A_1375 : vector<16xf32>
        %broadcast_in_dim3A_1393 = vector.broadcast %scan3A_61 : f32 to vector<16xf32>
        %broadcast_in_dim3A_1394 = vector.broadcast %scan3A_62 : f32 to vector<16xf32>
        %select_n3A_1395 = arith.select %ge3A_1392, %broadcast_in_dim3A_1393, %broadcast_in_dim3A_1394 : vector<16xi1>, vector<16xf32>
        %ge3A_1396 = arith.cmpf oge, %mul3A_1374, %mul3A_1375 : vector<16xf32>
        %broadcast_in_dim3A_1397 = vector.broadcast %scan3A_61 : f32 to vector<16xf32>
        %broadcast_in_dim3A_1398 = vector.broadcast %scan3A_62 : f32 to vector<16xf32>
        %select_n3A_1399 = arith.select %ge3A_1396, %broadcast_in_dim3A_1397, %broadcast_in_dim3A_1398 : vector<16xi1>, vector<16xf32>
        %add3A_1400 = arith.addf %select_n3A_1379, %select_n3A_1383 : vector<16xf32>
        %add3A_1401 = arith.addf %add3A_1400, %select_n3A_1387 : vector<16xf32>
        %ge3A_1402 = arith.constant 2.000000e+00 : f32
        %ge3A_1403 = vector.broadcast %ge3A_1402 : f32 to vector<16xf32>
        %ge3A_1404 = arith.cmpf oge, %add3A_1401, %ge3A_1403 : vector<16xf32>
        %add3A_1405 = arith.addf %select_n3A_1391, %select_n3A_1395 : vector<16xf32>
        %sub3A_1406 = arith.subf %add3A_1405, %select_n3A_1379 : vector<16xf32>
        %ge3A_1407 = arith.constant 1.000000e+00 : f32
        %ge3A_1408 = vector.broadcast %ge3A_1407 : f32 to vector<16xf32>
        %ge3A_1409 = arith.cmpf oge, %sub3A_1406, %ge3A_1408 : vector<16xf32>
        %sub3A_1410 = arith.subf %select_n3A_1399, %select_n3A_1383 : vector<16xf32>
        %sub3A_1411 = arith.subf %sub3A_1410, %select_n3A_1391 : vector<16xf32>
        %ge3A_1412 = arith.constant 0.000000e+00 : f32
        %ge3A_1413 = vector.broadcast %ge3A_1412 : f32 to vector<16xf32>
        %ge3A_1414 = arith.cmpf oge, %sub3A_1411, %ge3A_1413 : vector<16xf32>
        %add3A_1415 = arith.addf %select_n3A_1387, %select_n3A_1395 : vector<16xf32>
        %add3A_1416 = arith.addf %add3A_1415, %select_n3A_1399 : vector<16xf32>
        %le3A_1417 = arith.constant 1.000000e+00 : f32
        %le3A_1418 = vector.broadcast %le3A_1417 : f32 to vector<16xf32>
        %le3A_1419 = arith.cmpf ole, %add3A_1416, %le3A_1418 : vector<16xf32>
        %broadcast_in_dim3A_1420 = vector.broadcast %scan3A_62 : f32 to vector<16xf32>
        %select_n3A_1421 = arith.select %ge3A_1404, %gather3A_1368, %broadcast_in_dim3A_1420 : vector<16xi1>, vector<16xf32>
        tpu.vector_store_idx %arg7[%add3A_1358], %select_n3A_1421 : memref<16384xf32, #tpu.memory_space<vmem>>[vector<16xi32>], vector<16xf32>,
        %broadcast_in_dim3A_1422 = vector.broadcast %scan3A_62 : f32 to vector<16xf32>
        %select_n3A_1423 = arith.select %ge3A_1409, %gather3A_1369, %broadcast_in_dim3A_1422 : vector<16xi1>, vector<16xf32>
        tpu.vector_store_idx %arg7[%add3A_1361], %select_n3A_1423 : memref<16384xf32, #tpu.memory_space<vmem>>[vector<16xi32>], vector<16xf32>,
        %broadcast_in_dim3A_1424 = vector.broadcast %scan3A_62 : f32 to vector<16xf32>
        %select_n3A_1425 = arith.select %ge3A_1414, %gather3A_1370, %broadcast_in_dim3A_1424 : vector<16xi1>, vector<16xf32>
        tpu.vector_store_idx %arg7[%add3A_1364], %select_n3A_1425 : memref<16384xf32, #tpu.memory_space<vmem>>[vector<16xi32>], vector<16xf32>,
        %broadcast_in_dim3A_1426 = vector.broadcast %scan3A_62 : f32 to vector<16xf32>
        %select_n3A_1427 = arith.select %le3A_1419, %gather3A_1371, %broadcast_in_dim3A_1426 : vector<16xi1>, vector<16xf32>
        tpu.vector_store_idx %arg7[%add3A_1367], %select_n3A_1427 : memref<16384xf32, #tpu.memory_space<vmem>>[vector<16xi32>], vector<16xf32>,
        %scan3A_1428 = arith.constant 13 : i32
        %scan3A_1429 = arith.addi %scan3A_460, %scan3A_1428 : i32
        %shift_left3A_1430 = arith.constant 6 : i32
        %shift_left3A_1431 = arith.shli %scan3A_1429, %shift_left3A_1430 : i32
        %add3A_1432 = vector.broadcast %shift_left3A_1431 : i32 to vector<16xi32>
        %add3A_1433 = arith.addi %mul3A_5, %add3A_1432 : vector<16xi32>
        %add3A_1434 = arith.constant 1 : i32
        %add3A_1435 = vector.broadcast %add3A_1434 : i32 to vector<16xi32>
        %add3A_1436 = arith.addi %add3A_1433, %add3A_1435 : vector<16xi32>
        %add3A_1437 = arith.constant 2 : i32
        %add3A_1438 = vector.broadcast %add3A_1437 : i32 to vector<16xi32>
        %add3A_1439 = arith.addi %add3A_1433, %add3A_1438 : vector<16xi32>
        %add3A_1440 = arith.constant 3 : i32
        %add3A_1441 = vector.broadcast %add3A_1440 : i32 to vector<16xi32>
        %add3A_1442 = arith.addi %add3A_1433, %add3A_1441 : vector<16xi32>
        %gather3A_1443 = tpu.vector_load_idx %arg5[%add3A_1433] : memref<16384xf32, #tpu.memory_space<vmem>>[vector<16xi32>], vector<16xf32>,
        %gather3A_1444 = tpu.vector_load_idx %arg5[%add3A_1436] : memref<16384xf32, #tpu.memory_space<vmem>>[vector<16xi32>], vector<16xf32>,
        %gather3A_1445 = tpu.vector_load_idx %arg5[%add3A_1439] : memref<16384xf32, #tpu.memory_space<vmem>>[vector<16xi32>], vector<16xf32>,
        %gather3A_1446 = tpu.vector_load_idx %arg5[%add3A_1442] : memref<16384xf32, #tpu.memory_space<vmem>>[vector<16xi32>], vector<16xf32>,
        %mul3A_1447 = arith.mulf %gather3A_1443, %gather3A_1443 : vector<16xf32>
        %mul3A_1448 = arith.mulf %gather3A_1444, %gather3A_1444 : vector<16xf32>
        %mul3A_1449 = arith.mulf %gather3A_1445, %gather3A_1445 : vector<16xf32>
        %mul3A_1450 = arith.mulf %gather3A_1446, %gather3A_1446 : vector<16xf32>
        %ge3A_1451 = arith.cmpf oge, %mul3A_1447, %mul3A_1448 : vector<16xf32>
        %broadcast_in_dim3A_1452 = vector.broadcast %scan3A_61 : f32 to vector<16xf32>
        %broadcast_in_dim3A_1453 = vector.broadcast %scan3A_62 : f32 to vector<16xf32>
        %select_n3A_1454 = arith.select %ge3A_1451, %broadcast_in_dim3A_1452, %broadcast_in_dim3A_1453 : vector<16xi1>, vector<16xf32>
        %ge3A_1455 = arith.cmpf oge, %mul3A_1447, %mul3A_1449 : vector<16xf32>
        %broadcast_in_dim3A_1456 = vector.broadcast %scan3A_61 : f32 to vector<16xf32>
        %broadcast_in_dim3A_1457 = vector.broadcast %scan3A_62 : f32 to vector<16xf32>
        %select_n3A_1458 = arith.select %ge3A_1455, %broadcast_in_dim3A_1456, %broadcast_in_dim3A_1457 : vector<16xi1>, vector<16xf32>
        %ge3A_1459 = arith.cmpf oge, %mul3A_1447, %mul3A_1450 : vector<16xf32>
        %broadcast_in_dim3A_1460 = vector.broadcast %scan3A_61 : f32 to vector<16xf32>
        %broadcast_in_dim3A_1461 = vector.broadcast %scan3A_62 : f32 to vector<16xf32>
        %select_n3A_1462 = arith.select %ge3A_1459, %broadcast_in_dim3A_1460, %broadcast_in_dim3A_1461 : vector<16xi1>, vector<16xf32>
        %ge3A_1463 = arith.cmpf oge, %mul3A_1448, %mul3A_1449 : vector<16xf32>
        %broadcast_in_dim3A_1464 = vector.broadcast %scan3A_61 : f32 to vector<16xf32>
        %broadcast_in_dim3A_1465 = vector.broadcast %scan3A_62 : f32 to vector<16xf32>
        %select_n3A_1466 = arith.select %ge3A_1463, %broadcast_in_dim3A_1464, %broadcast_in_dim3A_1465 : vector<16xi1>, vector<16xf32>
        %ge3A_1467 = arith.cmpf oge, %mul3A_1448, %mul3A_1450 : vector<16xf32>
        %broadcast_in_dim3A_1468 = vector.broadcast %scan3A_61 : f32 to vector<16xf32>
        %broadcast_in_dim3A_1469 = vector.broadcast %scan3A_62 : f32 to vector<16xf32>
        %select_n3A_1470 = arith.select %ge3A_1467, %broadcast_in_dim3A_1468, %broadcast_in_dim3A_1469 : vector<16xi1>, vector<16xf32>
        %ge3A_1471 = arith.cmpf oge, %mul3A_1449, %mul3A_1450 : vector<16xf32>
        %broadcast_in_dim3A_1472 = vector.broadcast %scan3A_61 : f32 to vector<16xf32>
        %broadcast_in_dim3A_1473 = vector.broadcast %scan3A_62 : f32 to vector<16xf32>
        %select_n3A_1474 = arith.select %ge3A_1471, %broadcast_in_dim3A_1472, %broadcast_in_dim3A_1473 : vector<16xi1>, vector<16xf32>
        %add3A_1475 = arith.addf %select_n3A_1454, %select_n3A_1458 : vector<16xf32>
        %add3A_1476 = arith.addf %add3A_1475, %select_n3A_1462 : vector<16xf32>
        %ge3A_1477 = arith.constant 2.000000e+00 : f32
        %ge3A_1478 = vector.broadcast %ge3A_1477 : f32 to vector<16xf32>
        %ge3A_1479 = arith.cmpf oge, %add3A_1476, %ge3A_1478 : vector<16xf32>
        %add3A_1480 = arith.addf %select_n3A_1466, %select_n3A_1470 : vector<16xf32>
        %sub3A_1481 = arith.subf %add3A_1480, %select_n3A_1454 : vector<16xf32>
        %ge3A_1482 = arith.constant 1.000000e+00 : f32
        %ge3A_1483 = vector.broadcast %ge3A_1482 : f32 to vector<16xf32>
        %ge3A_1484 = arith.cmpf oge, %sub3A_1481, %ge3A_1483 : vector<16xf32>
        %sub3A_1485 = arith.subf %select_n3A_1474, %select_n3A_1458 : vector<16xf32>
        %sub3A_1486 = arith.subf %sub3A_1485, %select_n3A_1466 : vector<16xf32>
        %ge3A_1487 = arith.constant 0.000000e+00 : f32
        %ge3A_1488 = vector.broadcast %ge3A_1487 : f32 to vector<16xf32>
        %ge3A_1489 = arith.cmpf oge, %sub3A_1486, %ge3A_1488 : vector<16xf32>
        %add3A_1490 = arith.addf %select_n3A_1462, %select_n3A_1470 : vector<16xf32>
        %add3A_1491 = arith.addf %add3A_1490, %select_n3A_1474 : vector<16xf32>
        %le3A_1492 = arith.constant 1.000000e+00 : f32
        %le3A_1493 = vector.broadcast %le3A_1492 : f32 to vector<16xf32>
        %le3A_1494 = arith.cmpf ole, %add3A_1491, %le3A_1493 : vector<16xf32>
        %broadcast_in_dim3A_1495 = vector.broadcast %scan3A_62 : f32 to vector<16xf32>
        %select_n3A_1496 = arith.select %ge3A_1479, %gather3A_1443, %broadcast_in_dim3A_1495 : vector<16xi1>, vector<16xf32>
        tpu.vector_store_idx %arg7[%add3A_1433], %select_n3A_1496 : memref<16384xf32, #tpu.memory_space<vmem>>[vector<16xi32>], vector<16xf32>,
        %broadcast_in_dim3A_1497 = vector.broadcast %scan3A_62 : f32 to vector<16xf32>
        %select_n3A_1498 = arith.select %ge3A_1484, %gather3A_1444, %broadcast_in_dim3A_1497 : vector<16xi1>, vector<16xf32>
        tpu.vector_store_idx %arg7[%add3A_1436], %select_n3A_1498 : memref<16384xf32, #tpu.memory_space<vmem>>[vector<16xi32>], vector<16xf32>,
        %broadcast_in_dim3A_1499 = vector.broadcast %scan3A_62 : f32 to vector<16xf32>
        %select_n3A_1500 = arith.select %ge3A_1489, %gather3A_1445, %broadcast_in_dim3A_1499 : vector<16xi1>, vector<16xf32>
        tpu.vector_store_idx %arg7[%add3A_1439], %select_n3A_1500 : memref<16384xf32, #tpu.memory_space<vmem>>[vector<16xi32>], vector<16xf32>,
        %broadcast_in_dim3A_1501 = vector.broadcast %scan3A_62 : f32 to vector<16xf32>
        %select_n3A_1502 = arith.select %le3A_1494, %gather3A_1446, %broadcast_in_dim3A_1501 : vector<16xi1>, vector<16xf32>
        tpu.vector_store_idx %arg7[%add3A_1442], %select_n3A_1502 : memref<16384xf32, #tpu.memory_space<vmem>>[vector<16xi32>], vector<16xf32>,
        %scan3A_1503 = arith.constant 14 : i32
        %scan3A_1504 = arith.addi %scan3A_460, %scan3A_1503 : i32
        %shift_left3A_1505 = arith.constant 6 : i32
        %shift_left3A_1506 = arith.shli %scan3A_1504, %shift_left3A_1505 : i32
        %add3A_1507 = vector.broadcast %shift_left3A_1506 : i32 to vector<16xi32>
        %add3A_1508 = arith.addi %mul3A_5, %add3A_1507 : vector<16xi32>
        %add3A_1509 = arith.constant 1 : i32
        %add3A_1510 = vector.broadcast %add3A_1509 : i32 to vector<16xi32>
        %add3A_1511 = arith.addi %add3A_1508, %add3A_1510 : vector<16xi32>
        %add3A_1512 = arith.constant 2 : i32
        %add3A_1513 = vector.broadcast %add3A_1512 : i32 to vector<16xi32>
        %add3A_1514 = arith.addi %add3A_1508, %add3A_1513 : vector<16xi32>
        %add3A_1515 = arith.constant 3 : i32
        %add3A_1516 = vector.broadcast %add3A_1515 : i32 to vector<16xi32>
        %add3A_1517 = arith.addi %add3A_1508, %add3A_1516 : vector<16xi32>
        %gather3A_1518 = tpu.vector_load_idx %arg5[%add3A_1508] : memref<16384xf32, #tpu.memory_space<vmem>>[vector<16xi32>], vector<16xf32>,
        %gather3A_1519 = tpu.vector_load_idx %arg5[%add3A_1511] : memref<16384xf32, #tpu.memory_space<vmem>>[vector<16xi32>], vector<16xf32>,
        %gather3A_1520 = tpu.vector_load_idx %arg5[%add3A_1514] : memref<16384xf32, #tpu.memory_space<vmem>>[vector<16xi32>], vector<16xf32>,
        %gather3A_1521 = tpu.vector_load_idx %arg5[%add3A_1517] : memref<16384xf32, #tpu.memory_space<vmem>>[vector<16xi32>], vector<16xf32>,
        %mul3A_1522 = arith.mulf %gather3A_1518, %gather3A_1518 : vector<16xf32>
        %mul3A_1523 = arith.mulf %gather3A_1519, %gather3A_1519 : vector<16xf32>
        %mul3A_1524 = arith.mulf %gather3A_1520, %gather3A_1520 : vector<16xf32>
        %mul3A_1525 = arith.mulf %gather3A_1521, %gather3A_1521 : vector<16xf32>
        %ge3A_1526 = arith.cmpf oge, %mul3A_1522, %mul3A_1523 : vector<16xf32>
        %broadcast_in_dim3A_1527 = vector.broadcast %scan3A_61 : f32 to vector<16xf32>
        %broadcast_in_dim3A_1528 = vector.broadcast %scan3A_62 : f32 to vector<16xf32>
        %select_n3A_1529 = arith.select %ge3A_1526, %broadcast_in_dim3A_1527, %broadcast_in_dim3A_1528 : vector<16xi1>, vector<16xf32>
        %ge3A_1530 = arith.cmpf oge, %mul3A_1522, %mul3A_1524 : vector<16xf32>
        %broadcast_in_dim3A_1531 = vector.broadcast %scan3A_61 : f32 to vector<16xf32>
        %broadcast_in_dim3A_1532 = vector.broadcast %scan3A_62 : f32 to vector<16xf32>
        %select_n3A_1533 = arith.select %ge3A_1530, %broadcast_in_dim3A_1531, %broadcast_in_dim3A_1532 : vector<16xi1>, vector<16xf32>
        %ge3A_1534 = arith.cmpf oge, %mul3A_1522, %mul3A_1525 : vector<16xf32>
        %broadcast_in_dim3A_1535 = vector.broadcast %scan3A_61 : f32 to vector<16xf32>
        %broadcast_in_dim3A_1536 = vector.broadcast %scan3A_62 : f32 to vector<16xf32>
        %select_n3A_1537 = arith.select %ge3A_1534, %broadcast_in_dim3A_1535, %broadcast_in_dim3A_1536 : vector<16xi1>, vector<16xf32>
        %ge3A_1538 = arith.cmpf oge, %mul3A_1523, %mul3A_1524 : vector<16xf32>
        %broadcast_in_dim3A_1539 = vector.broadcast %scan3A_61 : f32 to vector<16xf32>
        %broadcast_in_dim3A_1540 = vector.broadcast %scan3A_62 : f32 to vector<16xf32>
        %select_n3A_1541 = arith.select %ge3A_1538, %broadcast_in_dim3A_1539, %broadcast_in_dim3A_1540 : vector<16xi1>, vector<16xf32>
        %ge3A_1542 = arith.cmpf oge, %mul3A_1523, %mul3A_1525 : vector<16xf32>
        %broadcast_in_dim3A_1543 = vector.broadcast %scan3A_61 : f32 to vector<16xf32>
        %broadcast_in_dim3A_1544 = vector.broadcast %scan3A_62 : f32 to vector<16xf32>
        %select_n3A_1545 = arith.select %ge3A_1542, %broadcast_in_dim3A_1543, %broadcast_in_dim3A_1544 : vector<16xi1>, vector<16xf32>
        %ge3A_1546 = arith.cmpf oge, %mul3A_1524, %mul3A_1525 : vector<16xf32>
        %broadcast_in_dim3A_1547 = vector.broadcast %scan3A_61 : f32 to vector<16xf32>
        %broadcast_in_dim3A_1548 = vector.broadcast %scan3A_62 : f32 to vector<16xf32>
        %select_n3A_1549 = arith.select %ge3A_1546, %broadcast_in_dim3A_1547, %broadcast_in_dim3A_1548 : vector<16xi1>, vector<16xf32>
        %add3A_1550 = arith.addf %select_n3A_1529, %select_n3A_1533 : vector<16xf32>
        %add3A_1551 = arith.addf %add3A_1550, %select_n3A_1537 : vector<16xf32>
        %ge3A_1552 = arith.constant 2.000000e+00 : f32
        %ge3A_1553 = vector.broadcast %ge3A_1552 : f32 to vector<16xf32>
        %ge3A_1554 = arith.cmpf oge, %add3A_1551, %ge3A_1553 : vector<16xf32>
        %add3A_1555 = arith.addf %select_n3A_1541, %select_n3A_1545 : vector<16xf32>
        %sub3A_1556 = arith.subf %add3A_1555, %select_n3A_1529 : vector<16xf32>
        %ge3A_1557 = arith.constant 1.000000e+00 : f32
        %ge3A_1558 = vector.broadcast %ge3A_1557 : f32 to vector<16xf32>
        %ge3A_1559 = arith.cmpf oge, %sub3A_1556, %ge3A_1558 : vector<16xf32>
        %sub3A_1560 = arith.subf %select_n3A_1549, %select_n3A_1533 : vector<16xf32>
        %sub3A_1561 = arith.subf %sub3A_1560, %select_n3A_1541 : vector<16xf32>
        %ge3A_1562 = arith.constant 0.000000e+00 : f32
        %ge3A_1563 = vector.broadcast %ge3A_1562 : f32 to vector<16xf32>
        %ge3A_1564 = arith.cmpf oge, %sub3A_1561, %ge3A_1563 : vector<16xf32>
        %add3A_1565 = arith.addf %select_n3A_1537, %select_n3A_1545 : vector<16xf32>
        %add3A_1566 = arith.addf %add3A_1565, %select_n3A_1549 : vector<16xf32>
        %le3A_1567 = arith.constant 1.000000e+00 : f32
        %le3A_1568 = vector.broadcast %le3A_1567 : f32 to vector<16xf32>
        %le3A_1569 = arith.cmpf ole, %add3A_1566, %le3A_1568 : vector<16xf32>
        %broadcast_in_dim3A_1570 = vector.broadcast %scan3A_62 : f32 to vector<16xf32>
        %select_n3A_1571 = arith.select %ge3A_1554, %gather3A_1518, %broadcast_in_dim3A_1570 : vector<16xi1>, vector<16xf32>
        tpu.vector_store_idx %arg7[%add3A_1508], %select_n3A_1571 : memref<16384xf32, #tpu.memory_space<vmem>>[vector<16xi32>], vector<16xf32>,
        %broadcast_in_dim3A_1572 = vector.broadcast %scan3A_62 : f32 to vector<16xf32>
        %select_n3A_1573 = arith.select %ge3A_1559, %gather3A_1519, %broadcast_in_dim3A_1572 : vector<16xi1>, vector<16xf32>
        tpu.vector_store_idx %arg7[%add3A_1511], %select_n3A_1573 : memref<16384xf32, #tpu.memory_space<vmem>>[vector<16xi32>], vector<16xf32>,
        %broadcast_in_dim3A_1574 = vector.broadcast %scan3A_62 : f32 to vector<16xf32>
        %select_n3A_1575 = arith.select %ge3A_1564, %gather3A_1520, %broadcast_in_dim3A_1574 : vector<16xi1>, vector<16xf32>
        tpu.vector_store_idx %arg7[%add3A_1514], %select_n3A_1575 : memref<16384xf32, #tpu.memory_space<vmem>>[vector<16xi32>], vector<16xf32>,
        %broadcast_in_dim3A_1576 = vector.broadcast %scan3A_62 : f32 to vector<16xf32>
        %select_n3A_1577 = arith.select %le3A_1569, %gather3A_1521, %broadcast_in_dim3A_1576 : vector<16xi1>, vector<16xf32>
        tpu.vector_store_idx %arg7[%add3A_1517], %select_n3A_1577 : memref<16384xf32, #tpu.memory_space<vmem>>[vector<16xi32>], vector<16xf32>,
        %scan3A_1578 = arith.constant 15 : i32
        %scan3A_1579 = arith.addi %scan3A_460, %scan3A_1578 : i32
        %shift_left3A_1580 = arith.constant 6 : i32
        %shift_left3A_1581 = arith.shli %scan3A_1579, %shift_left3A_1580 : i32
        %add3A_1582 = vector.broadcast %shift_left3A_1581 : i32 to vector<16xi32>
        %add3A_1583 = arith.addi %mul3A_5, %add3A_1582 : vector<16xi32>
        %add3A_1584 = arith.constant 1 : i32
        %add3A_1585 = vector.broadcast %add3A_1584 : i32 to vector<16xi32>
        %add3A_1586 = arith.addi %add3A_1583, %add3A_1585 : vector<16xi32>
        %add3A_1587 = arith.constant 2 : i32
        %add3A_1588 = vector.broadcast %add3A_1587 : i32 to vector<16xi32>
        %add3A_1589 = arith.addi %add3A_1583, %add3A_1588 : vector<16xi32>
        %add3A_1590 = arith.constant 3 : i32
        %add3A_1591 = vector.broadcast %add3A_1590 : i32 to vector<16xi32>
        %add3A_1592 = arith.addi %add3A_1583, %add3A_1591 : vector<16xi32>
        %gather3A_1593 = tpu.vector_load_idx %arg5[%add3A_1583] : memref<16384xf32, #tpu.memory_space<vmem>>[vector<16xi32>], vector<16xf32>,
        %gather3A_1594 = tpu.vector_load_idx %arg5[%add3A_1586] : memref<16384xf32, #tpu.memory_space<vmem>>[vector<16xi32>], vector<16xf32>,
        %gather3A_1595 = tpu.vector_load_idx %arg5[%add3A_1589] : memref<16384xf32, #tpu.memory_space<vmem>>[vector<16xi32>], vector<16xf32>,
        %gather3A_1596 = tpu.vector_load_idx %arg5[%add3A_1592] : memref<16384xf32, #tpu.memory_space<vmem>>[vector<16xi32>], vector<16xf32>,
        %mul3A_1597 = arith.mulf %gather3A_1593, %gather3A_1593 : vector<16xf32>
        %mul3A_1598 = arith.mulf %gather3A_1594, %gather3A_1594 : vector<16xf32>
        %mul3A_1599 = arith.mulf %gather3A_1595, %gather3A_1595 : vector<16xf32>
        %mul3A_1600 = arith.mulf %gather3A_1596, %gather3A_1596 : vector<16xf32>
        %ge3A_1601 = arith.cmpf oge, %mul3A_1597, %mul3A_1598 : vector<16xf32>
        %broadcast_in_dim3A_1602 = vector.broadcast %scan3A_61 : f32 to vector<16xf32>
        %broadcast_in_dim3A_1603 = vector.broadcast %scan3A_62 : f32 to vector<16xf32>
        %select_n3A_1604 = arith.select %ge3A_1601, %broadcast_in_dim3A_1602, %broadcast_in_dim3A_1603 : vector<16xi1>, vector<16xf32>
        %ge3A_1605 = arith.cmpf oge, %mul3A_1597, %mul3A_1599 : vector<16xf32>
        %broadcast_in_dim3A_1606 = vector.broadcast %scan3A_61 : f32 to vector<16xf32>
        %broadcast_in_dim3A_1607 = vector.broadcast %scan3A_62 : f32 to vector<16xf32>
        %select_n3A_1608 = arith.select %ge3A_1605, %broadcast_in_dim3A_1606, %broadcast_in_dim3A_1607 : vector<16xi1>, vector<16xf32>
        %ge3A_1609 = arith.cmpf oge, %mul3A_1597, %mul3A_1600 : vector<16xf32>
        %broadcast_in_dim3A_1610 = vector.broadcast %scan3A_61 : f32 to vector<16xf32>
        %broadcast_in_dim3A_1611 = vector.broadcast %scan3A_62 : f32 to vector<16xf32>
        %select_n3A_1612 = arith.select %ge3A_1609, %broadcast_in_dim3A_1610, %broadcast_in_dim3A_1611 : vector<16xi1>, vector<16xf32>
        %ge3A_1613 = arith.cmpf oge, %mul3A_1598, %mul3A_1599 : vector<16xf32>
        %broadcast_in_dim3A_1614 = vector.broadcast %scan3A_61 : f32 to vector<16xf32>
        %broadcast_in_dim3A_1615 = vector.broadcast %scan3A_62 : f32 to vector<16xf32>
        %select_n3A_1616 = arith.select %ge3A_1613, %broadcast_in_dim3A_1614, %broadcast_in_dim3A_1615 : vector<16xi1>, vector<16xf32>
        %ge3A_1617 = arith.cmpf oge, %mul3A_1598, %mul3A_1600 : vector<16xf32>
        %broadcast_in_dim3A_1618 = vector.broadcast %scan3A_61 : f32 to vector<16xf32>
        %broadcast_in_dim3A_1619 = vector.broadcast %scan3A_62 : f32 to vector<16xf32>
        %select_n3A_1620 = arith.select %ge3A_1617, %broadcast_in_dim3A_1618, %broadcast_in_dim3A_1619 : vector<16xi1>, vector<16xf32>
        %ge3A_1621 = arith.cmpf oge, %mul3A_1599, %mul3A_1600 : vector<16xf32>
        %broadcast_in_dim3A_1622 = vector.broadcast %scan3A_61 : f32 to vector<16xf32>
        %broadcast_in_dim3A_1623 = vector.broadcast %scan3A_62 : f32 to vector<16xf32>
        %select_n3A_1624 = arith.select %ge3A_1621, %broadcast_in_dim3A_1622, %broadcast_in_dim3A_1623 : vector<16xi1>, vector<16xf32>
        %add3A_1625 = arith.addf %select_n3A_1604, %select_n3A_1608 : vector<16xf32>
        %add3A_1626 = arith.addf %add3A_1625, %select_n3A_1612 : vector<16xf32>
        %ge3A_1627 = arith.constant 2.000000e+00 : f32
        %ge3A_1628 = vector.broadcast %ge3A_1627 : f32 to vector<16xf32>
        %ge3A_1629 = arith.cmpf oge, %add3A_1626, %ge3A_1628 : vector<16xf32>
        %add3A_1630 = arith.addf %select_n3A_1616, %select_n3A_1620 : vector<16xf32>
        %sub3A_1631 = arith.subf %add3A_1630, %select_n3A_1604 : vector<16xf32>
        %ge3A_1632 = arith.constant 1.000000e+00 : f32
        %ge3A_1633 = vector.broadcast %ge3A_1632 : f32 to vector<16xf32>
        %ge3A_1634 = arith.cmpf oge, %sub3A_1631, %ge3A_1633 : vector<16xf32>
        %sub3A_1635 = arith.subf %select_n3A_1624, %select_n3A_1608 : vector<16xf32>
        %sub3A_1636 = arith.subf %sub3A_1635, %select_n3A_1616 : vector<16xf32>
        %ge3A_1637 = arith.constant 0.000000e+00 : f32
        %ge3A_1638 = vector.broadcast %ge3A_1637 : f32 to vector<16xf32>
        %ge3A_1639 = arith.cmpf oge, %sub3A_1636, %ge3A_1638 : vector<16xf32>
        %add3A_1640 = arith.addf %select_n3A_1612, %select_n3A_1620 : vector<16xf32>
        %add3A_1641 = arith.addf %add3A_1640, %select_n3A_1624 : vector<16xf32>
        %le3A_1642 = arith.constant 1.000000e+00 : f32
        %le3A_1643 = vector.broadcast %le3A_1642 : f32 to vector<16xf32>
        %le3A_1644 = arith.cmpf ole, %add3A_1641, %le3A_1643 : vector<16xf32>
        %broadcast_in_dim3A_1645 = vector.broadcast %scan3A_62 : f32 to vector<16xf32>
        %select_n3A_1646 = arith.select %ge3A_1629, %gather3A_1593, %broadcast_in_dim3A_1645 : vector<16xi1>, vector<16xf32>
        tpu.vector_store_idx %arg7[%add3A_1583], %select_n3A_1646 : memref<16384xf32, #tpu.memory_space<vmem>>[vector<16xi32>], vector<16xf32>,
        %broadcast_in_dim3A_1647 = vector.broadcast %scan3A_62 : f32 to vector<16xf32>
        %select_n3A_1648 = arith.select %ge3A_1634, %gather3A_1594, %broadcast_in_dim3A_1647 : vector<16xi1>, vector<16xf32>
        tpu.vector_store_idx %arg7[%add3A_1586], %select_n3A_1648 : memref<16384xf32, #tpu.memory_space<vmem>>[vector<16xi32>], vector<16xf32>,
        %broadcast_in_dim3A_1649 = vector.broadcast %scan3A_62 : f32 to vector<16xf32>
        %select_n3A_1650 = arith.select %ge3A_1639, %gather3A_1595, %broadcast_in_dim3A_1649 : vector<16xi1>, vector<16xf32>
        tpu.vector_store_idx %arg7[%add3A_1589], %select_n3A_1650 : memref<16384xf32, #tpu.memory_space<vmem>>[vector<16xi32>], vector<16xf32>,
        %broadcast_in_dim3A_1651 = vector.broadcast %scan3A_62 : f32 to vector<16xf32>
        %select_n3A_1652 = arith.select %le3A_1644, %gather3A_1596, %broadcast_in_dim3A_1651 : vector<16xi1>, vector<16xf32>
        tpu.vector_store_idx %arg7[%add3A_1592], %select_n3A_1652 : memref<16384xf32, #tpu.memory_space<vmem>>[vector<16xi32>], vector<16xf32>,
      }
      %scan3A_399 = arith.constant 256 : i32
      %mul3A_400 = arith.constant 4 : i32
      %mul3A_401 = arith.muli %add3A_321, %mul3A_400 : i32
      %add3A_402 = arith.addi %mul3A_2, %mul3A_401 : i32
      %add3A_403 = arith.constant 0 : i32
      %add3A_404 = arith.addi %add3A_402, %add3A_403 : i32
      %mul3A_405 = arith.constant 4 : i32
      %mul3A_406 = arith.muli %add3A_321, %mul3A_405 : i32
      %add3A_407 = arith.addi %mul3A_2, %mul3A_406 : i32
      %add3A_408 = arith.constant 1 : i32
      %add3A_409 = arith.addi %add3A_407, %add3A_408 : i32
      %mul3A_410 = arith.constant 4 : i32
      %mul3A_411 = arith.muli %add3A_321, %mul3A_410 : i32
      %add3A_412 = arith.addi %mul3A_2, %mul3A_411 : i32
      %add3A_413 = arith.constant 2 : i32
      %add3A_414 = arith.addi %add3A_412, %add3A_413 : i32
      %mul3A_415 = arith.constant 4 : i32
      %mul3A_416 = arith.muli %add3A_321, %mul3A_415 : i32
      %add3A_417 = arith.addi %mul3A_2, %mul3A_416 : i32
      %add3A_418 = arith.constant 3 : i32
      %add3A_419 = arith.addi %add3A_417, %add3A_418 : i32
      %dma_start3A_420 = arith.constant 0 : i32
      %dma_start3A_421 = tpu.memref_slice %arg7[%dma_start3A_420] : memref<16384xf32, #tpu.memory_space<vmem>> -> memref<4096xf32, #tpu.memory_space<vmem>>
      %dma_start3A_422 = arith.constant 0 : i32
      %dma_start3A_423 = tpu.memref_slice %arg3[%add3A_404, %dma_start3A_422] : memref<4096x4096xf32, #tpu.memory_space<hbm>> -> memref<1x4096xf32, #tpu.memory_space<hbm>>
      %dma_start3A_424 = tpu.memref_squeeze %dma_start3A_423 : memref<1x4096xf32, #tpu.memory_space<hbm>> -> memref<4096xf32, #tpu.memory_space<hbm>>
      %dma_start3A_425 = arith.constant 0 : i32
      %dma_start3A_426 = tpu.memref_slice %arg3[%add3A_404, %dma_start3A_425] : memref<4096x4096xf32, #tpu.memory_space<hbm>> -> memref<1x4096xf32, #tpu.memory_space<hbm>>
      %dma_start3A_427 = tpu.memref_squeeze %dma_start3A_426 : memref<1x4096xf32, #tpu.memory_space<hbm>> -> memref<4096xf32, #tpu.memory_space<hbm>>
      %dma_start3A_428 = arith.constant 0 : i32
      %dma_start3A_429 = tpu.memref_slice %arg7[%dma_start3A_428] : memref<16384xf32, #tpu.memory_space<vmem>> -> memref<4096xf32, #tpu.memory_space<vmem>>
      tpu.enqueue_dma source(%dma_start3A_429 : memref<4096xf32, #tpu.memory_space<vmem>>) target(%dma_start3A_427 : memref<4096xf32, #tpu.memory_space<hbm>>) target_semaphore(%arg11 : memref<!tpu.dma_semaphore, #tpu.memory_space<semaphore_mem>>)
      %dma_start3A_430 = arith.constant 4096 : i32
      %dma_start3A_431 = tpu.memref_slice %arg7[%dma_start3A_430] : memref<16384xf32, #tpu.memory_space<vmem>> -> memref<4096xf32, #tpu.memory_space<vmem>>
      %dma_start3A_432 = arith.constant 0 : i32
      %dma_start3A_433 = tpu.memref_slice %arg3[%add3A_409, %dma_start3A_432] : memref<4096x4096xf32, #tpu.memory_space<hbm>> -> memref<1x4096xf32, #tpu.memory_space<hbm>>
      %dma_start3A_434 = tpu.memref_squeeze %dma_start3A_433 : memref<1x4096xf32, #tpu.memory_space<hbm>> -> memref<4096xf32, #tpu.memory_space<hbm>>
      %dma_start3A_435 = arith.constant 0 : i32
      %dma_start3A_436 = tpu.memref_slice %arg3[%add3A_409, %dma_start3A_435] : memref<4096x4096xf32, #tpu.memory_space<hbm>> -> memref<1x4096xf32, #tpu.memory_space<hbm>>
      %dma_start3A_437 = tpu.memref_squeeze %dma_start3A_436 : memref<1x4096xf32, #tpu.memory_space<hbm>> -> memref<4096xf32, #tpu.memory_space<hbm>>
      %dma_start3A_438 = arith.constant 4096 : i32
      %dma_start3A_439 = tpu.memref_slice %arg7[%dma_start3A_438] : memref<16384xf32, #tpu.memory_space<vmem>> -> memref<4096xf32, #tpu.memory_space<vmem>>
      tpu.enqueue_dma source(%dma_start3A_439 : memref<4096xf32, #tpu.memory_space<vmem>>) target(%dma_start3A_437 : memref<4096xf32, #tpu.memory_space<hbm>>) target_semaphore(%arg11 : memref<!tpu.dma_semaphore, #tpu.memory_space<semaphore_mem>>)
      %dma_start3A_440 = arith.constant 8192 : i32
      %dma_start3A_441 = tpu.memref_slice %arg7[%dma_start3A_440] : memref<16384xf32, #tpu.memory_space<vmem>> -> memref<4096xf32, #tpu.memory_space<vmem>>
      %dma_start3A_442 = arith.constant 0 : i32
      %dma_start3A_443 = tpu.memref_slice %arg3[%add3A_414, %dma_start3A_442] : memref<4096x4096xf32, #tpu.memory_space<hbm>> -> memref<1x4096xf32, #tpu.memory_space<hbm>>
      %dma_start3A_444 = tpu.memref_squeeze %dma_start3A_443 : memref<1x4096xf32, #tpu.memory_space<hbm>> -> memref<4096xf32, #tpu.memory_space<hbm>>
      %dma_start3A_445 = arith.constant 0 : i32
      %dma_start3A_446 = tpu.memref_slice %arg3[%add3A_414, %dma_start3A_445] : memref<4096x4096xf32, #tpu.memory_space<hbm>> -> memref<1x4096xf32, #tpu.memory_space<hbm>>
      %dma_start3A_447 = tpu.memref_squeeze %dma_start3A_446 : memref<1x4096xf32, #tpu.memory_space<hbm>> -> memref<4096xf32, #tpu.memory_space<hbm>>
      %dma_start3A_448 = arith.constant 8192 : i32
      %dma_start3A_449 = tpu.memref_slice %arg7[%dma_start3A_448] : memref<16384xf32, #tpu.memory_space<vmem>> -> memref<4096xf32, #tpu.memory_space<vmem>>
      tpu.enqueue_dma source(%dma_start3A_449 : memref<4096xf32, #tpu.memory_space<vmem>>) target(%dma_start3A_447 : memref<4096xf32, #tpu.memory_space<hbm>>) target_semaphore(%arg11 : memref<!tpu.dma_semaphore, #tpu.memory_space<semaphore_mem>>)
      %dma_start3A_450 = arith.constant 12288 : i32
      %dma_start3A_451 = tpu.memref_slice %arg7[%dma_start3A_450] : memref<16384xf32, #tpu.memory_space<vmem>> -> memref<4096xf32, #tpu.memory_space<vmem>>
      %dma_start3A_452 = arith.constant 0 : i32
      %dma_start3A_453 = tpu.memref_slice %arg3[%add3A_419, %dma_start3A_452] : memref<4096x4096xf32, #tpu.memory_space<hbm>> -> memref<1x4096xf32, #tpu.memory_space<hbm>>
      %dma_start3A_454 = tpu.memref_squeeze %dma_start3A_453 : memref<1x4096xf32, #tpu.memory_space<hbm>> -> memref<4096xf32, #tpu.memory_space<hbm>>
      %dma_start3A_455 = arith.constant 0 : i32
      %dma_start3A_456 = tpu.memref_slice %arg3[%add3A_419, %dma_start3A_455] : memref<4096x4096xf32, #tpu.memory_space<hbm>> -> memref<1x4096xf32, #tpu.memory_space<hbm>>
      %dma_start3A_457 = tpu.memref_squeeze %dma_start3A_456 : memref<1x4096xf32, #tpu.memory_space<hbm>> -> memref<4096xf32, #tpu.memory_space<hbm>>
      %dma_start3A_458 = arith.constant 12288 : i32
      %dma_start3A_459 = tpu.memref_slice %arg7[%dma_start3A_458] : memref<16384xf32, #tpu.memory_space<vmem>> -> memref<4096xf32, #tpu.memory_space<vmem>>
      tpu.enqueue_dma source(%dma_start3A_459 : memref<4096xf32, #tpu.memory_space<vmem>>) target(%dma_start3A_457 : memref<4096xf32, #tpu.memory_space<hbm>>) target_semaphore(%arg11 : memref<!tpu.dma_semaphore, #tpu.memory_space<semaphore_mem>>)
    }
    %scan3A_67 = arith.constant 16 : i32
    %add3A_68 = arith.constant 120 : i32
    %add3A_69 = arith.addi %mul3A_2, %add3A_68 : i32
    %add3A_70 = arith.constant 0 : i32
    %add3A_71 = arith.addi %add3A_69, %add3A_70 : i32
    %add3A_72 = arith.constant 120 : i32
    %add3A_73 = arith.addi %mul3A_2, %add3A_72 : i32
    %add3A_74 = arith.constant 1 : i32
    %add3A_75 = arith.addi %add3A_73, %add3A_74 : i32
    %add3A_76 = arith.constant 120 : i32
    %add3A_77 = arith.addi %mul3A_2, %add3A_76 : i32
    %add3A_78 = arith.constant 2 : i32
    %add3A_79 = arith.addi %add3A_77, %add3A_78 : i32
    %add3A_80 = arith.constant 120 : i32
    %add3A_81 = arith.addi %mul3A_2, %add3A_80 : i32
    %add3A_82 = arith.constant 3 : i32
    %add3A_83 = arith.addi %add3A_81, %add3A_82 : i32
    %dma_wait3A = arith.constant 0 : i32
    %dma_wait3A_84 = tpu.memref_slice %arg6[%dma_wait3A] : memref<16384xf32, #tpu.memory_space<vmem>> -> memref<4096xf32, #tpu.memory_space<vmem>>
    %dma_wait3A_85 = arith.constant 0 : i32
    %dma_wait3A_86 = tpu.memref_slice %arg3[%add3A_71, %dma_wait3A_85] : memref<4096x4096xf32, #tpu.memory_space<hbm>> -> memref<1x4096xf32, #tpu.memory_space<hbm>>
    %dma_wait3A_87 = tpu.memref_squeeze %dma_wait3A_86 : memref<1x4096xf32, #tpu.memory_space<hbm>> -> memref<4096xf32, #tpu.memory_space<hbm>>
    %dma_wait3A_88 = arith.constant 0 : i32
    %dma_wait3A_89 = tpu.memref_slice %arg3[%add3A_71, %dma_wait3A_88] : memref<4096x4096xf32, #tpu.memory_space<hbm>> -> memref<1x4096xf32, #tpu.memory_space<hbm>>
    %dma_wait3A_90 = tpu.memref_squeeze %dma_wait3A_89 : memref<1x4096xf32, #tpu.memory_space<hbm>> -> memref<4096xf32, #tpu.memory_space<hbm>>
    %dma_wait3A_91 = arith.constant 0 : i32
    %dma_wait3A_92 = tpu.memref_slice %arg6[%dma_wait3A_91] : memref<16384xf32, #tpu.memory_space<vmem>> -> memref<4096xf32, #tpu.memory_space<vmem>>
    tpu.wait_dma2 semaphore(%arg10 : memref<!tpu.dma_semaphore, #tpu.memory_space<semaphore_mem>>) src(%dma_wait3A_92 : memref<4096xf32, #tpu.memory_space<vmem>>) dst(%dma_wait3A_90 : memref<4096xf32, #tpu.memory_space<hbm>>)
    %dma_wait3A_93 = arith.constant 4096 : i32
    %dma_wait3A_94 = tpu.memref_slice %arg6[%dma_wait3A_93] : memref<16384xf32, #tpu.memory_space<vmem>> -> memref<4096xf32, #tpu.memory_space<vmem>>
    %dma_wait3A_95 = arith.constant 0 : i32
    %dma_wait3A_96 = tpu.memref_slice %arg3[%add3A_75, %dma_wait3A_95] : memref<4096x4096xf32, #tpu.memory_space<hbm>> -> memref<1x4096xf32, #tpu.memory_space<hbm>>
    %dma_wait3A_97 = tpu.memref_squeeze %dma_wait3A_96 : memref<1x4096xf32, #tpu.memory_space<hbm>> -> memref<4096xf32, #tpu.memory_space<hbm>>
    %dma_wait3A_98 = arith.constant 0 : i32
    %dma_wait3A_99 = tpu.memref_slice %arg3[%add3A_75, %dma_wait3A_98] : memref<4096x4096xf32, #tpu.memory_space<hbm>> -> memref<1x4096xf32, #tpu.memory_space<hbm>>
    %dma_wait3A_100 = tpu.memref_squeeze %dma_wait3A_99 : memref<1x4096xf32, #tpu.memory_space<hbm>> -> memref<4096xf32, #tpu.memory_space<hbm>>
    %dma_wait3A_101 = arith.constant 4096 : i32
    %dma_wait3A_102 = tpu.memref_slice %arg6[%dma_wait3A_101] : memref<16384xf32, #tpu.memory_space<vmem>> -> memref<4096xf32, #tpu.memory_space<vmem>>
    tpu.wait_dma2 semaphore(%arg10 : memref<!tpu.dma_semaphore, #tpu.memory_space<semaphore_mem>>) src(%dma_wait3A_102 : memref<4096xf32, #tpu.memory_space<vmem>>) dst(%dma_wait3A_100 : memref<4096xf32, #tpu.memory_space<hbm>>)
    %dma_wait3A_103 = arith.constant 8192 : i32
    %dma_wait3A_104 = tpu.memref_slice %arg6[%dma_wait3A_103] : memref<16384xf32, #tpu.memory_space<vmem>> -> memref<4096xf32, #tpu.memory_space<vmem>>
    %dma_wait3A_105 = arith.constant 0 : i32
    %dma_wait3A_106 = tpu.memref_slice %arg3[%add3A_79, %dma_wait3A_105] : memref<4096x4096xf32, #tpu.memory_space<hbm>> -> memref<1x4096xf32, #tpu.memory_space<hbm>>
    %dma_wait3A_107 = tpu.memref_squeeze %dma_wait3A_106 : memref<1x4096xf32, #tpu.memory_space<hbm>> -> memref<4096xf32, #tpu.memory_space<hbm>>
    %dma_wait3A_108 = arith.constant 0 : i32
    %dma_wait3A_109 = tpu.memref_slice %arg3[%add3A_79, %dma_wait3A_108] : memref<4096x4096xf32, #tpu.memory_space<hbm>> -> memref<1x4096xf32, #tpu.memory_space<hbm>>
    %dma_wait3A_110 = tpu.memref_squeeze %dma_wait3A_109 : memref<1x4096xf32, #tpu.memory_space<hbm>> -> memref<4096xf32, #tpu.memory_space<hbm>>
    %dma_wait3A_111 = arith.constant 8192 : i32
    %dma_wait3A_112 = tpu.memref_slice %arg6[%dma_wait3A_111] : memref<16384xf32, #tpu.memory_space<vmem>> -> memref<4096xf32, #tpu.memory_space<vmem>>
    tpu.wait_dma2 semaphore(%arg10 : memref<!tpu.dma_semaphore, #tpu.memory_space<semaphore_mem>>) src(%dma_wait3A_112 : memref<4096xf32, #tpu.memory_space<vmem>>) dst(%dma_wait3A_110 : memref<4096xf32, #tpu.memory_space<hbm>>)
    %dma_wait3A_113 = arith.constant 12288 : i32
    %dma_wait3A_114 = tpu.memref_slice %arg6[%dma_wait3A_113] : memref<16384xf32, #tpu.memory_space<vmem>> -> memref<4096xf32, #tpu.memory_space<vmem>>
    %dma_wait3A_115 = arith.constant 0 : i32
    %dma_wait3A_116 = tpu.memref_slice %arg3[%add3A_83, %dma_wait3A_115] : memref<4096x4096xf32, #tpu.memory_space<hbm>> -> memref<1x4096xf32, #tpu.memory_space<hbm>>
    %dma_wait3A_117 = tpu.memref_squeeze %dma_wait3A_116 : memref<1x4096xf32, #tpu.memory_space<hbm>> -> memref<4096xf32, #tpu.memory_space<hbm>>
    %dma_wait3A_118 = arith.constant 0 : i32
    %dma_wait3A_119 = tpu.memref_slice %arg3[%add3A_83, %dma_wait3A_118] : memref<4096x4096xf32, #tpu.memory_space<hbm>> -> memref<1x4096xf32, #tpu.memory_space<hbm>>
    %dma_wait3A_120 = tpu.memref_squeeze %dma_wait3A_119 : memref<1x4096xf32, #tpu.memory_space<hbm>> -> memref<4096xf32, #tpu.memory_space<hbm>>
    %dma_wait3A_121 = arith.constant 12288 : i32
    %dma_wait3A_122 = tpu.memref_slice %arg6[%dma_wait3A_121] : memref<16384xf32, #tpu.memory_space<vmem>> -> memref<4096xf32, #tpu.memory_space<vmem>>
    tpu.wait_dma2 semaphore(%arg10 : memref<!tpu.dma_semaphore, #tpu.memory_space<semaphore_mem>>) src(%dma_wait3A_122 : memref<4096xf32, #tpu.memory_space<vmem>>) dst(%dma_wait3A_120 : memref<4096xf32, #tpu.memory_space<hbm>>)
    %add3A_123 = arith.constant 124 : i32
    %add3A_124 = arith.addi %mul3A_2, %add3A_123 : i32
    %add3A_125 = arith.constant 0 : i32
    %add3A_126 = arith.addi %add3A_124, %add3A_125 : i32
    %add3A_127 = arith.constant 124 : i32
    %add3A_128 = arith.addi %mul3A_2, %add3A_127 : i32
    %add3A_129 = arith.constant 1 : i32
    %add3A_130 = arith.addi %add3A_128, %add3A_129 : i32
    %add3A_131 = arith.constant 124 : i32
    %add3A_132 = arith.addi %mul3A_2, %add3A_131 : i32
    %add3A_133 = arith.constant 2 : i32
    %add3A_134 = arith.addi %add3A_132, %add3A_133 : i32
    %add3A_135 = arith.constant 124 : i32
    %add3A_136 = arith.addi %mul3A_2, %add3A_135 : i32
    %add3A_137 = arith.constant 3 : i32
    %add3A_138 = arith.addi %add3A_136, %add3A_137 : i32
    %dma_wait3A_139 = arith.constant 0 : i32
    %dma_wait3A_140 = tpu.memref_slice %arg7[%dma_wait3A_139] : memref<16384xf32, #tpu.memory_space<vmem>> -> memref<4096xf32, #tpu.memory_space<vmem>>
    %dma_wait3A_141 = arith.constant 0 : i32
    %dma_wait3A_142 = tpu.memref_slice %arg3[%add3A_126, %dma_wait3A_141] : memref<4096x4096xf32, #tpu.memory_space<hbm>> -> memref<1x4096xf32, #tpu.memory_space<hbm>>
    %dma_wait3A_143 = tpu.memref_squeeze %dma_wait3A_142 : memref<1x4096xf32, #tpu.memory_space<hbm>> -> memref<4096xf32, #tpu.memory_space<hbm>>
    %dma_wait3A_144 = arith.constant 0 : i32
    %dma_wait3A_145 = tpu.memref_slice %arg3[%add3A_126, %dma_wait3A_144] : memref<4096x4096xf32, #tpu.memory_space<hbm>> -> memref<1x4096xf32, #tpu.memory_space<hbm>>
    %dma_wait3A_146 = tpu.memref_squeeze %dma_wait3A_145 : memref<1x4096xf32, #tpu.memory_space<hbm>> -> memref<4096xf32, #tpu.memory_space<hbm>>
    %dma_wait3A_147 = arith.constant 0 : i32
    %dma_wait3A_148 = tpu.memref_slice %arg7[%dma_wait3A_147] : memref<16384xf32, #tpu.memory_space<vmem>> -> memref<4096xf32, #tpu.memory_space<vmem>>
    tpu.wait_dma2 semaphore(%arg11 : memref<!tpu.dma_semaphore, #tpu.memory_space<semaphore_mem>>) src(%dma_wait3A_148 : memref<4096xf32, #tpu.memory_space<vmem>>) dst(%dma_wait3A_146 : memref<4096xf32, #tpu.memory_space<hbm>>)
    %dma_wait3A_149 = arith.constant 4096 : i32
    %dma_wait3A_150 = tpu.memref_slice %arg7[%dma_wait3A_149] : memref<16384xf32, #tpu.memory_space<vmem>> -> memref<4096xf32, #tpu.memory_space<vmem>>
    %dma_wait3A_151 = arith.constant 0 : i32
    %dma_wait3A_152 = tpu.memref_slice %arg3[%add3A_130, %dma_wait3A_151] : memref<4096x4096xf32, #tpu.memory_space<hbm>> -> memref<1x4096xf32, #tpu.memory_space<hbm>>
    %dma_wait3A_153 = tpu.memref_squeeze %dma_wait3A_152 : memref<1x4096xf32, #tpu.memory_space<hbm>> -> memref<4096xf32, #tpu.memory_space<hbm>>
    %dma_wait3A_154 = arith.constant 0 : i32
    %dma_wait3A_155 = tpu.memref_slice %arg3[%add3A_130, %dma_wait3A_154] : memref<4096x4096xf32, #tpu.memory_space<hbm>> -> memref<1x4096xf32, #tpu.memory_space<hbm>>
    %dma_wait3A_156 = tpu.memref_squeeze %dma_wait3A_155 : memref<1x4096xf32, #tpu.memory_space<hbm>> -> memref<4096xf32, #tpu.memory_space<hbm>>
    %dma_wait3A_157 = arith.constant 4096 : i32
    %dma_wait3A_158 = tpu.memref_slice %arg7[%dma_wait3A_157] : memref<16384xf32, #tpu.memory_space<vmem>> -> memref<4096xf32, #tpu.memory_space<vmem>>
    tpu.wait_dma2 semaphore(%arg11 : memref<!tpu.dma_semaphore, #tpu.memory_space<semaphore_mem>>) src(%dma_wait3A_158 : memref<4096xf32, #tpu.memory_space<vmem>>) dst(%dma_wait3A_156 : memref<4096xf32, #tpu.memory_space<hbm>>)
    %dma_wait3A_159 = arith.constant 8192 : i32
    %dma_wait3A_160 = tpu.memref_slice %arg7[%dma_wait3A_159] : memref<16384xf32, #tpu.memory_space<vmem>> -> memref<4096xf32, #tpu.memory_space<vmem>>
    %dma_wait3A_161 = arith.constant 0 : i32
    %dma_wait3A_162 = tpu.memref_slice %arg3[%add3A_134, %dma_wait3A_161] : memref<4096x4096xf32, #tpu.memory_space<hbm>> -> memref<1x4096xf32, #tpu.memory_space<hbm>>
    %dma_wait3A_163 = tpu.memref_squeeze %dma_wait3A_162 : memref<1x4096xf32, #tpu.memory_space<hbm>> -> memref<4096xf32, #tpu.memory_space<hbm>>
    %dma_wait3A_164 = arith.constant 0 : i32
    %dma_wait3A_165 = tpu.memref_slice %arg3[%add3A_134, %dma_wait3A_164] : memref<4096x4096xf32, #tpu.memory_space<hbm>> -> memref<1x4096xf32, #tpu.memory_space<hbm>>
    %dma_wait3A_166 = tpu.memref_squeeze %dma_wait3A_165 : memref<1x4096xf32, #tpu.memory_space<hbm>> -> memref<4096xf32, #tpu.memory_space<hbm>>
    %dma_wait3A_167 = arith.constant 8192 : i32
    %dma_wait3A_168 = tpu.memref_slice %arg7[%dma_wait3A_167] : memref<16384xf32, #tpu.memory_space<vmem>> -> memref<4096xf32, #tpu.memory_space<vmem>>
    tpu.wait_dma2 semaphore(%arg11 : memref<!tpu.dma_semaphore, #tpu.memory_space<semaphore_mem>>) src(%dma_wait3A_168 : memref<4096xf32, #tpu.memory_space<vmem>>) dst(%dma_wait3A_166 : memref<4096xf32, #tpu.memory_space<hbm>>)
    %dma_wait3A_169 = arith.constant 12288 : i32
    %dma_wait3A_170 = tpu.memref_slice %arg7[%dma_wait3A_169] : memref<16384xf32, #tpu.memory_space<vmem>> -> memref<4096xf32, #tpu.memory_space<vmem>>
    %dma_wait3A_171 = arith.constant 0 : i32
    %dma_wait3A_172 = tpu.memref_slice %arg3[%add3A_138, %dma_wait3A_171] : memref<4096x4096xf32, #tpu.memory_space<hbm>> -> memref<1x4096xf32, #tpu.memory_space<hbm>>
    %dma_wait3A_173 = tpu.memref_squeeze %dma_wait3A_172 : memref<1x4096xf32, #tpu.memory_space<hbm>> -> memref<4096xf32, #tpu.memory_space<hbm>>
    %dma_wait3A_174 = arith.constant 0 : i32
    %dma_wait3A_175 = tpu.memref_slice %arg3[%add3A_138, %dma_wait3A_174] : memref<4096x4096xf32, #tpu.memory_space<hbm>> -> memref<1x4096xf32, #tpu.memory_space<hbm>>
    %dma_wait3A_176 = tpu.memref_squeeze %dma_wait3A_175 : memref<1x4096xf32, #tpu.memory_space<hbm>> -> memref<4096xf32, #tpu.memory_space<hbm>>
    %dma_wait3A_177 = arith.constant 12288 : i32
    %dma_wait3A_178 = tpu.memref_slice %arg7[%dma_wait3A_177] : memref<16384xf32, #tpu.memory_space<vmem>> -> memref<4096xf32, #tpu.memory_space<vmem>>
    tpu.wait_dma2 semaphore(%arg11 : memref<!tpu.dma_semaphore, #tpu.memory_space<semaphore_mem>>) src(%dma_wait3A_178 : memref<4096xf32, #tpu.memory_space<vmem>>) dst(%dma_wait3A_176 : memref<4096xf32, #tpu.memory_space<hbm>>)
    return
  }
}

</mosaic_0001>

<sc_bundles>
// kernel: kernel.3.cloned.1.call-start
scs
__scs_entry_jumppad:
0x0: {  	(pc) =	sbr.rel $0x88, $3  }
0x1: {  	(tag) =	ssettag $0x0;
	lr =	simm.s32 $0x1  }
0x2: {  	[smem:$0x3F9F] =	sst lr;
	_ =	strace $0xD0000000  }
0x3: {  	_ = 	snop  }
0x4: {  	_ = 	snop  }
0x5: {  	_ = 	snop  }
0x6: {  	_ = 	snop  }
0x7: {  	_ = 	snop  }
__scs_overlays_trampoline_lowered:
0x8: {  	[smem:$0x3FAE] =	sst s0  }
0x9: {  	[smem:$0x3FAF] =	sst s1  }
0xa: {  	[smem:$0x3FB0] =	sst s2  }
0xb: {  	[smem:$0x3FB1] =	sst s3  }
0xc: {  	[smem:$0x3FB2] =	sst s4  }
0xd: {  	[smem:$0x3FB3] =	sst s5  }
0xe: {  	[smem:$0x3FB4] =	sst s6  }
0xf: {  	[smem:$0x3FB5] =	sst s7  }
0x10: {  	[smem:$0x3FB6] =	sst s8  }
0x11: {  	[smem:$0x3FB7] =	sst s9;
	s0 =	simm.s32 @!p0 $0x0  }
0x12: {  	s1 =	sld [smem:$0x3F9D];
	s0 =	simm.s32 @p0 $0x1  }
0x13: {  	[smem:$0x3FB8] =	sst s0;
	s0 =	simm.s32 @!p1 $0x0  }
0x14: {  	s2 =	sld [smem:$0x3F9C];
	s0 =	simm.s32 @p1 $0x1  }
0x15: {  	[smem:$0x3FB9] =	sst s0;
	s0 =	simm.s32 @!p2 $0x0  }
0x16: {  	s3 =	sld [smem:$0x3FDB];
	s0 =	simm.s32 @p2 $0x1  }
0x17: {  	s4 =	simm.s32 $0x1BF5;
	[smem:$0x3FBB] =	sst s0  }
0x18: {  	s0 =	sld [smem:$0x3F9E];
	_ =	swait.ge [sflag:s4], $0x0  }
0x19: {  	s7 =	sld [smem:$0x3F9F]  }
0x1a: {  	s8 =	sadd.s32 $0xFFFFE003, lr  }
0x1b: {  	s9 =	sadd.s32 $0xFFFFFEF7, lr;
	s5 =	simm.s32 $0xFFFFFFFF;
	p2 =	slt.u32 s8, $0xFFFFF086  }
0x1c: {  	p1 =	slt.u32 s9, $0xF7A;
	s5 =	simm.s32 @!p2 $0x0  }
0x1d: {  	s5 =	simm.s32 @p1 $0x1;
	p0 =	seq.s32 s7, s2  }
0x1e: {  	s7 =	smul.u32 @!p0 $0xF7A, s2;
	p2 =	seq.s32 @!p0 s5, $0x0  }
0x1f: {  	s9 =	smul.u32 $0xF7A, s1;
	s8 =	simm.s32 @!p0 $0x1BF5;
	p2 =	por !p2, p0  }
0x20: {  	[sflag:s8] =	ssyncset.s32 @!p0 $0xFFFFF086;
	s6 =	sadd.s32 @!p0 s3, s7;
	s7 =	simm.s32 @!p0 $0x108  }
0x21: {  	s3 =	sadd.s32 s3, s9;
	s6 =	sadd.s32 @!p0 $0x88, s6;
	s7 =	simm.s32 @p2 $0x1082  }
0x22: {  	[simem:s7], [sflag:s8] =	dma.local @!p0 [hbm:s6], $0xF7A  }
0x23: {  	s9 =	sor.u32 $0xD0000000, s2;
	s6 =	simm.s32 $0x108;
	_ =	swait.ge @!p0 [sflag:s8], $0x0  }
0x24: {  	s3 =	sadd.s32 $0x88, s3;
	s6 =	simm.s32 @!p1 $0x1082;
	[sflag:s4] =	ssyncset.s32 $0xFFFFF086  }
0x25: {  	[simem:s6], [sflag:s4] =	dma.local [hbm:s3], $0xF7A  }
0x26: {  	[smem:$0x3F9F] =	sst s1;
	(tag) =	ssettag s2;
	_ =	strace s9  }
0x27: {  	s1 =	sld [smem:$0x3FAF]  }
0x28: {  	s2 =	sld [smem:$0x3FB0]  }
0x29: {  	s4 =	sld [smem:$0x3FB2]  }
0x2a: {  	p0 =	seq.s32 s5, $0x0;
	s5 =	sld [smem:$0x3FB3]  }
0x2b: {  	s6 =	sld [smem:$0x3FB4]  }
0x2c: {  	s7 =	sld [smem:$0x3FB5]  }
0x2d: {  	s3 =	simm.s32 $0x108;
	s8 =	sld [smem:$0x3FB6]  }
0x2e: {  	s3 =	simm.s32 @!p0 $0x1082;
	s9 =	sld [smem:$0x3FB7]  }
0x2f: {  	lr =	sadd.s32 s0, s3;
	s0 =	sld [smem:$0x3FAE]  }
0x30: {  	s3 =	sld [smem:$0x3FB1]  }
0x31: {  	[smem:$0x3FBA] =	sst s10  }
0x32: {  	s10 =	sld [smem:$0x3FB8];
	_ =	sdelay $0x3  }
0x33: {  	p0 =	seq.s32 s10, $0x1;
	s10 =	sld [smem:$0x3FBA];
	_ =	sdelay $0x3  }
0x34: {  	[smem:$0x3FBA] =	sst s10  }
0x35: {  	s10 =	sld [smem:$0x3FB9];
	_ =	sdelay $0x3  }
0x36: {  	p1 =	seq.s32 s10, $0x1;
	s10 =	sld [smem:$0x3FBA];
	_ =	sdelay $0x3  }
0x37: {  	[smem:$0x3FBA] =	sst s10  }
0x38: {  	s10 =	sld [smem:$0x3FBB]  }
0x39: {  	_ = 	snop;
	(pc) =	sbr.ind lr, $3  }
0x3a: {  	_ = 	snop  }
0x3b: {  	_ = 	snop  }
0x3c: {  	p2 =	seq.s32 s10, $0x1;
	s10 =	sld [smem:$0x3FBA]  }
0x3d: {  	_ =	shalt  }
0x3e: {  	_ =	shalt  }
0x3f: {  	_ =	shalt  }
0x40: {  	_ =	shalt  }
0x41: {  	_ =	shalt  }
0x42: {  	_ =	shalt  }
0x43: {  	_ =	shalt  }
0x44: {  	_ =	shalt  }
0x45: {  	_ =	shalt  }
0x46: {  	_ =	shalt  }
0x47: {  	_ =	shalt  }
0x48: {  	_ =	shalt  }
0x49: {  	_ =	shalt  }
0x4a: {  	_ =	shalt  }
0x4b: {  	_ =	shalt  }
0x4c: {  	_ =	shalt  }
0x4d: {  	_ =	shalt  }
0x4e: {  	_ =	shalt  }
0x4f: {  	_ =	shalt  }
0x50: {  	_ =	shalt  }
0x51: {  	_ =	shalt  }
0x52: {  	_ =	shalt  }
0x53: {  	_ =	shalt  }
0x54: {  	_ =	shalt  }
0x55: {  	_ =	shalt  }
0x56: {  	_ =	shalt  }
0x57: {  	_ =	shalt  }
0x58: {  	_ =	shalt  }
0x59: {  	_ =	shalt  }
0x5a: {  	_ =	shalt  }
0x5b: {  	_ =	shalt  }
0x5c: {  	_ =	shalt  }
0x5d: {  	_ =	shalt  }
0x5e: {  	_ =	shalt  }
0x5f: {  	_ =	shalt  }
0x60: {  	_ =	shalt  }
0x61: {  	_ =	shalt  }
0x62: {  	_ =	shalt  }
0x63: {  	_ =	shalt  }
0x64: {  	_ =	shalt  }
0x65: {  	_ =	shalt  }
0x66: {  	_ =	shalt  }
0x67: {  	_ =	shalt  }
0x68: {  	_ =	shalt  }
0x69: {  	_ =	shalt  }
0x6a: {  	_ =	shalt  }
0x6b: {  	_ =	shalt  }
0x6c: {  	_ =	shalt  }
0x6d: {  	_ =	shalt  }
0x6e: {  	_ =	shalt  }
0x6f: {  	_ =	shalt  }
0x70: {  	_ =	shalt  }
0x71: {  	_ =	shalt  }
0x72: {  	_ =	shalt  }
0x73: {  	_ =	shalt  }
0x74: {  	_ =	shalt  }
0x75: {  	_ =	shalt  }
0x76: {  	_ =	shalt  }
0x77: {  	_ =	shalt  }
0x78: {  	_ =	shalt  }
0x79: {  	_ =	shalt  }
0x7a: {  	_ =	shalt  }
0x7b: {  	_ =	shalt  }
0x7c: {  	_ =	shalt  }
0x7d: {  	_ =	shalt  }
0x7e: {  	_ =	shalt  }
0x7f: {  	_ =	shalt  }
0x80: {  	_ =	shalt  }
0x81: {  	_ =	shalt  }
0x82: {  	_ =	shalt  }
0x83: {  	_ =	shalt  }
0x84: {  	_ =	shalt  }
0x85: {  	_ =	shalt  }
0x86: {  	_ =	shalt  }
0x87: {  	_ =	shalt  }
.Lfunc_end0:
.L_simem_size_0:
called_computation_lowered:
.L_overlay_start_0:
0x88: {  	s2 =	sld [smem:$0x3FD9]  }
0x89: {  	s3 =	sld [smem:$0x3FFE];
	_ =	sdelay $0x1  }
0x8a: {  	s1 =	srdreg.scid  }
0x8b: {  	s0 =	sand.u32 $0x1, s1  }
0x8c: {  	s15 =	sshll.u32 s0, $0xA;
	s2 =	sadd.s32 s3, s2  }
0x8d: {  	s2 =	sadd.s32 s2, s15  }
0x8e: {  	[smem:$0x3FC6] =	sst s2  }
0x8f: {  	_ = 	snop  }
0x90: {  	s2 =	sld [smem:$0x3FD0];
	_ =	sdelay $0x2  }
0x91: {  	s4 =	simm.s32 $0xA;
	s5 =	simm.s32 $0x10;
	s16 =	sld [smem:$0x3FC9]  }
0x92: {  	[smem:s5], [sflag:s4] =	dma.local [hbm:s2], $0x1  }
0x93: {  	_ =	swait.eq [sflag:s4], $0x1  }
0x94: {  	[sflag:s4] =	ssyncset.done $0x0  }
0x95: {  	[sflag:s4] =	ssyncadd.s32 $0xFFFFFFFF  }
0x96: {  	s17 =	sld [smem:$0x10];
	(tm) =	ssettm $0x1  }
0x97: {  	s18 =	sld [smem:$0x3FFB];
	_ =	sdelay $0x3  }
0x98: {  	_ =	strace s18  }
0x99: {  	s4 =	sld [smem:$0x3FFC];
	_ =	sdelay $0x3  }
0x9a: {  	_ =	strace s4  }
0x9b: {  	s4 =	sld [smem:$0x3FFD];
	_ =	sdelay $0x3  }
0x9c: {  	_ =	strace s4  }
0x9d: {  	_ =	strace $0x8FFFFFFF  }
0x9e: {  	s19 =	sld [smem:$0x3FDB];
	_ =	sdelay $0x1  }
0x9f: {  	s20 =	simm.s32 $_scs_section_size  }
0xa0: {  	s6 =	simm.s32 $_size__tile_overlayer_lowered;
	s7 =	simm.s32 $_tile_overlayer_lowered  }
0xa1: {  	s23 =	simm.s32 $0x1BFF;
	s22 =	sshll.u32 s7, $0x1;
	s4 =	sadd.s32 s20, s19  }
0xa2: {  	s8 =	simm.s32 $0x0;
	s21 =	sshll.u32 s6, $0x1;
	s6 =	sadd.s32 s22, s4  }
0xa3: {  	[timem:s8], [sflag:s23] =	dma.local [hbm:s6], s21  }
0xa4: {  	_ =	swait.ge [sflag:s23], s21  }
0xa5: {  	s5 =	ssub.s32 $0x0, s21;
	[sflag:s23] =	ssyncset.done $0x0  }
0xa6: {  	[sflag:s23] =	ssyncadd.s32 s5;
	_ =	sdelay $0x1  }
0xa7: {  	s24 =	simm.s32 $0x1B8B  }
0xa8: {  	_ =	swait.ge [sflag:s24], $0x1  }
0xa9: {  	[sflag:s24] =	ssyncset.done $0x0  }
0xaa: {  	s25 =	simm.s32 $0x1B8E;
	[sflag:s24] =	ssyncadd.s32 $0xFFFFFFFF  }
0xab: {  	s26 =	simm.s32 $execute0_lowered;
	[smem:$0x3FD2] =	sst s25  }
0xac: {  	s5 =	sshll.u32 s26, $0x1;
	_ =	strace $0x80000046;
	[dreg:$0x1] =	wrdreg $0xFFFFFFFF  }
0xad: {  	s28 =	simm.s32 $_size_execute0_lowered;
	s4 =	sadd.s32 s4, s5;
	[dreg:$0x0] =	wrdreg $0x0  }
0xae: {  	s5 =	sshll.u32 s28, $0x1;
	[dreg:$0x2] =	wrdreg s4  }
0xaf: {  	[dreg:$0x3] =	wrdreg s5  }
0xb0: {  	[dreg:$0x4] =	wrdreg $0xC0  }
0xb1: {  	_ =	task [dreg:s8], $0x5FFFF  }
0xb2: {  	[dreg:$0x1] =	wrdreg $0xFFFFFFFF  }
0xb3: {  	[dreg:$0x0] =	wrdreg $0x60  }
0xb4: {  	[dreg:$0x2] =	wrdreg s16  }
0xb5: {  	[dreg:$0x3] =	wrdreg s17  }
0xb6: {  	[dreg:$0x4] =	wrdreg $0x9  }
0xb7: {  	_ =	task.clear_ibuf [dreg:s8], $0x5FFFF;
	_ =	strace $0x90000046  }
0xb8: {  	s29 =	simm.s32 $0x9;
	_ =	strace $0x80000048  }
0xb9: {  	_ =	swait.ge [sflag:s29], $0x1  }
0xba: {  	[sflag:s29] =	ssyncadd.s32 $0xFFFFFFFF  }
0xbb: {  	_ =	strace $0x90000048  }
0xbc: {  	_ =	sfence  }
0xbd: {  	s30 =	sld [smem:$0x0];
	_ =	sdelay $0x2  }
0xbe: {  	s31 =	sshll.u32 s1, $0xD;
	s1 =	sshrl.u32 s1, $0x2  }
0xbf: {  	s3 =	sand.u32 $0x4000, s31;
	s1 =	sadd.s32 s1, s30  }
0xc0: {  	s0 =	sor.u32 s3, s0;
	s1 =	sshll.u32 s1, $0x11  }
0xc1: {  	s0 =	sor.u32 s1, s0  }
0xc2: {  	s0 =	sadd.s32 $0x8F2B, s0  }
0xc3: {  	[sflag:s0] =	ssyncadd.remote.s32 $0x1  }
0xc4: {  	_ =	sfence.sel $0xFFFF  }
0xc5: {  	[dreg:$0x0] =	wrdreg $0xFFFFFFFF;
	(pc) =	sbr.abs _section_cstart, $3  }
0xc6: {  	[dreg:$0x1] =	wrdreg $0xFFFFFFFF  }
0xc7: {  	_ =	task.clear_ibuf [dreg:s8], $0x2FFFF;
	_ =	strace $0x9FFFFFFF  }
0xc8: {  	(tm) =	ssettm $0x7FFFFFFF  }
0xc9: {  	_ =	shalt  }
tec
execute0_lowered:
.L_overlay_start_1:
0x0: {  	(tag) =	ssettag $0x1  }
0x1: {  	s2 =	rddreg [dreg:$0x0]  }
0x2: {  	s0 =	srdreg.scid;
	s3 =	rddreg [dreg:$0x1]  }
0x3: {  	s1 =	stileid.u32;
	s4 =	simm.s32 $0x0;
	s19 =	simm.s32 $0x80  }
0x4: {  	s20 =	simm.s32 $0x400;
	s29 =	simm.s32 $0x1;
	s30 =	simm.s32 $0x8000  }
0x5: {  	s21 =	simm.s32 $0x2;
	s22 =	simm.s32 $0xC000;
	s7 =	simm.s32 $0xE000  }
0x6: {  	s11 =	simm.s32 $0xF000;
	s12 =	simm.s32 $0x0;
	s0 =	sand.u32 $0x1, s0  }
0x7: {  	s1 =	sshll.u32 s1, $0x8;
	[smem:$0x7FF] =	sst s4;
	s5 =	sshll.u32 s0, $0x7  }
0x8: {  	s8 =	sadd.s32 $0x10, s2;
	s9 =	sadd.s32 $0x20, s2;
	s5 =	sor.u32 s5, s1  }
0x9: {  	s10 =	sadd.s32 $0x30, s2;
	s14 =	sadd.s32 $0x10, s3;
	s6 =	sshll.u32 s5, $0x9  }
0xa: {  	v0 =	vlaneseq.u32;
	s15 =	sadd.s32 $0x20, s3;
	s0 =	ssub.s32 $0x2, s0;
	s25 =	sadd.s32 s2, s6  }
0xb: {  	v0 =	vmul.u32 $0x4, v0;
	_ =	strace $0x80000047;
	s26 =	sadd.s32 s6, s8;
	[dreg:$0x3] =	wrdreg s25  }
0xc: {  	s24 =	sshrl.u32 s0, $0x1;
	s28 =	sadd.s32 s6, s9;
	[dreg:$0x4] =	wrdreg s26  }
0xd: {  	v4 =	vimm.f32 $0.0e+00;
	v1 =	vor.u32 $0x1, v0;
	s0 =	ssub.s32 s0, s24;
	s31 =	sadd.s32 s6, s10;
	[dreg:$0x5] =	wrdreg s28  }
0xe: {  	s16 =	sadd.s32 $0x30, s3;
	v2 =	vor.u32 $0x2, v0;
	v3 =	vor.u32 $0x3, v0;
	v5 =	vor.u32 $0x40, v0;
	s0 =	smax.u32 s0, $0x1;
	[dreg:$0x6] =	wrdreg s31  }
0xf: {  	v6 =	vor.u32 $0x41, v0;
	v7 =	vor.u32 $0x42, v0;
	v8 =	vor.u32 $0x43, v0;
	s17 =	sor.u32 $0x8, s5;
	s24 =	simm.s32 $0x4000;
	[dreg:$0x7] =	wrdreg s0  }
.LBB2_1:
0x10: {  	[dreg:$0x8] =	wrdreg s12  }
0x11: {  	s0 =	rddreg [dreg:$0x3]  }
0x12: {  	[tilespmem:s4], [sflag:$0x1] =	stream.strided.gather [hbm4b:s0+s19], $0x1000, s20, s19, $0x38;
	[tilespmem:$0x10000] =	vst v63  }
0x13: {  	s23 =	rddreg [dreg:$0x4];
	s1 =	simm.s32 $0x1000  }
0x14: {  	[tilespmem:s1], [sflag:$0x1] =	stream.strided.gather [hbm4b:s23+s19], $0x1000, s20, s19, $0x38;
	[tilespmem:$0x10000] =	vst v63  }
0x15: {  	s25 =	rddreg [dreg:$0x5];
	s26 =	simm.s32 $0x2000  }
0x16: {  	[tilespmem:s26], [sflag:$0x1] =	stream.strided.gather [hbm4b:s25+s19], $0x1000, s20, s19, $0x38;
	[tilespmem:$0x10000] =	vst v63  }
0x17: {  	s28 =	rddreg [dreg:$0x6];
	s31 =	simm.s32 $0x3000;
	s12 =	simm.s32 $0x0  }
0x18: {  	[tilespmem:s31], [sflag:$0x1] =	stream.strided.gather [hbm4b:s28+s19], $0x1000, s20, s19, $0x38;
	[tilespmem:$0x10000] =	vst v63  }
.LBB2_2:
0x19: {  	s0 =	sshll.u32 s12, $0xC  }
0x1a: {  	s0 =	sadd.s32 s6, s0  }
0x1b: {  	s13 =	sor.u32 $0x40, s0  }
0x1c: {  	s18 =	sor.u32 $0x50, s0;
	s1 =	sadd.s32 s2, s13  }
0x1d: {  	[tilespmem:s24], [sflag:$0x2] =	stream.strided.gather [hbm4b:s1+s19], $0x1000, s20, s19, $0x38;
	[tilespmem:$0x10000] =	vst v63  }
0x1e: {  	s23 =	simm.s32 $0x5000;
	s25 =	sor.u32 $0x60, s0;
	s26 =	sadd.s32 s2, s18  }
0x1f: {  	[tilespmem:s23], [sflag:$0x2] =	stream.strided.gather [hbm4b:s26+s19], $0x1000, s20, s19, $0x38;
	[tilespmem:$0x10000] =	vst v63  }
0x20: {  	s23 =	sadd.s32 s2, s25;
	s26 =	simm.s32 $0x6000  }
0x21: {  	[tilespmem:s26], [sflag:$0x2] =	stream.strided.gather [hbm4b:s23+s19], $0x1000, s20, s19, $0x38;
	[tilespmem:$0x10000] =	vst v63  }
0x22: {  	s26 =	sor.u32 $0x70, s0  }
0x23: {  	s23 =	simm.s32 $0x7000;
	s0 =	sadd.s32 s2, s26  }
0x24: {  	[tilespmem:s23], [sflag:$0x2] =	stream.strided.gather [hbm4b:s0+s19], $0x1000, s20, s19, $0x38;
	[tilespmem:$0x10000] =	vst v63  }
0x25: {  	_ =	swait.ge [sflag:s29], $0x1000  }
0x26: {  	[sflag:s29] =	ssyncset.done $0x0  }
0x27: {  	[sflag:s29] =	ssyncadd.s32 $0xFFFFF000  }
0x28: {  	_ =	swait.ge [sflag:s29], $0x1000  }
0x29: {  	[sflag:s29] =	ssyncset.done $0x0  }
0x2a: {  	[sflag:s29] =	ssyncadd.s32 $0xFFFFF000  }
0x2b: {  	_ =	swait.ge [sflag:s29], $0x1000  }
0x2c: {  	[sflag:s29] =	ssyncset.done $0x0  }
0x2d: {  	[sflag:s29] =	ssyncadd.s32 $0xFFFFF000  }
0x2e: {  	_ =	swait.ge [sflag:s29], $0x1000  }
0x2f: {  	p0 =	seq.s32 s12, $0x0;
	[sflag:s29] =	ssyncset.done $0x0  }
0x30: {  	s0 =	simm.s32 @!p0 $0x3;
	[sflag:s29] =	ssyncadd.s32 $0xFFFFF000  }
0x31: {  	_ =	swait.ge @!p0 [sflag:s0], $0x1000  }
0x32: {  	[sflag:s0] =	ssyncset.done @!p0 $0x0  }
0x33: {  	[sflag:s0] =	ssyncadd.s32 @!p0 $0xFFFFF000  }
0x34: {  	_ =	swait.ge @!p0 [sflag:s0], $0x1000  }
0x35: {  	[sflag:s0] =	ssyncset.done @!p0 $0x0  }
0x36: {  	[sflag:s0] =	ssyncadd.s32 @!p0 $0xFFFFF000  }
0x37: {  	_ =	swait.ge @!p0 [sflag:s0], $0x1000  }
0x38: {  	[sflag:s0] =	ssyncset.done @!p0 $0x0  }
0x39: {  	[sflag:s0] =	ssyncadd.s32 @!p0 $0xFFFFF000  }
0x3a: {  	s28 =	sshll.u32 s12, $0x3;
	_ =	swait.ge @!p0 [sflag:s0], $0x1000  }
0x3b: {  	s31 =	sor.u32 s5, s28;
	[sflag:s0] =	ssyncset.done @!p0 $0x0  }
0x3c: {  	s1 =	simm.s32 $0x3C0;
	[sflag:s0] =	ssyncadd.s32 @!p0 $0xFFFFF000;
	s0 =	simm.s32 $0xFFFFFFF0  }
.LBB2_3:
0x3d: {  	s23 =	sadd.s32 $0xFFFFFC40, s1  }
0x3e: {  	v9 =	vor.u32 s23, v0  }
0x3f: {  	v10 =	vor.u32 s23, v1  }
0x40: {  	v11 =	vor.u32 s23, v2  }
0x41: {  	v12 =	vor.u32 s23, v3;
	_ =	sdelay $0x1  }
0x42: {  	v13 =	vld.idx.msk [tilespmem:v9+s4+$0x0], $0xffff  }
0x43: {  	v14 =	vld.idx.msk [tilespmem:v10+s4+$0x0], $0xffff  }
0x44: {  	v15 =	vld.idx.msk [tilespmem:v11+s4+$0x0], $0xffff  }
0x45: {  	v16 =	vld.idx.msk [tilespmem:v12+s4+$0x0], $0xffff;
	_ =	sdelay $0x3  }
0x46: {  	v17 =	vmul.f32 v13, v13;
	v18 =	vmul.f32 v14, v14  }
0x47: {  	v19 =	vmul.f32 v15, v15;
	v20 =	vmul.f32 v16, v16  }
0x48: {  	vm0 =	vge.f32 v17, v18  }
0x49: {  	vm15 =	vge.f32 v17, v19;
	vm1 =	vge.f32 v18, v19;
	vm2 =	vge.f32 v18, v20  }
0x4a: {  	vm4 =	vge.f32 v17, v20;
	v21 =	vsel vm0, $0x3F800000, v4;
	v62 =	vsel vm15, $0x3F800000, v4  }
0x4b: {  	v22 =	vsel vm1, $0x3F800000, v4;
	v23 =	vsel vm2, $0x3F800000, v4;
	v63 =	vadd.f32 v62, v21  }
0x4c: {  	v25 =	vsel vm4, $0x3F800000, v4;
	v24 =	vadd.f32 v23, v22  }
0x4d: {  	vm5 =	vge.f32 v19, v20;
	v17 =	vadd.f32 v25, v63  }
0x4e: {  	v20 =	vsel vm5, $0x3F800000, v4;
	v26 =	vadd.f32 v23, v25;
	v24 =	vsub.f32 v24, v21  }
0x4f: {  	v29 =	vor.u32 s23, v5;
	v27 =	vsub.f32 v20, v62;
	vm6 =	vge.f32 v17, $2.000000000e+00  }
0x50: {  	v28 =	vadd.f32 v26, v20;
	vm7 =	vge.f32 v24, $1.000000000e+00;
	v13 =	vnsel vm6, $0x0, v13  }
0x51: {  	v30 =	vor.u32 s23, v6;
	vm8 =	vge.f32 v27, v22;
	[tilespmem:v9+s30+$0x0] =	vst.idx.msk $0xffff, v13;
	v9 =	vnsel vm7, $0x0, v14  }
0x52: {  	vm9 =	vle.f32 v28, $1.000000000e+00;
	[tilespmem:v10+s30+$0x0] =	vst.idx.msk $0xffff, v9;
	v9 =	vnsel vm8, $0x0, v15;
	v10 =	vor.u32 s23, v7  }
0x53: {  	[tilespmem:v11+s30+$0x0] =	vst.idx.msk $0xffff, v9;
	v9 =	vnsel vm9, $0x0, v16;
	v11 =	vor.u32 s23, v8  }
0x54: {  	[tilespmem:v12+s30+$0x0] =	vst.idx.msk $0xffff, v9  }
0x55: {  	v9 =	vld.idx.msk [tilespmem:v29+s4+$0x0], $0xffff  }
0x56: {  	v12 =	vld.idx.msk [tilespmem:v30+s4+$0x0], $0xffff  }
0x57: {  	v31 =	vld.idx.msk [tilespmem:v10+s4+$0x0], $0xffff  }
0x58: {  	v32 =	vld.idx.msk [tilespmem:v11+s4+$0x0], $0xffff;
	_ =	sdelay $0x2  }
0x59: {  	v33 =	vmul.f32 v9, v9;
	v34 =	vmul.f32 v12, v12  }
0x5a: {  	v35 =	vmul.f32 v31, v31  }
0x5b: {  	vm10 =	vge.f32 v33, v34;
	v36 =	vmul.f32 v32, v32  }
0x5c: {  	v37 =	vsel vm10, $0x3F800000, v4;
	vm11 =	vge.f32 v33, v35;
	vm12 =	vge.f32 v34, v35  }
0x5d: {  	vm13 =	vge.f32 v34, v36;
	v38 =	vsel vm11, $0x3F800000, v4;
	v39 =	vsel vm12, $0x3F800000, v4  }
0x5e: {  	vm14 =	vge.f32 v33, v36;
	v40 =	vsel vm13, $0x3F800000, v4;
	v41 =	vadd.f32 v38, v37  }
0x5f: {  	v43 =	vsel vm14, $0x3F800000, v4;
	v42 =	vadd.f32 v40, v39  }
0x60: {  	vm15 =	vge.f32 v35, v36;
	v16 =	vadd.f32 v43, v41  }
0x61: {  	s23 =	sadd.s32 $0xFFFFFCC0, s1;
	v20 =	vsel vm15, $0x3F800000, v4;
	v45 =	vadd.f32 v40, v43;
	v44 =	vsub.f32 v42, v37  }
0x62: {  	v48 =	vor.u32 s23, v0;
	v46 =	vsub.f32 v20, v38;
	vm4 =	vge.f32 v16, $2.000000000e+00  }
0x63: {  	v47 =	vadd.f32 v45, v20;
	vm5 =	vge.f32 v44, $1.000000000e+00;
	v9 =	vnsel vm4, $0x0, v9  }
0x64: {  	v49 =	vor.u32 s23, v1;
	vm6 =	vge.f32 v46, v39;
	[tilespmem:v29+s30+$0x0] =	vst.idx.msk $0xffff, v9;
	v9 =	vnsel vm5, $0x0, v12  }
0x65: {  	v50 =	vor.u32 s23, v2;
	vm7 =	vle.f32 v47, $1.000000000e+00;
	[tilespmem:v30+s30+$0x0] =	vst.idx.msk $0xffff, v9;
	v9 =	vnsel vm6, $0x0, v31  }
0x66: {  	[tilespmem:v10+s30+$0x0] =	vst.idx.msk $0xffff, v9;
	v9 =	vnsel vm7, $0x0, v32;
	v10 =	vor.u32 s23, v3  }
0x67: {  	[tilespmem:v11+s30+$0x0] =	vst.idx.msk $0xffff, v9  }
0x68: {  	v9 =	vld.idx.msk [tilespmem:v48+s4+$0x0], $0xffff  }
0x69: {  	v11 =	vld.idx.msk [tilespmem:v49+s4+$0x0], $0xffff  }
0x6a: {  	v51 =	vld.idx.msk [tilespmem:v50+s4+$0x0], $0xffff  }
0x6b: {  	v52 =	vld.idx.msk [tilespmem:v10+s4+$0x0], $0xffff;
	_ =	sdelay $0x2  }
0x6c: {  	v53 =	vmul.f32 v9, v9;
	v54 =	vmul.f32 v11, v11  }
0x6d: {  	v55 =	vmul.f32 v51, v51  }
0x6e: {  	vm8 =	vge.f32 v53, v54;
	v56 =	vmul.f32 v52, v52  }
0x6f: {  	vm9 =	vge.f32 v53, v55;
	vm10 =	vge.f32 v54, v55;
	v57 =	vsel vm8, $0x3F800000, v4  }
0x70: {  	v58 =	vsel vm9, $0x3F800000, v4;
	v59 =	vsel vm10, $0x3F800000, v4;
	vm11 =	vge.f32 v54, v56  }
0x71: {  	v61 =	vadd.f32 v58, v57;
	vm12 =	vge.f32 v53, v56;
	v60 =	vsel vm11, $0x3F800000, v4  }
0x72: {  	v63 =	vsel vm12, $0x3F800000, v4;
	v62 =	vadd.f32 v60, v59  }
0x73: {  	vm13 =	vge.f32 v55, v56;
	v16 =	vadd.f32 v63, v61  }
0x74: {  	s23 =	sadd.s32 $0xFFFFFD00, s1;
	v20 =	vsel vm13, $0x3F800000, v4;
	v26 =	vadd.f32 v60, v63;
	v24 =	vsub.f32 v62, v57  }
0x75: {  	v29 =	vor.u32 s23, v5;
	v27 =	vsub.f32 v20, v58;
	vm14 =	vge.f32 v16, $2.000000000e+00  }
0x76: {  	v28 =	vadd.f32 v26, v20;
	v9 =	vnsel vm14, $0x0, v9;
	vm15 =	vge.f32 v24, $1.000000000e+00  }
0x77: {  	v30 =	vor.u32 s23, v7;
	vm4 =	vge.f32 v27, v59;
	[tilespmem:v48+s30+$0x0] =	vst.idx.msk $0xffff, v9;
	v9 =	vnsel vm15, $0x0, v11  }
0x78: {  	v31 =	vor.u32 s23, v8;
	vm5 =	vle.f32 v28, $1.000000000e+00;
	[tilespmem:v49+s30+$0x0] =	vst.idx.msk $0xffff, v9;
	v9 =	vnsel vm4, $0x0, v51  }
0x79: {  	v11 =	vor.u32 s23, v6;
	[tilespmem:v50+s30+$0x0] =	vst.idx.msk $0xffff, v9;
	v9 =	vnsel vm5, $0x0, v52  }
0x7a: {  	[tilespmem:v10+s30+$0x0] =	vst.idx.msk $0xffff, v9  }
0x7b: {  	v9 =	vld.idx.msk [tilespmem:v29+s4+$0x0], $0xffff  }
0x7c: {  	v32 =	vld.idx.msk [tilespmem:v30+s4+$0x0], $0xffff  }
0x7d: {  	v33 =	vld.idx.msk [tilespmem:v31+s4+$0x0], $0xffff  }
0x7e: {  	v10 =	vld.idx.msk [tilespmem:v11+s4+$0x0], $0xffff;
	_ =	sdelay $0x3  }
0x7f: {  	v34 =	vmul.f32 v9, v9;
	v36 =	vmul.f32 v32, v32  }
0x80: {  	v37 =	vmul.f32 v33, v33;
	v35 =	vmul.f32 v10, v10  }
0x81: {  	vm7 =	vge.f32 v34, v36  }
0x82: {  	vm10 =	vge.f32 v34, v37;
	vm6 =	vge.f32 v34, v35;
	vm8 =	vge.f32 v35, v36  }
0x83: {  	vm9 =	vge.f32 v35, v37;
	v39 =	vsel vm7, $0x3F800000, v4;
	v38 =	vsel vm6, $0x3F800000, v4  }
0x84: {  	v40 =	vsel vm8, $0x3F800000, v4;
	v41 =	vsel vm9, $0x3F800000, v4;
	v42 =	vadd.f32 v39, v38  }
0x85: {  	v44 =	vsel vm10, $0x3F800000, v4;
	v43 =	vadd.f32 v41, v40  }
0x86: {  	vm11 =	vge.f32 v36, v37;
	v16 =	vadd.f32 v44, v42  }
0x87: {  	s23 =	sadd.s32 $0xFFFFFD40, s1;
	v20 =	vsel vm11, $0x3F800000, v4;
	v46 =	vadd.f32 v41, v44;
	v45 =	vsub.f32 v43, v38  }
0x88: {  	v49 =	vor.u32 s23, v0;
	v47 =	vsub.f32 v20, v39;
	vm12 =	vge.f32 v16, $2.000000000e+00  }
0x89: {  	v48 =	vadd.f32 v46, v20;
	vm13 =	vge.f32 v45, $1.000000000e+00;
	v9 =	vnsel vm12, $0x0, v9  }
0x8a: {  	v50 =	vor.u32 s23, v3;
	vm14 =	vge.f32 v47, v40;
	[tilespmem:v29+s30+$0x0] =	vst.idx.msk $0xffff, v9;
	v9 =	vnsel vm13, $0x0, v10  }
0x8b: {  	vm15 =	vle.f32 v48, $1.000000000e+00;
	v10 =	vor.u32 s23, v1;
	[tilespmem:v11+s30+$0x0] =	vst.idx.msk $0xffff, v9;
	v9 =	vnsel vm14, $0x0, v32  }
0x8c: {  	v11 =	vor.u32 s23, v2;
	[tilespmem:v30+s30+$0x0] =	vst.idx.msk $0xffff, v9;
	v9 =	vnsel vm15, $0x0, v33  }
0x8d: {  	[tilespmem:v31+s30+$0x0] =	vst.idx.msk $0xffff, v9  }
0x8e: {  	v9 =	vld.idx.msk [tilespmem:v49+s4+$0x0], $0xffff  }
0x8f: {  	v52 =	vld.idx.msk [tilespmem:v50+s4+$0x0], $0xffff  }
0x90: {  	v13 =	vld.idx.msk [tilespmem:v10+s4+$0x0], $0xffff  }
0x91: {  	v51 =	vld.idx.msk [tilespmem:v11+s4+$0x0], $0xffff;
	_ =	sdelay $0x3  }
0x92: {  	v53 =	vmul.f32 v9, v9;
	v56 =	vmul.f32 v52, v52  }
0x93: {  	v54 =	vmul.f32 v13, v13;
	v55 =	vmul.f32 v51, v51  }
0x94: {  	vm8 =	vge.f32 v53, v56  }
0x95: {  	vm4 =	vge.f32 v53, v54;
	vm7 =	vge.f32 v54, v56;
	vm5 =	vge.f32 v53, v55  }
0x96: {  	v57 =	vsel vm4, $0x3F800000, v4;
	vm6 =	vge.f32 v54, v55;
	v58 =	vsel vm5, $0x3F800000, v4  }
0x97: {  	v60 =	vsel vm7, $0x3F800000, v4;
	v59 =	vsel vm6, $0x3F800000, v4;
	v61 =	vadd.f32 v58, v57  }
0x98: {  	v63 =	vsel vm8, $0x3F800000, v4;
	v62 =	vadd.f32 v60, v59  }
0x99: {  	vm9 =	vge.f32 v55, v56;
	v16 =	vadd.f32 v63, v61  }
0x9a: {  	s23 =	sadd.s32 $0xFFFFFD80, s1;
	v20 =	vsel vm9, $0x3F800000, v4;
	v28 =	vadd.f32 v60, v63;
	v27 =	vsub.f32 v62, v57  }
0x9b: {  	v31 =	vor.u32 s23, v5;
	v29 =	vsub.f32 v20, v58;
	vm10 =	vge.f32 v16, $2.000000000e+00  }
0x9c: {  	v30 =	vadd.f32 v28, v20;
	vm11 =	vge.f32 v27, $1.000000000e+00;
	v9 =	vnsel vm10, $0x0, v9  }
0x9d: {  	v32 =	vor.u32 s23, v6;
	vm12 =	vge.f32 v29, v59;
	[tilespmem:v49+s30+$0x0] =	vst.idx.msk $0xffff, v9;
	v9 =	vnsel vm11, $0x0, v13  }
0x9e: {  	vm13 =	vle.f32 v30, $1.000000000e+00;
	[tilespmem:v10+s30+$0x0] =	vst.idx.msk $0xffff, v9;
	v9 =	vnsel vm12, $0x0, v51;
	v10 =	vor.u32 s23, v7  }
0x9f: {  	[tilespmem:v11+s30+$0x0] =	vst.idx.msk $0xffff, v9;
	v9 =	vnsel vm13, $0x0, v52;
	v11 =	vor.u32 s23, v8  }
0xa0: {  	[tilespmem:v50+s30+$0x0] =	vst.idx.msk $0xffff, v9  }
0xa1: {  	v9 =	vld.idx.msk [tilespmem:v31+s4+$0x0], $0xffff  }
0xa2: {  	v12 =	vld.idx.msk [tilespmem:v32+s4+$0x0], $0xffff  }
0xa3: {  	v33 =	vld.idx.msk [tilespmem:v10+s4+$0x0], $0xffff  }
0xa4: {  	v34 =	vld.idx.msk [tilespmem:v11+s4+$0x0], $0xffff;
	_ =	sdelay $0x2  }
0xa5: {  	v35 =	vmul.f32 v9, v9;
	v36 =	vmul.f32 v12, v12  }
0xa6: {  	v37 =	vmul.f32 v33, v33  }
0xa7: {  	vm14 =	vge.f32 v35, v36;
	v38 =	vmul.f32 v34, v34  }
0xa8: {  	v39 =	vsel vm14, $0x3F800000, v4;
	vm15 =	vge.f32 v35, v37;
	vm4 =	vge.f32 v36, v37  }
0xa9: {  	vm5 =	vge.f32 v36, v38;
	v40 =	vsel vm15, $0x3F800000, v4;
	v41 =	vsel vm4, $0x3F800000, v4  }
0xaa: {  	vm6 =	vge.f32 v35, v38;
	v42 =	vsel vm5, $0x3F800000, v4;
	v43 =	vadd.f32 v40, v39  }
0xab: {  	v45 =	vsel vm6, $0x3F800000, v4;
	v44 =	vadd.f32 v42, v41  }
0xac: {  	vm7 =	vge.f32 v37, v38;
	v16 =	vadd.f32 v45, v43  }
0xad: {  	s23 =	sadd.s32 $0xFFFFFDC0, s1;
	v20 =	vsel vm7, $0x3F800000, v4;
	v47 =	vadd.f32 v42, v45;
	v46 =	vsub.f32 v44, v39  }
0xae: {  	v50 =	vor.u32 s23, v0;
	v48 =	vsub.f32 v20, v40;
	vm8 =	vge.f32 v16, $2.000000000e+00  }
0xaf: {  	v49 =	vadd.f32 v47, v20;
	vm9 =	vge.f32 v46, $1.000000000e+00;
	v9 =	vnsel vm8, $0x0, v9  }
0xb0: {  	v51 =	vor.u32 s23, v1;
	vm10 =	vge.f32 v48, v41;
	[tilespmem:v31+s30+$0x0] =	vst.idx.msk $0xffff, v9;
	v9 =	vnsel vm9, $0x0, v12  }
0xb1: {  	v52 =	vor.u32 s23, v2;
	vm11 =	vle.f32 v49, $1.000000000e+00;
	[tilespmem:v32+s30+$0x0] =	vst.idx.msk $0xffff, v9;
	v9 =	vnsel vm10, $0x0, v33  }
0xb2: {  	[tilespmem:v10+s30+$0x0] =	vst.idx.msk $0xffff, v9;
	v9 =	vnsel vm11, $0x0, v34;
	v10 =	vor.u32 s23, v3  }
0xb3: {  	[tilespmem:v11+s30+$0x0] =	vst.idx.msk $0xffff, v9  }
0xb4: {  	v9 =	vld.idx.msk [tilespmem:v50+s4+$0x0], $0xffff  }
0xb5: {  	v11 =	vld.idx.msk [tilespmem:v51+s4+$0x0], $0xffff  }
0xb6: {  	v53 =	vld.idx.msk [tilespmem:v52+s4+$0x0], $0xffff  }
0xb7: {  	v54 =	vld.idx.msk [tilespmem:v10+s4+$0x0], $0xffff;
	_ =	sdelay $0x2  }
0xb8: {  	v55 =	vmul.f32 v9, v9;
	v56 =	vmul.f32 v11, v11  }
0xb9: {  	v57 =	vmul.f32 v53, v53  }
0xba: {  	vm12 =	vge.f32 v55, v56;
	v58 =	vmul.f32 v54, v54  }
0xbb: {  	vm13 =	vge.f32 v55, v57;
	vm14 =	vge.f32 v56, v57;
	v59 =	vsel vm12, $0x3F800000, v4  }
0xbc: {  	v60 =	vsel vm13, $0x3F800000, v4;
	v61 =	vsel vm14, $0x3F800000, v4;
	vm15 =	vge.f32 v56, v58  }
0xbd: {  	v63 =	vadd.f32 v60, v59;
	vm4 =	vge.f32 v55, v58;
	v62 =	vsel vm15, $0x3F800000, v4  }
0xbe: {  	v29 =	vsel vm4, $0x3F800000, v4;
	v28 =	vadd.f32 v62, v61  }
0xbf: {  	vm5 =	vge.f32 v57, v58;
	v16 =	vadd.f32 v29, v63  }
0xc0: {  	s23 =	sadd.s32 $0xFFFFFE00, s1;
	v20 =	vsel vm5, $0x3F800000, v4;
	v31 =	vadd.f32 v62, v29;
	v30 =	vsub.f32 v28, v59  }
0xc1: {  	v34 =	vor.u32 s23, v5;
	v32 =	vsub.f32 v20, v60;
	vm6 =	vge.f32 v16, $2.000000000e+00  }
0xc2: {  	v33 =	vadd.f32 v31, v20;
	v9 =	vnsel vm6, $0x0, v9;
	vm7 =	vge.f32 v30, $1.000000000e+00  }
0xc3: {  	v35 =	vor.u32 s23, v7;
	vm8 =	vge.f32 v32, v61;
	[tilespmem:v50+s30+$0x0] =	vst.idx.msk $0xffff, v9;
	v9 =	vnsel vm7, $0x0, v11  }
0xc4: {  	v36 =	vor.u32 s23, v8;
	vm9 =	vle.f32 v33, $1.000000000e+00;
	[tilespmem:v51+s30+$0x0] =	vst.idx.msk $0xffff, v9;
	v9 =	vnsel vm8, $0x0, v53  }
0xc5: {  	v11 =	vor.u32 s23, v6;
	[tilespmem:v52+s30+$0x0] =	vst.idx.msk $0xffff, v9;
	v9 =	vnsel vm9, $0x0, v54  }
0xc6: {  	[tilespmem:v10+s30+$0x0] =	vst.idx.msk $0xffff, v9  }
0xc7: {  	v9 =	vld.idx.msk [tilespmem:v34+s4+$0x0], $0xffff  }
0xc8: {  	v37 =	vld.idx.msk [tilespmem:v35+s4+$0x0], $0xffff  }
0xc9: {  	v38 =	vld.idx.msk [tilespmem:v36+s4+$0x0], $0xffff  }
0xca: {  	v10 =	vld.idx.msk [tilespmem:v11+s4+$0x0], $0xffff;
	_ =	sdelay $0x3  }
0xcb: {  	v39 =	vmul.f32 v9, v9;
	v41 =	vmul.f32 v37, v37  }
0xcc: {  	v42 =	vmul.f32 v38, v38;
	v40 =	vmul.f32 v10, v10  }
0xcd: {  	vm11 =	vge.f32 v39, v41  }
0xce: {  	vm14 =	vge.f32 v39, v42;
	vm10 =	vge.f32 v39, v40;
	vm12 =	vge.f32 v40, v41  }
0xcf: {  	vm13 =	vge.f32 v40, v42;
	v44 =	vsel vm11, $0x3F800000, v4;
	v43 =	vsel vm10, $0x3F800000, v4  }
0xd0: {  	v45 =	vsel vm12, $0x3F800000, v4;
	v46 =	vsel vm13, $0x3F800000, v4;
	v47 =	vadd.f32 v44, v43  }
0xd1: {  	v49 =	vsel vm14, $0x3F800000, v4;
	v48 =	vadd.f32 v46, v45  }
0xd2: {  	vm15 =	vge.f32 v41, v42;
	v16 =	vadd.f32 v49, v47  }
0xd3: {  	s23 =	sadd.s32 $0xFFFFFE40, s1;
	v20 =	vsel vm15, $0x3F800000, v4;
	v51 =	vadd.f32 v46, v49;
	v50 =	vsub.f32 v48, v43  }
0xd4: {  	v54 =	vor.u32 s23, v0;
	v52 =	vsub.f32 v20, v44;
	vm4 =	vge.f32 v16, $2.000000000e+00  }
0xd5: {  	v53 =	vadd.f32 v51, v20;
	vm5 =	vge.f32 v50, $1.000000000e+00;
	v9 =	vnsel vm4, $0x0, v9  }
0xd6: {  	v55 =	vor.u32 s23, v3;
	vm6 =	vge.f32 v52, v45;
	[tilespmem:v34+s30+$0x0] =	vst.idx.msk $0xffff, v9;
	v9 =	vnsel vm5, $0x0, v10  }
0xd7: {  	vm7 =	vle.f32 v53, $1.000000000e+00;
	v10 =	vor.u32 s23, v1;
	[tilespmem:v11+s30+$0x0] =	vst.idx.msk $0xffff, v9;
	v9 =	vnsel vm6, $0x0, v37  }
0xd8: {  	v11 =	vor.u32 s23, v2;
	[tilespmem:v35+s30+$0x0] =	vst.idx.msk $0xffff, v9;
	v9 =	vnsel vm7, $0x0, v38  }
0xd9: {  	[tilespmem:v36+s30+$0x0] =	vst.idx.msk $0xffff, v9  }
0xda: {  	v9 =	vld.idx.msk [tilespmem:v54+s4+$0x0], $0xffff  }
0xdb: {  	v57 =	vld.idx.msk [tilespmem:v55+s4+$0x0], $0xffff  }
0xdc: {  	v13 =	vld.idx.msk [tilespmem:v10+s4+$0x0], $0xffff  }
0xdd: {  	v56 =	vld.idx.msk [tilespmem:v11+s4+$0x0], $0xffff;
	_ =	sdelay $0x3  }
0xde: {  	v58 =	vmul.f32 v9, v9;
	v61 =	vmul.f32 v57, v57  }
0xdf: {  	v59 =	vmul.f32 v13, v13;
	v60 =	vmul.f32 v56, v56  }
0xe0: {  	vm12 =	vge.f32 v58, v61  }
0xe1: {  	vm8 =	vge.f32 v58, v59;
	vm11 =	vge.f32 v59, v61;
	vm9 =	vge.f32 v58, v60  }
0xe2: {  	v62 =	vsel vm8, $0x3F800000, v4;
	vm10 =	vge.f32 v59, v60;
	v63 =	vsel vm9, $0x3F800000, v4  }
0xe3: {  	v29 =	vsel vm11, $0x3F800000, v4;
	v28 =	vsel vm10, $0x3F800000, v4;
	v30 =	vadd.f32 v63, v62  }
0xe4: {  	v32 =	vsel vm12, $0x3F800000, v4;
	v31 =	vadd.f32 v29, v28  }
0xe5: {  	vm13 =	vge.f32 v60, v61;
	v16 =	vadd.f32 v32, v30  }
0xe6: {  	s23 =	sadd.s32 $0xFFFFFE80, s1;
	v20 =	vsel vm13, $0x3F800000, v4;
	v34 =	vadd.f32 v29, v32;
	v33 =	vsub.f32 v31, v62  }
0xe7: {  	v37 =	vor.u32 s23, v5;
	v35 =	vsub.f32 v20, v63;
	vm14 =	vge.f32 v16, $2.000000000e+00  }
0xe8: {  	v36 =	vadd.f32 v34, v20;
	vm15 =	vge.f32 v33, $1.000000000e+00;
	v9 =	vnsel vm14, $0x0, v9  }
0xe9: {  	v38 =	vor.u32 s23, v6;
	vm4 =	vge.f32 v35, v28;
	[tilespmem:v54+s30+$0x0] =	vst.idx.msk $0xffff, v9;
	v9 =	vnsel vm15, $0x0, v13  }
0xea: {  	vm5 =	vle.f32 v36, $1.000000000e+00;
	[tilespmem:v10+s30+$0x0] =	vst.idx.msk $0xffff, v9;
	v9 =	vnsel vm4, $0x0, v56;
	v10 =	vor.u32 s23, v7  }
0xeb: {  	[tilespmem:v11+s30+$0x0] =	vst.idx.msk $0xffff, v9;
	v9 =	vnsel vm5, $0x0, v57;
	v11 =	vor.u32 s23, v8  }
0xec: {  	[tilespmem:v55+s30+$0x0] =	vst.idx.msk $0xffff, v9  }
0xed: {  	v9 =	vld.idx.msk [tilespmem:v37+s4+$0x0], $0xffff  }
0xee: {  	v12 =	vld.idx.msk [tilespmem:v38+s4+$0x0], $0xffff  }
0xef: {  	v39 =	vld.idx.msk [tilespmem:v10+s4+$0x0], $0xffff  }
0xf0: {  	v40 =	vld.idx.msk [tilespmem:v11+s4+$0x0], $0xffff;
	_ =	sdelay $0x2  }
0xf1: {  	v41 =	vmul.f32 v9, v9;
	v42 =	vmul.f32 v12, v12  }
0xf2: {  	v43 =	vmul.f32 v39, v39  }
0xf3: {  	vm6 =	vge.f32 v41, v42;
	v44 =	vmul.f32 v40, v40  }
0xf4: {  	v45 =	vsel vm6, $0x3F800000, v4;
	vm7 =	vge.f32 v41, v43;
	vm8 =	vge.f32 v42, v43  }
0xf5: {  	vm9 =	vge.f32 v42, v44;
	v46 =	vsel vm7, $0x3F800000, v4;
	v47 =	vsel vm8, $0x3F800000, v4  }
0xf6: {  	vm10 =	vge.f32 v41, v44;
	v48 =	vsel vm9, $0x3F800000, v4;
	v49 =	vadd.f32 v46, v45  }
0xf7: {  	v51 =	vsel vm10, $0x3F800000, v4;
	v50 =	vadd.f32 v48, v47  }
0xf8: {  	vm11 =	vge.f32 v43, v44;
	v16 =	vadd.f32 v51, v49  }
0xf9: {  	s23 =	sadd.s32 $0xFFFFFEC0, s1;
	v20 =	vsel vm11, $0x3F800000, v4;
	v53 =	vadd.f32 v48, v51;
	v52 =	vsub.f32 v50, v45  }
0xfa: {  	v56 =	vor.u32 s23, v0;
	v54 =	vsub.f32 v20, v46;
	vm12 =	vge.f32 v16, $2.000000000e+00  }
0xfb: {  	v55 =	vadd.f32 v53, v20;
	vm13 =	vge.f32 v52, $1.000000000e+00;
	v9 =	vnsel vm12, $0x0, v9  }
0xfc: {  	v57 =	vor.u32 s23, v1;
	vm14 =	vge.f32 v54, v47;
	[tilespmem:v37+s30+$0x0] =	vst.idx.msk $0xffff, v9;
	v9 =	vnsel vm13, $0x0, v12  }
0xfd: {  	v58 =	vor.u32 s23, v2;
	vm15 =	vle.f32 v55, $1.000000000e+00;
	[tilespmem:v38+s30+$0x0] =	vst.idx.msk $0xffff, v9;
	v9 =	vnsel vm14, $0x0, v39  }
0xfe: {  	[tilespmem:v10+s30+$0x0] =	vst.idx.msk $0xffff, v9;
	v9 =	vnsel vm15, $0x0, v40;
	v10 =	vor.u32 s23, v3  }
0xff: {  	[tilespmem:v11+s30+$0x0] =	vst.idx.msk $0xffff, v9  }
0x100: {  	v9 =	vld.idx.msk [tilespmem:v56+s4+$0x0], $0xffff  }
0x101: {  	v11 =	vld.idx.msk [tilespmem:v57+s4+$0x0], $0xffff  }
0x102: {  	v59 =	vld.idx.msk [tilespmem:v58+s4+$0x0], $0xffff  }
0x103: {  	v60 =	vld.idx.msk [tilespmem:v10+s4+$0x0], $0xffff;
	_ =	sdelay $0x2  }
0x104: {  	v61 =	vmul.f32 v9, v9;
	v62 =	vmul.f32 v11, v11  }
0x105: {  	v63 =	vmul.f32 v59, v59  }
0x106: {  	vm4 =	vge.f32 v61, v62;
	v28 =	vmul.f32 v60, v60  }
0x107: {  	vm5 =	vge.f32 v61, v63;
	vm6 =	vge.f32 v62, v63;
	v29 =	vsel vm4, $0x3F800000, v4  }
0x108: {  	v30 =	vsel vm5, $0x3F800000, v4;
	v31 =	vsel vm6, $0x3F800000, v4;
	vm7 =	vge.f32 v62, v28  }
0x109: {  	v33 =	vadd.f32 v30, v29;
	vm8 =	vge.f32 v61, v28;
	v32 =	vsel vm7, $0x3F800000, v4  }
0x10a: {  	v35 =	vsel vm8, $0x3F800000, v4;
	v34 =	vadd.f32 v32, v31  }
0x10b: {  	vm9 =	vge.f32 v63, v28;
	v16 =	vadd.f32 v35, v33  }
0x10c: {  	s23 =	sadd.s32 $0xFFFFFF00, s1;
	v20 =	vsel vm9, $0x3F800000, v4;
	v37 =	vadd.f32 v32, v35;
	v36 =	vsub.f32 v34, v29  }
0x10d: {  	v40 =	vor.u32 s23, v5;
	v38 =	vsub.f32 v20, v30;
	vm10 =	vge.f32 v16, $2.000000000e+00  }
0x10e: {  	v39 =	vadd.f32 v37, v20;
	v9 =	vnsel vm10, $0x0, v9;
	vm11 =	vge.f32 v36, $1.000000000e+00  }
0x10f: {  	v41 =	vor.u32 s23, v7;
	vm12 =	vge.f32 v38, v31;
	[tilespmem:v56+s30+$0x0] =	vst.idx.msk $0xffff, v9;
	v9 =	vnsel vm11, $0x0, v11  }
0x110: {  	v42 =	vor.u32 s23, v8;
	vm13 =	vle.f32 v39, $1.000000000e+00;
	[tilespmem:v57+s30+$0x0] =	vst.idx.msk $0xffff, v9;
	v9 =	vnsel vm12, $0x0, v59  }
0x111: {  	v11 =	vor.u32 s23, v6;
	[tilespmem:v58+s30+$0x0] =	vst.idx.msk $0xffff, v9;
	v9 =	vnsel vm13, $0x0, v60  }
0x112: {  	[tilespmem:v10+s30+$0x0] =	vst.idx.msk $0xffff, v9  }
0x113: {  	v9 =	vld.idx.msk [tilespmem:v40+s4+$0x0], $0xffff  }
0x114: {  	v43 =	vld.idx.msk [tilespmem:v41+s4+$0x0], $0xffff  }
0x115: {  	v44 =	vld.idx.msk [tilespmem:v42+s4+$0x0], $0xffff  }
0x116: {  	v10 =	vld.idx.msk [tilespmem:v11+s4+$0x0], $0xffff;
	_ =	sdelay $0x3  }
0x117: {  	v45 =	vmul.f32 v9, v9;
	v47 =	vmul.f32 v43, v43  }
0x118: {  	v48 =	vmul.f32 v44, v44;
	v46 =	vmul.f32 v10, v10  }
0x119: {  	vm15 =	vge.f32 v45, v47  }
0x11a: {  	vm6 =	vge.f32 v45, v48;
	vm14 =	vge.f32 v45, v46;
	vm4 =	vge.f32 v46, v47  }
0x11b: {  	vm5 =	vge.f32 v46, v48;
	v50 =	vsel vm15, $0x3F800000, v4;
	v49 =	vsel vm14, $0x3F800000, v4  }
0x11c: {  	v51 =	vsel vm4, $0x3F800000, v4;
	v52 =	vsel vm5, $0x3F800000, v4;
	v53 =	vadd.f32 v50, v49  }
0x11d: {  	v55 =	vsel vm6, $0x3F800000, v4;
	v54 =	vadd.f32 v52, v51  }
0x11e: {  	vm7 =	vge.f32 v47, v48;
	v16 =	vadd.f32 v55, v53  }
0x11f: {  	s23 =	sadd.s32 $0xFFFFFF40, s1;
	v20 =	vsel vm7, $0x3F800000, v4;
	v57 =	vadd.f32 v52, v55;
	v56 =	vsub.f32 v54, v49  }
0x120: {  	v60 =	vor.u32 s23, v0;
	v58 =	vsub.f32 v20, v50;
	vm8 =	vge.f32 v16, $2.000000000e+00  }
0x121: {  	v59 =	vadd.f32 v57, v20;
	vm9 =	vge.f32 v56, $1.000000000e+00;
	v9 =	vnsel vm8, $0x0, v9  }
0x122: {  	v61 =	vor.u32 s23, v3;
	vm10 =	vge.f32 v58, v51;
	[tilespmem:v40+s30+$0x0] =	vst.idx.msk $0xffff, v9;
	v9 =	vnsel vm9, $0x0, v10  }
0x123: {  	vm11 =	vle.f32 v59, $1.000000000e+00;
	v10 =	vor.u32 s23, v1;
	[tilespmem:v11+s30+$0x0] =	vst.idx.msk $0xffff, v9;
	v9 =	vnsel vm10, $0x0, v43  }
0x124: {  	v11 =	vor.u32 s23, v2;
	[tilespmem:v41+s30+$0x0] =	vst.idx.msk $0xffff, v9;
	v9 =	vnsel vm11, $0x0, v44  }
0x125: {  	[tilespmem:v42+s30+$0x0] =	vst.idx.msk $0xffff, v9  }
0x126: {  	v9 =	vld.idx.msk [tilespmem:v60+s4+$0x0], $0xffff  }
0x127: {  	v63 =	vld.idx.msk [tilespmem:v61+s4+$0x0], $0xffff  }
0x128: {  	v13 =	vld.idx.msk [tilespmem:v10+s4+$0x0], $0xffff  }
0x129: {  	v62 =	vld.idx.msk [tilespmem:v11+s4+$0x0], $0xffff;
	_ =	sdelay $0x3  }
0x12a: {  	v28 =	vmul.f32 v9, v9;
	v31 =	vmul.f32 v63, v63  }
0x12b: {  	v29 =	vmul.f32 v13, v13;
	v30 =	vmul.f32 v62, v62  }
0x12c: {  	vm4 =	vge.f32 v28, v31  }
0x12d: {  	vm12 =	vge.f32 v28, v29;
	vm15 =	vge.f32 v29, v31;
	vm13 =	vge.f32 v28, v30  }
0x12e: {  	v32 =	vsel vm12, $0x3F800000, v4;
	vm14 =	vge.f32 v29, v30;
	v33 =	vsel vm13, $0x3F800000, v4  }
0x12f: {  	v35 =	vsel vm15, $0x3F800000, v4;
	v34 =	vsel vm14, $0x3F800000, v4;
	v36 =	vadd.f32 v33, v32  }
0x130: {  	v38 =	vsel vm4, $0x3F800000, v4;
	v37 =	vadd.f32 v35, v34  }
0x131: {  	vm5 =	vge.f32 v30, v31;
	v16 =	vadd.f32 v38, v36  }
0x132: {  	s23 =	sadd.s32 $0xFFFFFF80, s1;
	v20 =	vsel vm5, $0x3F800000, v4;
	v40 =	vadd.f32 v35, v38;
	v39 =	vsub.f32 v37, v32  }
0x133: {  	v43 =	vor.u32 s23, v5;
	v41 =	vsub.f32 v20, v33;
	vm6 =	vge.f32 v16, $2.000000000e+00  }
0x134: {  	v42 =	vadd.f32 v40, v20;
	vm7 =	vge.f32 v39, $1.000000000e+00;
	v9 =	vnsel vm6, $0x0, v9  }
0x135: {  	v44 =	vor.u32 s23, v6;
	vm8 =	vge.f32 v41, v34;
	[tilespmem:v60+s30+$0x0] =	vst.idx.msk $0xffff, v9;
	v9 =	vnsel vm7, $0x0, v13  }
0x136: {  	vm9 =	vle.f32 v42, $1.000000000e+00;
	[tilespmem:v10+s30+$0x0] =	vst.idx.msk $0xffff, v9;
	v9 =	vnsel vm8, $0x0, v62;
	v10 =	vor.u32 s23, v7  }
0x137: {  	[tilespmem:v11+s30+$0x0] =	vst.idx.msk $0xffff, v9;
	v9 =	vnsel vm9, $0x0, v63;
	v11 =	vor.u32 s23, v8  }
0x138: {  	[tilespmem:v61+s30+$0x0] =	vst.idx.msk $0xffff, v9  }
0x139: {  	v9 =	vld.idx.msk [tilespmem:v43+s4+$0x0], $0xffff  }
0x13a: {  	v12 =	vld.idx.msk [tilespmem:v44+s4+$0x0], $0xffff  }
0x13b: {  	v45 =	vld.idx.msk [tilespmem:v10+s4+$0x0], $0xffff  }
0x13c: {  	v46 =	vld.idx.msk [tilespmem:v11+s4+$0x0], $0xffff;
	_ =	sdelay $0x2  }
0x13d: {  	v47 =	vmul.f32 v9, v9;
	v48 =	vmul.f32 v12, v12  }
0x13e: {  	v49 =	vmul.f32 v45, v45  }
0x13f: {  	vm10 =	vge.f32 v47, v48;
	v50 =	vmul.f32 v46, v46  }
0x140: {  	v51 =	vsel vm10, $0x3F800000, v4;
	vm11 =	vge.f32 v47, v49;
	vm12 =	vge.f32 v48, v49  }
0x141: {  	vm13 =	vge.f32 v48, v50;
	v52 =	vsel vm11, $0x3F800000, v4;
	v53 =	vsel vm12, $0x3F800000, v4  }
0x142: {  	vm14 =	vge.f32 v47, v50;
	v54 =	vsel vm13, $0x3F800000, v4;
	v55 =	vadd.f32 v52, v51  }
0x143: {  	v57 =	vsel vm14, $0x3F800000, v4;
	v56 =	vadd.f32 v54, v53  }
0x144: {  	vm15 =	vge.f32 v49, v50;
	v16 =	vadd.f32 v57, v55  }
0x145: {  	s23 =	sadd.s32 $0xFFFFFFC0, s1;
	v20 =	vsel vm15, $0x3F800000, v4;
	v59 =	vadd.f32 v54, v57;
	v58 =	vsub.f32 v56, v51  }
0x146: {  	v62 =	vor.u32 s23, v0;
	v60 =	vsub.f32 v20, v52;
	vm4 =	vge.f32 v16, $2.000000000e+00  }
0x147: {  	v61 =	vadd.f32 v59, v20;
	vm5 =	vge.f32 v58, $1.000000000e+00;
	v9 =	vnsel vm4, $0x0, v9  }
0x148: {  	v63 =	vor.u32 s23, v1;
	vm6 =	vge.f32 v60, v53;
	[tilespmem:v43+s30+$0x0] =	vst.idx.msk $0xffff, v9;
	v9 =	vnsel vm5, $0x0, v12  }
0x149: {  	v28 =	vor.u32 s23, v2;
	vm7 =	vle.f32 v61, $1.000000000e+00;
	[tilespmem:v44+s30+$0x0] =	vst.idx.msk $0xffff, v9;
	v9 =	vnsel vm6, $0x0, v45  }
0x14a: {  	[tilespmem:v10+s30+$0x0] =	vst.idx.msk $0xffff, v9;
	v9 =	vnsel vm7, $0x0, v46;
	v10 =	vor.u32 s23, v3  }
0x14b: {  	[tilespmem:v11+s30+$0x0] =	vst.idx.msk $0xffff, v9  }
0x14c: {  	v9 =	vld.idx.msk [tilespmem:v62+s4+$0x0], $0xffff  }
0x14d: {  	v11 =	vld.idx.msk [tilespmem:v63+s4+$0x0], $0xffff  }
0x14e: {  	v29 =	vld.idx.msk [tilespmem:v28+s4+$0x0], $0xffff  }
0x14f: {  	v30 =	vld.idx.msk [tilespmem:v10+s4+$0x0], $0xffff;
	_ =	sdelay $0x2  }
0x150: {  	v31 =	vmul.f32 v9, v9;
	v32 =	vmul.f32 v11, v11  }
0x151: {  	v33 =	vmul.f32 v29, v29  }
0x152: {  	vm8 =	vge.f32 v31, v32;
	v34 =	vmul.f32 v30, v30  }
0x153: {  	vm9 =	vge.f32 v31, v33;
	vm10 =	vge.f32 v32, v33;
	v35 =	vsel vm8, $0x3F800000, v4  }
0x154: {  	v36 =	vsel vm9, $0x3F800000, v4;
	v37 =	vsel vm10, $0x3F800000, v4;
	vm11 =	vge.f32 v32, v34  }
0x155: {  	v39 =	vadd.f32 v36, v35;
	vm12 =	vge.f32 v31, v34;
	v38 =	vsel vm11, $0x3F800000, v4  }
0x156: {  	v41 =	vsel vm12, $0x3F800000, v4;
	v40 =	vadd.f32 v38, v37  }
0x157: {  	vm13 =	vge.f32 v33, v34;
	v16 =	vadd.f32 v41, v39  }
0x158: {  	v20 =	vsel vm13, $0x3F800000, v4;
	v43 =	vadd.f32 v38, v41;
	v42 =	vsub.f32 v40, v35  }
0x159: {  	v44 =	vsub.f32 v20, v36;
	vm14 =	vge.f32 v16, $2.000000000e+00  }
0x15a: {  	v45 =	vadd.f32 v43, v20;
	v9 =	vnsel vm14, $0x0, v9;
	vm15 =	vge.f32 v42, $1.000000000e+00  }
0x15b: {  	v46 =	vor.u32 s1, v5;
	vm4 =	vge.f32 v44, v37;
	[tilespmem:v62+s30+$0x0] =	vst.idx.msk $0xffff, v9;
	v9 =	vnsel vm15, $0x0, v11  }
0x15c: {  	v47 =	vor.u32 s1, v7;
	vm5 =	vle.f32 v45, $1.000000000e+00;
	[tilespmem:v63+s30+$0x0] =	vst.idx.msk $0xffff, v9;
	v9 =	vnsel vm4, $0x0, v29  }
0x15d: {  	v11 =	vor.u32 s1, v6;
	[tilespmem:v28+s30+$0x0] =	vst.idx.msk $0xffff, v9;
	v9 =	vnsel vm5, $0x0, v30  }
0x15e: {  	[tilespmem:v10+s30+$0x0] =	vst.idx.msk $0xffff, v9;
	v9 =	vor.u32 s1, v8;
	_ =	sdelay $0x1  }
0x15f: {  	v10 =	vld.idx.msk [tilespmem:v46+s4+$0x0], $0xffff  }
0x160: {  	v48 =	vld.idx.msk [tilespmem:v47+s4+$0x0], $0xffff  }
0x161: {  	v13 =	vld.idx.msk [tilespmem:v11+s4+$0x0], $0xffff  }
0x162: {  	v49 =	vld.idx.msk [tilespmem:v9+s4+$0x0], $0xffff;
	_ =	sdelay $0x2  }
0x163: {  	v50 =	vmul.f32 v10, v10;
	v52 =	vmul.f32 v48, v48  }
0x164: {  	v51 =	vmul.f32 v13, v13  }
0x165: {  	vm7 =	vge.f32 v50, v52;
	v53 =	vmul.f32 v49, v49  }
0x166: {  	vm6 =	vge.f32 v50, v51;
	v55 =	vsel vm7, $0x3F800000, v4;
	vm9 =	vge.f32 v51, v52  }
0x167: {  	v54 =	vsel vm6, $0x3F800000, v4;
	v56 =	vsel vm9, $0x3F800000, v4;
	vm10 =	vge.f32 v51, v53  }
0x168: {  	v57 =	vadd.f32 v55, v54;
	vm8 =	vge.f32 v50, v53;
	v17 =	vsel vm10, $0x3F800000, v4  }
0x169: {  	v58 =	vsel vm8, $0x3F800000, v4;
	v59 =	vadd.f32 v17, v56  }
0x16a: {  	vm11 =	vge.f32 v52, v53;
	v60 =	vadd.f32 v58, v57  }
0x16b: {  	s0 =	sadd.s32 $0x10, s0;
	v62 =	vsel vm11, $0x3F800000, v4;
	v17 =	vadd.f32 v17, v58;
	v61 =	vsub.f32 v59, v54  }
0x16c: {  	p1 =	slt.u32 s0, $0xF0;
	v63 =	vsub.f32 v62, v55;
	vm12 =	vge.f32 v60, $2.000000000e+00  }
.Ltmp0:
0x16d: {  	v17 =	vadd.f32 v17, v62;
	v10 =	vnsel vm12, $0x0, v10;
	vm13 =	vge.f32 v61, $1.000000000e+00;
	(pc) =	sbr.rel @p1 .LBB2_3-.Ltmp0, $4  }
0x16e: {  	vm14 =	vge.f32 v63, v56;
	[tilespmem:v46+s30+$0x0] =	vst.idx.msk $0xffff, v10;
	v10 =	vnsel vm13, $0x0, v13  }
0x16f: {  	vm15 =	vle.f32 v17, $1.000000000e+00;
	[tilespmem:v11+s30+$0x0] =	vst.idx.msk $0xffff, v10;
	v10 =	vnsel vm14, $0x0, v48  }
0x170: {  	[tilespmem:v47+s30+$0x0] =	vst.idx.msk $0xffff, v10;
	v10 =	vnsel vm15, $0x0, v49  }
0x171: {  	s1 =	sadd.s32 $0x400, s1;
	[tilespmem:v9+s30+$0x0] =	vst.idx.msk $0xffff, v10  }
0x172: {  	s0 =	sshll.u32 s31, $0x9  }
0x173: {  	s1 =	sadd.s32 s3, s0  }
0x174: {  	[hbm4b:s1+s19] =	stream.strided.scatter [tilespmem:s30], [sflag:$0x3], $0x1000, s20, s19, $0x38;
	[tilespmem:$0x10000] =	vst v63  }
0x175: {  	s23 =	simm.s32 $0x9000;
	s31 =	sadd.s32 s0, s14  }
0x176: {  	[hbm4b:s31+s19] =	stream.strided.scatter [tilespmem:s23], [sflag:$0x3], $0x1000, s20, s19, $0x38;
	[tilespmem:$0x10000] =	vst v63  }
0x177: {  	s23 =	sadd.s32 s0, s15;
	s31 =	simm.s32 $0xA000  }
0x178: {  	[hbm4b:s23+s19] =	stream.strided.scatter [tilespmem:s31], [sflag:$0x3], $0x1000, s20, s19, $0x38;
	[tilespmem:$0x10000] =	vst v63  }
0x179: {  	p1 =	seq.s32 s12, $0xF;
	s0 =	sadd.s32 s0, s16;
	s31 =	simm.s32 $0xB000  }
0x17a: {  	[hbm4b:s0+s19] =	stream.strided.scatter [tilespmem:s31], [sflag:$0x3], $0x1000, s20, s19, $0x38;
	[tilespmem:$0x10000] =	vst v63  }
0x17b: {  	s0 =	sadd.s32 @!p1 s28, s17  }
0x17c: {  	s23 =	simm.s32 @!p1 $0x80;
	s0 =	sshll.u32 @!p1 s0, $0x9  }
0x17d: {  	s28 =	simm.s32 @!p1 $0x400;
	s31 =	simm.s32 @!p1 $0x0;
	s1 =	sadd.s32 @!p1 s2, s0  }
0x17e: {  	[tilespmem:s31], [sflag:$0x1] =	stream.strided.gather @!p1 [hbm4b:s1+s23], $0x1000, s28, s23, $0x38;
	[tilespmem:$0x10000] =	vst v63  }
0x17f: {  	s1 =	sadd.s32 @!p1 s0, s8;
	s31 =	simm.s32 @!p1 $0x1000  }
0x180: {  	[tilespmem:s31], [sflag:$0x1] =	stream.strided.gather @!p1 [hbm4b:s1+s23], $0x1000, s28, s23, $0x38;
	[tilespmem:$0x10000] =	vst v63  }
0x181: {  	s1 =	sadd.s32 @!p1 s0, s9;
	s31 =	simm.s32 @!p1 $0x2000  }
0x182: {  	[tilespmem:s31], [sflag:$0x1] =	stream.strided.gather @!p1 [hbm4b:s1+s23], $0x1000, s28, s23, $0x38;
	[tilespmem:$0x10000] =	vst v63  }
0x183: {  	s0 =	sadd.s32 @!p1 s0, s10;
	s1 =	simm.s32 @!p1 $0x3000  }
0x184: {  	[tilespmem:s1], [sflag:$0x1] =	stream.strided.gather @!p1 [hbm4b:s0+s23], $0x1000, s28, s23, $0x38;
	[tilespmem:$0x10000] =	vst v63  }
0x185: {  	_ =	swait.ge [sflag:s21], $0x1000  }
0x186: {  	[sflag:s21] =	ssyncset.done $0x0  }
0x187: {  	[sflag:s21] =	ssyncadd.s32 $0xFFFFF000  }
0x188: {  	_ =	swait.ge [sflag:s21], $0x1000  }
0x189: {  	[sflag:s21] =	ssyncset.done $0x0  }
0x18a: {  	[sflag:s21] =	ssyncadd.s32 $0xFFFFF000  }
0x18b: {  	_ =	swait.ge [sflag:s21], $0x1000  }
0x18c: {  	[sflag:s21] =	ssyncset.done $0x0  }
0x18d: {  	[sflag:s21] =	ssyncadd.s32 $0xFFFFF000  }
0x18e: {  	_ =	swait.ge [sflag:s21], $0x1000  }
0x18f: {  	[sflag:s21] =	ssyncset.done $0x0  }
0x190: {  	s0 =	simm.s32 @!p0 $0x4;
	[sflag:s21] =	ssyncadd.s32 $0xFFFFF000  }
0x191: {  	_ =	swait.ge @!p0 [sflag:s0], $0x1000  }
0x192: {  	[sflag:s0] =	ssyncset.done @!p0 $0x0  }
0x193: {  	[sflag:s0] =	ssyncadd.s32 @!p0 $0xFFFFF000  }
0x194: {  	_ =	swait.ge @!p0 [sflag:s0], $0x1000  }
0x195: {  	[sflag:s0] =	ssyncset.done @!p0 $0x0  }
0x196: {  	[sflag:s0] =	ssyncadd.s32 @!p0 $0xFFFFF000  }
0x197: {  	_ =	swait.ge @!p0 [sflag:s0], $0x1000  }
0x198: {  	[sflag:s0] =	ssyncset.done @!p0 $0x0  }
0x199: {  	[sflag:s0] =	ssyncadd.s32 @!p0 $0xFFFFF000  }
0x19a: {  	_ =	swait.ge @!p0 [sflag:s0], $0x1000  }
0x19b: {  	[sflag:s0] =	ssyncset.done @!p0 $0x0  }
0x19c: {  	s1 =	simm.s32 $0x3C0;
	[sflag:s0] =	ssyncadd.s32 @!p0 $0xFFFFF000;
	s0 =	simm.s32 $0xFFFFFFF0  }
.LBB2_5:
0x19d: {  	s23 =	sadd.s32 $0xFFFFFC40, s1  }
0x19e: {  	v9 =	vor.u32 s23, v0  }
0x19f: {  	v10 =	vor.u32 s23, v1  }
0x1a0: {  	v11 =	vor.u32 s23, v2  }
0x1a1: {  	v12 =	vor.u32 s23, v3;
	_ =	sdelay $0x1  }
0x1a2: {  	v13 =	vld.idx.msk [tilespmem:v9+s24+$0x0], $0xffff  }
0x1a3: {  	v14 =	vld.idx.msk [tilespmem:v10+s24+$0x0], $0xffff  }
0x1a4: {  	v15 =	vld.idx.msk [tilespmem:v11+s24+$0x0], $0xffff  }
0x1a5: {  	v16 =	vld.idx.msk [tilespmem:v12+s24+$0x0], $0xffff;
	_ =	sdelay $0x3  }
0x1a6: {  	v17 =	vmul.f32 v13, v13;
	v18 =	vmul.f32 v14, v14  }
0x1a7: {  	v19 =	vmul.f32 v15, v15;
	v20 =	vmul.f32 v16, v16  }
0x1a8: {  	vm0 =	vge.f32 v17, v18  }
0x1a9: {  	vm15 =	vge.f32 v17, v19;
	vm1 =	vge.f32 v18, v19;
	vm2 =	vge.f32 v18, v20  }
0x1aa: {  	vm4 =	vge.f32 v17, v20;
	v21 =	vsel vm0, $0x3F800000, v4;
	v62 =	vsel vm15, $0x3F800000, v4  }
0x1ab: {  	v22 =	vsel vm1, $0x3F800000, v4;
	v23 =	vsel vm2, $0x3F800000, v4;
	v63 =	vadd.f32 v62, v21  }
0x1ac: {  	v25 =	vsel vm4, $0x3F800000, v4;
	v24 =	vadd.f32 v23, v22  }
0x1ad: {  	vm5 =	vge.f32 v19, v20;
	v17 =	vadd.f32 v25, v63  }
0x1ae: {  	v20 =	vsel vm5, $0x3F800000, v4;
	v26 =	vadd.f32 v23, v25;
	v24 =	vsub.f32 v24, v21  }
0x1af: {  	v29 =	vor.u32 s23, v5;
	v27 =	vsub.f32 v20, v62;
	vm6 =	vge.f32 v17, $2.000000000e+00  }
0x1b0: {  	v28 =	vadd.f32 v26, v20;
	vm7 =	vge.f32 v24, $1.000000000e+00;
	v13 =	vnsel vm6, $0x0, v13  }
0x1b1: {  	v30 =	vor.u32 s23, v6;
	vm8 =	vge.f32 v27, v22;
	[tilespmem:v9+s22+$0x0] =	vst.idx.msk $0xffff, v13;
	v9 =	vnsel vm7, $0x0, v14  }
0x1b2: {  	vm9 =	vle.f32 v28, $1.000000000e+00;
	[tilespmem:v10+s22+$0x0] =	vst.idx.msk $0xffff, v9;
	v9 =	vnsel vm8, $0x0, v15;
	v10 =	vor.u32 s23, v7  }
0x1b3: {  	[tilespmem:v11+s22+$0x0] =	vst.idx.msk $0xffff, v9;
	v9 =	vnsel vm9, $0x0, v16;
	v11 =	vor.u32 s23, v8  }
0x1b4: {  	[tilespmem:v12+s22+$0x0] =	vst.idx.msk $0xffff, v9  }
0x1b5: {  	v9 =	vld.idx.msk [tilespmem:v29+s24+$0x0], $0xffff  }
0x1b6: {  	v12 =	vld.idx.msk [tilespmem:v30+s24+$0x0], $0xffff  }
0x1b7: {  	v31 =	vld.idx.msk [tilespmem:v10+s24+$0x0], $0xffff  }
0x1b8: {  	v32 =	vld.idx.msk [tilespmem:v11+s24+$0x0], $0xffff;
	_ =	sdelay $0x2  }
0x1b9: {  	v33 =	vmul.f32 v9, v9;
	v34 =	vmul.f32 v12, v12  }
0x1ba: {  	v35 =	vmul.f32 v31, v31  }
0x1bb: {  	vm10 =	vge.f32 v33, v34;
	v36 =	vmul.f32 v32, v32  }
0x1bc: {  	v37 =	vsel vm10, $0x3F800000, v4;
	vm11 =	vge.f32 v33, v35;
	vm12 =	vge.f32 v34, v35  }
0x1bd: {  	vm13 =	vge.f32 v34, v36;
	v38 =	vsel vm11, $0x3F800000, v4;
	v39 =	vsel vm12, $0x3F800000, v4  }
0x1be: {  	vm14 =	vge.f32 v33, v36;
	v40 =	vsel vm13, $0x3F800000, v4;
	v41 =	vadd.f32 v38, v37  }
0x1bf: {  	v43 =	vsel vm14, $0x3F800000, v4;
	v42 =	vadd.f32 v40, v39  }
0x1c0: {  	vm15 =	vge.f32 v35, v36;
	v16 =	vadd.f32 v43, v41  }
0x1c1: {  	s31 =	sadd.s32 $0xFFFFFCC0, s1;
	v20 =	vsel vm15, $0x3F800000, v4;
	v45 =	vadd.f32 v40, v43;
	v44 =	vsub.f32 v42, v37  }
0x1c2: {  	v48 =	vor.u32 s31, v0;
	v46 =	vsub.f32 v20, v38;
	vm4 =	vge.f32 v16, $2.000000000e+00  }
0x1c3: {  	v47 =	vadd.f32 v45, v20;
	vm5 =	vge.f32 v44, $1.000000000e+00;
	v9 =	vnsel vm4, $0x0, v9  }
0x1c4: {  	v49 =	vor.u32 s31, v1;
	vm6 =	vge.f32 v46, v39;
	[tilespmem:v29+s22+$0x0] =	vst.idx.msk $0xffff, v9;
	v9 =	vnsel vm5, $0x0, v12  }
0x1c5: {  	v50 =	vor.u32 s31, v2;
	vm7 =	vle.f32 v47, $1.000000000e+00;
	[tilespmem:v30+s22+$0x0] =	vst.idx.msk $0xffff, v9;
	v9 =	vnsel vm6, $0x0, v31  }
0x1c6: {  	[tilespmem:v10+s22+$0x0] =	vst.idx.msk $0xffff, v9;
	v9 =	vnsel vm7, $0x0, v32;
	v10 =	vor.u32 s31, v3  }
0x1c7: {  	[tilespmem:v11+s22+$0x0] =	vst.idx.msk $0xffff, v9  }
0x1c8: {  	v9 =	vld.idx.msk [tilespmem:v48+s24+$0x0], $0xffff  }
0x1c9: {  	v11 =	vld.idx.msk [tilespmem:v49+s24+$0x0], $0xffff  }
0x1ca: {  	v51 =	vld.idx.msk [tilespmem:v50+s24+$0x0], $0xffff  }
0x1cb: {  	v52 =	vld.idx.msk [tilespmem:v10+s24+$0x0], $0xffff;
	_ =	sdelay $0x2  }
0x1cc: {  	v53 =	vmul.f32 v9, v9;
	v54 =	vmul.f32 v11, v11  }
0x1cd: {  	v55 =	vmul.f32 v51, v51  }
0x1ce: {  	vm8 =	vge.f32 v53, v54;
	v56 =	vmul.f32 v52, v52  }
0x1cf: {  	vm9 =	vge.f32 v53, v55;
	vm10 =	vge.f32 v54, v55;
	v57 =	vsel vm8, $0x3F800000, v4  }
0x1d0: {  	v58 =	vsel vm9, $0x3F800000, v4;
	v59 =	vsel vm10, $0x3F800000, v4;
	vm11 =	vge.f32 v54, v56  }
0x1d1: {  	v61 =	vadd.f32 v58, v57;
	vm12 =	vge.f32 v53, v56;
	v60 =	vsel vm11, $0x3F800000, v4  }
0x1d2: {  	v63 =	vsel vm12, $0x3F800000, v4;
	v62 =	vadd.f32 v60, v59  }
0x1d3: {  	vm13 =	vge.f32 v55, v56;
	v16 =	vadd.f32 v63, v61  }
0x1d4: {  	s28 =	sadd.s32 $0xFFFFFD00, s1;
	v20 =	vsel vm13, $0x3F800000, v4;
	v26 =	vadd.f32 v60, v63;
	v24 =	vsub.f32 v62, v57  }
0x1d5: {  	v29 =	vor.u32 s28, v5;
	v27 =	vsub.f32 v20, v58;
	vm14 =	vge.f32 v16, $2.000000000e+00  }
0x1d6: {  	v28 =	vadd.f32 v26, v20;
	v9 =	vnsel vm14, $0x0, v9;
	vm15 =	vge.f32 v24, $1.000000000e+00  }
0x1d7: {  	v30 =	vor.u32 s28, v7;
	vm4 =	vge.f32 v27, v59;
	[tilespmem:v48+s22+$0x0] =	vst.idx.msk $0xffff, v9;
	v9 =	vnsel vm15, $0x0, v11  }
0x1d8: {  	v31 =	vor.u32 s28, v8;
	vm5 =	vle.f32 v28, $1.000000000e+00;
	[tilespmem:v49+s22+$0x0] =	vst.idx.msk $0xffff, v9;
	v9 =	vnsel vm4, $0x0, v51  }
0x1d9: {  	v11 =	vor.u32 s28, v6;
	[tilespmem:v50+s22+$0x0] =	vst.idx.msk $0xffff, v9;
	v9 =	vnsel vm5, $0x0, v52  }
0x1da: {  	[tilespmem:v10+s22+$0x0] =	vst.idx.msk $0xffff, v9  }
0x1db: {  	v9 =	vld.idx.msk [tilespmem:v29+s24+$0x0], $0xffff  }
0x1dc: {  	v32 =	vld.idx.msk [tilespmem:v30+s24+$0x0], $0xffff  }
0x1dd: {  	v33 =	vld.idx.msk [tilespmem:v31+s24+$0x0], $0xffff  }
0x1de: {  	v10 =	vld.idx.msk [tilespmem:v11+s24+$0x0], $0xffff;
	_ =	sdelay $0x3  }
0x1df: {  	v34 =	vmul.f32 v9, v9;
	v36 =	vmul.f32 v32, v32  }
0x1e0: {  	v37 =	vmul.f32 v33, v33;
	v35 =	vmul.f32 v10, v10  }
0x1e1: {  	vm7 =	vge.f32 v34, v36  }
0x1e2: {  	vm10 =	vge.f32 v34, v37;
	vm6 =	vge.f32 v34, v35;
	vm8 =	vge.f32 v35, v36  }
0x1e3: {  	vm9 =	vge.f32 v35, v37;
	v39 =	vsel vm7, $0x3F800000, v4;
	v38 =	vsel vm6, $0x3F800000, v4  }
0x1e4: {  	v40 =	vsel vm8, $0x3F800000, v4;
	v41 =	vsel vm9, $0x3F800000, v4;
	v42 =	vadd.f32 v39, v38  }
0x1e5: {  	v44 =	vsel vm10, $0x3F800000, v4;
	v43 =	vadd.f32 v41, v40  }
0x1e6: {  	vm11 =	vge.f32 v36, v37;
	v16 =	vadd.f32 v44, v42  }
0x1e7: {  	s31 =	sadd.s32 $0xFFFFFD40, s1;
	v20 =	vsel vm11, $0x3F800000, v4;
	v46 =	vadd.f32 v41, v44;
	v45 =	vsub.f32 v43, v38  }
0x1e8: {  	v49 =	vor.u32 s31, v0;
	v47 =	vsub.f32 v20, v39;
	vm12 =	vge.f32 v16, $2.000000000e+00  }
0x1e9: {  	v48 =	vadd.f32 v46, v20;
	vm13 =	vge.f32 v45, $1.000000000e+00;
	v9 =	vnsel vm12, $0x0, v9  }
0x1ea: {  	v50 =	vor.u32 s31, v3;
	vm14 =	vge.f32 v47, v40;
	[tilespmem:v29+s22+$0x0] =	vst.idx.msk $0xffff, v9;
	v9 =	vnsel vm13, $0x0, v10  }
0x1eb: {  	vm15 =	vle.f32 v48, $1.000000000e+00;
	v10 =	vor.u32 s31, v1;
	[tilespmem:v11+s22+$0x0] =	vst.idx.msk $0xffff, v9;
	v9 =	vnsel vm14, $0x0, v32  }
0x1ec: {  	v11 =	vor.u32 s31, v2;
	[tilespmem:v30+s22+$0x0] =	vst.idx.msk $0xffff, v9;
	v9 =	vnsel vm15, $0x0, v33  }
0x1ed: {  	[tilespmem:v31+s22+$0x0] =	vst.idx.msk $0xffff, v9  }
0x1ee: {  	v9 =	vld.idx.msk [tilespmem:v49+s24+$0x0], $0xffff  }
0x1ef: {  	v52 =	vld.idx.msk [tilespmem:v50+s24+$0x0], $0xffff  }
0x1f0: {  	v13 =	vld.idx.msk [tilespmem:v10+s24+$0x0], $0xffff  }
0x1f1: {  	v51 =	vld.idx.msk [tilespmem:v11+s24+$0x0], $0xffff;
	_ =	sdelay $0x3  }
0x1f2: {  	v53 =	vmul.f32 v9, v9;
	v56 =	vmul.f32 v52, v52  }
0x1f3: {  	v54 =	vmul.f32 v13, v13;
	v55 =	vmul.f32 v51, v51  }
0x1f4: {  	vm8 =	vge.f32 v53, v56  }
0x1f5: {  	vm4 =	vge.f32 v53, v54;
	vm7 =	vge.f32 v54, v56;
	vm5 =	vge.f32 v53, v55  }
0x1f6: {  	v57 =	vsel vm4, $0x3F800000, v4;
	vm6 =	vge.f32 v54, v55;
	v58 =	vsel vm5, $0x3F800000, v4  }
0x1f7: {  	v60 =	vsel vm7, $0x3F800000, v4;
	v59 =	vsel vm6, $0x3F800000, v4;
	v61 =	vadd.f32 v58, v57  }
0x1f8: {  	v63 =	vsel vm8, $0x3F800000, v4;
	v62 =	vadd.f32 v60, v59  }
0x1f9: {  	vm9 =	vge.f32 v55, v56;
	v16 =	vadd.f32 v63, v61  }
0x1fa: {  	s28 =	sadd.s32 $0xFFFFFD80, s1;
	v20 =	vsel vm9, $0x3F800000, v4;
	v28 =	vadd.f32 v60, v63;
	v27 =	vsub.f32 v62, v57  }
0x1fb: {  	v31 =	vor.u32 s28, v5;
	v29 =	vsub.f32 v20, v58;
	vm10 =	vge.f32 v16, $2.000000000e+00  }
0x1fc: {  	v30 =	vadd.f32 v28, v20;
	vm11 =	vge.f32 v27, $1.000000000e+00;
	v9 =	vnsel vm10, $0x0, v9  }
0x1fd: {  	v32 =	vor.u32 s28, v6;
	vm12 =	vge.f32 v29, v59;
	[tilespmem:v49+s22+$0x0] =	vst.idx.msk $0xffff, v9;
	v9 =	vnsel vm11, $0x0, v13  }
0x1fe: {  	vm13 =	vle.f32 v30, $1.000000000e+00;
	[tilespmem:v10+s22+$0x0] =	vst.idx.msk $0xffff, v9;
	v9 =	vnsel vm12, $0x0, v51;
	v10 =	vor.u32 s28, v7  }
0x1ff: {  	[tilespmem:v11+s22+$0x0] =	vst.idx.msk $0xffff, v9;
	v9 =	vnsel vm13, $0x0, v52;
	v11 =	vor.u32 s28, v8  }
0x200: {  	[tilespmem:v50+s22+$0x0] =	vst.idx.msk $0xffff, v9  }
0x201: {  	v9 =	vld.idx.msk [tilespmem:v31+s24+$0x0], $0xffff  }
0x202: {  	v12 =	vld.idx.msk [tilespmem:v32+s24+$0x0], $0xffff  }
0x203: {  	v33 =	vld.idx.msk [tilespmem:v10+s24+$0x0], $0xffff  }
0x204: {  	v34 =	vld.idx.msk [tilespmem:v11+s24+$0x0], $0xffff;
	_ =	sdelay $0x2  }
0x205: {  	v35 =	vmul.f32 v9, v9;
	v36 =	vmul.f32 v12, v12  }
0x206: {  	v37 =	vmul.f32 v33, v33  }
0x207: {  	vm14 =	vge.f32 v35, v36;
	v38 =	vmul.f32 v34, v34  }
0x208: {  	v39 =	vsel vm14, $0x3F800000, v4;
	vm15 =	vge.f32 v35, v37;
	vm4 =	vge.f32 v36, v37  }
0x209: {  	vm5 =	vge.f32 v36, v38;
	v40 =	vsel vm15, $0x3F800000, v4;
	v41 =	vsel vm4, $0x3F800000, v4  }
0x20a: {  	vm6 =	vge.f32 v35, v38;
	v42 =	vsel vm5, $0x3F800000, v4;
	v43 =	vadd.f32 v40, v39  }
0x20b: {  	v45 =	vsel vm6, $0x3F800000, v4;
	v44 =	vadd.f32 v42, v41  }
0x20c: {  	vm7 =	vge.f32 v37, v38;
	v16 =	vadd.f32 v45, v43  }
0x20d: {  	s31 =	sadd.s32 $0xFFFFFDC0, s1;
	v20 =	vsel vm7, $0x3F800000, v4;
	v47 =	vadd.f32 v42, v45;
	v46 =	vsub.f32 v44, v39  }
0x20e: {  	v50 =	vor.u32 s31, v0;
	v48 =	vsub.f32 v20, v40;
	vm8 =	vge.f32 v16, $2.000000000e+00  }
0x20f: {  	v49 =	vadd.f32 v47, v20;
	vm9 =	vge.f32 v46, $1.000000000e+00;
	v9 =	vnsel vm8, $0x0, v9  }
0x210: {  	v51 =	vor.u32 s31, v1;
	vm10 =	vge.f32 v48, v41;
	[tilespmem:v31+s22+$0x0] =	vst.idx.msk $0xffff, v9;
	v9 =	vnsel vm9, $0x0, v12  }
0x211: {  	v52 =	vor.u32 s31, v2;
	vm11 =	vle.f32 v49, $1.000000000e+00;
	[tilespmem:v32+s22+$0x0] =	vst.idx.msk $0xffff, v9;
	v9 =	vnsel vm10, $0x0, v33  }
0x212: {  	[tilespmem:v10+s22+$0x0] =	vst.idx.msk $0xffff, v9;
	v9 =	vnsel vm11, $0x0, v34;
	v10 =	vor.u32 s31, v3  }
0x213: {  	[tilespmem:v11+s22+$0x0] =	vst.idx.msk $0xffff, v9  }
0x214: {  	v9 =	vld.idx.msk [tilespmem:v50+s24+$0x0], $0xffff  }
0x215: {  	v11 =	vld.idx.msk [tilespmem:v51+s24+$0x0], $0xffff  }
0x216: {  	v53 =	vld.idx.msk [tilespmem:v52+s24+$0x0], $0xffff  }
0x217: {  	v54 =	vld.idx.msk [tilespmem:v10+s24+$0x0], $0xffff;
	_ =	sdelay $0x2  }
0x218: {  	v55 =	vmul.f32 v9, v9;
	v56 =	vmul.f32 v11, v11  }
0x219: {  	v57 =	vmul.f32 v53, v53  }
0x21a: {  	vm12 =	vge.f32 v55, v56;
	v58 =	vmul.f32 v54, v54  }
0x21b: {  	vm13 =	vge.f32 v55, v57;
	vm14 =	vge.f32 v56, v57;
	v59 =	vsel vm12, $0x3F800000, v4  }
0x21c: {  	v60 =	vsel vm13, $0x3F800000, v4;
	v61 =	vsel vm14, $0x3F800000, v4;
	vm15 =	vge.f32 v56, v58  }
0x21d: {  	v63 =	vadd.f32 v60, v59;
	vm4 =	vge.f32 v55, v58;
	v62 =	vsel vm15, $0x3F800000, v4  }
0x21e: {  	v29 =	vsel vm4, $0x3F800000, v4;
	v28 =	vadd.f32 v62, v61  }
0x21f: {  	vm5 =	vge.f32 v57, v58;
	v16 =	vadd.f32 v29, v63  }
0x220: {  	s28 =	sadd.s32 $0xFFFFFE00, s1;
	v20 =	vsel vm5, $0x3F800000, v4;
	v31 =	vadd.f32 v62, v29;
	v30 =	vsub.f32 v28, v59  }
0x221: {  	v34 =	vor.u32 s28, v5;
	v32 =	vsub.f32 v20, v60;
	vm6 =	vge.f32 v16, $2.000000000e+00  }
0x222: {  	v33 =	vadd.f32 v31, v20;
	v9 =	vnsel vm6, $0x0, v9;
	vm7 =	vge.f32 v30, $1.000000000e+00  }
0x223: {  	v35 =	vor.u32 s28, v7;
	vm8 =	vge.f32 v32, v61;
	[tilespmem:v50+s22+$0x0] =	vst.idx.msk $0xffff, v9;
	v9 =	vnsel vm7, $0x0, v11  }
0x224: {  	v36 =	vor.u32 s28, v8;
	vm9 =	vle.f32 v33, $1.000000000e+00;
	[tilespmem:v51+s22+$0x0] =	vst.idx.msk $0xffff, v9;
	v9 =	vnsel vm8, $0x0, v53  }
0x225: {  	v11 =	vor.u32 s28, v6;
	[tilespmem:v52+s22+$0x0] =	vst.idx.msk $0xffff, v9;
	v9 =	vnsel vm9, $0x0, v54  }
0x226: {  	[tilespmem:v10+s22+$0x0] =	vst.idx.msk $0xffff, v9  }
0x227: {  	v9 =	vld.idx.msk [tilespmem:v34+s24+$0x0], $0xffff  }
0x228: {  	v37 =	vld.idx.msk [tilespmem:v35+s24+$0x0], $0xffff  }
0x229: {  	v38 =	vld.idx.msk [tilespmem:v36+s24+$0x0], $0xffff  }
0x22a: {  	v10 =	vld.idx.msk [tilespmem:v11+s24+$0x0], $0xffff;
	_ =	sdelay $0x3  }
0x22b: {  	v39 =	vmul.f32 v9, v9;
	v41 =	vmul.f32 v37, v37  }
0x22c: {  	v42 =	vmul.f32 v38, v38;
	v40 =	vmul.f32 v10, v10  }
0x22d: {  	vm11 =	vge.f32 v39, v41  }
0x22e: {  	vm14 =	vge.f32 v39, v42;
	vm10 =	vge.f32 v39, v40;
	vm12 =	vge.f32 v40, v41  }
0x22f: {  	vm13 =	vge.f32 v40, v42;
	v44 =	vsel vm11, $0x3F800000, v4;
	v43 =	vsel vm10, $0x3F800000, v4  }
0x230: {  	v45 =	vsel vm12, $0x3F800000, v4;
	v46 =	vsel vm13, $0x3F800000, v4;
	v47 =	vadd.f32 v44, v43  }
0x231: {  	v49 =	vsel vm14, $0x3F800000, v4;
	v48 =	vadd.f32 v46, v45  }
0x232: {  	vm15 =	vge.f32 v41, v42;
	v16 =	vadd.f32 v49, v47  }
0x233: {  	s31 =	sadd.s32 $0xFFFFFE40, s1;
	v20 =	vsel vm15, $0x3F800000, v4;
	v51 =	vadd.f32 v46, v49;
	v50 =	vsub.f32 v48, v43  }
0x234: {  	v54 =	vor.u32 s31, v0;
	v52 =	vsub.f32 v20, v44;
	vm4 =	vge.f32 v16, $2.000000000e+00  }
0x235: {  	v53 =	vadd.f32 v51, v20;
	vm5 =	vge.f32 v50, $1.000000000e+00;
	v9 =	vnsel vm4, $0x0, v9  }
0x236: {  	v55 =	vor.u32 s31, v3;
	vm6 =	vge.f32 v52, v45;
	[tilespmem:v34+s22+$0x0] =	vst.idx.msk $0xffff, v9;
	v9 =	vnsel vm5, $0x0, v10  }
0x237: {  	vm7 =	vle.f32 v53, $1.000000000e+00;
	v10 =	vor.u32 s31, v1;
	[tilespmem:v11+s22+$0x0] =	vst.idx.msk $0xffff, v9;
	v9 =	vnsel vm6, $0x0, v37  }
0x238: {  	v11 =	vor.u32 s31, v2;
	[tilespmem:v35+s22+$0x0] =	vst.idx.msk $0xffff, v9;
	v9 =	vnsel vm7, $0x0, v38  }
0x239: {  	[tilespmem:v36+s22+$0x0] =	vst.idx.msk $0xffff, v9  }
0x23a: {  	v9 =	vld.idx.msk [tilespmem:v54+s24+$0x0], $0xffff  }
0x23b: {  	v57 =	vld.idx.msk [tilespmem:v55+s24+$0x0], $0xffff  }
0x23c: {  	v13 =	vld.idx.msk [tilespmem:v10+s24+$0x0], $0xffff  }
0x23d: {  	v56 =	vld.idx.msk [tilespmem:v11+s24+$0x0], $0xffff;
	_ =	sdelay $0x3  }
0x23e: {  	v58 =	vmul.f32 v9, v9;
	v61 =	vmul.f32 v57, v57  }
0x23f: {  	v59 =	vmul.f32 v13, v13;
	v60 =	vmul.f32 v56, v56  }
0x240: {  	vm12 =	vge.f32 v58, v61  }
0x241: {  	vm8 =	vge.f32 v58, v59;
	vm11 =	vge.f32 v59, v61;
	vm9 =	vge.f32 v58, v60  }
0x242: {  	v62 =	vsel vm8, $0x3F800000, v4;
	vm10 =	vge.f32 v59, v60;
	v63 =	vsel vm9, $0x3F800000, v4  }
0x243: {  	v29 =	vsel vm11, $0x3F800000, v4;
	v28 =	vsel vm10, $0x3F800000, v4;
	v30 =	vadd.f32 v63, v62  }
0x244: {  	v32 =	vsel vm12, $0x3F800000, v4;
	v31 =	vadd.f32 v29, v28  }
0x245: {  	vm13 =	vge.f32 v60, v61;
	v16 =	vadd.f32 v32, v30  }
0x246: {  	s28 =	sadd.s32 $0xFFFFFE80, s1;
	v20 =	vsel vm13, $0x3F800000, v4;
	v34 =	vadd.f32 v29, v32;
	v33 =	vsub.f32 v31, v62  }
0x247: {  	v37 =	vor.u32 s28, v5;
	v35 =	vsub.f32 v20, v63;
	vm14 =	vge.f32 v16, $2.000000000e+00  }
0x248: {  	v36 =	vadd.f32 v34, v20;
	vm15 =	vge.f32 v33, $1.000000000e+00;
	v9 =	vnsel vm14, $0x0, v9  }
0x249: {  	v38 =	vor.u32 s28, v6;
	vm4 =	vge.f32 v35, v28;
	[tilespmem:v54+s22+$0x0] =	vst.idx.msk $0xffff, v9;
	v9 =	vnsel vm15, $0x0, v13  }
0x24a: {  	vm5 =	vle.f32 v36, $1.000000000e+00;
	[tilespmem:v10+s22+$0x0] =	vst.idx.msk $0xffff, v9;
	v9 =	vnsel vm4, $0x0, v56;
	v10 =	vor.u32 s28, v7  }
0x24b: {  	[tilespmem:v11+s22+$0x0] =	vst.idx.msk $0xffff, v9;
	v9 =	vnsel vm5, $0x0, v57;
	v11 =	vor.u32 s28, v8  }
0x24c: {  	[tilespmem:v55+s22+$0x0] =	vst.idx.msk $0xffff, v9  }
0x24d: {  	v9 =	vld.idx.msk [tilespmem:v37+s24+$0x0], $0xffff  }
0x24e: {  	v12 =	vld.idx.msk [tilespmem:v38+s24+$0x0], $0xffff  }
0x24f: {  	v39 =	vld.idx.msk [tilespmem:v10+s24+$0x0], $0xffff  }
0x250: {  	v40 =	vld.idx.msk [tilespmem:v11+s24+$0x0], $0xffff;
	_ =	sdelay $0x2  }
0x251: {  	v41 =	vmul.f32 v9, v9;
	v42 =	vmul.f32 v12, v12  }
0x252: {  	v43 =	vmul.f32 v39, v39  }
0x253: {  	vm6 =	vge.f32 v41, v42;
	v44 =	vmul.f32 v40, v40  }
0x254: {  	v45 =	vsel vm6, $0x3F800000, v4;
	vm7 =	vge.f32 v41, v43;
	vm8 =	vge.f32 v42, v43  }
0x255: {  	vm9 =	vge.f32 v42, v44;
	v46 =	vsel vm7, $0x3F800000, v4;
	v47 =	vsel vm8, $0x3F800000, v4  }
0x256: {  	vm10 =	vge.f32 v41, v44;
	v48 =	vsel vm9, $0x3F800000, v4;
	v49 =	vadd.f32 v46, v45  }
0x257: {  	v51 =	vsel vm10, $0x3F800000, v4;
	v50 =	vadd.f32 v48, v47  }
0x258: {  	vm11 =	vge.f32 v43, v44;
	v16 =	vadd.f32 v51, v49  }
0x259: {  	s31 =	sadd.s32 $0xFFFFFEC0, s1;
	v20 =	vsel vm11, $0x3F800000, v4;
	v53 =	vadd.f32 v48, v51;
	v52 =	vsub.f32 v50, v45  }
0x25a: {  	v56 =	vor.u32 s31, v0;
	v54 =	vsub.f32 v20, v46;
	vm12 =	vge.f32 v16, $2.000000000e+00  }
0x25b: {  	v55 =	vadd.f32 v53, v20;
	vm13 =	vge.f32 v52, $1.000000000e+00;
	v9 =	vnsel vm12, $0x0, v9  }
0x25c: {  	v57 =	vor.u32 s31, v1;
	vm14 =	vge.f32 v54, v47;
	[tilespmem:v37+s22+$0x0] =	vst.idx.msk $0xffff, v9;
	v9 =	vnsel vm13, $0x0, v12  }
0x25d: {  	v58 =	vor.u32 s31, v2;
	vm15 =	vle.f32 v55, $1.000000000e+00;
	[tilespmem:v38+s22+$0x0] =	vst.idx.msk $0xffff, v9;
	v9 =	vnsel vm14, $0x0, v39  }
0x25e: {  	[tilespmem:v10+s22+$0x0] =	vst.idx.msk $0xffff, v9;
	v9 =	vnsel vm15, $0x0, v40;
	v10 =	vor.u32 s31, v3  }
0x25f: {  	[tilespmem:v11+s22+$0x0] =	vst.idx.msk $0xffff, v9  }
0x260: {  	v9 =	vld.idx.msk [tilespmem:v56+s24+$0x0], $0xffff  }
0x261: {  	v11 =	vld.idx.msk [tilespmem:v57+s24+$0x0], $0xffff  }
0x262: {  	v59 =	vld.idx.msk [tilespmem:v58+s24+$0x0], $0xffff  }
0x263: {  	v60 =	vld.idx.msk [tilespmem:v10+s24+$0x0], $0xffff;
	_ =	sdelay $0x2  }
0x264: {  	v61 =	vmul.f32 v9, v9;
	v62 =	vmul.f32 v11, v11  }
0x265: {  	v63 =	vmul.f32 v59, v59  }
0x266: {  	vm4 =	vge.f32 v61, v62;
	v28 =	vmul.f32 v60, v60  }
0x267: {  	vm5 =	vge.f32 v61, v63;
	vm6 =	vge.f32 v62, v63;
	v29 =	vsel vm4, $0x3F800000, v4  }
0x268: {  	v30 =	vsel vm5, $0x3F800000, v4;
	v31 =	vsel vm6, $0x3F800000, v4;
	vm7 =	vge.f32 v62, v28  }
0x269: {  	v33 =	vadd.f32 v30, v29;
	vm8 =	vge.f32 v61, v28;
	v32 =	vsel vm7, $0x3F800000, v4  }
0x26a: {  	v35 =	vsel vm8, $0x3F800000, v4;
	v34 =	vadd.f32 v32, v31  }
0x26b: {  	vm9 =	vge.f32 v63, v28;
	v16 =	vadd.f32 v35, v33  }
0x26c: {  	s28 =	sadd.s32 $0xFFFFFF00, s1;
	v20 =	vsel vm9, $0x3F800000, v4;
	v37 =	vadd.f32 v32, v35;
	v36 =	vsub.f32 v34, v29  }
0x26d: {  	v40 =	vor.u32 s28, v5;
	v38 =	vsub.f32 v20, v30;
	vm10 =	vge.f32 v16, $2.000000000e+00  }
0x26e: {  	v39 =	vadd.f32 v37, v20;
	v9 =	vnsel vm10, $0x0, v9;
	vm11 =	vge.f32 v36, $1.000000000e+00  }
0x26f: {  	v41 =	vor.u32 s28, v7;
	vm12 =	vge.f32 v38, v31;
	[tilespmem:v56+s22+$0x0] =	vst.idx.msk $0xffff, v9;
	v9 =	vnsel vm11, $0x0, v11  }
0x270: {  	v42 =	vor.u32 s28, v8;
	vm13 =	vle.f32 v39, $1.000000000e+00;
	[tilespmem:v57+s22+$0x0] =	vst.idx.msk $0xffff, v9;
	v9 =	vnsel vm12, $0x0, v59  }
0x271: {  	v11 =	vor.u32 s28, v6;
	[tilespmem:v58+s22+$0x0] =	vst.idx.msk $0xffff, v9;
	v9 =	vnsel vm13, $0x0, v60  }
0x272: {  	[tilespmem:v10+s22+$0x0] =	vst.idx.msk $0xffff, v9  }
0x273: {  	v9 =	vld.idx.msk [tilespmem:v40+s24+$0x0], $0xffff  }
0x274: {  	v43 =	vld.idx.msk [tilespmem:v41+s24+$0x0], $0xffff  }
0x275: {  	v44 =	vld.idx.msk [tilespmem:v42+s24+$0x0], $0xffff  }
0x276: {  	v10 =	vld.idx.msk [tilespmem:v11+s24+$0x0], $0xffff;
	_ =	sdelay $0x3  }
0x277: {  	v45 =	vmul.f32 v9, v9;
	v47 =	vmul.f32 v43, v43  }
0x278: {  	v48 =	vmul.f32 v44, v44;
	v46 =	vmul.f32 v10, v10  }
0x279: {  	vm15 =	vge.f32 v45, v47  }
0x27a: {  	vm6 =	vge.f32 v45, v48;
	vm14 =	vge.f32 v45, v46;
	vm4 =	vge.f32 v46, v47  }
0x27b: {  	vm5 =	vge.f32 v46, v48;
	v50 =	vsel vm15, $0x3F800000, v4;
	v49 =	vsel vm14, $0x3F800000, v4  }
0x27c: {  	v51 =	vsel vm4, $0x3F800000, v4;
	v52 =	vsel vm5, $0x3F800000, v4;
	v53 =	vadd.f32 v50, v49  }
0x27d: {  	v55 =	vsel vm6, $0x3F800000, v4;
	v54 =	vadd.f32 v52, v51  }
0x27e: {  	vm7 =	vge.f32 v47, v48;
	v16 =	vadd.f32 v55, v53  }
0x27f: {  	s31 =	sadd.s32 $0xFFFFFF40, s1;
	v20 =	vsel vm7, $0x3F800000, v4;
	v57 =	vadd.f32 v52, v55;
	v56 =	vsub.f32 v54, v49  }
0x280: {  	v60 =	vor.u32 s31, v0;
	v58 =	vsub.f32 v20, v50;
	vm8 =	vge.f32 v16, $2.000000000e+00  }
0x281: {  	v59 =	vadd.f32 v57, v20;
	vm9 =	vge.f32 v56, $1.000000000e+00;
	v9 =	vnsel vm8, $0x0, v9  }
0x282: {  	v61 =	vor.u32 s31, v3;
	vm10 =	vge.f32 v58, v51;
	[tilespmem:v40+s22+$0x0] =	vst.idx.msk $0xffff, v9;
	v9 =	vnsel vm9, $0x0, v10  }
0x283: {  	vm11 =	vle.f32 v59, $1.000000000e+00;
	v10 =	vor.u32 s31, v1;
	[tilespmem:v11+s22+$0x0] =	vst.idx.msk $0xffff, v9;
	v9 =	vnsel vm10, $0x0, v43  }
0x284: {  	v11 =	vor.u32 s31, v2;
	[tilespmem:v41+s22+$0x0] =	vst.idx.msk $0xffff, v9;
	v9 =	vnsel vm11, $0x0, v44  }
0x285: {  	[tilespmem:v42+s22+$0x0] =	vst.idx.msk $0xffff, v9  }
0x286: {  	v9 =	vld.idx.msk [tilespmem:v60+s24+$0x0], $0xffff  }
0x287: {  	v63 =	vld.idx.msk [tilespmem:v61+s24+$0x0], $0xffff  }
0x288: {  	v13 =	vld.idx.msk [tilespmem:v10+s24+$0x0], $0xffff  }
0x289: {  	v62 =	vld.idx.msk [tilespmem:v11+s24+$0x0], $0xffff;
	_ =	sdelay $0x3  }
0x28a: {  	v28 =	vmul.f32 v9, v9;
	v31 =	vmul.f32 v63, v63  }
0x28b: {  	v29 =	vmul.f32 v13, v13;
	v30 =	vmul.f32 v62, v62  }
0x28c: {  	vm4 =	vge.f32 v28, v31  }
0x28d: {  	vm12 =	vge.f32 v28, v29;
	vm15 =	vge.f32 v29, v31;
	vm13 =	vge.f32 v28, v30  }
0x28e: {  	v32 =	vsel vm12, $0x3F800000, v4;
	vm14 =	vge.f32 v29, v30;
	v33 =	vsel vm13, $0x3F800000, v4  }
0x28f: {  	v35 =	vsel vm15, $0x3F800000, v4;
	v34 =	vsel vm14, $0x3F800000, v4;
	v36 =	vadd.f32 v33, v32  }
0x290: {  	v38 =	vsel vm4, $0x3F800000, v4;
	v37 =	vadd.f32 v35, v34  }
0x291: {  	vm5 =	vge.f32 v30, v31;
	v16 =	vadd.f32 v38, v36  }
0x292: {  	s28 =	sadd.s32 $0xFFFFFF80, s1;
	v20 =	vsel vm5, $0x3F800000, v4;
	v40 =	vadd.f32 v35, v38;
	v39 =	vsub.f32 v37, v32  }
0x293: {  	v43 =	vor.u32 s28, v5;
	v41 =	vsub.f32 v20, v33;
	vm6 =	vge.f32 v16, $2.000000000e+00  }
0x294: {  	v42 =	vadd.f32 v40, v20;
	vm7 =	vge.f32 v39, $1.000000000e+00;
	v9 =	vnsel vm6, $0x0, v9  }
0x295: {  	v44 =	vor.u32 s28, v6;
	vm8 =	vge.f32 v41, v34;
	[tilespmem:v60+s22+$0x0] =	vst.idx.msk $0xffff, v9;
	v9 =	vnsel vm7, $0x0, v13  }
0x296: {  	vm9 =	vle.f32 v42, $1.000000000e+00;
	[tilespmem:v10+s22+$0x0] =	vst.idx.msk $0xffff, v9;
	v9 =	vnsel vm8, $0x0, v62;
	v10 =	vor.u32 s28, v7  }
0x297: {  	[tilespmem:v11+s22+$0x0] =	vst.idx.msk $0xffff, v9;
	v9 =	vnsel vm9, $0x0, v63;
	v11 =	vor.u32 s28, v8  }
0x298: {  	[tilespmem:v61+s22+$0x0] =	vst.idx.msk $0xffff, v9  }
0x299: {  	v9 =	vld.idx.msk [tilespmem:v43+s24+$0x0], $0xffff  }
0x29a: {  	v12 =	vld.idx.msk [tilespmem:v44+s24+$0x0], $0xffff  }
0x29b: {  	v45 =	vld.idx.msk [tilespmem:v10+s24+$0x0], $0xffff  }
0x29c: {  	v46 =	vld.idx.msk [tilespmem:v11+s24+$0x0], $0xffff;
	_ =	sdelay $0x2  }
0x29d: {  	v47 =	vmul.f32 v9, v9;
	v48 =	vmul.f32 v12, v12  }
0x29e: {  	v49 =	vmul.f32 v45, v45  }
0x29f: {  	vm10 =	vge.f32 v47, v48;
	v50 =	vmul.f32 v46, v46  }
0x2a0: {  	v51 =	vsel vm10, $0x3F800000, v4;
	vm11 =	vge.f32 v47, v49;
	vm12 =	vge.f32 v48, v49  }
0x2a1: {  	vm13 =	vge.f32 v48, v50;
	v52 =	vsel vm11, $0x3F800000, v4;
	v53 =	vsel vm12, $0x3F800000, v4  }
0x2a2: {  	vm14 =	vge.f32 v47, v50;
	v54 =	vsel vm13, $0x3F800000, v4;
	v55 =	vadd.f32 v52, v51  }
0x2a3: {  	v57 =	vsel vm14, $0x3F800000, v4;
	v56 =	vadd.f32 v54, v53  }
0x2a4: {  	vm15 =	vge.f32 v49, v50;
	v16 =	vadd.f32 v57, v55  }
0x2a5: {  	s31 =	sadd.s32 $0xFFFFFFC0, s1;
	v20 =	vsel vm15, $0x3F800000, v4;
	v59 =	vadd.f32 v54, v57;
	v58 =	vsub.f32 v56, v51  }
0x2a6: {  	v62 =	vor.u32 s31, v0;
	v60 =	vsub.f32 v20, v52;
	vm4 =	vge.f32 v16, $2.000000000e+00  }
0x2a7: {  	v61 =	vadd.f32 v59, v20;
	vm5 =	vge.f32 v58, $1.000000000e+00;
	v9 =	vnsel vm4, $0x0, v9  }
0x2a8: {  	v63 =	vor.u32 s31, v1;
	vm6 =	vge.f32 v60, v53;
	[tilespmem:v43+s22+$0x0] =	vst.idx.msk $0xffff, v9;
	v9 =	vnsel vm5, $0x0, v12  }
0x2a9: {  	v28 =	vor.u32 s31, v2;
	vm7 =	vle.f32 v61, $1.000000000e+00;
	[tilespmem:v44+s22+$0x0] =	vst.idx.msk $0xffff, v9;
	v9 =	vnsel vm6, $0x0, v45  }
0x2aa: {  	[tilespmem:v10+s22+$0x0] =	vst.idx.msk $0xffff, v9;
	v9 =	vnsel vm7, $0x0, v46;
	v10 =	vor.u32 s31, v3  }
0x2ab: {  	[tilespmem:v11+s22+$0x0] =	vst.idx.msk $0xffff, v9  }
0x2ac: {  	v9 =	vld.idx.msk [tilespmem:v62+s24+$0x0], $0xffff  }
0x2ad: {  	v11 =	vld.idx.msk [tilespmem:v63+s24+$0x0], $0xffff  }
0x2ae: {  	v29 =	vld.idx.msk [tilespmem:v28+s24+$0x0], $0xffff  }
0x2af: {  	v30 =	vld.idx.msk [tilespmem:v10+s24+$0x0], $0xffff;
	_ =	sdelay $0x2  }
0x2b0: {  	v31 =	vmul.f32 v9, v9;
	v32 =	vmul.f32 v11, v11  }
0x2b1: {  	v33 =	vmul.f32 v29, v29  }
0x2b2: {  	vm8 =	vge.f32 v31, v32;
	v34 =	vmul.f32 v30, v30  }
0x2b3: {  	vm9 =	vge.f32 v31, v33;
	vm10 =	vge.f32 v32, v33;
	v35 =	vsel vm8, $0x3F800000, v4  }
0x2b4: {  	v36 =	vsel vm9, $0x3F800000, v4;
	v37 =	vsel vm10, $0x3F800000, v4;
	vm11 =	vge.f32 v32, v34  }
0x2b5: {  	v39 =	vadd.f32 v36, v35;
	vm12 =	vge.f32 v31, v34;
	v38 =	vsel vm11, $0x3F800000, v4  }
0x2b6: {  	v41 =	vsel vm12, $0x3F800000, v4;
	v40 =	vadd.f32 v38, v37  }
0x2b7: {  	vm13 =	vge.f32 v33, v34;
	v16 =	vadd.f32 v41, v39  }
0x2b8: {  	v20 =	vsel vm13, $0x3F800000, v4;
	v43 =	vadd.f32 v38, v41;
	v42 =	vsub.f32 v40, v35  }
0x2b9: {  	v44 =	vsub.f32 v20, v36;
	vm14 =	vge.f32 v16, $2.000000000e+00  }
0x2ba: {  	v45 =	vadd.f32 v43, v20;
	v9 =	vnsel vm14, $0x0, v9;
	vm15 =	vge.f32 v42, $1.000000000e+00  }
0x2bb: {  	v46 =	vor.u32 s1, v5;
	vm4 =	vge.f32 v44, v37;
	[tilespmem:v62+s22+$0x0] =	vst.idx.msk $0xffff, v9;
	v9 =	vnsel vm15, $0x0, v11  }
0x2bc: {  	v47 =	vor.u32 s1, v7;
	vm5 =	vle.f32 v45, $1.000000000e+00;
	[tilespmem:v63+s22+$0x0] =	vst.idx.msk $0xffff, v9;
	v9 =	vnsel vm4, $0x0, v29  }
0x2bd: {  	v11 =	vor.u32 s1, v6;
	[tilespmem:v28+s22+$0x0] =	vst.idx.msk $0xffff, v9;
	v9 =	vnsel vm5, $0x0, v30  }
0x2be: {  	[tilespmem:v10+s22+$0x0] =	vst.idx.msk $0xffff, v9;
	v9 =	vor.u32 s1, v8;
	_ =	sdelay $0x1  }
0x2bf: {  	v10 =	vld.idx.msk [tilespmem:v46+s24+$0x0], $0xffff  }
0x2c0: {  	v48 =	vld.idx.msk [tilespmem:v47+s24+$0x0], $0xffff  }
0x2c1: {  	v13 =	vld.idx.msk [tilespmem:v11+s24+$0x0], $0xffff  }
0x2c2: {  	v49 =	vld.idx.msk [tilespmem:v9+s24+$0x0], $0xffff;
	_ =	sdelay $0x2  }
0x2c3: {  	v50 =	vmul.f32 v10, v10;
	v52 =	vmul.f32 v48, v48  }
0x2c4: {  	v51 =	vmul.f32 v13, v13  }
0x2c5: {  	vm7 =	vge.f32 v50, v52;
	v53 =	vmul.f32 v49, v49  }
0x2c6: {  	vm6 =	vge.f32 v50, v51;
	v55 =	vsel vm7, $0x3F800000, v4;
	vm9 =	vge.f32 v51, v52  }
0x2c7: {  	v54 =	vsel vm6, $0x3F800000, v4;
	v56 =	vsel vm9, $0x3F800000, v4;
	vm10 =	vge.f32 v51, v53  }
0x2c8: {  	v57 =	vadd.f32 v55, v54;
	vm8 =	vge.f32 v50, v53;
	v17 =	vsel vm10, $0x3F800000, v4  }
0x2c9: {  	v58 =	vsel vm8, $0x3F800000, v4;
	v59 =	vadd.f32 v17, v56  }
0x2ca: {  	vm11 =	vge.f32 v52, v53;
	v60 =	vadd.f32 v58, v57  }
0x2cb: {  	s0 =	sadd.s32 $0x10, s0;
	v62 =	vsel vm11, $0x3F800000, v4;
	v17 =	vadd.f32 v17, v58;
	v61 =	vsub.f32 v59, v54  }
0x2cc: {  	p0 =	slt.u32 s0, $0xF0;
	v63 =	vsub.f32 v62, v55;
	vm12 =	vge.f32 v60, $2.000000000e+00  }
.Ltmp1:
0x2cd: {  	v17 =	vadd.f32 v17, v62;
	v10 =	vnsel vm12, $0x0, v10;
	vm13 =	vge.f32 v61, $1.000000000e+00;
	(pc) =	sbr.rel @p0 .LBB2_5-.Ltmp1, $4  }
0x2ce: {  	vm14 =	vge.f32 v63, v56;
	[tilespmem:v46+s22+$0x0] =	vst.idx.msk $0xffff, v10;
	v10 =	vnsel vm13, $0x0, v13  }
0x2cf: {  	vm15 =	vle.f32 v17, $1.000000000e+00;
	[tilespmem:v11+s22+$0x0] =	vst.idx.msk $0xffff, v10;
	v10 =	vnsel vm14, $0x0, v48  }
0x2d0: {  	[tilespmem:v47+s22+$0x0] =	vst.idx.msk $0xffff, v10;
	v10 =	vnsel vm15, $0x0, v49  }
0x2d1: {  	s1 =	sadd.s32 $0x400, s1;
	[tilespmem:v9+s22+$0x0] =	vst.idx.msk $0xffff, v10  }
0x2d2: {  	s0 =	sadd.s32 s3, s13;
	s12 =	sadd.s32 $0x1, s12  }
0x2d3: {  	[hbm4b:s0+s19] =	stream.strided.scatter [tilespmem:s22], [sflag:$0x4], $0x1000, s20, s19, $0x38;
	[tilespmem:$0x10000] =	vst v63  }
0x2d4: {  	s23 =	sadd.s32 s3, s18;
	s1 =	simm.s32 $0xD000;
	p0 =	sne.s32 s12, $0x10  }
0x2d5: {  	[hbm4b:s23+s19] =	stream.strided.scatter [tilespmem:s1], [sflag:$0x4], $0x1000, s20, s19, $0x38;
	[tilespmem:$0x10000] =	vst v63  }
.Ltmp2:
0x2d6: {  	_ = 	snop;
	(pc) =	sbr.rel @p0 .LBB2_2-.Ltmp2, $4  }
0x2d7: {  	s28 =	sadd.s32 s3, s25  }
0x2d8: {  	[hbm4b:s28+s19] =	stream.strided.scatter [tilespmem:s7], [sflag:$0x4], $0x1000, s20, s19, $0x38;
	[tilespmem:$0x10000] =	vst v63  }
0x2d9: {  	s31 =	sadd.s32 s3, s26  }
0x2da: {  	[hbm4b:s31+s19] =	stream.strided.scatter [tilespmem:s11], [sflag:$0x4], $0x1000, s20, s19, $0x38;
	[tilespmem:$0x10000] =	vst v63  }
0x2db: {  	s0 =	simm.s32 $0x3  }
0x2dc: {  	_ =	swait.ge [sflag:s0], $0x1000  }
0x2dd: {  	[sflag:s0] =	ssyncset.done $0x0  }
0x2de: {  	[sflag:s0] =	ssyncadd.s32 $0xFFFFF000  }
0x2df: {  	_ =	swait.ge [sflag:s0], $0x1000  }
0x2e0: {  	[sflag:s0] =	ssyncset.done $0x0  }
0x2e1: {  	[sflag:s0] =	ssyncadd.s32 $0xFFFFF000  }
0x2e2: {  	_ =	swait.ge [sflag:s0], $0x1000  }
0x2e3: {  	[sflag:s0] =	ssyncset.done $0x0  }
0x2e4: {  	[sflag:s0] =	ssyncadd.s32 $0xFFFFF000  }
0x2e5: {  	_ =	swait.ge [sflag:s0], $0x1000  }
0x2e6: {  	[sflag:s0] =	ssyncset.done $0x0  }
0x2e7: {  	s1 =	simm.s32 $0x4;
	[sflag:s0] =	ssyncadd.s32 $0xFFFFF000  }
0x2e8: {  	_ =	swait.ge [sflag:s1], $0x1000  }
0x2e9: {  	[sflag:s1] =	ssyncset.done $0x0  }
0x2ea: {  	[sflag:s1] =	ssyncadd.s32 $0xFFFFF000  }
0x2eb: {  	_ =	swait.ge [sflag:s1], $0x1000  }
0x2ec: {  	[sflag:s1] =	ssyncset.done $0x0  }
0x2ed: {  	[sflag:s1] =	ssyncadd.s32 $0xFFFFF000  }
0x2ee: {  	_ =	swait.ge [sflag:s1], $0x1000  }
0x2ef: {  	[sflag:s1] =	ssyncset.done $0x0  }
0x2f0: {  	[sflag:s1] =	ssyncadd.s32 $0xFFFFF000  }
0x2f1: {  	_ =	swait.ge [sflag:s1], $0x1000  }
0x2f2: {  	s12 =	rddreg [dreg:$0x8]  }
0x2f3: {  	s31 =	rddreg [dreg:$0x7];
	s12 =	sadd.s32 $0x1, s12  }
0x2f4: {  	p0 =	sne.s32 s12, s31  }
.Ltmp3:
0x2f5: {  	_ = 	snop;
	(pc) =	sbr.rel @p0 .LBB2_1-.Ltmp3, $3  }
0x2f6: {  	_ =	sdelay $0x1  }
0x2f7: {  	[sflag:s1] =	ssyncset.done $0x0  }
0x2f8: {  	[sflag:s1] =	ssyncadd.s32 $0xFFFFF000  }
0x2f9: {  	_ =	sfence.sel $0x180000  }
0x2fa: {  	[bflag:$0x0] =	sbarrier.arrive $0xFFFF  }
0x2fb: {  	_ =	strace $0x90000047  }
0x2fc: {  	s0 =	stileid.u32;
	[bflag:$0x2] =	sbarrier.arrive $0xFFFF  }
0x2fd: {  	p0 =	sne.s32 s0, $0x0;
	s0 =	rddreg [dreg:$0x2]  }
0x2fe: {  	s0 =	sadd.s32 @!p0 $0x100000, s0  }
0x2ff: {  	[sflag:s0] =	ssyncadd.tile.s32 @!p0 $0x1;
	_ =	shalt  }
.Lfunc_end2:
_tile_overlayer_lowered:
.L_overlay_start_2:
0x300: {  	(tag) =	ssettag $0x2  }
0x301: {  	s0 =	rddreg [dreg:$0x0];
	s2 =	stileid.u32  }
0x302: {  	s1 =	rddreg [dreg:$0x1];
	p0 =	sne.s32 s2, $0x0  }
0x303: {  	s3 =	rddreg [dreg:$0x2];
	[bflag:$0x3] =	sbarrier.arrive $0xFFFF;
	s2 =	simm.s32 @!p0 $0x1C05  }
0x304: {  	[timem:s3], [sflag:s2] =	dma.local @!p0 [hbm:s0], s1  }
0x305: {  	s0 =	simm.s32 @!p0 $0x5  }
0x306: {  	_ =	swait.ge @!p0 [sflag:s0], s1  }
0x307: {  	s1 =	ssub.s32 @!p0 $0x0, s1;
	[sflag:s0] =	ssyncset.done @!p0 $0x0  }
0x308: {  	[sflag:s0] =	ssyncadd.s32 @!p0 s1  }
0x309: {  	[bflag:$0x3] =	sbarrier.arrive $0xFFFF  }
0x30a: {  	_ =	shalt  }

</sc_bundles>
